<compile_context>
chip_gen: v7x
topology: tpu7x:2x2x1
jax: 0.10.2.dev20260603
libtpu: 0.0.44.dev20260713+nightly
codegen_flags: <defaults>
</compile_context>

<pallas_src>
import functools

import jax
import jax.numpy as jnp
from jax import lax
from jax.experimental import pallas as pl
from jax.experimental.pallas import tpu as pltpu
from jax.experimental.pallas import tpu_sc as plsc

N = 10000
E = 320000
NC = 2
NS = 16
NW = NC * NS
EPW = E // NW
B = 80
G = 125
BA = 128
GA = 79
EPAD = GA * BA - EPW
ACC1 = 10112
RPS = ACC1 // NS
DEG_LEN = 20480
DPS = DEG_LEN // NS
DEG_DUMMY = 20000
ROW_BLOCK = 400

_mesh = plsc.VectorSubcoreMesh(core_axis_name="c", subcore_axis_name="s",
                               num_cores=NC, num_subcores=NS)


def _deg_body(idx_hbm, ones_hbm, zer_hbm, out_hbm, idx_v, ones_v, acc_sh):
    c = lax.axis_index("c")
    s = lax.axis_index("s")
    wid = c * NS + s

    pltpu.sync_copy(ones_hbm, ones_v)
    pltpu.sync_copy(idx_hbm.at[wid], idx_v)
    pltpu.sync_copy(zer_hbm, acc_sh.at[pl.ds(s * DPS, DPS)])
    plsc.subcore_barrier()

    @pl.loop(0, 2 * G)
    def _(g):
        pltpu.sync_copy(ones_v, acc_sh.at[idx_v.at[g]], add=True)

    plsc.subcore_barrier()
    pltpu.sync_copy(acc_sh.at[pl.ds(s * DPS, DPS)],
                    out_hbm.at[c].at[pl.ds(s * DPS, DPS)])


_deg_kernel = pl.kernel(
    _deg_body,
    out_type=jax.ShapeDtypeStruct((NC, DEG_LEN), jnp.float32),
    mesh=_mesh,
    scratch_types=[
        pltpu.VMEM((2 * G, B), jnp.int32),
        pltpu.VMEM((B,), jnp.float32),
        pltpu.VMEM_SHARED((DEG_LEN,), jnp.float32),
    ],
)


def _agg_body(C, xs_hbm, sidx_hbm, didx_hbm, zeros_hbm, part_hbm,
              sidx_v, didx_v, rows_v, acc_sh,
              g0, g1, e0, e1, s0, s1):
    cid = lax.axis_index("c")
    s = lax.axis_index("s")
    wid = cid * NS + s
    gsem = (g0, g1)
    esem = (e0, e1)
    ssem = (s0, s1)

    def fetch(g, b):
        pltpu.async_copy(xs_hbm.at[sidx_v.at[g]], rows_v.at[b], gsem[b])
        pltpu.async_copy(didx_hbm.at[wid].at[g], didx_v.at[pl.ds(b, 1)],
                         esem[b])

    def wait_fetch(b):
        pltpu.make_async_copy(xs_hbm.at[sidx_v.at[0]], rows_v.at[b],
                              gsem[b]).wait()
        pltpu.make_async_copy(didx_hbm.at[wid].at[0], didx_v.at[pl.ds(b, 1)],
                              esem[b]).wait()

    def scatter(b):
        return pltpu.async_copy(rows_v.at[b], acc_sh.at[didx_v.at[b]],
                                ssem[b], add=True)

    for c in range(C):
        pltpu.sync_copy(sidx_hbm.at[c].at[wid], sidx_v)
        pltpu.sync_copy(zeros_hbm, acc_sh.at[pl.ds(s * RPS, RPS)])
        plsc.subcore_barrier()

        fetch(0, 0)
        fetch(1, 1)

        @pl.loop(0, GA - 1, step=2)
        def _(g):
            wait_fetch(0)
            sa0 = scatter(0)
            wait_fetch(1)
            sa1 = scatter(1)
            sa0.wait()

            @pl.when(g + 2 < GA)
            def _():
                fetch(g + 2, 0)

            sa1.wait()

            @pl.when(g + 3 < GA)
            def _():
                fetch(g + 3, 1)

        wait_fetch(0)
        scatter(0).wait()

        plsc.subcore_barrier()
        pltpu.sync_copy(acc_sh.at[pl.ds(s * RPS, RPS)],
                        part_hbm.at[cid].at[c].at[pl.ds(s * RPS, RPS)])
        if c + 1 < C:
            plsc.subcore_barrier()


def _agg(xs, sidx, didx, zeros, C):
    body = functools.partial(_agg_body, C)
    return pl.kernel(
        body,
        out_type=jax.ShapeDtypeStruct((NC, C, ACC1, 128), jnp.float32),
        mesh=_mesh,
        scratch_types=[
            pltpu.VMEM((GA, BA), jnp.int32),
            pltpu.VMEM((2, BA), jnp.int32),
            pltpu.VMEM((2, BA, 128), jnp.float32),
            pltpu.VMEM_SHARED((ACC1, 128), jnp.float32),
            pltpu.SemaphoreType.DMA,
            pltpu.SemaphoreType.DMA,
            pltpu.SemaphoreType.DMA,
            pltpu.SemaphoreType.DMA,
            pltpu.SemaphoreType.DMA,
            pltpu.SemaphoreType.DMA,
        ],
    )(xs, sidx, didx, zeros)


def _nsd_body(deg_ref, out_ref):
    d = deg_ref[0:1, :] + deg_ref[1:2, :]
    out_ref[...] = lax.rsqrt(jnp.maximum(d, 1.0))


def _nsd(deg_part):
    return pl.pallas_call(
        _nsd_body,
        out_shape=jax.ShapeDtypeStruct((1, DEG_LEN), jnp.float32),
    )(deg_part)


def _scale_body(x_ref, s_ref, o_ref):
    o_ref[...] = (x_ref[...] * s_ref[...]).astype(o_ref.dtype)


def _scale(x, s):
    return pl.pallas_call(
        _scale_body,
        grid=(N // ROW_BLOCK,),
        in_specs=[
            pl.BlockSpec((ROW_BLOCK, 128), lambda i: (i, 0)),
            pl.BlockSpec((ROW_BLOCK, 1), lambda i: (i, 0)),
        ],
        out_specs=pl.BlockSpec((ROW_BLOCK, 128), lambda i: (i, 0)),
        out_shape=jax.ShapeDtypeStruct((N, 128), jnp.float32),
    )(x, s)


def _part_spec(C):
    return pl.BlockSpec((2, C, ROW_BLOCK, 128),
                        lambda i, *_: (0, 0, i, 0))


def _mm1_body(p_ref, nd_ref, ns_ref, w_ref, b_ref, o_ref):
    y = (p_ref[0, 0] + p_ref[1, 0]) * nd_ref[...]
    h = jnp.dot(y, w_ref[...], preferred_element_type=jnp.float32)
    h = h + b_ref[...]
    h = jnp.where(h > 0, h, 0.01 * h)
    o_ref[0] = (h * ns_ref[...]).astype(o_ref.dtype)


def _mm1(part, nd, ns, W1, b1):
    return pl.pallas_call(
        _mm1_body,
        grid=(N // ROW_BLOCK, 4),
        in_specs=[
            _part_spec(1),
            pl.BlockSpec((ROW_BLOCK, 1), lambda i, c: (i, 0)),
            pl.BlockSpec((ROW_BLOCK, 1), lambda i, c: (i, 0)),
            pl.BlockSpec((128, 128), lambda i, c: (0, c)),
            pl.BlockSpec((1, 128), lambda i, c: (0, c)),
        ],
        out_specs=pl.BlockSpec((1, ROW_BLOCK, 128), lambda i, c: (c, i, 0)),
        out_shape=jax.ShapeDtypeStruct((4, N, 128), jnp.float32),
    )(part, nd, ns, W1, b1)


def _mm2_body(p_ref, nd_ref, ns_ref, w2_ref, b2_ref, w3_ref, o_ref):
    p = p_ref[...]
    y = jnp.concatenate([p[0, c] + p[1, c] for c in range(4)], axis=1)
    y = y * nd_ref[...]
    h = jnp.dot(y, w2_ref[...], preferred_element_type=jnp.float32)
    h = h + b2_ref[...]
    h = jnp.where(h > 0, h, 0.01 * h)
    h = h * ns_ref[...]
    o_ref[...] = jnp.dot(h, w3_ref[...],
                         preferred_element_type=jnp.float32).astype(o_ref.dtype)


def _mm2(part, nd, ns, W2, b2, W3):
    return pl.pallas_call(
        _mm2_body,
        grid=(N // ROW_BLOCK,),
        in_specs=[
            _part_spec(4),
            pl.BlockSpec((ROW_BLOCK, 1), lambda i: (i, 0)),
            pl.BlockSpec((ROW_BLOCK, 1), lambda i: (i, 0)),
            pl.BlockSpec((512, 1024), lambda i: (0, 0)),
            pl.BlockSpec((1, 1024), lambda i: (0, 0)),
            pl.BlockSpec((1024, 128), lambda i: (0, 0)),
        ],
        out_specs=pl.BlockSpec((ROW_BLOCK, 128), lambda i: (i, 0)),
        out_shape=jax.ShapeDtypeStruct((N, 128), jnp.float32),
    )(part, nd, ns, W2, b2, W3)


def _final_body(p_ref, nd_ref, b_ref, o_ref):
    o_ref[...] = (p_ref[0, 0] + p_ref[1, 0]) * nd_ref[...] + b_ref[...]


def _final(part, nd, b3):
    return pl.pallas_call(
        _final_body,
        grid=(N // ROW_BLOCK,),
        in_specs=[
            _part_spec(1),
            pl.BlockSpec((ROW_BLOCK, 1), lambda i: (i, 0)),
            pl.BlockSpec((1, 128), lambda i: (0, 0)),
        ],
        out_specs=pl.BlockSpec((ROW_BLOCK, 128), lambda i: (i, 0)),
        out_shape=jax.ShapeDtypeStruct((N, 128), jnp.float32),
    )(part, nd, b3)


def kernel(x, edge_index, W1, b1, W2, b2, W3, b3):
    src2 = edge_index[0].reshape(NW, EPW)
    dst2 = edge_index[1].reshape(NW, EPW)

    deg_idx = jnp.concatenate([src2.reshape(NW, G, B),
                               dst2.reshape(NW, G, B) + N], axis=1)

    srcp = jnp.pad(src2, ((0, 0), (0, EPAD))).reshape(NW, GA, BA)
    didx = jnp.pad(dst2, ((0, 0), (0, EPAD)),
                   constant_values=N).reshape(NW, GA, 1, BA)
    sidx1 = srcp[None]
    sidx4 = srcp[None] + (jnp.arange(4, dtype=jnp.int32) * N)[:, None, None, None]

    deg_part = _deg_kernel(deg_idx, jnp.ones((B,), jnp.float32),
                           jnp.zeros((DPS,), jnp.float32))
    nsd = _nsd(deg_part)
    ns = nsd[0, :N].reshape(N, 1)
    nd = nsd[0, N:2 * N].reshape(N, 1)

    zeros = jnp.zeros((RPS, 128), jnp.float32)
    xs1 = _scale(x, ns)
    part1 = _agg(xs1, sidx1, didx, zeros, 1)
    xs2 = _mm1(part1, nd, ns, W1, b1.reshape(1, 512))

    part2 = _agg(xs2.reshape(4 * N, 128), sidx4, didx, zeros, 4)
    z = _mm2(part2, nd, ns, W2, b2.reshape(1, 1024), W3)

    part3 = _agg(z, sidx1, didx, zeros, 1)
    return _final(part3, nd, b3.reshape(1, 128))

# --- scband reference (transcript-rebuilt; emitter-appended) ---
"""Pipeline reference for scband-aw-a2-conv-1340029796797 (READ-ONLY COPY).

The authoritative reference and input builder live on the scoring server;
editing this copy changes nothing except your own understanding.
"""

import jax, jax.numpy as jnp
import numpy as np

N = 10000
E = 320000
D_IN = 128
D_H1 = 512
D_H2 = 1024
D_OUT = 128


def setup_inputs(seed: int = 0) -> dict:
    key = jax.random.key(seed)
    ks = jax.random.split(key, 9)
    x = jax.random.normal(ks[0], (N, D_IN), dtype=jnp.float32)
    edge_index = jax.random.randint(ks[1], (2, E), 0, N, dtype=jnp.int32)
    W1 = jax.random.normal(ks[2], (D_IN, D_H1), dtype=jnp.float32) * (1.0 / np.sqrt(D_IN))
    b1 = jnp.zeros((D_H1,), dtype=jnp.float32)
    W2 = jax.random.normal(ks[3], (D_H1, D_H2), dtype=jnp.float32) * (1.0 / np.sqrt(D_H1))
    b2 = jnp.zeros((D_H2,), dtype=jnp.float32)
    W3 = jax.random.normal(ks[4], (D_H2, D_OUT), dtype=jnp.float32) * (1.0 / np.sqrt(D_H2))
    b3 = jnp.zeros((D_OUT,), dtype=jnp.float32)
    return {"x": x, "edge_index": edge_index, "W1": W1, "b1": b1, "W2": W2, "b2": b2, "W3": W3, "b3": b3}


def _graph_conv(x, src, dst, W, b):
    # DGL GraphConv with norm='both': h_i = sum_j 1/sqrt(d_out(j) d_in(i)) * (x_j W) + b
    ones = jnp.ones((src.shape[0],), dtype=jnp.float32)
    deg_out = jax.ops.segment_sum(ones, src, num_segments=N)
    deg_in = jax.ops.segment_sum(ones, dst, num_segments=N)
    norm_src = jax.lax.rsqrt(jnp.clip(deg_out, 1.0, None))
    norm_dst = jax.lax.rsqrt(jnp.clip(deg_in, 1.0, None))
    h = x * norm_src[:, None]
    h = h @ W
    agg = jax.ops.segment_sum(h[src], dst, num_segments=N)
    return agg * norm_dst[:, None] + b


def reference(x, edge_index, W1, b1, W2, b2, W3, b3):
    src = edge_index[0]
    dst = edge_index[1]
    h = _graph_conv(x, src, dst, W1, b1)
    h = jax.nn.leaky_relu(h, negative_slope=0.01)
    h = _graph_conv(h, src, dst, W2, b2)
    h = jax.nn.leaky_relu(h, negative_slope=0.01)
    h = _graph_conv(h, src, dst, W3, b3)
    return h

if __name__ == "__main__":
    import jax
    _d = setup_inputs()
    print(jax.jit(kernel)(*tuple(_d.values())))

</pallas_src>

<mosaic_0001>
#map = affine_map<(d0, d1) -> (0, 0)>
#map1 = affine_map<(d0, d1) -> (0, 0, 0, 0)>
module attributes {stable_mosaic.version = 14 : i64} {
  func.func @_agg_body(%arg0: i32, %arg1: i32, %arg2: memref<10000x128xf32, #tpu.memory_space<hbm>>, %arg3: memref<1x32x79x128xi32, #tpu.memory_space<hbm>>, %arg4: memref<32x79x1x128xi32, #tpu.memory_space<hbm>>, %arg5: memref<632x128xf32, #tpu.memory_space<hbm>>, %arg6: memref<2x1x10112x128xf32, #tpu.memory_space<hbm>>, %arg7: memref<79x128xi32, #tpu.memory_space<vmem>>, %arg8: memref<2x128xi32, #tpu.memory_space<vmem>>, %arg9: memref<2x128x128xf32, #tpu.memory_space<vmem>>, %arg10: memref<10112x128xf32, #tpu.memory_space<vmem_shared>>, %arg11: memref<!tpu.dma_semaphore, #tpu.memory_space<semaphore_mem>>, %arg12: memref<!tpu.dma_semaphore, #tpu.memory_space<semaphore_mem>>, %arg13: memref<!tpu.dma_semaphore, #tpu.memory_space<semaphore_mem>>, %arg14: memref<!tpu.dma_semaphore, #tpu.memory_space<semaphore_mem>>, %arg15: memref<!tpu.dma_semaphore, #tpu.memory_space<semaphore_mem>>, %arg16: memref<!tpu.dma_semaphore, #tpu.memory_space<semaphore_mem>>) attributes {dimension_semantics = [#tpu.dimension_semantics<core_parallel>, #tpu.dimension_semantics<subcore_parallel>], iteration_bounds = array<i64: 2, 16>, scalar_prefetch = 0 : i64, scratch_operands = 10 : i64, tpu.core_type = #tpu.core_type<sc_vector_subcore>, window_params = [{transform_indices = #map}, {transform_indices = #map1}, {transform_indices = #map1}, {transform_indices = #map}, {transform_indices = #map1}]} {
    %mul3A = arith.constant 16 : i32
    %mul3A_0 = arith.muli %arg0, %mul3A : i32
    %add3A = arith.addi %mul3A_0, %arg1 : i32
    %run_scoped3A = arith.constant 0 : i32
    "tpu.region"() ({
      %run_scoped3A_146 = tpu.sem_alloc : memref<!tpu.dma_semaphore, #tpu.memory_space<semaphore_mem>>
      %dma_start3A_147 = arith.constant 0 : i32
      %dma_start3A_148 = arith.constant 0 : i32
      %dma_start3A_149 = arith.constant 0 : i32
      %dma_start3A_150 = tpu.memref_slice %arg3[%run_scoped3A, %dma_start3A_147, %dma_start3A_148, %dma_start3A_149] : memref<1x32x79x128xi32, #tpu.memory_space<hbm>> -> memref<1x32x79x128xi32, #tpu.memory_space<hbm>>
      %dma_start3A_151 = tpu.memref_squeeze %dma_start3A_150 : memref<1x32x79x128xi32, #tpu.memory_space<hbm>> -> memref<32x79x128xi32, #tpu.memory_space<hbm>>
      %dma_start3A_152 = arith.constant 0 : i32
      %dma_start3A_153 = arith.constant 0 : i32
      %dma_start3A_154 = tpu.memref_slice %dma_start3A_151[%add3A, %dma_start3A_152, %dma_start3A_153] : memref<32x79x128xi32, #tpu.memory_space<hbm>> -> memref<1x79x128xi32, #tpu.memory_space<hbm>>
      %dma_start3A_155 = tpu.memref_squeeze %dma_start3A_154 : memref<1x79x128xi32, #tpu.memory_space<hbm>> -> memref<79x128xi32, #tpu.memory_space<hbm>>
      %dma_start3A_156 = arith.constant 0 : i32
      %dma_start3A_157 = arith.constant 0 : i32
      %dma_start3A_158 = arith.constant 0 : i32
      %dma_start3A_159 = tpu.memref_slice %arg3[%run_scoped3A, %dma_start3A_156, %dma_start3A_157, %dma_start3A_158] : memref<1x32x79x128xi32, #tpu.memory_space<hbm>> -> memref<1x32x79x128xi32, #tpu.memory_space<hbm>>
      %dma_start3A_160 = tpu.memref_squeeze %dma_start3A_159 : memref<1x32x79x128xi32, #tpu.memory_space<hbm>> -> memref<32x79x128xi32, #tpu.memory_space<hbm>>
      %dma_start3A_161 = arith.constant 0 : i32
      %dma_start3A_162 = arith.constant 0 : i32
      %dma_start3A_163 = tpu.memref_slice %dma_start3A_160[%add3A, %dma_start3A_161, %dma_start3A_162] : memref<32x79x128xi32, #tpu.memory_space<hbm>> -> memref<1x79x128xi32, #tpu.memory_space<hbm>>
      %dma_start3A_164 = tpu.memref_squeeze %dma_start3A_163 : memref<1x79x128xi32, #tpu.memory_space<hbm>> -> memref<79x128xi32, #tpu.memory_space<hbm>>
      tpu.enqueue_dma source(%dma_start3A_164 : memref<79x128xi32, #tpu.memory_space<hbm>>) target(%arg7 : memref<79x128xi32, #tpu.memory_space<vmem>>) target_semaphore(%run_scoped3A_146 : memref<!tpu.dma_semaphore, #tpu.memory_space<semaphore_mem>>)
      %dma_wait3A_165 = arith.constant 0 : i32
      %dma_wait3A_166 = arith.constant 0 : i32
      %dma_wait3A_167 = arith.constant 0 : i32
      %dma_wait3A_168 = tpu.memref_slice %arg3[%run_scoped3A, %dma_wait3A_165, %dma_wait3A_166, %dma_wait3A_167] : memref<1x32x79x128xi32, #tpu.memory_space<hbm>> -> memref<1x32x79x128xi32, #tpu.memory_space<hbm>>
      %dma_wait3A_169 = tpu.memref_squeeze %dma_wait3A_168 : memref<1x32x79x128xi32, #tpu.memory_space<hbm>> -> memref<32x79x128xi32, #tpu.memory_space<hbm>>
      %dma_wait3A_170 = arith.constant 0 : i32
      %dma_wait3A_171 = arith.constant 0 : i32
      %dma_wait3A_172 = tpu.memref_slice %dma_wait3A_169[%add3A, %dma_wait3A_170, %dma_wait3A_171] : memref<32x79x128xi32, #tpu.memory_space<hbm>> -> memref<1x79x128xi32, #tpu.memory_space<hbm>>
      %dma_wait3A_173 = tpu.memref_squeeze %dma_wait3A_172 : memref<1x79x128xi32, #tpu.memory_space<hbm>> -> memref<79x128xi32, #tpu.memory_space<hbm>>
      %dma_wait3A_174 = arith.constant 0 : i32
      %dma_wait3A_175 = arith.constant 0 : i32
      %dma_wait3A_176 = arith.constant 0 : i32
      %dma_wait3A_177 = tpu.memref_slice %arg3[%run_scoped3A, %dma_wait3A_174, %dma_wait3A_175, %dma_wait3A_176] : memref<1x32x79x128xi32, #tpu.memory_space<hbm>> -> memref<1x32x79x128xi32, #tpu.memory_space<hbm>>
      %dma_wait3A_178 = tpu.memref_squeeze %dma_wait3A_177 : memref<1x32x79x128xi32, #tpu.memory_space<hbm>> -> memref<32x79x128xi32, #tpu.memory_space<hbm>>
      %dma_wait3A_179 = arith.constant 0 : i32
      %dma_wait3A_180 = arith.constant 0 : i32
      %dma_wait3A_181 = tpu.memref_slice %dma_wait3A_178[%add3A, %dma_wait3A_179, %dma_wait3A_180] : memref<32x79x128xi32, #tpu.memory_space<hbm>> -> memref<1x79x128xi32, #tpu.memory_space<hbm>>
      %dma_wait3A_182 = tpu.memref_squeeze %dma_wait3A_181 : memref<1x79x128xi32, #tpu.memory_space<hbm>> -> memref<79x128xi32, #tpu.memory_space<hbm>>
      tpu.wait_dma2 semaphore(%run_scoped3A_146 : memref<!tpu.dma_semaphore, #tpu.memory_space<semaphore_mem>>) src(%dma_wait3A_182 : memref<79x128xi32, #tpu.memory_space<hbm>>) dst(%arg7 : memref<79x128xi32, #tpu.memory_space<vmem>>)
      tpu.yield
    }) : () -> ()
    %mul3A_1 = arith.constant 632 : i32
    %mul3A_2 = arith.muli %arg1, %mul3A_1 : i32
    "tpu.region"() ({
      %run_scoped3A_146 = tpu.sem_alloc : memref<!tpu.dma_semaphore, #tpu.memory_space<semaphore_mem>>
      %dma_start3A_147 = arith.constant 0 : i32
      %dma_start3A_148 = tpu.memref_slice %arg10[%mul3A_2, %dma_start3A_147] : memref<10112x128xf32, #tpu.memory_space<vmem_shared>> -> memref<632x128xf32, #tpu.memory_space<vmem_shared>>
      tpu.enqueue_dma source(%arg5 : memref<632x128xf32, #tpu.memory_space<hbm>>) target(%dma_start3A_148 : memref<632x128xf32, #tpu.memory_space<vmem_shared>>) target_semaphore(%run_scoped3A_146 : memref<!tpu.dma_semaphore, #tpu.memory_space<semaphore_mem>>)
      %dma_wait3A_149 = arith.constant 0 : i32
      %dma_wait3A_150 = tpu.memref_slice %arg10[%mul3A_2, %dma_wait3A_149] : memref<10112x128xf32, #tpu.memory_space<vmem_shared>> -> memref<632x128xf32, #tpu.memory_space<vmem_shared>>
      tpu.wait_dma2 semaphore(%run_scoped3A_146 : memref<!tpu.dma_semaphore, #tpu.memory_space<semaphore_mem>>) src(%arg5 : memref<632x128xf32, #tpu.memory_space<hbm>>) dst(%dma_wait3A_150 : memref<632x128xf32, #tpu.memory_space<vmem_shared>>)
      tpu.yield
    }) : () -> ()
    %barrier3A = arith.constant 0 : index
    tpu.barrier barrier_id(%barrier3A)
    %dma_start3A = arith.constant 0 : i32
    %dma_start3A_3 = arith.constant 0 : i32
    %dma_start3A_4 = arith.constant 0 : i32
    %dma_start3A_5 = arith.constant 0 : i32
    %dma_start3A_6 = tpu.memref_slice %arg9[%dma_start3A_3, %dma_start3A_4, %dma_start3A_5] : memref<2x128x128xf32, #tpu.memory_space<vmem>> -> memref<1x128x128xf32, #tpu.memory_space<vmem>>
    %dma_start3A_7 = tpu.memref_squeeze %dma_start3A_6 : memref<1x128x128xf32, #tpu.memory_space<vmem>> -> memref<128x128xf32, #tpu.memory_space<vmem>>
    %dma_start3A_8 = arith.constant 0 : i32
    %dma_start3A_9 = tpu.memref_slice %arg7[%dma_start3A, %dma_start3A_8] : memref<79x128xi32, #tpu.memory_space<vmem>> -> memref<1x128xi32, #tpu.memory_space<vmem>>
    %dma_start3A_10 = tpu.memref_squeeze %dma_start3A_9 : memref<1x128xi32, #tpu.memory_space<vmem>> -> memref<128xi32, #tpu.memory_space<vmem>>
    %dma_start3A_11 = arith.constant 0 : i32
    %dma_start3A_12 = arith.constant 0 : i32
    %dma_start3A_13 = tpu.memref_slice %arg2[%dma_start3A_11, %dma_start3A_12] : memref<10000x128xf32, #tpu.memory_space<hbm>> -> memref<10000x128xf32, #tpu.memory_space<hbm>>
    tpu.enqueue_indirect_dma source(%dma_start3A_13 : memref<10000x128xf32, #tpu.memory_space<hbm>>) target(%dma_start3A_7 : memref<128x128xf32, #tpu.memory_space<vmem>>) offsets(%dma_start3A_10 : memref<128xi32, #tpu.memory_space<vmem>>) semaphore(%arg11 : memref<!tpu.dma_semaphore, #tpu.memory_space<semaphore_mem>>)
    %dma_start3A_14 = arith.constant 0 : i32
    %dma_start3A_15 = arith.constant 0 : i32
    %dma_start3A_16 = arith.constant 0 : i32
    %dma_start3A_17 = tpu.memref_slice %arg8[%dma_start3A_15, %dma_start3A_16] : memref<2x128xi32, #tpu.memory_space<vmem>> -> memref<1x128xi32, #tpu.memory_space<vmem>>
    %dma_start3A_18 = arith.constant 0 : i32
    %dma_start3A_19 = arith.constant 0 : i32
    %dma_start3A_20 = arith.constant 0 : i32
    %dma_start3A_21 = tpu.memref_slice %arg4[%add3A, %dma_start3A_18, %dma_start3A_19, %dma_start3A_20] : memref<32x79x1x128xi32, #tpu.memory_space<hbm>> -> memref<1x79x1x128xi32, #tpu.memory_space<hbm>>
    %dma_start3A_22 = tpu.memref_squeeze %dma_start3A_21 : memref<1x79x1x128xi32, #tpu.memory_space<hbm>> -> memref<79x1x128xi32, #tpu.memory_space<hbm>>
    %dma_start3A_23 = arith.constant 0 : i32
    %dma_start3A_24 = arith.constant 0 : i32
    %dma_start3A_25 = tpu.memref_slice %dma_start3A_22[%dma_start3A_14, %dma_start3A_23, %dma_start3A_24] : memref<79x1x128xi32, #tpu.memory_space<hbm>> -> memref<1x1x128xi32, #tpu.memory_space<hbm>>
    %dma_start3A_26 = tpu.memref_squeeze %dma_start3A_25 : memref<1x1x128xi32, #tpu.memory_space<hbm>> -> memref<1x128xi32, #tpu.memory_space<hbm>>
    %dma_start3A_27 = arith.constant 0 : i32
    %dma_start3A_28 = arith.constant 0 : i32
    %dma_start3A_29 = tpu.memref_slice %arg8[%dma_start3A_27, %dma_start3A_28] : memref<2x128xi32, #tpu.memory_space<vmem>> -> memref<1x128xi32, #tpu.memory_space<vmem>>
    %dma_start3A_30 = arith.constant 0 : i32
    %dma_start3A_31 = arith.constant 0 : i32
    %dma_start3A_32 = arith.constant 0 : i32
    %dma_start3A_33 = tpu.memref_slice %arg4[%add3A, %dma_start3A_30, %dma_start3A_31, %dma_start3A_32] : memref<32x79x1x128xi32, #tpu.memory_space<hbm>> -> memref<1x79x1x128xi32, #tpu.memory_space<hbm>>
    %dma_start3A_34 = tpu.memref_squeeze %dma_start3A_33 : memref<1x79x1x128xi32, #tpu.memory_space<hbm>> -> memref<79x1x128xi32, #tpu.memory_space<hbm>>
    %dma_start3A_35 = arith.constant 0 : i32
    %dma_start3A_36 = arith.constant 0 : i32
    %dma_start3A_37 = tpu.memref_slice %dma_start3A_34[%dma_start3A_14, %dma_start3A_35, %dma_start3A_36] : memref<79x1x128xi32, #tpu.memory_space<hbm>> -> memref<1x1x128xi32, #tpu.memory_space<hbm>>
    %dma_start3A_38 = tpu.memref_squeeze %dma_start3A_37 : memref<1x1x128xi32, #tpu.memory_space<hbm>> -> memref<1x128xi32, #tpu.memory_space<hbm>>
    tpu.enqueue_dma source(%dma_start3A_38 : memref<1x128xi32, #tpu.memory_space<hbm>>) target(%dma_start3A_29 : memref<1x128xi32, #tpu.memory_space<vmem>>) target_semaphore(%arg13 : memref<!tpu.dma_semaphore, #tpu.memory_space<semaphore_mem>>)
    %dma_start3A_39 = arith.constant 1 : i32
    %dma_start3A_40 = arith.constant 1 : i32
    %dma_start3A_41 = arith.constant 0 : i32
    %dma_start3A_42 = arith.constant 0 : i32
    %dma_start3A_43 = tpu.memref_slice %arg9[%dma_start3A_40, %dma_start3A_41, %dma_start3A_42] : memref<2x128x128xf32, #tpu.memory_space<vmem>> -> memref<1x128x128xf32, #tpu.memory_space<vmem>>
    %dma_start3A_44 = tpu.memref_squeeze %dma_start3A_43 : memref<1x128x128xf32, #tpu.memory_space<vmem>> -> memref<128x128xf32, #tpu.memory_space<vmem>>
    %dma_start3A_45 = arith.constant 0 : i32
    %dma_start3A_46 = tpu.memref_slice %arg7[%dma_start3A_39, %dma_start3A_45] : memref<79x128xi32, #tpu.memory_space<vmem>> -> memref<1x128xi32, #tpu.memory_space<vmem>>
    %dma_start3A_47 = tpu.memref_squeeze %dma_start3A_46 : memref<1x128xi32, #tpu.memory_space<vmem>> -> memref<128xi32, #tpu.memory_space<vmem>>
    %dma_start3A_48 = arith.constant 0 : i32
    %dma_start3A_49 = arith.constant 0 : i32
    %dma_start3A_50 = tpu.memref_slice %arg2[%dma_start3A_48, %dma_start3A_49] : memref<10000x128xf32, #tpu.memory_space<hbm>> -> memref<10000x128xf32, #tpu.memory_space<hbm>>
    tpu.enqueue_indirect_dma source(%dma_start3A_50 : memref<10000x128xf32, #tpu.memory_space<hbm>>) target(%dma_start3A_44 : memref<128x128xf32, #tpu.memory_space<vmem>>) offsets(%dma_start3A_47 : memref<128xi32, #tpu.memory_space<vmem>>) semaphore(%arg12 : memref<!tpu.dma_semaphore, #tpu.memory_space<semaphore_mem>>)
    %dma_start3A_51 = arith.constant 1 : i32
    %dma_start3A_52 = arith.constant 1 : i32
    %dma_start3A_53 = arith.constant 0 : i32
    %dma_start3A_54 = tpu.memref_slice %arg8[%dma_start3A_52, %dma_start3A_53] : memref<2x128xi32, #tpu.memory_space<vmem>> -> memref<1x128xi32, #tpu.memory_space<vmem>>
    %dma_start3A_55 = arith.constant 0 : i32
    %dma_start3A_56 = arith.constant 0 : i32
    %dma_start3A_57 = arith.constant 0 : i32
    %dma_start3A_58 = tpu.memref_slice %arg4[%add3A, %dma_start3A_55, %dma_start3A_56, %dma_start3A_57] : memref<32x79x1x128xi32, #tpu.memory_space<hbm>> -> memref<1x79x1x128xi32, #tpu.memory_space<hbm>>
    %dma_start3A_59 = tpu.memref_squeeze %dma_start3A_58 : memref<1x79x1x128xi32, #tpu.memory_space<hbm>> -> memref<79x1x128xi32, #tpu.memory_space<hbm>>
    %dma_start3A_60 = arith.constant 0 : i32
    %dma_start3A_61 = arith.constant 0 : i32
    %dma_start3A_62 = tpu.memref_slice %dma_start3A_59[%dma_start3A_51, %dma_start3A_60, %dma_start3A_61] : memref<79x1x128xi32, #tpu.memory_space<hbm>> -> memref<1x1x128xi32, #tpu.memory_space<hbm>>
    %dma_start3A_63 = tpu.memref_squeeze %dma_start3A_62 : memref<1x1x128xi32, #tpu.memory_space<hbm>> -> memref<1x128xi32, #tpu.memory_space<hbm>>
    %dma_start3A_64 = arith.constant 1 : i32
    %dma_start3A_65 = arith.constant 0 : i32
    %dma_start3A_66 = tpu.memref_slice %arg8[%dma_start3A_64, %dma_start3A_65] : memref<2x128xi32, #tpu.memory_space<vmem>> -> memref<1x128xi32, #tpu.memory_space<vmem>>
    %dma_start3A_67 = arith.constant 0 : i32
    %dma_start3A_68 = arith.constant 0 : i32
    %dma_start3A_69 = arith.constant 0 : i32
    %dma_start3A_70 = tpu.memref_slice %arg4[%add3A, %dma_start3A_67, %dma_start3A_68, %dma_start3A_69] : memref<32x79x1x128xi32, #tpu.memory_space<hbm>> -> memref<1x79x1x128xi32, #tpu.memory_space<hbm>>
    %dma_start3A_71 = tpu.memref_squeeze %dma_start3A_70 : memref<1x79x1x128xi32, #tpu.memory_space<hbm>> -> memref<79x1x128xi32, #tpu.memory_space<hbm>>
    %dma_start3A_72 = arith.constant 0 : i32
    %dma_start3A_73 = arith.constant 0 : i32
    %dma_start3A_74 = tpu.memref_slice %dma_start3A_71[%dma_start3A_51, %dma_start3A_72, %dma_start3A_73] : memref<79x1x128xi32, #tpu.memory_space<hbm>> -> memref<1x1x128xi32, #tpu.memory_space<hbm>>
    %dma_start3A_75 = tpu.memref_squeeze %dma_start3A_74 : memref<1x1x128xi32, #tpu.memory_space<hbm>> -> memref<1x128xi32, #tpu.memory_space<hbm>>
    tpu.enqueue_dma source(%dma_start3A_75 : memref<1x128xi32, #tpu.memory_space<hbm>>) target(%dma_start3A_66 : memref<1x128xi32, #tpu.memory_space<vmem>>) target_semaphore(%arg14 : memref<!tpu.dma_semaphore, #tpu.memory_space<semaphore_mem>>)
    %scan3A = arith.constant 0 : i32
    %scan3A_76 = arith.constant 39 : i32
    %scan3A_77 = arith.addi %scan3A, %scan3A_76 : i32
    %scan3A_78 = arith.constant 1 : i32
    scf.for %scan3A_146 = %scan3A to %scan3A_77 step %scan3A_78  : i32 {
      %mul3A_147 = arith.constant 2 : i32
      %mul3A_148 = arith.muli %scan3A_146, %mul3A_147 : i32
      %add3A_149 = arith.constant 0 : i32
      %add3A_150 = arith.addi %add3A_149, %mul3A_148 : i32
      %dma_wait3A_151 = arith.constant 0 : i32
      %dma_wait3A_152 = arith.constant 0 : i32
      %dma_wait3A_153 = arith.constant 0 : i32
      %dma_wait3A_154 = arith.constant 0 : i32
      %dma_wait3A_155 = tpu.memref_slice %arg9[%dma_wait3A_152, %dma_wait3A_153, %dma_wait3A_154] : memref<2x128x128xf32, #tpu.memory_space<vmem>> -> memref<1x128x128xf32, #tpu.memory_space<vmem>>
      %dma_wait3A_156 = tpu.memref_squeeze %dma_wait3A_155 : memref<1x128x128xf32, #tpu.memory_space<vmem>> -> memref<128x128xf32, #tpu.memory_space<vmem>>
      %dma_wait3A_157 = arith.constant 0 : i32
      %dma_wait3A_158 = tpu.memref_slice %arg7[%dma_wait3A_151, %dma_wait3A_157] : memref<79x128xi32, #tpu.memory_space<vmem>> -> memref<1x128xi32, #tpu.memory_space<vmem>>
      %dma_wait3A_159 = tpu.memref_squeeze %dma_wait3A_158 : memref<1x128xi32, #tpu.memory_space<vmem>> -> memref<128xi32, #tpu.memory_space<vmem>>
      %dma_wait3A_160 = arith.constant 0 : i32
      %dma_wait3A_161 = arith.constant 0 : i32
      %dma_wait3A_162 = tpu.memref_slice %arg2[%dma_wait3A_160, %dma_wait3A_161] : memref<10000x128xf32, #tpu.memory_space<hbm>> -> memref<10000x128xf32, #tpu.memory_space<hbm>>
      tpu.wait_indirect_dma semaphore(%arg11 : memref<!tpu.dma_semaphore, #tpu.memory_space<semaphore_mem>>) src(%dma_wait3A_162 : memref<10000x128xf32, #tpu.memory_space<hbm>>) dst(%dma_wait3A_156 : memref<128x128xf32, #tpu.memory_space<vmem>>)
      %dma_wait3A_163 = arith.constant 0 : i32
      %dma_wait3A_164 = arith.constant 0 : i32
      %dma_wait3A_165 = arith.constant 0 : i32
      %dma_wait3A_166 = tpu.memref_slice %arg8[%dma_wait3A_164, %dma_wait3A_165] : memref<2x128xi32, #tpu.memory_space<vmem>> -> memref<1x128xi32, #tpu.memory_space<vmem>>
      %dma_wait3A_167 = arith.constant 0 : i32
      %dma_wait3A_168 = arith.constant 0 : i32
      %dma_wait3A_169 = arith.constant 0 : i32
      %dma_wait3A_170 = tpu.memref_slice %arg4[%add3A, %dma_wait3A_167, %dma_wait3A_168, %dma_wait3A_169] : memref<32x79x1x128xi32, #tpu.memory_space<hbm>> -> memref<1x79x1x128xi32, #tpu.memory_space<hbm>>
      %dma_wait3A_171 = tpu.memref_squeeze %dma_wait3A_170 : memref<1x79x1x128xi32, #tpu.memory_space<hbm>> -> memref<79x1x128xi32, #tpu.memory_space<hbm>>
      %dma_wait3A_172 = arith.constant 0 : i32
      %dma_wait3A_173 = arith.constant 0 : i32
      %dma_wait3A_174 = tpu.memref_slice %dma_wait3A_171[%dma_wait3A_163, %dma_wait3A_172, %dma_wait3A_173] : memref<79x1x128xi32, #tpu.memory_space<hbm>> -> memref<1x1x128xi32, #tpu.memory_space<hbm>>
      %dma_wait3A_175 = tpu.memref_squeeze %dma_wait3A_174 : memref<1x1x128xi32, #tpu.memory_space<hbm>> -> memref<1x128xi32, #tpu.memory_space<hbm>>
      %dma_wait3A_176 = arith.constant 0 : i32
      %dma_wait3A_177 = arith.constant 0 : i32
      %dma_wait3A_178 = tpu.memref_slice %arg8[%dma_wait3A_176, %dma_wait3A_177] : memref<2x128xi32, #tpu.memory_space<vmem>> -> memref<1x128xi32, #tpu.memory_space<vmem>>
      %dma_wait3A_179 = arith.constant 0 : i32
      %dma_wait3A_180 = arith.constant 0 : i32
      %dma_wait3A_181 = arith.constant 0 : i32
      %dma_wait3A_182 = tpu.memref_slice %arg4[%add3A, %dma_wait3A_179, %dma_wait3A_180, %dma_wait3A_181] : memref<32x79x1x128xi32, #tpu.memory_space<hbm>> -> memref<1x79x1x128xi32, #tpu.memory_space<hbm>>
      %dma_wait3A_183 = tpu.memref_squeeze %dma_wait3A_182 : memref<1x79x1x128xi32, #tpu.memory_space<hbm>> -> memref<79x1x128xi32, #tpu.memory_space<hbm>>
      %dma_wait3A_184 = arith.constant 0 : i32
      %dma_wait3A_185 = arith.constant 0 : i32
      %dma_wait3A_186 = tpu.memref_slice %dma_wait3A_183[%dma_wait3A_163, %dma_wait3A_184, %dma_wait3A_185] : memref<79x1x128xi32, #tpu.memory_space<hbm>> -> memref<1x1x128xi32, #tpu.memory_space<hbm>>
      %dma_wait3A_187 = tpu.memref_squeeze %dma_wait3A_186 : memref<1x1x128xi32, #tpu.memory_space<hbm>> -> memref<1x128xi32, #tpu.memory_space<hbm>>
      tpu.wait_dma2 semaphore(%arg13 : memref<!tpu.dma_semaphore, #tpu.memory_space<semaphore_mem>>) src(%dma_wait3A_187 : memref<1x128xi32, #tpu.memory_space<hbm>>) dst(%dma_wait3A_178 : memref<1x128xi32, #tpu.memory_space<vmem>>)
      %dma_start3A_188 = arith.constant 0 : i32
      %dma_start3A_189 = arith.constant 0 : i32
      %dma_start3A_190 = arith.constant 0 : i32
      %dma_start3A_191 = arith.constant 0 : i32
      %dma_start3A_192 = tpu.memref_slice %arg9[%dma_start3A_188, %dma_start3A_190, %dma_start3A_191] : memref<2x128x128xf32, #tpu.memory_space<vmem>> -> memref<1x128x128xf32, #tpu.memory_space<vmem>>
      %dma_start3A_193 = tpu.memref_squeeze %dma_start3A_192 : memref<1x128x128xf32, #tpu.memory_space<vmem>> -> memref<128x128xf32, #tpu.memory_space<vmem>>
      %dma_start3A_194 = arith.constant 0 : i32
      %dma_start3A_195 = tpu.memref_slice %arg8[%dma_start3A_189, %dma_start3A_194] : memref<2x128xi32, #tpu.memory_space<vmem>> -> memref<1x128xi32, #tpu.memory_space<vmem>>
      %dma_start3A_196 = tpu.memref_squeeze %dma_start3A_195 : memref<1x128xi32, #tpu.memory_space<vmem>> -> memref<128xi32, #tpu.memory_space<vmem>>
      %dma_start3A_197 = arith.constant 0 : i32
      %dma_start3A_198 = arith.constant 0 : i32
      %dma_start3A_199 = tpu.memref_slice %arg10[%dma_start3A_197, %dma_start3A_198] : memref<10112x128xf32, #tpu.memory_space<vmem_shared>> -> memref<10112x128xf32, #tpu.memory_space<vmem_shared>>
      tpu.enqueue_indirect_dma source(%dma_start3A_193 : memref<128x128xf32, #tpu.memory_space<vmem>>) target(%dma_start3A_199 : memref<10112x128xf32, #tpu.memory_space<vmem_shared>>) offsets(%dma_start3A_196 : memref<128xi32, #tpu.memory_space<vmem>>) semaphore(%arg15 : memref<!tpu.dma_semaphore, #tpu.memory_space<semaphore_mem>>) {add = true}
      %dma_wait3A_200 = arith.constant 0 : i32
      %dma_wait3A_201 = arith.constant 1 : i32
      %dma_wait3A_202 = arith.constant 0 : i32
      %dma_wait3A_203 = arith.constant 0 : i32
      %dma_wait3A_204 = tpu.memref_slice %arg9[%dma_wait3A_201, %dma_wait3A_202, %dma_wait3A_203] : memref<2x128x128xf32, #tpu.memory_space<vmem>> -> memref<1x128x128xf32, #tpu.memory_space<vmem>>
      %dma_wait3A_205 = tpu.memref_squeeze %dma_wait3A_204 : memref<1x128x128xf32, #tpu.memory_space<vmem>> -> memref<128x128xf32, #tpu.memory_space<vmem>>
      %dma_wait3A_206 = arith.constant 0 : i32
      %dma_wait3A_207 = tpu.memref_slice %arg7[%dma_wait3A_200, %dma_wait3A_206] : memref<79x128xi32, #tpu.memory_space<vmem>> -> memref<1x128xi32, #tpu.memory_space<vmem>>
      %dma_wait3A_208 = tpu.memref_squeeze %dma_wait3A_207 : memref<1x128xi32, #tpu.memory_space<vmem>> -> memref<128xi32, #tpu.memory_space<vmem>>
      %dma_wait3A_209 = arith.constant 0 : i32
      %dma_wait3A_210 = arith.constant 0 : i32
      %dma_wait3A_211 = tpu.memref_slice %arg2[%dma_wait3A_209, %dma_wait3A_210] : memref<10000x128xf32, #tpu.memory_space<hbm>> -> memref<10000x128xf32, #tpu.memory_space<hbm>>
      tpu.wait_indirect_dma semaphore(%arg12 : memref<!tpu.dma_semaphore, #tpu.memory_space<semaphore_mem>>) src(%dma_wait3A_211 : memref<10000x128xf32, #tpu.memory_space<hbm>>) dst(%dma_wait3A_205 : memref<128x128xf32, #tpu.memory_space<vmem>>)
      %dma_wait3A_212 = arith.constant 0 : i32
      %dma_wait3A_213 = arith.constant 1 : i32
      %dma_wait3A_214 = arith.constant 0 : i32
      %dma_wait3A_215 = tpu.memref_slice %arg8[%dma_wait3A_213, %dma_wait3A_214] : memref<2x128xi32, #tpu.memory_space<vmem>> -> memref<1x128xi32, #tpu.memory_space<vmem>>
      %dma_wait3A_216 = arith.constant 0 : i32
      %dma_wait3A_217 = arith.constant 0 : i32
      %dma_wait3A_218 = arith.constant 0 : i32
      %dma_wait3A_219 = tpu.memref_slice %arg4[%add3A, %dma_wait3A_216, %dma_wait3A_217, %dma_wait3A_218] : memref<32x79x1x128xi32, #tpu.memory_space<hbm>> -> memref<1x79x1x128xi32, #tpu.memory_space<hbm>>
      %dma_wait3A_220 = tpu.memref_squeeze %dma_wait3A_219 : memref<1x79x1x128xi32, #tpu.memory_space<hbm>> -> memref<79x1x128xi32, #tpu.memory_space<hbm>>
      %dma_wait3A_221 = arith.constant 0 : i32
      %dma_wait3A_222 = arith.constant 0 : i32
      %dma_wait3A_223 = tpu.memref_slice %dma_wait3A_220[%dma_wait3A_212, %dma_wait3A_221, %dma_wait3A_222] : memref<79x1x128xi32, #tpu.memory_space<hbm>> -> memref<1x1x128xi32, #tpu.memory_space<hbm>>
      %dma_wait3A_224 = tpu.memref_squeeze %dma_wait3A_223 : memref<1x1x128xi32, #tpu.memory_space<hbm>> -> memref<1x128xi32, #tpu.memory_space<hbm>>
      %dma_wait3A_225 = arith.constant 1 : i32
      %dma_wait3A_226 = arith.constant 0 : i32
      %dma_wait3A_227 = tpu.memref_slice %arg8[%dma_wait3A_225, %dma_wait3A_226] : memref<2x128xi32, #tpu.memory_space<vmem>> -> memref<1x128xi32, #tpu.memory_space<vmem>>
      %dma_wait3A_228 = arith.constant 0 : i32
      %dma_wait3A_229 = arith.constant 0 : i32
      %dma_wait3A_230 = arith.constant 0 : i32
      %dma_wait3A_231 = tpu.memref_slice %arg4[%add3A, %dma_wait3A_228, %dma_wait3A_229, %dma_wait3A_230] : memref<32x79x1x128xi32, #tpu.memory_space<hbm>> -> memref<1x79x1x128xi32, #tpu.memory_space<hbm>>
      %dma_wait3A_232 = tpu.memref_squeeze %dma_wait3A_231 : memref<1x79x1x128xi32, #tpu.memory_space<hbm>> -> memref<79x1x128xi32, #tpu.memory_space<hbm>>
      %dma_wait3A_233 = arith.constant 0 : i32
      %dma_wait3A_234 = arith.constant 0 : i32
      %dma_wait3A_235 = tpu.memref_slice %dma_wait3A_232[%dma_wait3A_212, %dma_wait3A_233, %dma_wait3A_234] : memref<79x1x128xi32, #tpu.memory_space<hbm>> -> memref<1x1x128xi32, #tpu.memory_space<hbm>>
      %dma_wait3A_236 = tpu.memref_squeeze %dma_wait3A_235 : memref<1x1x128xi32, #tpu.memory_space<hbm>> -> memref<1x128xi32, #tpu.memory_space<hbm>>
      tpu.wait_dma2 semaphore(%arg14 : memref<!tpu.dma_semaphore, #tpu.memory_space<semaphore_mem>>) src(%dma_wait3A_236 : memref<1x128xi32, #tpu.memory_space<hbm>>) dst(%dma_wait3A_227 : memref<1x128xi32, #tpu.memory_space<vmem>>)
      %dma_start3A_237 = arith.constant 1 : i32
      %dma_start3A_238 = arith.constant 1 : i32
      %dma_start3A_239 = arith.constant 0 : i32
      %dma_start3A_240 = arith.constant 0 : i32
      %dma_start3A_241 = tpu.memref_slice %arg9[%dma_start3A_237, %dma_start3A_239, %dma_start3A_240] : memref<2x128x128xf32, #tpu.memory_space<vmem>> -> memref<1x128x128xf32, #tpu.memory_space<vmem>>
      %dma_start3A_242 = tpu.memref_squeeze %dma_start3A_241 : memref<1x128x128xf32, #tpu.memory_space<vmem>> -> memref<128x128xf32, #tpu.memory_space<vmem>>
      %dma_start3A_243 = arith.constant 0 : i32
      %dma_start3A_244 = tpu.memref_slice %arg8[%dma_start3A_238, %dma_start3A_243] : memref<2x128xi32, #tpu.memory_space<vmem>> -> memref<1x128xi32, #tpu.memory_space<vmem>>
      %dma_start3A_245 = tpu.memref_squeeze %dma_start3A_244 : memref<1x128xi32, #tpu.memory_space<vmem>> -> memref<128xi32, #tpu.memory_space<vmem>>
      %dma_start3A_246 = arith.constant 0 : i32
      %dma_start3A_247 = arith.constant 0 : i32
      %dma_start3A_248 = tpu.memref_slice %arg10[%dma_start3A_246, %dma_start3A_247] : memref<10112x128xf32, #tpu.memory_space<vmem_shared>> -> memref<10112x128xf32, #tpu.memory_space<vmem_shared>>
      tpu.enqueue_indirect_dma source(%dma_start3A_242 : memref<128x128xf32, #tpu.memory_space<vmem>>) target(%dma_start3A_248 : memref<10112x128xf32, #tpu.memory_space<vmem_shared>>) offsets(%dma_start3A_245 : memref<128xi32, #tpu.memory_space<vmem>>) semaphore(%arg16 : memref<!tpu.dma_semaphore, #tpu.memory_space<semaphore_mem>>) {add = true}
      %dma_wait3A_249 = arith.constant 0 : i32
      %dma_wait3A_250 = arith.constant 0 : i32
      %dma_wait3A_251 = arith.constant 0 : i32
      %dma_wait3A_252 = arith.constant 0 : i32
      %dma_wait3A_253 = tpu.memref_slice %arg9[%dma_wait3A_249, %dma_wait3A_251, %dma_wait3A_252] : memref<2x128x128xf32, #tpu.memory_space<vmem>> -> memref<1x128x128xf32, #tpu.memory_space<vmem>>
      %dma_wait3A_254 = tpu.memref_squeeze %dma_wait3A_253 : memref<1x128x128xf32, #tpu.memory_space<vmem>> -> memref<128x128xf32, #tpu.memory_space<vmem>>
      %dma_wait3A_255 = arith.constant 0 : i32
      %dma_wait3A_256 = tpu.memref_slice %arg8[%dma_wait3A_250, %dma_wait3A_255] : memref<2x128xi32, #tpu.memory_space<vmem>> -> memref<1x128xi32, #tpu.memory_space<vmem>>
      %dma_wait3A_257 = tpu.memref_squeeze %dma_wait3A_256 : memref<1x128xi32, #tpu.memory_space<vmem>> -> memref<128xi32, #tpu.memory_space<vmem>>
      %dma_wait3A_258 = arith.constant 0 : i32
      %dma_wait3A_259 = arith.constant 0 : i32
      %dma_wait3A_260 = tpu.memref_slice %arg10[%dma_wait3A_258, %dma_wait3A_259] : memref<10112x128xf32, #tpu.memory_space<vmem_shared>> -> memref<10112x128xf32, #tpu.memory_space<vmem_shared>>
      tpu.wait_indirect_dma semaphore(%arg15 : memref<!tpu.dma_semaphore, #tpu.memory_space<semaphore_mem>>) src(%dma_wait3A_254 : memref<128x128xf32, #tpu.memory_space<vmem>>) dst(%dma_wait3A_260 : memref<10112x128xf32, #tpu.memory_space<vmem_shared>>)
      %add3A_261 = arith.constant 2 : i32
      %add3A_262 = arith.addi %add3A_150, %add3A_261 : i32
      %lt3A = arith.constant 79 : i32
      %lt3A_263 = arith.cmpi slt, %add3A_262, %lt3A : i32
      %convert_element_type3A = arith.extui %lt3A_263 : i1 to i32
      %cond3A = arith.constant 0 : i32
      %cond3A_264 = arith.cmpi ne, %convert_element_type3A, %cond3A : i32
      scf.if %cond3A_264 {
        %add3A_284 = arith.constant 2 : i32
        %add3A_285 = arith.addi %add3A_150, %add3A_284 : i32
        %dma_start3A_286 = arith.constant 0 : i32
        %dma_start3A_287 = arith.constant 0 : i32
        %dma_start3A_288 = arith.constant 0 : i32
        %dma_start3A_289 = tpu.memref_slice %arg9[%dma_start3A_286, %dma_start3A_287, %dma_start3A_288] : memref<2x128x128xf32, #tpu.memory_space<vmem>> -> memref<1x128x128xf32, #tpu.memory_space<vmem>>
        %dma_start3A_290 = tpu.memref_squeeze %dma_start3A_289 : memref<1x128x128xf32, #tpu.memory_space<vmem>> -> memref<128x128xf32, #tpu.memory_space<vmem>>
        %dma_start3A_291 = arith.constant 0 : i32
        %dma_start3A_292 = tpu.memref_slice %arg7[%add3A_285, %dma_start3A_291] : memref<79x128xi32, #tpu.memory_space<vmem>> -> memref<1x128xi32, #tpu.memory_space<vmem>>
        %dma_start3A_293 = tpu.memref_squeeze %dma_start3A_292 : memref<1x128xi32, #tpu.memory_space<vmem>> -> memref<128xi32, #tpu.memory_space<vmem>>
        %dma_start3A_294 = arith.constant 0 : i32
        %dma_start3A_295 = arith.constant 0 : i32
        %dma_start3A_296 = tpu.memref_slice %arg2[%dma_start3A_294, %dma_start3A_295] : memref<10000x128xf32, #tpu.memory_space<hbm>> -> memref<10000x128xf32, #tpu.memory_space<hbm>>
        tpu.enqueue_indirect_dma source(%dma_start3A_296 : memref<10000x128xf32, #tpu.memory_space<hbm>>) target(%dma_start3A_290 : memref<128x128xf32, #tpu.memory_space<vmem>>) offsets(%dma_start3A_293 : memref<128xi32, #tpu.memory_space<vmem>>) semaphore(%arg11 : memref<!tpu.dma_semaphore, #tpu.memory_space<semaphore_mem>>)
        %dma_start3A_297 = arith.constant 0 : i32
        %dma_start3A_298 = arith.constant 0 : i32
        %dma_start3A_299 = tpu.memref_slice %arg8[%dma_start3A_297, %dma_start3A_298] : memref<2x128xi32, #tpu.memory_space<vmem>> -> memref<1x128xi32, #tpu.memory_space<vmem>>
        %dma_start3A_300 = arith.constant 0 : i32
        %dma_start3A_301 = arith.constant 0 : i32
        %dma_start3A_302 = arith.constant 0 : i32
        %dma_start3A_303 = tpu.memref_slice %arg4[%add3A, %dma_start3A_300, %dma_start3A_301, %dma_start3A_302] : memref<32x79x1x128xi32, #tpu.memory_space<hbm>> -> memref<1x79x1x128xi32, #tpu.memory_space<hbm>>
        %dma_start3A_304 = tpu.memref_squeeze %dma_start3A_303 : memref<1x79x1x128xi32, #tpu.memory_space<hbm>> -> memref<79x1x128xi32, #tpu.memory_space<hbm>>
        %dma_start3A_305 = arith.constant 0 : i32
        %dma_start3A_306 = arith.constant 0 : i32
        %dma_start3A_307 = tpu.memref_slice %dma_start3A_304[%add3A_285, %dma_start3A_305, %dma_start3A_306] : memref<79x1x128xi32, #tpu.memory_space<hbm>> -> memref<1x1x128xi32, #tpu.memory_space<hbm>>
        %dma_start3A_308 = tpu.memref_squeeze %dma_start3A_307 : memref<1x1x128xi32, #tpu.memory_space<hbm>> -> memref<1x128xi32, #tpu.memory_space<hbm>>
        %dma_start3A_309 = arith.constant 0 : i32
        %dma_start3A_310 = arith.constant 0 : i32
        %dma_start3A_311 = tpu.memref_slice %arg8[%dma_start3A_309, %dma_start3A_310] : memref<2x128xi32, #tpu.memory_space<vmem>> -> memref<1x128xi32, #tpu.memory_space<vmem>>
        %dma_start3A_312 = arith.constant 0 : i32
        %dma_start3A_313 = arith.constant 0 : i32
        %dma_start3A_314 = arith.constant 0 : i32
        %dma_start3A_315 = tpu.memref_slice %arg4[%add3A, %dma_start3A_312, %dma_start3A_313, %dma_start3A_314] : memref<32x79x1x128xi32, #tpu.memory_space<hbm>> -> memref<1x79x1x128xi32, #tpu.memory_space<hbm>>
        %dma_start3A_316 = tpu.memref_squeeze %dma_start3A_315 : memref<1x79x1x128xi32, #tpu.memory_space<hbm>> -> memref<79x1x128xi32, #tpu.memory_space<hbm>>
        %dma_start3A_317 = arith.constant 0 : i32
        %dma_start3A_318 = arith.constant 0 : i32
        %dma_start3A_319 = tpu.memref_slice %dma_start3A_316[%add3A_285, %dma_start3A_317, %dma_start3A_318] : memref<79x1x128xi32, #tpu.memory_space<hbm>> -> memref<1x1x128xi32, #tpu.memory_space<hbm>>
        %dma_start3A_320 = tpu.memref_squeeze %dma_start3A_319 : memref<1x1x128xi32, #tpu.memory_space<hbm>> -> memref<1x128xi32, #tpu.memory_space<hbm>>
        tpu.enqueue_dma source(%dma_start3A_320 : memref<1x128xi32, #tpu.memory_space<hbm>>) target(%dma_start3A_311 : memref<1x128xi32, #tpu.memory_space<vmem>>) target_semaphore(%arg13 : memref<!tpu.dma_semaphore, #tpu.memory_space<semaphore_mem>>)
      } else {
      }
      %dma_wait3A_265 = arith.constant 1 : i32
      %dma_wait3A_266 = arith.constant 1 : i32
      %dma_wait3A_267 = arith.constant 0 : i32
      %dma_wait3A_268 = arith.constant 0 : i32
      %dma_wait3A_269 = tpu.memref_slice %arg9[%dma_wait3A_265, %dma_wait3A_267, %dma_wait3A_268] : memref<2x128x128xf32, #tpu.memory_space<vmem>> -> memref<1x128x128xf32, #tpu.memory_space<vmem>>
      %dma_wait3A_270 = tpu.memref_squeeze %dma_wait3A_269 : memref<1x128x128xf32, #tpu.memory_space<vmem>> -> memref<128x128xf32, #tpu.memory_space<vmem>>
      %dma_wait3A_271 = arith.constant 0 : i32
      %dma_wait3A_272 = tpu.memref_slice %arg8[%dma_wait3A_266, %dma_wait3A_271] : memref<2x128xi32, #tpu.memory_space<vmem>> -> memref<1x128xi32, #tpu.memory_space<vmem>>
      %dma_wait3A_273 = tpu.memref_squeeze %dma_wait3A_272 : memref<1x128xi32, #tpu.memory_space<vmem>> -> memref<128xi32, #tpu.memory_space<vmem>>
      %dma_wait3A_274 = arith.constant 0 : i32
      %dma_wait3A_275 = arith.constant 0 : i32
      %dma_wait3A_276 = tpu.memref_slice %arg10[%dma_wait3A_274, %dma_wait3A_275] : memref<10112x128xf32, #tpu.memory_space<vmem_shared>> -> memref<10112x128xf32, #tpu.memory_space<vmem_shared>>
      tpu.wait_indirect_dma semaphore(%arg16 : memref<!tpu.dma_semaphore, #tpu.memory_space<semaphore_mem>>) src(%dma_wait3A_270 : memref<128x128xf32, #tpu.memory_space<vmem>>) dst(%dma_wait3A_276 : memref<10112x128xf32, #tpu.memory_space<vmem_shared>>)
      %add3A_277 = arith.constant 3 : i32
      %add3A_278 = arith.addi %add3A_150, %add3A_277 : i32
      %lt3A_279 = arith.constant 79 : i32
      %lt3A_280 = arith.cmpi slt, %add3A_278, %lt3A_279 : i32
      %convert_element_type3A_281 = arith.extui %lt3A_280 : i1 to i32
      %cond3A_282 = arith.constant 0 : i32
      %cond3A_283 = arith.cmpi ne, %convert_element_type3A_281, %cond3A_282 : i32
      scf.if %cond3A_283 {
        %add3A_284 = arith.constant 3 : i32
        %add3A_285 = arith.addi %add3A_150, %add3A_284 : i32
        %dma_start3A_286 = arith.constant 1 : i32
        %dma_start3A_287 = arith.constant 0 : i32
        %dma_start3A_288 = arith.constant 0 : i32
        %dma_start3A_289 = tpu.memref_slice %arg9[%dma_start3A_286, %dma_start3A_287, %dma_start3A_288] : memref<2x128x128xf32, #tpu.memory_space<vmem>> -> memref<1x128x128xf32, #tpu.memory_space<vmem>>
        %dma_start3A_290 = tpu.memref_squeeze %dma_start3A_289 : memref<1x128x128xf32, #tpu.memory_space<vmem>> -> memref<128x128xf32, #tpu.memory_space<vmem>>
        %dma_start3A_291 = arith.constant 0 : i32
        %dma_start3A_292 = tpu.memref_slice %arg7[%add3A_285, %dma_start3A_291] : memref<79x128xi32, #tpu.memory_space<vmem>> -> memref<1x128xi32, #tpu.memory_space<vmem>>
        %dma_start3A_293 = tpu.memref_squeeze %dma_start3A_292 : memref<1x128xi32, #tpu.memory_space<vmem>> -> memref<128xi32, #tpu.memory_space<vmem>>
        %dma_start3A_294 = arith.constant 0 : i32
        %dma_start3A_295 = arith.constant 0 : i32
        %dma_start3A_296 = tpu.memref_slice %arg2[%dma_start3A_294, %dma_start3A_295] : memref<10000x128xf32, #tpu.memory_space<hbm>> -> memref<10000x128xf32, #tpu.memory_space<hbm>>
        tpu.enqueue_indirect_dma source(%dma_start3A_296 : memref<10000x128xf32, #tpu.memory_space<hbm>>) target(%dma_start3A_290 : memref<128x128xf32, #tpu.memory_space<vmem>>) offsets(%dma_start3A_293 : memref<128xi32, #tpu.memory_space<vmem>>) semaphore(%arg12 : memref<!tpu.dma_semaphore, #tpu.memory_space<semaphore_mem>>)
        %dma_start3A_297 = arith.constant 1 : i32
        %dma_start3A_298 = arith.constant 0 : i32
        %dma_start3A_299 = tpu.memref_slice %arg8[%dma_start3A_297, %dma_start3A_298] : memref<2x128xi32, #tpu.memory_space<vmem>> -> memref<1x128xi32, #tpu.memory_space<vmem>>
        %dma_start3A_300 = arith.constant 0 : i32
        %dma_start3A_301 = arith.constant 0 : i32
        %dma_start3A_302 = arith.constant 0 : i32
        %dma_start3A_303 = tpu.memref_slice %arg4[%add3A, %dma_start3A_300, %dma_start3A_301, %dma_start3A_302] : memref<32x79x1x128xi32, #tpu.memory_space<hbm>> -> memref<1x79x1x128xi32, #tpu.memory_space<hbm>>
        %dma_start3A_304 = tpu.memref_squeeze %dma_start3A_303 : memref<1x79x1x128xi32, #tpu.memory_space<hbm>> -> memref<79x1x128xi32, #tpu.memory_space<hbm>>
        %dma_start3A_305 = arith.constant 0 : i32
        %dma_start3A_306 = arith.constant 0 : i32
        %dma_start3A_307 = tpu.memref_slice %dma_start3A_304[%add3A_285, %dma_start3A_305, %dma_start3A_306] : memref<79x1x128xi32, #tpu.memory_space<hbm>> -> memref<1x1x128xi32, #tpu.memory_space<hbm>>
        %dma_start3A_308 = tpu.memref_squeeze %dma_start3A_307 : memref<1x1x128xi32, #tpu.memory_space<hbm>> -> memref<1x128xi32, #tpu.memory_space<hbm>>
        %dma_start3A_309 = arith.constant 1 : i32
        %dma_start3A_310 = arith.constant 0 : i32
        %dma_start3A_311 = tpu.memref_slice %arg8[%dma_start3A_309, %dma_start3A_310] : memref<2x128xi32, #tpu.memory_space<vmem>> -> memref<1x128xi32, #tpu.memory_space<vmem>>
        %dma_start3A_312 = arith.constant 0 : i32
        %dma_start3A_313 = arith.constant 0 : i32
        %dma_start3A_314 = arith.constant 0 : i32
        %dma_start3A_315 = tpu.memref_slice %arg4[%add3A, %dma_start3A_312, %dma_start3A_313, %dma_start3A_314] : memref<32x79x1x128xi32, #tpu.memory_space<hbm>> -> memref<1x79x1x128xi32, #tpu.memory_space<hbm>>
        %dma_start3A_316 = tpu.memref_squeeze %dma_start3A_315 : memref<1x79x1x128xi32, #tpu.memory_space<hbm>> -> memref<79x1x128xi32, #tpu.memory_space<hbm>>
        %dma_start3A_317 = arith.constant 0 : i32
        %dma_start3A_318 = arith.constant 0 : i32
        %dma_start3A_319 = tpu.memref_slice %dma_start3A_316[%add3A_285, %dma_start3A_317, %dma_start3A_318] : memref<79x1x128xi32, #tpu.memory_space<hbm>> -> memref<1x1x128xi32, #tpu.memory_space<hbm>>
        %dma_start3A_320 = tpu.memref_squeeze %dma_start3A_319 : memref<1x1x128xi32, #tpu.memory_space<hbm>> -> memref<1x128xi32, #tpu.memory_space<hbm>>
        tpu.enqueue_dma source(%dma_start3A_320 : memref<1x128xi32, #tpu.memory_space<hbm>>) target(%dma_start3A_311 : memref<1x128xi32, #tpu.memory_space<vmem>>) target_semaphore(%arg14 : memref<!tpu.dma_semaphore, #tpu.memory_space<semaphore_mem>>)
      } else {
      }
    }
    %scan3A_79 = arith.constant 39 : i32
    %dma_wait3A = arith.constant 0 : i32
    %dma_wait3A_80 = arith.constant 0 : i32
    %dma_wait3A_81 = arith.constant 0 : i32
    %dma_wait3A_82 = arith.constant 0 : i32
    %dma_wait3A_83 = tpu.memref_slice %arg9[%dma_wait3A_80, %dma_wait3A_81, %dma_wait3A_82] : memref<2x128x128xf32, #tpu.memory_space<vmem>> -> memref<1x128x128xf32, #tpu.memory_space<vmem>>
    %dma_wait3A_84 = tpu.memref_squeeze %dma_wait3A_83 : memref<1x128x128xf32, #tpu.memory_space<vmem>> -> memref<128x128xf32, #tpu.memory_space<vmem>>
    %dma_wait3A_85 = arith.constant 0 : i32
    %dma_wait3A_86 = tpu.memref_slice %arg7[%dma_wait3A, %dma_wait3A_85] : memref<79x128xi32, #tpu.memory_space<vmem>> -> memref<1x128xi32, #tpu.memory_space<vmem>>
    %dma_wait3A_87 = tpu.memref_squeeze %dma_wait3A_86 : memref<1x128xi32, #tpu.memory_space<vmem>> -> memref<128xi32, #tpu.memory_space<vmem>>
    %dma_wait3A_88 = arith.constant 0 : i32
    %dma_wait3A_89 = arith.constant 0 : i32
    %dma_wait3A_90 = tpu.memref_slice %arg2[%dma_wait3A_88, %dma_wait3A_89] : memref<10000x128xf32, #tpu.memory_space<hbm>> -> memref<10000x128xf32, #tpu.memory_space<hbm>>
    tpu.wait_indirect_dma semaphore(%arg11 : memref<!tpu.dma_semaphore, #tpu.memory_space<semaphore_mem>>) src(%dma_wait3A_90 : memref<10000x128xf32, #tpu.memory_space<hbm>>) dst(%dma_wait3A_84 : memref<128x128xf32, #tpu.memory_space<vmem>>)
    %dma_wait3A_91 = arith.constant 0 : i32
    %dma_wait3A_92 = arith.constant 0 : i32
    %dma_wait3A_93 = arith.constant 0 : i32
    %dma_wait3A_94 = tpu.memref_slice %arg8[%dma_wait3A_92, %dma_wait3A_93] : memref<2x128xi32, #tpu.memory_space<vmem>> -> memref<1x128xi32, #tpu.memory_space<vmem>>
    %dma_wait3A_95 = arith.constant 0 : i32
    %dma_wait3A_96 = arith.constant 0 : i32
    %dma_wait3A_97 = arith.constant 0 : i32
    %dma_wait3A_98 = tpu.memref_slice %arg4[%add3A, %dma_wait3A_95, %dma_wait3A_96, %dma_wait3A_97] : memref<32x79x1x128xi32, #tpu.memory_space<hbm>> -> memref<1x79x1x128xi32, #tpu.memory_space<hbm>>
    %dma_wait3A_99 = tpu.memref_squeeze %dma_wait3A_98 : memref<1x79x1x128xi32, #tpu.memory_space<hbm>> -> memref<79x1x128xi32, #tpu.memory_space<hbm>>
    %dma_wait3A_100 = arith.constant 0 : i32
    %dma_wait3A_101 = arith.constant 0 : i32
    %dma_wait3A_102 = tpu.memref_slice %dma_wait3A_99[%dma_wait3A_91, %dma_wait3A_100, %dma_wait3A_101] : memref<79x1x128xi32, #tpu.memory_space<hbm>> -> memref<1x1x128xi32, #tpu.memory_space<hbm>>
    %dma_wait3A_103 = tpu.memref_squeeze %dma_wait3A_102 : memref<1x1x128xi32, #tpu.memory_space<hbm>> -> memref<1x128xi32, #tpu.memory_space<hbm>>
    %dma_wait3A_104 = arith.constant 0 : i32
    %dma_wait3A_105 = arith.constant 0 : i32
    %dma_wait3A_106 = tpu.memref_slice %arg8[%dma_wait3A_104, %dma_wait3A_105] : memref<2x128xi32, #tpu.memory_space<vmem>> -> memref<1x128xi32, #tpu.memory_space<vmem>>
    %dma_wait3A_107 = arith.constant 0 : i32
    %dma_wait3A_108 = arith.constant 0 : i32
    %dma_wait3A_109 = arith.constant 0 : i32
    %dma_wait3A_110 = tpu.memref_slice %arg4[%add3A, %dma_wait3A_107, %dma_wait3A_108, %dma_wait3A_109] : memref<32x79x1x128xi32, #tpu.memory_space<hbm>> -> memref<1x79x1x128xi32, #tpu.memory_space<hbm>>
    %dma_wait3A_111 = tpu.memref_squeeze %dma_wait3A_110 : memref<1x79x1x128xi32, #tpu.memory_space<hbm>> -> memref<79x1x128xi32, #tpu.memory_space<hbm>>
    %dma_wait3A_112 = arith.constant 0 : i32
    %dma_wait3A_113 = arith.constant 0 : i32
    %dma_wait3A_114 = tpu.memref_slice %dma_wait3A_111[%dma_wait3A_91, %dma_wait3A_112, %dma_wait3A_113] : memref<79x1x128xi32, #tpu.memory_space<hbm>> -> memref<1x1x128xi32, #tpu.memory_space<hbm>>
    %dma_wait3A_115 = tpu.memref_squeeze %dma_wait3A_114 : memref<1x1x128xi32, #tpu.memory_space<hbm>> -> memref<1x128xi32, #tpu.memory_space<hbm>>
    tpu.wait_dma2 semaphore(%arg13 : memref<!tpu.dma_semaphore, #tpu.memory_space<semaphore_mem>>) src(%dma_wait3A_115 : memref<1x128xi32, #tpu.memory_space<hbm>>) dst(%dma_wait3A_106 : memref<1x128xi32, #tpu.memory_space<vmem>>)
    %dma_start3A_116 = arith.constant 0 : i32
    %dma_start3A_117 = arith.constant 0 : i32
    %dma_start3A_118 = arith.constant 0 : i32
    %dma_start3A_119 = arith.constant 0 : i32
    %dma_start3A_120 = tpu.memref_slice %arg9[%dma_start3A_116, %dma_start3A_118, %dma_start3A_119] : memref<2x128x128xf32, #tpu.memory_space<vmem>> -> memref<1x128x128xf32, #tpu.memory_space<vmem>>
    %dma_start3A_121 = tpu.memref_squeeze %dma_start3A_120 : memref<1x128x128xf32, #tpu.memory_space<vmem>> -> memref<128x128xf32, #tpu.memory_space<vmem>>
    %dma_start3A_122 = arith.constant 0 : i32
    %dma_start3A_123 = tpu.memref_slice %arg8[%dma_start3A_117, %dma_start3A_122] : memref<2x128xi32, #tpu.memory_space<vmem>> -> memref<1x128xi32, #tpu.memory_space<vmem>>
    %dma_start3A_124 = tpu.memref_squeeze %dma_start3A_123 : memref<1x128xi32, #tpu.memory_space<vmem>> -> memref<128xi32, #tpu.memory_space<vmem>>
    %dma_start3A_125 = arith.constant 0 : i32
    %dma_start3A_126 = arith.constant 0 : i32
    %dma_start3A_127 = tpu.memref_slice %arg10[%dma_start3A_125, %dma_start3A_126] : memref<10112x128xf32, #tpu.memory_space<vmem_shared>> -> memref<10112x128xf32, #tpu.memory_space<vmem_shared>>
    tpu.enqueue_indirect_dma source(%dma_start3A_121 : memref<128x128xf32, #tpu.memory_space<vmem>>) target(%dma_start3A_127 : memref<10112x128xf32, #tpu.memory_space<vmem_shared>>) offsets(%dma_start3A_124 : memref<128xi32, #tpu.memory_space<vmem>>) semaphore(%arg15 : memref<!tpu.dma_semaphore, #tpu.memory_space<semaphore_mem>>) {add = true}
    %dma_wait3A_128 = arith.constant 0 : i32
    %dma_wait3A_129 = arith.constant 0 : i32
    %dma_wait3A_130 = arith.constant 0 : i32
    %dma_wait3A_131 = arith.constant 0 : i32
    %dma_wait3A_132 = tpu.memref_slice %arg9[%dma_wait3A_128, %dma_wait3A_130, %dma_wait3A_131] : memref<2x128x128xf32, #tpu.memory_space<vmem>> -> memref<1x128x128xf32, #tpu.memory_space<vmem>>
    %dma_wait3A_133 = tpu.memref_squeeze %dma_wait3A_132 : memref<1x128x128xf32, #tpu.memory_space<vmem>> -> memref<128x128xf32, #tpu.memory_space<vmem>>
    %dma_wait3A_134 = arith.constant 0 : i32
    %dma_wait3A_135 = tpu.memref_slice %arg8[%dma_wait3A_129, %dma_wait3A_134] : memref<2x128xi32, #tpu.memory_space<vmem>> -> memref<1x128xi32, #tpu.memory_space<vmem>>
    %dma_wait3A_136 = tpu.memref_squeeze %dma_wait3A_135 : memref<1x128xi32, #tpu.memory_space<vmem>> -> memref<128xi32, #tpu.memory_space<vmem>>
    %dma_wait3A_137 = arith.constant 0 : i32
    %dma_wait3A_138 = arith.constant 0 : i32
    %dma_wait3A_139 = tpu.memref_slice %arg10[%dma_wait3A_137, %dma_wait3A_138] : memref<10112x128xf32, #tpu.memory_space<vmem_shared>> -> memref<10112x128xf32, #tpu.memory_space<vmem_shared>>
    tpu.wait_indirect_dma semaphore(%arg15 : memref<!tpu.dma_semaphore, #tpu.memory_space<semaphore_mem>>) src(%dma_wait3A_133 : memref<128x128xf32, #tpu.memory_space<vmem>>) dst(%dma_wait3A_139 : memref<10112x128xf32, #tpu.memory_space<vmem_shared>>)
    %barrier3A_140 = arith.constant 0 : index
    tpu.barrier barrier_id(%barrier3A_140)
    %mul3A_141 = arith.constant 632 : i32
    %mul3A_142 = arith.muli %arg1, %mul3A_141 : i32
    %mul3A_143 = arith.constant 632 : i32
    %mul3A_144 = arith.muli %arg1, %mul3A_143 : i32
    %run_scoped3A_145 = arith.constant 0 : i32
    "tpu.region"() ({
      %run_scoped3A_146 = tpu.sem_alloc : memref<!tpu.dma_semaphore, #tpu.memory_space<semaphore_mem>>
      %dma_start3A_147 = arith.constant 0 : i32
      %dma_start3A_148 = arith.constant 0 : i32
      %dma_start3A_149 = arith.constant 0 : i32
      %dma_start3A_150 = tpu.memref_slice %arg6[%arg0, %dma_start3A_147, %dma_start3A_148, %dma_start3A_149] : memref<2x1x10112x128xf32, #tpu.memory_space<hbm>> -> memref<1x1x10112x128xf32, #tpu.memory_space<hbm>>
      %dma_start3A_151 = tpu.memref_squeeze %dma_start3A_150 : memref<1x1x10112x128xf32, #tpu.memory_space<hbm>> -> memref<1x10112x128xf32, #tpu.memory_space<hbm>>
      %dma_start3A_152 = arith.constant 0 : i32
      %dma_start3A_153 = arith.constant 0 : i32
      %dma_start3A_154 = tpu.memref_slice %dma_start3A_151[%run_scoped3A_145, %dma_start3A_152, %dma_start3A_153] : memref<1x10112x128xf32, #tpu.memory_space<hbm>> -> memref<1x10112x128xf32, #tpu.memory_space<hbm>>
      %dma_start3A_155 = tpu.memref_squeeze %dma_start3A_154 : memref<1x10112x128xf32, #tpu.memory_space<hbm>> -> memref<10112x128xf32, #tpu.memory_space<hbm>>
      %dma_start3A_156 = arith.constant 0 : i32
      %dma_start3A_157 = tpu.memref_slice %dma_start3A_155[%mul3A_144, %dma_start3A_156] : memref<10112x128xf32, #tpu.memory_space<hbm>> -> memref<632x128xf32, #tpu.memory_space<hbm>>
      %dma_start3A_158 = arith.constant 0 : i32
      %dma_start3A_159 = tpu.memref_slice %arg10[%mul3A_142, %dma_start3A_158] : memref<10112x128xf32, #tpu.memory_space<vmem_shared>> -> memref<632x128xf32, #tpu.memory_space<vmem_shared>>
      tpu.enqueue_dma source(%dma_start3A_159 : memref<632x128xf32, #tpu.memory_space<vmem_shared>>) target(%dma_start3A_157 : memref<632x128xf32, #tpu.memory_space<hbm>>) target_semaphore(%run_scoped3A_146 : memref<!tpu.dma_semaphore, #tpu.memory_space<semaphore_mem>>)
      %dma_wait3A_160 = arith.constant 0 : i32
      %dma_wait3A_161 = arith.constant 0 : i32
      %dma_wait3A_162 = arith.constant 0 : i32
      %dma_wait3A_163 = tpu.memref_slice %arg6[%arg0, %dma_wait3A_160, %dma_wait3A_161, %dma_wait3A_162] : memref<2x1x10112x128xf32, #tpu.memory_space<hbm>> -> memref<1x1x10112x128xf32, #tpu.memory_space<hbm>>
      %dma_wait3A_164 = tpu.memref_squeeze %dma_wait3A_163 : memref<1x1x10112x128xf32, #tpu.memory_space<hbm>> -> memref<1x10112x128xf32, #tpu.memory_space<hbm>>
      %dma_wait3A_165 = arith.constant 0 : i32
      %dma_wait3A_166 = arith.constant 0 : i32
      %dma_wait3A_167 = tpu.memref_slice %dma_wait3A_164[%run_scoped3A_145, %dma_wait3A_165, %dma_wait3A_166] : memref<1x10112x128xf32, #tpu.memory_space<hbm>> -> memref<1x10112x128xf32, #tpu.memory_space<hbm>>
      %dma_wait3A_168 = tpu.memref_squeeze %dma_wait3A_167 : memref<1x10112x128xf32, #tpu.memory_space<hbm>> -> memref<10112x128xf32, #tpu.memory_space<hbm>>
      %dma_wait3A_169 = arith.constant 0 : i32
      %dma_wait3A_170 = tpu.memref_slice %dma_wait3A_168[%mul3A_144, %dma_wait3A_169] : memref<10112x128xf32, #tpu.memory_space<hbm>> -> memref<632x128xf32, #tpu.memory_space<hbm>>
      %dma_wait3A_171 = arith.constant 0 : i32
      %dma_wait3A_172 = tpu.memref_slice %arg10[%mul3A_142, %dma_wait3A_171] : memref<10112x128xf32, #tpu.memory_space<vmem_shared>> -> memref<632x128xf32, #tpu.memory_space<vmem_shared>>
      tpu.wait_dma2 semaphore(%run_scoped3A_146 : memref<!tpu.dma_semaphore, #tpu.memory_space<semaphore_mem>>) src(%dma_wait3A_172 : memref<632x128xf32, #tpu.memory_space<vmem_shared>>) dst(%dma_wait3A_170 : memref<632x128xf32, #tpu.memory_space<hbm>>)
      tpu.yield
    }) : () -> ()
    return
  }
}

#map = affine_map<(d0, d1) -> (0, 0, 0)>
#map1 = affine_map<(d0, d1) -> (0)>
#map2 = affine_map<(d0, d1) -> (0, 0)>
module attributes {stable_mosaic.version = 14 : i64} {
  func.func @_deg_body(%arg0: i32, %arg1: i32, %arg2: memref<32x250x80xi32, #tpu.memory_space<hbm>>, %arg3: memref<80xf32, #tpu.memory_space<hbm>>, %arg4: memref<1280xf32, #tpu.memory_space<hbm>>, %arg5: memref<2x20480xf32, #tpu.memory_space<hbm>>, %arg6: memref<250x80xi32, #tpu.memory_space<vmem>>, %arg7: memref<80xf32, #tpu.memory_space<vmem>>, %arg8: memref<20480xf32, #tpu.memory_space<vmem_shared>>) attributes {dimension_semantics = [#tpu.dimension_semantics<core_parallel>, #tpu.dimension_semantics<subcore_parallel>], iteration_bounds = array<i64: 2, 16>, scalar_prefetch = 0 : i64, scratch_operands = 3 : i64, tpu.core_type = #tpu.core_type<sc_vector_subcore>, window_params = [{transform_indices = #map}, {transform_indices = #map1}, {transform_indices = #map1}, {transform_indices = #map2}]} {
    %mul3A = arith.constant 16 : i32
    %mul3A_0 = arith.muli %arg0, %mul3A : i32
    %add3A = arith.addi %mul3A_0, %arg1 : i32
    "tpu.region"() ({
      %run_scoped3A = tpu.sem_alloc : memref<!tpu.dma_semaphore, #tpu.memory_space<semaphore_mem>>
      tpu.enqueue_dma source(%arg3 : memref<80xf32, #tpu.memory_space<hbm>>) target(%arg7 : memref<80xf32, #tpu.memory_space<vmem>>) target_semaphore(%run_scoped3A : memref<!tpu.dma_semaphore, #tpu.memory_space<semaphore_mem>>)
      tpu.wait_dma2 semaphore(%run_scoped3A : memref<!tpu.dma_semaphore, #tpu.memory_space<semaphore_mem>>) src(%arg3 : memref<80xf32, #tpu.memory_space<hbm>>) dst(%arg7 : memref<80xf32, #tpu.memory_space<vmem>>)
      tpu.yield
    }) : () -> ()
    "tpu.region"() ({
      %run_scoped3A = tpu.sem_alloc : memref<!tpu.dma_semaphore, #tpu.memory_space<semaphore_mem>>
      %dma_start3A = arith.constant 0 : i32
      %dma_start3A_12 = arith.constant 0 : i32
      %dma_start3A_13 = tpu.memref_slice %arg2[%add3A, %dma_start3A, %dma_start3A_12] : memref<32x250x80xi32, #tpu.memory_space<hbm>> -> memref<1x250x80xi32, #tpu.memory_space<hbm>>
      %dma_start3A_14 = tpu.memref_squeeze %dma_start3A_13 : memref<1x250x80xi32, #tpu.memory_space<hbm>> -> memref<250x80xi32, #tpu.memory_space<hbm>>
      %dma_start3A_15 = arith.constant 0 : i32
      %dma_start3A_16 = arith.constant 0 : i32
      %dma_start3A_17 = tpu.memref_slice %arg2[%add3A, %dma_start3A_15, %dma_start3A_16] : memref<32x250x80xi32, #tpu.memory_space<hbm>> -> memref<1x250x80xi32, #tpu.memory_space<hbm>>
      %dma_start3A_18 = tpu.memref_squeeze %dma_start3A_17 : memref<1x250x80xi32, #tpu.memory_space<hbm>> -> memref<250x80xi32, #tpu.memory_space<hbm>>
      tpu.enqueue_dma source(%dma_start3A_18 : memref<250x80xi32, #tpu.memory_space<hbm>>) target(%arg6 : memref<250x80xi32, #tpu.memory_space<vmem>>) target_semaphore(%run_scoped3A : memref<!tpu.dma_semaphore, #tpu.memory_space<semaphore_mem>>)
      %dma_wait3A = arith.constant 0 : i32
      %dma_wait3A_19 = arith.constant 0 : i32
      %dma_wait3A_20 = tpu.memref_slice %arg2[%add3A, %dma_wait3A, %dma_wait3A_19] : memref<32x250x80xi32, #tpu.memory_space<hbm>> -> memref<1x250x80xi32, #tpu.memory_space<hbm>>
      %dma_wait3A_21 = tpu.memref_squeeze %dma_wait3A_20 : memref<1x250x80xi32, #tpu.memory_space<hbm>> -> memref<250x80xi32, #tpu.memory_space<hbm>>
      %dma_wait3A_22 = arith.constant 0 : i32
      %dma_wait3A_23 = arith.constant 0 : i32
      %dma_wait3A_24 = tpu.memref_slice %arg2[%add3A, %dma_wait3A_22, %dma_wait3A_23] : memref<32x250x80xi32, #tpu.memory_space<hbm>> -> memref<1x250x80xi32, #tpu.memory_space<hbm>>
      %dma_wait3A_25 = tpu.memref_squeeze %dma_wait3A_24 : memref<1x250x80xi32, #tpu.memory_space<hbm>> -> memref<250x80xi32, #tpu.memory_space<hbm>>
      tpu.wait_dma2 semaphore(%run_scoped3A : memref<!tpu.dma_semaphore, #tpu.memory_space<semaphore_mem>>) src(%dma_wait3A_25 : memref<250x80xi32, #tpu.memory_space<hbm>>) dst(%arg6 : memref<250x80xi32, #tpu.memory_space<vmem>>)
      tpu.yield
    }) : () -> ()
    %mul3A_1 = arith.constant 1280 : i32
    %mul3A_2 = arith.muli %arg1, %mul3A_1 : i32
    "tpu.region"() ({
      %run_scoped3A = tpu.sem_alloc : memref<!tpu.dma_semaphore, #tpu.memory_space<semaphore_mem>>
      %dma_start3A = tpu.memref_slice %arg8[%mul3A_2] : memref<20480xf32, #tpu.memory_space<vmem_shared>> -> memref<1280xf32, #tpu.memory_space<vmem_shared>>
      tpu.enqueue_dma source(%arg4 : memref<1280xf32, #tpu.memory_space<hbm>>) target(%dma_start3A : memref<1280xf32, #tpu.memory_space<vmem_shared>>) target_semaphore(%run_scoped3A : memref<!tpu.dma_semaphore, #tpu.memory_space<semaphore_mem>>)
      %dma_wait3A = tpu.memref_slice %arg8[%mul3A_2] : memref<20480xf32, #tpu.memory_space<vmem_shared>> -> memref<1280xf32, #tpu.memory_space<vmem_shared>>
      tpu.wait_dma2 semaphore(%run_scoped3A : memref<!tpu.dma_semaphore, #tpu.memory_space<semaphore_mem>>) src(%arg4 : memref<1280xf32, #tpu.memory_space<hbm>>) dst(%dma_wait3A : memref<1280xf32, #tpu.memory_space<vmem_shared>>)
      tpu.yield
    }) : () -> ()
    %barrier3A = arith.constant 0 : index
    tpu.barrier barrier_id(%barrier3A)
    %scan3A = arith.constant 0 : i32
    %scan3A_3 = arith.constant 250 : i32
    %scan3A_4 = arith.addi %scan3A, %scan3A_3 : i32
    %scan3A_5 = arith.constant 1 : i32
    scf.for %scan3A_12 = %scan3A to %scan3A_4 step %scan3A_5  : i32 {
      %mul3A_13 = arith.constant 1 : i32
      %mul3A_14 = arith.muli %scan3A_12, %mul3A_13 : i32
      %add3A_15 = arith.constant 0 : i32
      %add3A_16 = arith.addi %add3A_15, %mul3A_14 : i32
      "tpu.region"() ({
        %run_scoped3A = tpu.sem_alloc : memref<!tpu.dma_semaphore, #tpu.memory_space<semaphore_mem>>
        %dma_start3A = arith.constant 0 : i32
        %dma_start3A_17 = tpu.memref_slice %arg6[%add3A_16, %dma_start3A] : memref<250x80xi32, #tpu.memory_space<vmem>> -> memref<1x80xi32, #tpu.memory_space<vmem>>
        %dma_start3A_18 = tpu.memref_squeeze %dma_start3A_17 : memref<1x80xi32, #tpu.memory_space<vmem>> -> memref<80xi32, #tpu.memory_space<vmem>>
        %dma_start3A_19 = arith.constant 0 : i32
        %dma_start3A_20 = tpu.memref_slice %arg8[%dma_start3A_19] : memref<20480xf32, #tpu.memory_space<vmem_shared>> -> memref<20480xf32, #tpu.memory_space<vmem_shared>>
        tpu.enqueue_indirect_dma source(%arg7 : memref<80xf32, #tpu.memory_space<vmem>>) target(%dma_start3A_20 : memref<20480xf32, #tpu.memory_space<vmem_shared>>) offsets(%dma_start3A_18 : memref<80xi32, #tpu.memory_space<vmem>>) semaphore(%run_scoped3A : memref<!tpu.dma_semaphore, #tpu.memory_space<semaphore_mem>>) {add = true}
        %dma_wait3A = arith.constant 0 : i32
        %dma_wait3A_21 = tpu.memref_slice %arg6[%add3A_16, %dma_wait3A] : memref<250x80xi32, #tpu.memory_space<vmem>> -> memref<1x80xi32, #tpu.memory_space<vmem>>
        %dma_wait3A_22 = tpu.memref_squeeze %dma_wait3A_21 : memref<1x80xi32, #tpu.memory_space<vmem>> -> memref<80xi32, #tpu.memory_space<vmem>>
        %dma_wait3A_23 = arith.constant 0 : i32
        %dma_wait3A_24 = tpu.memref_slice %arg8[%dma_wait3A_23] : memref<20480xf32, #tpu.memory_space<vmem_shared>> -> memref<20480xf32, #tpu.memory_space<vmem_shared>>
        tpu.wait_indirect_dma semaphore(%run_scoped3A : memref<!tpu.dma_semaphore, #tpu.memory_space<semaphore_mem>>) src(%arg7 : memref<80xf32, #tpu.memory_space<vmem>>) dst(%dma_wait3A_24 : memref<20480xf32, #tpu.memory_space<vmem_shared>>)
        tpu.yield
      }) : () -> ()
    }
    %scan3A_6 = arith.constant 250 : i32
    %barrier3A_7 = arith.constant 0 : index
    tpu.barrier barrier_id(%barrier3A_7)
    %mul3A_8 = arith.constant 1280 : i32
    %mul3A_9 = arith.muli %arg1, %mul3A_8 : i32
    %mul3A_10 = arith.constant 1280 : i32
    %mul3A_11 = arith.muli %arg1, %mul3A_10 : i32
    "tpu.region"() ({
      %run_scoped3A = tpu.sem_alloc : memref<!tpu.dma_semaphore, #tpu.memory_space<semaphore_mem>>
      %dma_start3A = arith.constant 0 : i32
      %dma_start3A_12 = tpu.memref_slice %arg5[%arg0, %dma_start3A] : memref<2x20480xf32, #tpu.memory_space<hbm>> -> memref<1x20480xf32, #tpu.memory_space<hbm>>
      %dma_start3A_13 = tpu.memref_squeeze %dma_start3A_12 : memref<1x20480xf32, #tpu.memory_space<hbm>> -> memref<20480xf32, #tpu.memory_space<hbm>>
      %dma_start3A_14 = tpu.memref_slice %dma_start3A_13[%mul3A_11] : memref<20480xf32, #tpu.memory_space<hbm>> -> memref<1280xf32, #tpu.memory_space<hbm>>
      %dma_start3A_15 = tpu.memref_slice %arg8[%mul3A_9] : memref<20480xf32, #tpu.memory_space<vmem_shared>> -> memref<1280xf32, #tpu.memory_space<vmem_shared>>
      tpu.enqueue_dma source(%dma_start3A_15 : memref<1280xf32, #tpu.memory_space<vmem_shared>>) target(%dma_start3A_14 : memref<1280xf32, #tpu.memory_space<hbm>>) target_semaphore(%run_scoped3A : memref<!tpu.dma_semaphore, #tpu.memory_space<semaphore_mem>>)
      %dma_wait3A = arith.constant 0 : i32
      %dma_wait3A_16 = tpu.memref_slice %arg5[%arg0, %dma_wait3A] : memref<2x20480xf32, #tpu.memory_space<hbm>> -> memref<1x20480xf32, #tpu.memory_space<hbm>>
      %dma_wait3A_17 = tpu.memref_squeeze %dma_wait3A_16 : memref<1x20480xf32, #tpu.memory_space<hbm>> -> memref<20480xf32, #tpu.memory_space<hbm>>
      %dma_wait3A_18 = tpu.memref_slice %dma_wait3A_17[%mul3A_11] : memref<20480xf32, #tpu.memory_space<hbm>> -> memref<1280xf32, #tpu.memory_space<hbm>>
      %dma_wait3A_19 = tpu.memref_slice %arg8[%mul3A_9] : memref<20480xf32, #tpu.memory_space<vmem_shared>> -> memref<1280xf32, #tpu.memory_space<vmem_shared>>
      tpu.wait_dma2 semaphore(%run_scoped3A : memref<!tpu.dma_semaphore, #tpu.memory_space<semaphore_mem>>) src(%dma_wait3A_19 : memref<1280xf32, #tpu.memory_space<vmem_shared>>) dst(%dma_wait3A_18 : memref<1280xf32, #tpu.memory_space<hbm>>)
      tpu.yield
    }) : () -> ()
    return
  }
}

#map = affine_map<(d0, d1) -> (0, 0)>
#map1 = affine_map<(d0, d1) -> (0, 0, 0, 0)>
module attributes {stable_mosaic.version = 14 : i64} {
  func.func @_agg_body(%arg0: i32, %arg1: i32, %arg2: memref<40000x128xf32, #tpu.memory_space<hbm>>, %arg3: memref<4x32x79x128xi32, #tpu.memory_space<hbm>>, %arg4: memref<32x79x1x128xi32, #tpu.memory_space<hbm>>, %arg5: memref<632x128xf32, #tpu.memory_space<hbm>>, %arg6: memref<2x4x10112x128xf32, #tpu.memory_space<hbm>>, %arg7: memref<79x128xi32, #tpu.memory_space<vmem>>, %arg8: memref<2x128xi32, #tpu.memory_space<vmem>>, %arg9: memref<2x128x128xf32, #tpu.memory_space<vmem>>, %arg10: memref<10112x128xf32, #tpu.memory_space<vmem_shared>>, %arg11: memref<!tpu.dma_semaphore, #tpu.memory_space<semaphore_mem>>, %arg12: memref<!tpu.dma_semaphore, #tpu.memory_space<semaphore_mem>>, %arg13: memref<!tpu.dma_semaphore, #tpu.memory_space<semaphore_mem>>, %arg14: memref<!tpu.dma_semaphore, #tpu.memory_space<semaphore_mem>>, %arg15: memref<!tpu.dma_semaphore, #tpu.memory_space<semaphore_mem>>, %arg16: memref<!tpu.dma_semaphore, #tpu.memory_space<semaphore_mem>>) attributes {dimension_semantics = [#tpu.dimension_semantics<core_parallel>, #tpu.dimension_semantics<subcore_parallel>], iteration_bounds = array<i64: 2, 16>, scalar_prefetch = 0 : i64, scratch_operands = 10 : i64, tpu.core_type = #tpu.core_type<sc_vector_subcore>, window_params = [{transform_indices = #map}, {transform_indices = #map1}, {transform_indices = #map1}, {transform_indices = #map}, {transform_indices = #map1}]} {
    %mul3A = arith.constant 16 : i32
    %mul3A_0 = arith.muli %arg0, %mul3A : i32
    %add3A = arith.addi %mul3A_0, %arg1 : i32
    %run_scoped3A = arith.constant 0 : i32
    "tpu.region"() ({
      %run_scoped3A_599 = tpu.sem_alloc : memref<!tpu.dma_semaphore, #tpu.memory_space<semaphore_mem>>
      %dma_start3A_600 = arith.constant 0 : i32
      %dma_start3A_601 = arith.constant 0 : i32
      %dma_start3A_602 = arith.constant 0 : i32
      %dma_start3A_603 = tpu.memref_slice %arg3[%run_scoped3A, %dma_start3A_600, %dma_start3A_601, %dma_start3A_602] : memref<4x32x79x128xi32, #tpu.memory_space<hbm>> -> memref<1x32x79x128xi32, #tpu.memory_space<hbm>>
      %dma_start3A_604 = tpu.memref_squeeze %dma_start3A_603 : memref<1x32x79x128xi32, #tpu.memory_space<hbm>> -> memref<32x79x128xi32, #tpu.memory_space<hbm>>
      %dma_start3A_605 = arith.constant 0 : i32
      %dma_start3A_606 = arith.constant 0 : i32
      %dma_start3A_607 = tpu.memref_slice %dma_start3A_604[%add3A, %dma_start3A_605, %dma_start3A_606] : memref<32x79x128xi32, #tpu.memory_space<hbm>> -> memref<1x79x128xi32, #tpu.memory_space<hbm>>
      %dma_start3A_608 = tpu.memref_squeeze %dma_start3A_607 : memref<1x79x128xi32, #tpu.memory_space<hbm>> -> memref<79x128xi32, #tpu.memory_space<hbm>>
      %dma_start3A_609 = arith.constant 0 : i32
      %dma_start3A_610 = arith.constant 0 : i32
      %dma_start3A_611 = arith.constant 0 : i32
      %dma_start3A_612 = tpu.memref_slice %arg3[%run_scoped3A, %dma_start3A_609, %dma_start3A_610, %dma_start3A_611] : memref<4x32x79x128xi32, #tpu.memory_space<hbm>> -> memref<1x32x79x128xi32, #tpu.memory_space<hbm>>
      %dma_start3A_613 = tpu.memref_squeeze %dma_start3A_612 : memref<1x32x79x128xi32, #tpu.memory_space<hbm>> -> memref<32x79x128xi32, #tpu.memory_space<hbm>>
      %dma_start3A_614 = arith.constant 0 : i32
      %dma_start3A_615 = arith.constant 0 : i32
      %dma_start3A_616 = tpu.memref_slice %dma_start3A_613[%add3A, %dma_start3A_614, %dma_start3A_615] : memref<32x79x128xi32, #tpu.memory_space<hbm>> -> memref<1x79x128xi32, #tpu.memory_space<hbm>>
      %dma_start3A_617 = tpu.memref_squeeze %dma_start3A_616 : memref<1x79x128xi32, #tpu.memory_space<hbm>> -> memref<79x128xi32, #tpu.memory_space<hbm>>
      tpu.enqueue_dma source(%dma_start3A_617 : memref<79x128xi32, #tpu.memory_space<hbm>>) target(%arg7 : memref<79x128xi32, #tpu.memory_space<vmem>>) target_semaphore(%run_scoped3A_599 : memref<!tpu.dma_semaphore, #tpu.memory_space<semaphore_mem>>)
      %dma_wait3A_618 = arith.constant 0 : i32
      %dma_wait3A_619 = arith.constant 0 : i32
      %dma_wait3A_620 = arith.constant 0 : i32
      %dma_wait3A_621 = tpu.memref_slice %arg3[%run_scoped3A, %dma_wait3A_618, %dma_wait3A_619, %dma_wait3A_620] : memref<4x32x79x128xi32, #tpu.memory_space<hbm>> -> memref<1x32x79x128xi32, #tpu.memory_space<hbm>>
      %dma_wait3A_622 = tpu.memref_squeeze %dma_wait3A_621 : memref<1x32x79x128xi32, #tpu.memory_space<hbm>> -> memref<32x79x128xi32, #tpu.memory_space<hbm>>
      %dma_wait3A_623 = arith.constant 0 : i32
      %dma_wait3A_624 = arith.constant 0 : i32
      %dma_wait3A_625 = tpu.memref_slice %dma_wait3A_622[%add3A, %dma_wait3A_623, %dma_wait3A_624] : memref<32x79x128xi32, #tpu.memory_space<hbm>> -> memref<1x79x128xi32, #tpu.memory_space<hbm>>
      %dma_wait3A_626 = tpu.memref_squeeze %dma_wait3A_625 : memref<1x79x128xi32, #tpu.memory_space<hbm>> -> memref<79x128xi32, #tpu.memory_space<hbm>>
      %dma_wait3A_627 = arith.constant 0 : i32
      %dma_wait3A_628 = arith.constant 0 : i32
      %dma_wait3A_629 = arith.constant 0 : i32
      %dma_wait3A_630 = tpu.memref_slice %arg3[%run_scoped3A, %dma_wait3A_627, %dma_wait3A_628, %dma_wait3A_629] : memref<4x32x79x128xi32, #tpu.memory_space<hbm>> -> memref<1x32x79x128xi32, #tpu.memory_space<hbm>>
      %dma_wait3A_631 = tpu.memref_squeeze %dma_wait3A_630 : memref<1x32x79x128xi32, #tpu.memory_space<hbm>> -> memref<32x79x128xi32, #tpu.memory_space<hbm>>
      %dma_wait3A_632 = arith.constant 0 : i32
      %dma_wait3A_633 = arith.constant 0 : i32
      %dma_wait3A_634 = tpu.memref_slice %dma_wait3A_631[%add3A, %dma_wait3A_632, %dma_wait3A_633] : memref<32x79x128xi32, #tpu.memory_space<hbm>> -> memref<1x79x128xi32, #tpu.memory_space<hbm>>
      %dma_wait3A_635 = tpu.memref_squeeze %dma_wait3A_634 : memref<1x79x128xi32, #tpu.memory_space<hbm>> -> memref<79x128xi32, #tpu.memory_space<hbm>>
      tpu.wait_dma2 semaphore(%run_scoped3A_599 : memref<!tpu.dma_semaphore, #tpu.memory_space<semaphore_mem>>) src(%dma_wait3A_635 : memref<79x128xi32, #tpu.memory_space<hbm>>) dst(%arg7 : memref<79x128xi32, #tpu.memory_space<vmem>>)
      tpu.yield
    }) : () -> ()
    %mul3A_1 = arith.constant 632 : i32
    %mul3A_2 = arith.muli %arg1, %mul3A_1 : i32
    "tpu.region"() ({
      %run_scoped3A_599 = tpu.sem_alloc : memref<!tpu.dma_semaphore, #tpu.memory_space<semaphore_mem>>
      %dma_start3A_600 = arith.constant 0 : i32
      %dma_start3A_601 = tpu.memref_slice %arg10[%mul3A_2, %dma_start3A_600] : memref<10112x128xf32, #tpu.memory_space<vmem_shared>> -> memref<632x128xf32, #tpu.memory_space<vmem_shared>>
      tpu.enqueue_dma source(%arg5 : memref<632x128xf32, #tpu.memory_space<hbm>>) target(%dma_start3A_601 : memref<632x128xf32, #tpu.memory_space<vmem_shared>>) target_semaphore(%run_scoped3A_599 : memref<!tpu.dma_semaphore, #tpu.memory_space<semaphore_mem>>)
      %dma_wait3A_602 = arith.constant 0 : i32
      %dma_wait3A_603 = tpu.memref_slice %arg10[%mul3A_2, %dma_wait3A_602] : memref<10112x128xf32, #tpu.memory_space<vmem_shared>> -> memref<632x128xf32, #tpu.memory_space<vmem_shared>>
      tpu.wait_dma2 semaphore(%run_scoped3A_599 : memref<!tpu.dma_semaphore, #tpu.memory_space<semaphore_mem>>) src(%arg5 : memref<632x128xf32, #tpu.memory_space<hbm>>) dst(%dma_wait3A_603 : memref<632x128xf32, #tpu.memory_space<vmem_shared>>)
      tpu.yield
    }) : () -> ()
    %barrier3A = arith.constant 0 : index
    tpu.barrier barrier_id(%barrier3A)
    %dma_start3A = arith.constant 0 : i32
    %dma_start3A_3 = arith.constant 0 : i32
    %dma_start3A_4 = arith.constant 0 : i32
    %dma_start3A_5 = arith.constant 0 : i32
    %dma_start3A_6 = tpu.memref_slice %arg9[%dma_start3A_3, %dma_start3A_4, %dma_start3A_5] : memref<2x128x128xf32, #tpu.memory_space<vmem>> -> memref<1x128x128xf32, #tpu.memory_space<vmem>>
    %dma_start3A_7 = tpu.memref_squeeze %dma_start3A_6 : memref<1x128x128xf32, #tpu.memory_space<vmem>> -> memref<128x128xf32, #tpu.memory_space<vmem>>
    %dma_start3A_8 = arith.constant 0 : i32
    %dma_start3A_9 = tpu.memref_slice %arg7[%dma_start3A, %dma_start3A_8] : memref<79x128xi32, #tpu.memory_space<vmem>> -> memref<1x128xi32, #tpu.memory_space<vmem>>
    %dma_start3A_10 = tpu.memref_squeeze %dma_start3A_9 : memref<1x128xi32, #tpu.memory_space<vmem>> -> memref<128xi32, #tpu.memory_space<vmem>>
    %dma_start3A_11 = arith.constant 0 : i32
    %dma_start3A_12 = arith.constant 0 : i32
    %dma_start3A_13 = tpu.memref_slice %arg2[%dma_start3A_11, %dma_start3A_12] : memref<40000x128xf32, #tpu.memory_space<hbm>> -> memref<40000x128xf32, #tpu.memory_space<hbm>>
    tpu.enqueue_indirect_dma source(%dma_start3A_13 : memref<40000x128xf32, #tpu.memory_space<hbm>>) target(%dma_start3A_7 : memref<128x128xf32, #tpu.memory_space<vmem>>) offsets(%dma_start3A_10 : memref<128xi32, #tpu.memory_space<vmem>>) semaphore(%arg11 : memref<!tpu.dma_semaphore, #tpu.memory_space<semaphore_mem>>)
    %dma_start3A_14 = arith.constant 0 : i32
    %dma_start3A_15 = arith.constant 0 : i32
    %dma_start3A_16 = arith.constant 0 : i32
    %dma_start3A_17 = tpu.memref_slice %arg8[%dma_start3A_15, %dma_start3A_16] : memref<2x128xi32, #tpu.memory_space<vmem>> -> memref<1x128xi32, #tpu.memory_space<vmem>>
    %dma_start3A_18 = arith.constant 0 : i32
    %dma_start3A_19 = arith.constant 0 : i32
    %dma_start3A_20 = arith.constant 0 : i32
    %dma_start3A_21 = tpu.memref_slice %arg4[%add3A, %dma_start3A_18, %dma_start3A_19, %dma_start3A_20] : memref<32x79x1x128xi32, #tpu.memory_space<hbm>> -> memref<1x79x1x128xi32, #tpu.memory_space<hbm>>
    %dma_start3A_22 = tpu.memref_squeeze %dma_start3A_21 : memref<1x79x1x128xi32, #tpu.memory_space<hbm>> -> memref<79x1x128xi32, #tpu.memory_space<hbm>>
    %dma_start3A_23 = arith.constant 0 : i32
    %dma_start3A_24 = arith.constant 0 : i32
    %dma_start3A_25 = tpu.memref_slice %dma_start3A_22[%dma_start3A_14, %dma_start3A_23, %dma_start3A_24] : memref<79x1x128xi32, #tpu.memory_space<hbm>> -> memref<1x1x128xi32, #tpu.memory_space<hbm>>
    %dma_start3A_26 = tpu.memref_squeeze %dma_start3A_25 : memref<1x1x128xi32, #tpu.memory_space<hbm>> -> memref<1x128xi32, #tpu.memory_space<hbm>>
    %dma_start3A_27 = arith.constant 0 : i32
    %dma_start3A_28 = arith.constant 0 : i32
    %dma_start3A_29 = tpu.memref_slice %arg8[%dma_start3A_27, %dma_start3A_28] : memref<2x128xi32, #tpu.memory_space<vmem>> -> memref<1x128xi32, #tpu.memory_space<vmem>>
    %dma_start3A_30 = arith.constant 0 : i32
    %dma_start3A_31 = arith.constant 0 : i32
    %dma_start3A_32 = arith.constant 0 : i32
    %dma_start3A_33 = tpu.memref_slice %arg4[%add3A, %dma_start3A_30, %dma_start3A_31, %dma_start3A_32] : memref<32x79x1x128xi32, #tpu.memory_space<hbm>> -> memref<1x79x1x128xi32, #tpu.memory_space<hbm>>
    %dma_start3A_34 = tpu.memref_squeeze %dma_start3A_33 : memref<1x79x1x128xi32, #tpu.memory_space<hbm>> -> memref<79x1x128xi32, #tpu.memory_space<hbm>>
    %dma_start3A_35 = arith.constant 0 : i32
    %dma_start3A_36 = arith.constant 0 : i32
    %dma_start3A_37 = tpu.memref_slice %dma_start3A_34[%dma_start3A_14, %dma_start3A_35, %dma_start3A_36] : memref<79x1x128xi32, #tpu.memory_space<hbm>> -> memref<1x1x128xi32, #tpu.memory_space<hbm>>
    %dma_start3A_38 = tpu.memref_squeeze %dma_start3A_37 : memref<1x1x128xi32, #tpu.memory_space<hbm>> -> memref<1x128xi32, #tpu.memory_space<hbm>>
    tpu.enqueue_dma source(%dma_start3A_38 : memref<1x128xi32, #tpu.memory_space<hbm>>) target(%dma_start3A_29 : memref<1x128xi32, #tpu.memory_space<vmem>>) target_semaphore(%arg13 : memref<!tpu.dma_semaphore, #tpu.memory_space<semaphore_mem>>)
    %dma_start3A_39 = arith.constant 1 : i32
    %dma_start3A_40 = arith.constant 1 : i32
    %dma_start3A_41 = arith.constant 0 : i32
    %dma_start3A_42 = arith.constant 0 : i32
    %dma_start3A_43 = tpu.memref_slice %arg9[%dma_start3A_40, %dma_start3A_41, %dma_start3A_42] : memref<2x128x128xf32, #tpu.memory_space<vmem>> -> memref<1x128x128xf32, #tpu.memory_space<vmem>>
    %dma_start3A_44 = tpu.memref_squeeze %dma_start3A_43 : memref<1x128x128xf32, #tpu.memory_space<vmem>> -> memref<128x128xf32, #tpu.memory_space<vmem>>
    %dma_start3A_45 = arith.constant 0 : i32
    %dma_start3A_46 = tpu.memref_slice %arg7[%dma_start3A_39, %dma_start3A_45] : memref<79x128xi32, #tpu.memory_space<vmem>> -> memref<1x128xi32, #tpu.memory_space<vmem>>
    %dma_start3A_47 = tpu.memref_squeeze %dma_start3A_46 : memref<1x128xi32, #tpu.memory_space<vmem>> -> memref<128xi32, #tpu.memory_space<vmem>>
    %dma_start3A_48 = arith.constant 0 : i32
    %dma_start3A_49 = arith.constant 0 : i32
    %dma_start3A_50 = tpu.memref_slice %arg2[%dma_start3A_48, %dma_start3A_49] : memref<40000x128xf32, #tpu.memory_space<hbm>> -> memref<40000x128xf32, #tpu.memory_space<hbm>>
    tpu.enqueue_indirect_dma source(%dma_start3A_50 : memref<40000x128xf32, #tpu.memory_space<hbm>>) target(%dma_start3A_44 : memref<128x128xf32, #tpu.memory_space<vmem>>) offsets(%dma_start3A_47 : memref<128xi32, #tpu.memory_space<vmem>>) semaphore(%arg12 : memref<!tpu.dma_semaphore, #tpu.memory_space<semaphore_mem>>)
    %dma_start3A_51 = arith.constant 1 : i32
    %dma_start3A_52 = arith.constant 1 : i32
    %dma_start3A_53 = arith.constant 0 : i32
    %dma_start3A_54 = tpu.memref_slice %arg8[%dma_start3A_52, %dma_start3A_53] : memref<2x128xi32, #tpu.memory_space<vmem>> -> memref<1x128xi32, #tpu.memory_space<vmem>>
    %dma_start3A_55 = arith.constant 0 : i32
    %dma_start3A_56 = arith.constant 0 : i32
    %dma_start3A_57 = arith.constant 0 : i32
    %dma_start3A_58 = tpu.memref_slice %arg4[%add3A, %dma_start3A_55, %dma_start3A_56, %dma_start3A_57] : memref<32x79x1x128xi32, #tpu.memory_space<hbm>> -> memref<1x79x1x128xi32, #tpu.memory_space<hbm>>
    %dma_start3A_59 = tpu.memref_squeeze %dma_start3A_58 : memref<1x79x1x128xi32, #tpu.memory_space<hbm>> -> memref<79x1x128xi32, #tpu.memory_space<hbm>>
    %dma_start3A_60 = arith.constant 0 : i32
    %dma_start3A_61 = arith.constant 0 : i32
    %dma_start3A_62 = tpu.memref_slice %dma_start3A_59[%dma_start3A_51, %dma_start3A_60, %dma_start3A_61] : memref<79x1x128xi32, #tpu.memory_space<hbm>> -> memref<1x1x128xi32, #tpu.memory_space<hbm>>
    %dma_start3A_63 = tpu.memref_squeeze %dma_start3A_62 : memref<1x1x128xi32, #tpu.memory_space<hbm>> -> memref<1x128xi32, #tpu.memory_space<hbm>>
    %dma_start3A_64 = arith.constant 1 : i32
    %dma_start3A_65 = arith.constant 0 : i32
    %dma_start3A_66 = tpu.memref_slice %arg8[%dma_start3A_64, %dma_start3A_65] : memref<2x128xi32, #tpu.memory_space<vmem>> -> memref<1x128xi32, #tpu.memory_space<vmem>>
    %dma_start3A_67 = arith.constant 0 : i32
    %dma_start3A_68 = arith.constant 0 : i32
    %dma_start3A_69 = arith.constant 0 : i32
    %dma_start3A_70 = tpu.memref_slice %arg4[%add3A, %dma_start3A_67, %dma_start3A_68, %dma_start3A_69] : memref<32x79x1x128xi32, #tpu.memory_space<hbm>> -> memref<1x79x1x128xi32, #tpu.memory_space<hbm>>
    %dma_start3A_71 = tpu.memref_squeeze %dma_start3A_70 : memref<1x79x1x128xi32, #tpu.memory_space<hbm>> -> memref<79x1x128xi32, #tpu.memory_space<hbm>>
    %dma_start3A_72 = arith.constant 0 : i32
    %dma_start3A_73 = arith.constant 0 : i32
    %dma_start3A_74 = tpu.memref_slice %dma_start3A_71[%dma_start3A_51, %dma_start3A_72, %dma_start3A_73] : memref<79x1x128xi32, #tpu.memory_space<hbm>> -> memref<1x1x128xi32, #tpu.memory_space<hbm>>
    %dma_start3A_75 = tpu.memref_squeeze %dma_start3A_74 : memref<1x1x128xi32, #tpu.memory_space<hbm>> -> memref<1x128xi32, #tpu.memory_space<hbm>>
    tpu.enqueue_dma source(%dma_start3A_75 : memref<1x128xi32, #tpu.memory_space<hbm>>) target(%dma_start3A_66 : memref<1x128xi32, #tpu.memory_space<vmem>>) target_semaphore(%arg14 : memref<!tpu.dma_semaphore, #tpu.memory_space<semaphore_mem>>)
    %scan3A = arith.constant 0 : i32
    %scan3A_76 = arith.constant 39 : i32
    %scan3A_77 = arith.addi %scan3A, %scan3A_76 : i32
    %scan3A_78 = arith.constant 1 : i32
    scf.for %scan3A_599 = %scan3A to %scan3A_77 step %scan3A_78  : i32 {
      %mul3A_600 = arith.constant 2 : i32
      %mul3A_601 = arith.muli %scan3A_599, %mul3A_600 : i32
      %add3A_602 = arith.constant 0 : i32
      %add3A_603 = arith.addi %add3A_602, %mul3A_601 : i32
      %dma_wait3A_604 = arith.constant 0 : i32
      %dma_wait3A_605 = arith.constant 0 : i32
      %dma_wait3A_606 = arith.constant 0 : i32
      %dma_wait3A_607 = arith.constant 0 : i32
      %dma_wait3A_608 = tpu.memref_slice %arg9[%dma_wait3A_605, %dma_wait3A_606, %dma_wait3A_607] : memref<2x128x128xf32, #tpu.memory_space<vmem>> -> memref<1x128x128xf32, #tpu.memory_space<vmem>>
      %dma_wait3A_609 = tpu.memref_squeeze %dma_wait3A_608 : memref<1x128x128xf32, #tpu.memory_space<vmem>> -> memref<128x128xf32, #tpu.memory_space<vmem>>
      %dma_wait3A_610 = arith.constant 0 : i32
      %dma_wait3A_611 = tpu.memref_slice %arg7[%dma_wait3A_604, %dma_wait3A_610] : memref<79x128xi32, #tpu.memory_space<vmem>> -> memref<1x128xi32, #tpu.memory_space<vmem>>
      %dma_wait3A_612 = tpu.memref_squeeze %dma_wait3A_611 : memref<1x128xi32, #tpu.memory_space<vmem>> -> memref<128xi32, #tpu.memory_space<vmem>>
      %dma_wait3A_613 = arith.constant 0 : i32
      %dma_wait3A_614 = arith.constant 0 : i32
      %dma_wait3A_615 = tpu.memref_slice %arg2[%dma_wait3A_613, %dma_wait3A_614] : memref<40000x128xf32, #tpu.memory_space<hbm>> -> memref<40000x128xf32, #tpu.memory_space<hbm>>
      tpu.wait_indirect_dma semaphore(%arg11 : memref<!tpu.dma_semaphore, #tpu.memory_space<semaphore_mem>>) src(%dma_wait3A_615 : memref<40000x128xf32, #tpu.memory_space<hbm>>) dst(%dma_wait3A_609 : memref<128x128xf32, #tpu.memory_space<vmem>>)
      %dma_wait3A_616 = arith.constant 0 : i32
      %dma_wait3A_617 = arith.constant 0 : i32
      %dma_wait3A_618 = arith.constant 0 : i32
      %dma_wait3A_619 = tpu.memref_slice %arg8[%dma_wait3A_617, %dma_wait3A_618] : memref<2x128xi32, #tpu.memory_space<vmem>> -> memref<1x128xi32, #tpu.memory_space<vmem>>
      %dma_wait3A_620 = arith.constant 0 : i32
      %dma_wait3A_621 = arith.constant 0 : i32
      %dma_wait3A_622 = arith.constant 0 : i32
      %dma_wait3A_623 = tpu.memref_slice %arg4[%add3A, %dma_wait3A_620, %dma_wait3A_621, %dma_wait3A_622] : memref<32x79x1x128xi32, #tpu.memory_space<hbm>> -> memref<1x79x1x128xi32, #tpu.memory_space<hbm>>
      %dma_wait3A_624 = tpu.memref_squeeze %dma_wait3A_623 : memref<1x79x1x128xi32, #tpu.memory_space<hbm>> -> memref<79x1x128xi32, #tpu.memory_space<hbm>>
      %dma_wait3A_625 = arith.constant 0 : i32
      %dma_wait3A_626 = arith.constant 0 : i32
      %dma_wait3A_627 = tpu.memref_slice %dma_wait3A_624[%dma_wait3A_616, %dma_wait3A_625, %dma_wait3A_626] : memref<79x1x128xi32, #tpu.memory_space<hbm>> -> memref<1x1x128xi32, #tpu.memory_space<hbm>>
      %dma_wait3A_628 = tpu.memref_squeeze %dma_wait3A_627 : memref<1x1x128xi32, #tpu.memory_space<hbm>> -> memref<1x128xi32, #tpu.memory_space<hbm>>
      %dma_wait3A_629 = arith.constant 0 : i32
      %dma_wait3A_630 = arith.constant 0 : i32
      %dma_wait3A_631 = tpu.memref_slice %arg8[%dma_wait3A_629, %dma_wait3A_630] : memref<2x128xi32, #tpu.memory_space<vmem>> -> memref<1x128xi32, #tpu.memory_space<vmem>>
      %dma_wait3A_632 = arith.constant 0 : i32
      %dma_wait3A_633 = arith.constant 0 : i32
      %dma_wait3A_634 = arith.constant 0 : i32
      %dma_wait3A_635 = tpu.memref_slice %arg4[%add3A, %dma_wait3A_632, %dma_wait3A_633, %dma_wait3A_634] : memref<32x79x1x128xi32, #tpu.memory_space<hbm>> -> memref<1x79x1x128xi32, #tpu.memory_space<hbm>>
      %dma_wait3A_636 = tpu.memref_squeeze %dma_wait3A_635 : memref<1x79x1x128xi32, #tpu.memory_space<hbm>> -> memref<79x1x128xi32, #tpu.memory_space<hbm>>
      %dma_wait3A_637 = arith.constant 0 : i32
      %dma_wait3A_638 = arith.constant 0 : i32
      %dma_wait3A_639 = tpu.memref_slice %dma_wait3A_636[%dma_wait3A_616, %dma_wait3A_637, %dma_wait3A_638] : memref<79x1x128xi32, #tpu.memory_space<hbm>> -> memref<1x1x128xi32, #tpu.memory_space<hbm>>
      %dma_wait3A_640 = tpu.memref_squeeze %dma_wait3A_639 : memref<1x1x128xi32, #tpu.memory_space<hbm>> -> memref<1x128xi32, #tpu.memory_space<hbm>>
      tpu.wait_dma2 semaphore(%arg13 : memref<!tpu.dma_semaphore, #tpu.memory_space<semaphore_mem>>) src(%dma_wait3A_640 : memref<1x128xi32, #tpu.memory_space<hbm>>) dst(%dma_wait3A_631 : memref<1x128xi32, #tpu.memory_space<vmem>>)
      %dma_start3A_641 = arith.constant 0 : i32
      %dma_start3A_642 = arith.constant 0 : i32
      %dma_start3A_643 = arith.constant 0 : i32
      %dma_start3A_644 = arith.constant 0 : i32
      %dma_start3A_645 = tpu.memref_slice %arg9[%dma_start3A_641, %dma_start3A_643, %dma_start3A_644] : memref<2x128x128xf32, #tpu.memory_space<vmem>> -> memref<1x128x128xf32, #tpu.memory_space<vmem>>
      %dma_start3A_646 = tpu.memref_squeeze %dma_start3A_645 : memref<1x128x128xf32, #tpu.memory_space<vmem>> -> memref<128x128xf32, #tpu.memory_space<vmem>>
      %dma_start3A_647 = arith.constant 0 : i32
      %dma_start3A_648 = tpu.memref_slice %arg8[%dma_start3A_642, %dma_start3A_647] : memref<2x128xi32, #tpu.memory_space<vmem>> -> memref<1x128xi32, #tpu.memory_space<vmem>>
      %dma_start3A_649 = tpu.memref_squeeze %dma_start3A_648 : memref<1x128xi32, #tpu.memory_space<vmem>> -> memref<128xi32, #tpu.memory_space<vmem>>
      %dma_start3A_650 = arith.constant 0 : i32
      %dma_start3A_651 = arith.constant 0 : i32
      %dma_start3A_652 = tpu.memref_slice %arg10[%dma_start3A_650, %dma_start3A_651] : memref<10112x128xf32, #tpu.memory_space<vmem_shared>> -> memref<10112x128xf32, #tpu.memory_space<vmem_shared>>
      tpu.enqueue_indirect_dma source(%dma_start3A_646 : memref<128x128xf32, #tpu.memory_space<vmem>>) target(%dma_start3A_652 : memref<10112x128xf32, #tpu.memory_space<vmem_shared>>) offsets(%dma_start3A_649 : memref<128xi32, #tpu.memory_space<vmem>>) semaphore(%arg15 : memref<!tpu.dma_semaphore, #tpu.memory_space<semaphore_mem>>) {add = true}
      %dma_wait3A_653 = arith.constant 0 : i32
      %dma_wait3A_654 = arith.constant 1 : i32
      %dma_wait3A_655 = arith.constant 0 : i32
      %dma_wait3A_656 = arith.constant 0 : i32
      %dma_wait3A_657 = tpu.memref_slice %arg9[%dma_wait3A_654, %dma_wait3A_655, %dma_wait3A_656] : memref<2x128x128xf32, #tpu.memory_space<vmem>> -> memref<1x128x128xf32, #tpu.memory_space<vmem>>
      %dma_wait3A_658 = tpu.memref_squeeze %dma_wait3A_657 : memref<1x128x128xf32, #tpu.memory_space<vmem>> -> memref<128x128xf32, #tpu.memory_space<vmem>>
      %dma_wait3A_659 = arith.constant 0 : i32
      %dma_wait3A_660 = tpu.memref_slice %arg7[%dma_wait3A_653, %dma_wait3A_659] : memref<79x128xi32, #tpu.memory_space<vmem>> -> memref<1x128xi32, #tpu.memory_space<vmem>>
      %dma_wait3A_661 = tpu.memref_squeeze %dma_wait3A_660 : memref<1x128xi32, #tpu.memory_space<vmem>> -> memref<128xi32, #tpu.memory_space<vmem>>
      %dma_wait3A_662 = arith.constant 0 : i32
      %dma_wait3A_663 = arith.constant 0 : i32
      %dma_wait3A_664 = tpu.memref_slice %arg2[%dma_wait3A_662, %dma_wait3A_663] : memref<40000x128xf32, #tpu.memory_space<hbm>> -> memref<40000x128xf32, #tpu.memory_space<hbm>>
      tpu.wait_indirect_dma semaphore(%arg12 : memref<!tpu.dma_semaphore, #tpu.memory_space<semaphore_mem>>) src(%dma_wait3A_664 : memref<40000x128xf32, #tpu.memory_space<hbm>>) dst(%dma_wait3A_658 : memref<128x128xf32, #tpu.memory_space<vmem>>)
      %dma_wait3A_665 = arith.constant 0 : i32
      %dma_wait3A_666 = arith.constant 1 : i32
      %dma_wait3A_667 = arith.constant 0 : i32
      %dma_wait3A_668 = tpu.memref_slice %arg8[%dma_wait3A_666, %dma_wait3A_667] : memref<2x128xi32, #tpu.memory_space<vmem>> -> memref<1x128xi32, #tpu.memory_space<vmem>>
      %dma_wait3A_669 = arith.constant 0 : i32
      %dma_wait3A_670 = arith.constant 0 : i32
      %dma_wait3A_671 = arith.constant 0 : i32
      %dma_wait3A_672 = tpu.memref_slice %arg4[%add3A, %dma_wait3A_669, %dma_wait3A_670, %dma_wait3A_671] : memref<32x79x1x128xi32, #tpu.memory_space<hbm>> -> memref<1x79x1x128xi32, #tpu.memory_space<hbm>>
      %dma_wait3A_673 = tpu.memref_squeeze %dma_wait3A_672 : memref<1x79x1x128xi32, #tpu.memory_space<hbm>> -> memref<79x1x128xi32, #tpu.memory_space<hbm>>
      %dma_wait3A_674 = arith.constant 0 : i32
      %dma_wait3A_675 = arith.constant 0 : i32
      %dma_wait3A_676 = tpu.memref_slice %dma_wait3A_673[%dma_wait3A_665, %dma_wait3A_674, %dma_wait3A_675] : memref<79x1x128xi32, #tpu.memory_space<hbm>> -> memref<1x1x128xi32, #tpu.memory_space<hbm>>
      %dma_wait3A_677 = tpu.memref_squeeze %dma_wait3A_676 : memref<1x1x128xi32, #tpu.memory_space<hbm>> -> memref<1x128xi32, #tpu.memory_space<hbm>>
      %dma_wait3A_678 = arith.constant 1 : i32
      %dma_wait3A_679 = arith.constant 0 : i32
      %dma_wait3A_680 = tpu.memref_slice %arg8[%dma_wait3A_678, %dma_wait3A_679] : memref<2x128xi32, #tpu.memory_space<vmem>> -> memref<1x128xi32, #tpu.memory_space<vmem>>
      %dma_wait3A_681 = arith.constant 0 : i32
      %dma_wait3A_682 = arith.constant 0 : i32
      %dma_wait3A_683 = arith.constant 0 : i32
      %dma_wait3A_684 = tpu.memref_slice %arg4[%add3A, %dma_wait3A_681, %dma_wait3A_682, %dma_wait3A_683] : memref<32x79x1x128xi32, #tpu.memory_space<hbm>> -> memref<1x79x1x128xi32, #tpu.memory_space<hbm>>
      %dma_wait3A_685 = tpu.memref_squeeze %dma_wait3A_684 : memref<1x79x1x128xi32, #tpu.memory_space<hbm>> -> memref<79x1x128xi32, #tpu.memory_space<hbm>>
      %dma_wait3A_686 = arith.constant 0 : i32
      %dma_wait3A_687 = arith.constant 0 : i32
      %dma_wait3A_688 = tpu.memref_slice %dma_wait3A_685[%dma_wait3A_665, %dma_wait3A_686, %dma_wait3A_687] : memref<79x1x128xi32, #tpu.memory_space<hbm>> -> memref<1x1x128xi32, #tpu.memory_space<hbm>>
      %dma_wait3A_689 = tpu.memref_squeeze %dma_wait3A_688 : memref<1x1x128xi32, #tpu.memory_space<hbm>> -> memref<1x128xi32, #tpu.memory_space<hbm>>
      tpu.wait_dma2 semaphore(%arg14 : memref<!tpu.dma_semaphore, #tpu.memory_space<semaphore_mem>>) src(%dma_wait3A_689 : memref<1x128xi32, #tpu.memory_space<hbm>>) dst(%dma_wait3A_680 : memref<1x128xi32, #tpu.memory_space<vmem>>)
      %dma_start3A_690 = arith.constant 1 : i32
      %dma_start3A_691 = arith.constant 1 : i32
      %dma_start3A_692 = arith.constant 0 : i32
      %dma_start3A_693 = arith.constant 0 : i32
      %dma_start3A_694 = tpu.memref_slice %arg9[%dma_start3A_690, %dma_start3A_692, %dma_start3A_693] : memref<2x128x128xf32, #tpu.memory_space<vmem>> -> memref<1x128x128xf32, #tpu.memory_space<vmem>>
      %dma_start3A_695 = tpu.memref_squeeze %dma_start3A_694 : memref<1x128x128xf32, #tpu.memory_space<vmem>> -> memref<128x128xf32, #tpu.memory_space<vmem>>
      %dma_start3A_696 = arith.constant 0 : i32
      %dma_start3A_697 = tpu.memref_slice %arg8[%dma_start3A_691, %dma_start3A_696] : memref<2x128xi32, #tpu.memory_space<vmem>> -> memref<1x128xi32, #tpu.memory_space<vmem>>
      %dma_start3A_698 = tpu.memref_squeeze %dma_start3A_697 : memref<1x128xi32, #tpu.memory_space<vmem>> -> memref<128xi32, #tpu.memory_space<vmem>>
      %dma_start3A_699 = arith.constant 0 : i32
      %dma_start3A_700 = arith.constant 0 : i32
      %dma_start3A_701 = tpu.memref_slice %arg10[%dma_start3A_699, %dma_start3A_700] : memref<10112x128xf32, #tpu.memory_space<vmem_shared>> -> memref<10112x128xf32, #tpu.memory_space<vmem_shared>>
      tpu.enqueue_indirect_dma source(%dma_start3A_695 : memref<128x128xf32, #tpu.memory_space<vmem>>) target(%dma_start3A_701 : memref<10112x128xf32, #tpu.memory_space<vmem_shared>>) offsets(%dma_start3A_698 : memref<128xi32, #tpu.memory_space<vmem>>) semaphore(%arg16 : memref<!tpu.dma_semaphore, #tpu.memory_space<semaphore_mem>>) {add = true}
      %dma_wait3A_702 = arith.constant 0 : i32
      %dma_wait3A_703 = arith.constant 0 : i32
      %dma_wait3A_704 = arith.constant 0 : i32
      %dma_wait3A_705 = arith.constant 0 : i32
      %dma_wait3A_706 = tpu.memref_slice %arg9[%dma_wait3A_702, %dma_wait3A_704, %dma_wait3A_705] : memref<2x128x128xf32, #tpu.memory_space<vmem>> -> memref<1x128x128xf32, #tpu.memory_space<vmem>>
      %dma_wait3A_707 = tpu.memref_squeeze %dma_wait3A_706 : memref<1x128x128xf32, #tpu.memory_space<vmem>> -> memref<128x128xf32, #tpu.memory_space<vmem>>
      %dma_wait3A_708 = arith.constant 0 : i32
      %dma_wait3A_709 = tpu.memref_slice %arg8[%dma_wait3A_703, %dma_wait3A_708] : memref<2x128xi32, #tpu.memory_space<vmem>> -> memref<1x128xi32, #tpu.memory_space<vmem>>
      %dma_wait3A_710 = tpu.memref_squeeze %dma_wait3A_709 : memref<1x128xi32, #tpu.memory_space<vmem>> -> memref<128xi32, #tpu.memory_space<vmem>>
      %dma_wait3A_711 = arith.constant 0 : i32
      %dma_wait3A_712 = arith.constant 0 : i32
      %dma_wait3A_713 = tpu.memref_slice %arg10[%dma_wait3A_711, %dma_wait3A_712] : memref<10112x128xf32, #tpu.memory_space<vmem_shared>> -> memref<10112x128xf32, #tpu.memory_space<vmem_shared>>
      tpu.wait_indirect_dma semaphore(%arg15 : memref<!tpu.dma_semaphore, #tpu.memory_space<semaphore_mem>>) src(%dma_wait3A_707 : memref<128x128xf32, #tpu.memory_space<vmem>>) dst(%dma_wait3A_713 : memref<10112x128xf32, #tpu.memory_space<vmem_shared>>)
      %add3A_714 = arith.constant 2 : i32
      %add3A_715 = arith.addi %add3A_603, %add3A_714 : i32
      %lt3A = arith.constant 79 : i32
      %lt3A_716 = arith.cmpi slt, %add3A_715, %lt3A : i32
      %convert_element_type3A = arith.extui %lt3A_716 : i1 to i32
      %cond3A = arith.constant 0 : i32
      %cond3A_717 = arith.cmpi ne, %convert_element_type3A, %cond3A : i32
      scf.if %cond3A_717 {
        %add3A_737 = arith.constant 2 : i32
        %add3A_738 = arith.addi %add3A_603, %add3A_737 : i32
        %dma_start3A_739 = arith.constant 0 : i32
        %dma_start3A_740 = arith.constant 0 : i32
        %dma_start3A_741 = arith.constant 0 : i32
        %dma_start3A_742 = tpu.memref_slice %arg9[%dma_start3A_739, %dma_start3A_740, %dma_start3A_741] : memref<2x128x128xf32, #tpu.memory_space<vmem>> -> memref<1x128x128xf32, #tpu.memory_space<vmem>>
        %dma_start3A_743 = tpu.memref_squeeze %dma_start3A_742 : memref<1x128x128xf32, #tpu.memory_space<vmem>> -> memref<128x128xf32, #tpu.memory_space<vmem>>
        %dma_start3A_744 = arith.constant 0 : i32
        %dma_start3A_745 = tpu.memref_slice %arg7[%add3A_738, %dma_start3A_744] : memref<79x128xi32, #tpu.memory_space<vmem>> -> memref<1x128xi32, #tpu.memory_space<vmem>>
        %dma_start3A_746 = tpu.memref_squeeze %dma_start3A_745 : memref<1x128xi32, #tpu.memory_space<vmem>> -> memref<128xi32, #tpu.memory_space<vmem>>
        %dma_start3A_747 = arith.constant 0 : i32
        %dma_start3A_748 = arith.constant 0 : i32
        %dma_start3A_749 = tpu.memref_slice %arg2[%dma_start3A_747, %dma_start3A_748] : memref<40000x128xf32, #tpu.memory_space<hbm>> -> memref<40000x128xf32, #tpu.memory_space<hbm>>
        tpu.enqueue_indirect_dma source(%dma_start3A_749 : memref<40000x128xf32, #tpu.memory_space<hbm>>) target(%dma_start3A_743 : memref<128x128xf32, #tpu.memory_space<vmem>>) offsets(%dma_start3A_746 : memref<128xi32, #tpu.memory_space<vmem>>) semaphore(%arg11 : memref<!tpu.dma_semaphore, #tpu.memory_space<semaphore_mem>>)
        %dma_start3A_750 = arith.constant 0 : i32
        %dma_start3A_751 = arith.constant 0 : i32
        %dma_start3A_752 = tpu.memref_slice %arg8[%dma_start3A_750, %dma_start3A_751] : memref<2x128xi32, #tpu.memory_space<vmem>> -> memref<1x128xi32, #tpu.memory_space<vmem>>
        %dma_start3A_753 = arith.constant 0 : i32
        %dma_start3A_754 = arith.constant 0 : i32
        %dma_start3A_755 = arith.constant 0 : i32
        %dma_start3A_756 = tpu.memref_slice %arg4[%add3A, %dma_start3A_753, %dma_start3A_754, %dma_start3A_755] : memref<32x79x1x128xi32, #tpu.memory_space<hbm>> -> memref<1x79x1x128xi32, #tpu.memory_space<hbm>>
        %dma_start3A_757 = tpu.memref_squeeze %dma_start3A_756 : memref<1x79x1x128xi32, #tpu.memory_space<hbm>> -> memref<79x1x128xi32, #tpu.memory_space<hbm>>
        %dma_start3A_758 = arith.constant 0 : i32
        %dma_start3A_759 = arith.constant 0 : i32
        %dma_start3A_760 = tpu.memref_slice %dma_start3A_757[%add3A_738, %dma_start3A_758, %dma_start3A_759] : memref<79x1x128xi32, #tpu.memory_space<hbm>> -> memref<1x1x128xi32, #tpu.memory_space<hbm>>
        %dma_start3A_761 = tpu.memref_squeeze %dma_start3A_760 : memref<1x1x128xi32, #tpu.memory_space<hbm>> -> memref<1x128xi32, #tpu.memory_space<hbm>>
        %dma_start3A_762 = arith.constant 0 : i32
        %dma_start3A_763 = arith.constant 0 : i32
        %dma_start3A_764 = tpu.memref_slice %arg8[%dma_start3A_762, %dma_start3A_763] : memref<2x128xi32, #tpu.memory_space<vmem>> -> memref<1x128xi32, #tpu.memory_space<vmem>>
        %dma_start3A_765 = arith.constant 0 : i32
        %dma_start3A_766 = arith.constant 0 : i32
        %dma_start3A_767 = arith.constant 0 : i32
        %dma_start3A_768 = tpu.memref_slice %arg4[%add3A, %dma_start3A_765, %dma_start3A_766, %dma_start3A_767] : memref<32x79x1x128xi32, #tpu.memory_space<hbm>> -> memref<1x79x1x128xi32, #tpu.memory_space<hbm>>
        %dma_start3A_769 = tpu.memref_squeeze %dma_start3A_768 : memref<1x79x1x128xi32, #tpu.memory_space<hbm>> -> memref<79x1x128xi32, #tpu.memory_space<hbm>>
        %dma_start3A_770 = arith.constant 0 : i32
        %dma_start3A_771 = arith.constant 0 : i32
        %dma_start3A_772 = tpu.memref_slice %dma_start3A_769[%add3A_738, %dma_start3A_770, %dma_start3A_771] : memref<79x1x128xi32, #tpu.memory_space<hbm>> -> memref<1x1x128xi32, #tpu.memory_space<hbm>>
        %dma_start3A_773 = tpu.memref_squeeze %dma_start3A_772 : memref<1x1x128xi32, #tpu.memory_space<hbm>> -> memref<1x128xi32, #tpu.memory_space<hbm>>
        tpu.enqueue_dma source(%dma_start3A_773 : memref<1x128xi32, #tpu.memory_space<hbm>>) target(%dma_start3A_764 : memref<1x128xi32, #tpu.memory_space<vmem>>) target_semaphore(%arg13 : memref<!tpu.dma_semaphore, #tpu.memory_space<semaphore_mem>>)
      } else {
      }
      %dma_wait3A_718 = arith.constant 1 : i32
      %dma_wait3A_719 = arith.constant 1 : i32
      %dma_wait3A_720 = arith.constant 0 : i32
      %dma_wait3A_721 = arith.constant 0 : i32
      %dma_wait3A_722 = tpu.memref_slice %arg9[%dma_wait3A_718, %dma_wait3A_720, %dma_wait3A_721] : memref<2x128x128xf32, #tpu.memory_space<vmem>> -> memref<1x128x128xf32, #tpu.memory_space<vmem>>
      %dma_wait3A_723 = tpu.memref_squeeze %dma_wait3A_722 : memref<1x128x128xf32, #tpu.memory_space<vmem>> -> memref<128x128xf32, #tpu.memory_space<vmem>>
      %dma_wait3A_724 = arith.constant 0 : i32
      %dma_wait3A_725 = tpu.memref_slice %arg8[%dma_wait3A_719, %dma_wait3A_724] : memref<2x128xi32, #tpu.memory_space<vmem>> -> memref<1x128xi32, #tpu.memory_space<vmem>>
      %dma_wait3A_726 = tpu.memref_squeeze %dma_wait3A_725 : memref<1x128xi32, #tpu.memory_space<vmem>> -> memref<128xi32, #tpu.memory_space<vmem>>
      %dma_wait3A_727 = arith.constant 0 : i32
      %dma_wait3A_728 = arith.constant 0 : i32
      %dma_wait3A_729 = tpu.memref_slice %arg10[%dma_wait3A_727, %dma_wait3A_728] : memref<10112x128xf32, #tpu.memory_space<vmem_shared>> -> memref<10112x128xf32, #tpu.memory_space<vmem_shared>>
      tpu.wait_indirect_dma semaphore(%arg16 : memref<!tpu.dma_semaphore, #tpu.memory_space<semaphore_mem>>) src(%dma_wait3A_723 : memref<128x128xf32, #tpu.memory_space<vmem>>) dst(%dma_wait3A_729 : memref<10112x128xf32, #tpu.memory_space<vmem_shared>>)
      %add3A_730 = arith.constant 3 : i32
      %add3A_731 = arith.addi %add3A_603, %add3A_730 : i32
      %lt3A_732 = arith.constant 79 : i32
      %lt3A_733 = arith.cmpi slt, %add3A_731, %lt3A_732 : i32
      %convert_element_type3A_734 = arith.extui %lt3A_733 : i1 to i32
      %cond3A_735 = arith.constant 0 : i32
      %cond3A_736 = arith.cmpi ne, %convert_element_type3A_734, %cond3A_735 : i32
      scf.if %cond3A_736 {
        %add3A_737 = arith.constant 3 : i32
        %add3A_738 = arith.addi %add3A_603, %add3A_737 : i32
        %dma_start3A_739 = arith.constant 1 : i32
        %dma_start3A_740 = arith.constant 0 : i32
        %dma_start3A_741 = arith.constant 0 : i32
        %dma_start3A_742 = tpu.memref_slice %arg9[%dma_start3A_739, %dma_start3A_740, %dma_start3A_741] : memref<2x128x128xf32, #tpu.memory_space<vmem>> -> memref<1x128x128xf32, #tpu.memory_space<vmem>>
        %dma_start3A_743 = tpu.memref_squeeze %dma_start3A_742 : memref<1x128x128xf32, #tpu.memory_space<vmem>> -> memref<128x128xf32, #tpu.memory_space<vmem>>
        %dma_start3A_744 = arith.constant 0 : i32
        %dma_start3A_745 = tpu.memref_slice %arg7[%add3A_738, %dma_start3A_744] : memref<79x128xi32, #tpu.memory_space<vmem>> -> memref<1x128xi32, #tpu.memory_space<vmem>>
        %dma_start3A_746 = tpu.memref_squeeze %dma_start3A_745 : memref<1x128xi32, #tpu.memory_space<vmem>> -> memref<128xi32, #tpu.memory_space<vmem>>
        %dma_start3A_747 = arith.constant 0 : i32
        %dma_start3A_748 = arith.constant 0 : i32
        %dma_start3A_749 = tpu.memref_slice %arg2[%dma_start3A_747, %dma_start3A_748] : memref<40000x128xf32, #tpu.memory_space<hbm>> -> memref<40000x128xf32, #tpu.memory_space<hbm>>
        tpu.enqueue_indirect_dma source(%dma_start3A_749 : memref<40000x128xf32, #tpu.memory_space<hbm>>) target(%dma_start3A_743 : memref<128x128xf32, #tpu.memory_space<vmem>>) offsets(%dma_start3A_746 : memref<128xi32, #tpu.memory_space<vmem>>) semaphore(%arg12 : memref<!tpu.dma_semaphore, #tpu.memory_space<semaphore_mem>>)
        %dma_start3A_750 = arith.constant 1 : i32
        %dma_start3A_751 = arith.constant 0 : i32
        %dma_start3A_752 = tpu.memref_slice %arg8[%dma_start3A_750, %dma_start3A_751] : memref<2x128xi32, #tpu.memory_space<vmem>> -> memref<1x128xi32, #tpu.memory_space<vmem>>
        %dma_start3A_753 = arith.constant 0 : i32
        %dma_start3A_754 = arith.constant 0 : i32
        %dma_start3A_755 = arith.constant 0 : i32
        %dma_start3A_756 = tpu.memref_slice %arg4[%add3A, %dma_start3A_753, %dma_start3A_754, %dma_start3A_755] : memref<32x79x1x128xi32, #tpu.memory_space<hbm>> -> memref<1x79x1x128xi32, #tpu.memory_space<hbm>>
        %dma_start3A_757 = tpu.memref_squeeze %dma_start3A_756 : memref<1x79x1x128xi32, #tpu.memory_space<hbm>> -> memref<79x1x128xi32, #tpu.memory_space<hbm>>
        %dma_start3A_758 = arith.constant 0 : i32
        %dma_start3A_759 = arith.constant 0 : i32
        %dma_start3A_760 = tpu.memref_slice %dma_start3A_757[%add3A_738, %dma_start3A_758, %dma_start3A_759] : memref<79x1x128xi32, #tpu.memory_space<hbm>> -> memref<1x1x128xi32, #tpu.memory_space<hbm>>
        %dma_start3A_761 = tpu.memref_squeeze %dma_start3A_760 : memref<1x1x128xi32, #tpu.memory_space<hbm>> -> memref<1x128xi32, #tpu.memory_space<hbm>>
        %dma_start3A_762 = arith.constant 1 : i32
        %dma_start3A_763 = arith.constant 0 : i32
        %dma_start3A_764 = tpu.memref_slice %arg8[%dma_start3A_762, %dma_start3A_763] : memref<2x128xi32, #tpu.memory_space<vmem>> -> memref<1x128xi32, #tpu.memory_space<vmem>>
        %dma_start3A_765 = arith.constant 0 : i32
        %dma_start3A_766 = arith.constant 0 : i32
        %dma_start3A_767 = arith.constant 0 : i32
        %dma_start3A_768 = tpu.memref_slice %arg4[%add3A, %dma_start3A_765, %dma_start3A_766, %dma_start3A_767] : memref<32x79x1x128xi32, #tpu.memory_space<hbm>> -> memref<1x79x1x128xi32, #tpu.memory_space<hbm>>
        %dma_start3A_769 = tpu.memref_squeeze %dma_start3A_768 : memref<1x79x1x128xi32, #tpu.memory_space<hbm>> -> memref<79x1x128xi32, #tpu.memory_space<hbm>>
        %dma_start3A_770 = arith.constant 0 : i32
        %dma_start3A_771 = arith.constant 0 : i32
        %dma_start3A_772 = tpu.memref_slice %dma_start3A_769[%add3A_738, %dma_start3A_770, %dma_start3A_771] : memref<79x1x128xi32, #tpu.memory_space<hbm>> -> memref<1x1x128xi32, #tpu.memory_space<hbm>>
        %dma_start3A_773 = tpu.memref_squeeze %dma_start3A_772 : memref<1x1x128xi32, #tpu.memory_space<hbm>> -> memref<1x128xi32, #tpu.memory_space<hbm>>
        tpu.enqueue_dma source(%dma_start3A_773 : memref<1x128xi32, #tpu.memory_space<hbm>>) target(%dma_start3A_764 : memref<1x128xi32, #tpu.memory_space<vmem>>) target_semaphore(%arg14 : memref<!tpu.dma_semaphore, #tpu.memory_space<semaphore_mem>>)
      } else {
      }
    }
    %scan3A_79 = arith.constant 39 : i32
    %dma_wait3A = arith.constant 0 : i32
    %dma_wait3A_80 = arith.constant 0 : i32
    %dma_wait3A_81 = arith.constant 0 : i32
    %dma_wait3A_82 = arith.constant 0 : i32
    %dma_wait3A_83 = tpu.memref_slice %arg9[%dma_wait3A_80, %dma_wait3A_81, %dma_wait3A_82] : memref<2x128x128xf32, #tpu.memory_space<vmem>> -> memref<1x128x128xf32, #tpu.memory_space<vmem>>
    %dma_wait3A_84 = tpu.memref_squeeze %dma_wait3A_83 : memref<1x128x128xf32, #tpu.memory_space<vmem>> -> memref<128x128xf32, #tpu.memory_space<vmem>>
    %dma_wait3A_85 = arith.constant 0 : i32
    %dma_wait3A_86 = tpu.memref_slice %arg7[%dma_wait3A, %dma_wait3A_85] : memref<79x128xi32, #tpu.memory_space<vmem>> -> memref<1x128xi32, #tpu.memory_space<vmem>>
    %dma_wait3A_87 = tpu.memref_squeeze %dma_wait3A_86 : memref<1x128xi32, #tpu.memory_space<vmem>> -> memref<128xi32, #tpu.memory_space<vmem>>
    %dma_wait3A_88 = arith.constant 0 : i32
    %dma_wait3A_89 = arith.constant 0 : i32
    %dma_wait3A_90 = tpu.memref_slice %arg2[%dma_wait3A_88, %dma_wait3A_89] : memref<40000x128xf32, #tpu.memory_space<hbm>> -> memref<40000x128xf32, #tpu.memory_space<hbm>>
    tpu.wait_indirect_dma semaphore(%arg11 : memref<!tpu.dma_semaphore, #tpu.memory_space<semaphore_mem>>) src(%dma_wait3A_90 : memref<40000x128xf32, #tpu.memory_space<hbm>>) dst(%dma_wait3A_84 : memref<128x128xf32, #tpu.memory_space<vmem>>)
    %dma_wait3A_91 = arith.constant 0 : i32
    %dma_wait3A_92 = arith.constant 0 : i32
    %dma_wait3A_93 = arith.constant 0 : i32
    %dma_wait3A_94 = tpu.memref_slice %arg8[%dma_wait3A_92, %dma_wait3A_93] : memref<2x128xi32, #tpu.memory_space<vmem>> -> memref<1x128xi32, #tpu.memory_space<vmem>>
    %dma_wait3A_95 = arith.constant 0 : i32
    %dma_wait3A_96 = arith.constant 0 : i32
    %dma_wait3A_97 = arith.constant 0 : i32
    %dma_wait3A_98 = tpu.memref_slice %arg4[%add3A, %dma_wait3A_95, %dma_wait3A_96, %dma_wait3A_97] : memref<32x79x1x128xi32, #tpu.memory_space<hbm>> -> memref<1x79x1x128xi32, #tpu.memory_space<hbm>>
    %dma_wait3A_99 = tpu.memref_squeeze %dma_wait3A_98 : memref<1x79x1x128xi32, #tpu.memory_space<hbm>> -> memref<79x1x128xi32, #tpu.memory_space<hbm>>
    %dma_wait3A_100 = arith.constant 0 : i32
    %dma_wait3A_101 = arith.constant 0 : i32
    %dma_wait3A_102 = tpu.memref_slice %dma_wait3A_99[%dma_wait3A_91, %dma_wait3A_100, %dma_wait3A_101] : memref<79x1x128xi32, #tpu.memory_space<hbm>> -> memref<1x1x128xi32, #tpu.memory_space<hbm>>
    %dma_wait3A_103 = tpu.memref_squeeze %dma_wait3A_102 : memref<1x1x128xi32, #tpu.memory_space<hbm>> -> memref<1x128xi32, #tpu.memory_space<hbm>>
    %dma_wait3A_104 = arith.constant 0 : i32
    %dma_wait3A_105 = arith.constant 0 : i32
    %dma_wait3A_106 = tpu.memref_slice %arg8[%dma_wait3A_104, %dma_wait3A_105] : memref<2x128xi32, #tpu.memory_space<vmem>> -> memref<1x128xi32, #tpu.memory_space<vmem>>
    %dma_wait3A_107 = arith.constant 0 : i32
    %dma_wait3A_108 = arith.constant 0 : i32
    %dma_wait3A_109 = arith.constant 0 : i32
    %dma_wait3A_110 = tpu.memref_slice %arg4[%add3A, %dma_wait3A_107, %dma_wait3A_108, %dma_wait3A_109] : memref<32x79x1x128xi32, #tpu.memory_space<hbm>> -> memref<1x79x1x128xi32, #tpu.memory_space<hbm>>
    %dma_wait3A_111 = tpu.memref_squeeze %dma_wait3A_110 : memref<1x79x1x128xi32, #tpu.memory_space<hbm>> -> memref<79x1x128xi32, #tpu.memory_space<hbm>>
    %dma_wait3A_112 = arith.constant 0 : i32
    %dma_wait3A_113 = arith.constant 0 : i32
    %dma_wait3A_114 = tpu.memref_slice %dma_wait3A_111[%dma_wait3A_91, %dma_wait3A_112, %dma_wait3A_113] : memref<79x1x128xi32, #tpu.memory_space<hbm>> -> memref<1x1x128xi32, #tpu.memory_space<hbm>>
    %dma_wait3A_115 = tpu.memref_squeeze %dma_wait3A_114 : memref<1x1x128xi32, #tpu.memory_space<hbm>> -> memref<1x128xi32, #tpu.memory_space<hbm>>
    tpu.wait_dma2 semaphore(%arg13 : memref<!tpu.dma_semaphore, #tpu.memory_space<semaphore_mem>>) src(%dma_wait3A_115 : memref<1x128xi32, #tpu.memory_space<hbm>>) dst(%dma_wait3A_106 : memref<1x128xi32, #tpu.memory_space<vmem>>)
    %dma_start3A_116 = arith.constant 0 : i32
    %dma_start3A_117 = arith.constant 0 : i32
    %dma_start3A_118 = arith.constant 0 : i32
    %dma_start3A_119 = arith.constant 0 : i32
    %dma_start3A_120 = tpu.memref_slice %arg9[%dma_start3A_116, %dma_start3A_118, %dma_start3A_119] : memref<2x128x128xf32, #tpu.memory_space<vmem>> -> memref<1x128x128xf32, #tpu.memory_space<vmem>>
    %dma_start3A_121 = tpu.memref_squeeze %dma_start3A_120 : memref<1x128x128xf32, #tpu.memory_space<vmem>> -> memref<128x128xf32, #tpu.memory_space<vmem>>
    %dma_start3A_122 = arith.constant 0 : i32
    %dma_start3A_123 = tpu.memref_slice %arg8[%dma_start3A_117, %dma_start3A_122] : memref<2x128xi32, #tpu.memory_space<vmem>> -> memref<1x128xi32, #tpu.memory_space<vmem>>
    %dma_start3A_124 = tpu.memref_squeeze %dma_start3A_123 : memref<1x128xi32, #tpu.memory_space<vmem>> -> memref<128xi32, #tpu.memory_space<vmem>>
    %dma_start3A_125 = arith.constant 0 : i32
    %dma_start3A_126 = arith.constant 0 : i32
    %dma_start3A_127 = tpu.memref_slice %arg10[%dma_start3A_125, %dma_start3A_126] : memref<10112x128xf32, #tpu.memory_space<vmem_shared>> -> memref<10112x128xf32, #tpu.memory_space<vmem_shared>>
    tpu.enqueue_indirect_dma source(%dma_start3A_121 : memref<128x128xf32, #tpu.memory_space<vmem>>) target(%dma_start3A_127 : memref<10112x128xf32, #tpu.memory_space<vmem_shared>>) offsets(%dma_start3A_124 : memref<128xi32, #tpu.memory_space<vmem>>) semaphore(%arg15 : memref<!tpu.dma_semaphore, #tpu.memory_space<semaphore_mem>>) {add = true}
    %dma_wait3A_128 = arith.constant 0 : i32
    %dma_wait3A_129 = arith.constant 0 : i32
    %dma_wait3A_130 = arith.constant 0 : i32
    %dma_wait3A_131 = arith.constant 0 : i32
    %dma_wait3A_132 = tpu.memref_slice %arg9[%dma_wait3A_128, %dma_wait3A_130, %dma_wait3A_131] : memref<2x128x128xf32, #tpu.memory_space<vmem>> -> memref<1x128x128xf32, #tpu.memory_space<vmem>>
    %dma_wait3A_133 = tpu.memref_squeeze %dma_wait3A_132 : memref<1x128x128xf32, #tpu.memory_space<vmem>> -> memref<128x128xf32, #tpu.memory_space<vmem>>
    %dma_wait3A_134 = arith.constant 0 : i32
    %dma_wait3A_135 = tpu.memref_slice %arg8[%dma_wait3A_129, %dma_wait3A_134] : memref<2x128xi32, #tpu.memory_space<vmem>> -> memref<1x128xi32, #tpu.memory_space<vmem>>
    %dma_wait3A_136 = tpu.memref_squeeze %dma_wait3A_135 : memref<1x128xi32, #tpu.memory_space<vmem>> -> memref<128xi32, #tpu.memory_space<vmem>>
    %dma_wait3A_137 = arith.constant 0 : i32
    %dma_wait3A_138 = arith.constant 0 : i32
    %dma_wait3A_139 = tpu.memref_slice %arg10[%dma_wait3A_137, %dma_wait3A_138] : memref<10112x128xf32, #tpu.memory_space<vmem_shared>> -> memref<10112x128xf32, #tpu.memory_space<vmem_shared>>
    tpu.wait_indirect_dma semaphore(%arg15 : memref<!tpu.dma_semaphore, #tpu.memory_space<semaphore_mem>>) src(%dma_wait3A_133 : memref<128x128xf32, #tpu.memory_space<vmem>>) dst(%dma_wait3A_139 : memref<10112x128xf32, #tpu.memory_space<vmem_shared>>)
    %barrier3A_140 = arith.constant 0 : index
    tpu.barrier barrier_id(%barrier3A_140)
    %mul3A_141 = arith.constant 632 : i32
    %mul3A_142 = arith.muli %arg1, %mul3A_141 : i32
    %mul3A_143 = arith.constant 632 : i32
    %mul3A_144 = arith.muli %arg1, %mul3A_143 : i32
    %run_scoped3A_145 = arith.constant 0 : i32
    "tpu.region"() ({
      %run_scoped3A_599 = tpu.sem_alloc : memref<!tpu.dma_semaphore, #tpu.memory_space<semaphore_mem>>
      %dma_start3A_600 = arith.constant 0 : i32
      %dma_start3A_601 = arith.constant 0 : i32
      %dma_start3A_602 = arith.constant 0 : i32
      %dma_start3A_603 = tpu.memref_slice %arg6[%arg0, %dma_start3A_600, %dma_start3A_601, %dma_start3A_602] : memref<2x4x10112x128xf32, #tpu.memory_space<hbm>> -> memref<1x4x10112x128xf32, #tpu.memory_space<hbm>>
      %dma_start3A_604 = tpu.memref_squeeze %dma_start3A_603 : memref<1x4x10112x128xf32, #tpu.memory_space<hbm>> -> memref<4x10112x128xf32, #tpu.memory_space<hbm>>
      %dma_start3A_605 = arith.constant 0 : i32
      %dma_start3A_606 = arith.constant 0 : i32
      %dma_start3A_607 = tpu.memref_slice %dma_start3A_604[%run_scoped3A_145, %dma_start3A_605, %dma_start3A_606] : memref<4x10112x128xf32, #tpu.memory_space<hbm>> -> memref<1x10112x128xf32, #tpu.memory_space<hbm>>
      %dma_start3A_608 = tpu.memref_squeeze %dma_start3A_607 : memref<1x10112x128xf32, #tpu.memory_space<hbm>> -> memref<10112x128xf32, #tpu.memory_space<hbm>>
      %dma_start3A_609 = arith.constant 0 : i32
      %dma_start3A_610 = tpu.memref_slice %dma_start3A_608[%mul3A_144, %dma_start3A_609] : memref<10112x128xf32, #tpu.memory_space<hbm>> -> memref<632x128xf32, #tpu.memory_space<hbm>>
      %dma_start3A_611 = arith.constant 0 : i32
      %dma_start3A_612 = tpu.memref_slice %arg10[%mul3A_142, %dma_start3A_611] : memref<10112x128xf32, #tpu.memory_space<vmem_shared>> -> memref<632x128xf32, #tpu.memory_space<vmem_shared>>
      tpu.enqueue_dma source(%dma_start3A_612 : memref<632x128xf32, #tpu.memory_space<vmem_shared>>) target(%dma_start3A_610 : memref<632x128xf32, #tpu.memory_space<hbm>>) target_semaphore(%run_scoped3A_599 : memref<!tpu.dma_semaphore, #tpu.memory_space<semaphore_mem>>)
      %dma_wait3A_613 = arith.constant 0 : i32
      %dma_wait3A_614 = arith.constant 0 : i32
      %dma_wait3A_615 = arith.constant 0 : i32
      %dma_wait3A_616 = tpu.memref_slice %arg6[%arg0, %dma_wait3A_613, %dma_wait3A_614, %dma_wait3A_615] : memref<2x4x10112x128xf32, #tpu.memory_space<hbm>> -> memref<1x4x10112x128xf32, #tpu.memory_space<hbm>>
      %dma_wait3A_617 = tpu.memref_squeeze %dma_wait3A_616 : memref<1x4x10112x128xf32, #tpu.memory_space<hbm>> -> memref<4x10112x128xf32, #tpu.memory_space<hbm>>
      %dma_wait3A_618 = arith.constant 0 : i32
      %dma_wait3A_619 = arith.constant 0 : i32
      %dma_wait3A_620 = tpu.memref_slice %dma_wait3A_617[%run_scoped3A_145, %dma_wait3A_618, %dma_wait3A_619] : memref<4x10112x128xf32, #tpu.memory_space<hbm>> -> memref<1x10112x128xf32, #tpu.memory_space<hbm>>
      %dma_wait3A_621 = tpu.memref_squeeze %dma_wait3A_620 : memref<1x10112x128xf32, #tpu.memory_space<hbm>> -> memref<10112x128xf32, #tpu.memory_space<hbm>>
      %dma_wait3A_622 = arith.constant 0 : i32
      %dma_wait3A_623 = tpu.memref_slice %dma_wait3A_621[%mul3A_144, %dma_wait3A_622] : memref<10112x128xf32, #tpu.memory_space<hbm>> -> memref<632x128xf32, #tpu.memory_space<hbm>>
      %dma_wait3A_624 = arith.constant 0 : i32
      %dma_wait3A_625 = tpu.memref_slice %arg10[%mul3A_142, %dma_wait3A_624] : memref<10112x128xf32, #tpu.memory_space<vmem_shared>> -> memref<632x128xf32, #tpu.memory_space<vmem_shared>>
      tpu.wait_dma2 semaphore(%run_scoped3A_599 : memref<!tpu.dma_semaphore, #tpu.memory_space<semaphore_mem>>) src(%dma_wait3A_625 : memref<632x128xf32, #tpu.memory_space<vmem_shared>>) dst(%dma_wait3A_623 : memref<632x128xf32, #tpu.memory_space<hbm>>)
      tpu.yield
    }) : () -> ()
    %barrier3A_146 = arith.constant 0 : index
    tpu.barrier barrier_id(%barrier3A_146)
    %run_scoped3A_147 = arith.constant 1 : i32
    "tpu.region"() ({
      %run_scoped3A_599 = tpu.sem_alloc : memref<!tpu.dma_semaphore, #tpu.memory_space<semaphore_mem>>
      %dma_start3A_600 = arith.constant 0 : i32
      %dma_start3A_601 = arith.constant 0 : i32
      %dma_start3A_602 = arith.constant 0 : i32
      %dma_start3A_603 = tpu.memref_slice %arg3[%run_scoped3A_147, %dma_start3A_600, %dma_start3A_601, %dma_start3A_602] : memref<4x32x79x128xi32, #tpu.memory_space<hbm>> -> memref<1x32x79x128xi32, #tpu.memory_space<hbm>>
      %dma_start3A_604 = tpu.memref_squeeze %dma_start3A_603 : memref<1x32x79x128xi32, #tpu.memory_space<hbm>> -> memref<32x79x128xi32, #tpu.memory_space<hbm>>
      %dma_start3A_605 = arith.constant 0 : i32
      %dma_start3A_606 = arith.constant 0 : i32
      %dma_start3A_607 = tpu.memref_slice %dma_start3A_604[%add3A, %dma_start3A_605, %dma_start3A_606] : memref<32x79x128xi32, #tpu.memory_space<hbm>> -> memref<1x79x128xi32, #tpu.memory_space<hbm>>
      %dma_start3A_608 = tpu.memref_squeeze %dma_start3A_607 : memref<1x79x128xi32, #tpu.memory_space<hbm>> -> memref<79x128xi32, #tpu.memory_space<hbm>>
      %dma_start3A_609 = arith.constant 0 : i32
      %dma_start3A_610 = arith.constant 0 : i32
      %dma_start3A_611 = arith.constant 0 : i32
      %dma_start3A_612 = tpu.memref_slice %arg3[%run_scoped3A_147, %dma_start3A_609, %dma_start3A_610, %dma_start3A_611] : memref<4x32x79x128xi32, #tpu.memory_space<hbm>> -> memref<1x32x79x128xi32, #tpu.memory_space<hbm>>
      %dma_start3A_613 = tpu.memref_squeeze %dma_start3A_612 : memref<1x32x79x128xi32, #tpu.memory_space<hbm>> -> memref<32x79x128xi32, #tpu.memory_space<hbm>>
      %dma_start3A_614 = arith.constant 0 : i32
      %dma_start3A_615 = arith.constant 0 : i32
      %dma_start3A_616 = tpu.memref_slice %dma_start3A_613[%add3A, %dma_start3A_614, %dma_start3A_615] : memref<32x79x128xi32, #tpu.memory_space<hbm>> -> memref<1x79x128xi32, #tpu.memory_space<hbm>>
      %dma_start3A_617 = tpu.memref_squeeze %dma_start3A_616 : memref<1x79x128xi32, #tpu.memory_space<hbm>> -> memref<79x128xi32, #tpu.memory_space<hbm>>
      tpu.enqueue_dma source(%dma_start3A_617 : memref<79x128xi32, #tpu.memory_space<hbm>>) target(%arg7 : memref<79x128xi32, #tpu.memory_space<vmem>>) target_semaphore(%run_scoped3A_599 : memref<!tpu.dma_semaphore, #tpu.memory_space<semaphore_mem>>)
      %dma_wait3A_618 = arith.constant 0 : i32
      %dma_wait3A_619 = arith.constant 0 : i32
      %dma_wait3A_620 = arith.constant 0 : i32
      %dma_wait3A_621 = tpu.memref_slice %arg3[%run_scoped3A_147, %dma_wait3A_618, %dma_wait3A_619, %dma_wait3A_620] : memref<4x32x79x128xi32, #tpu.memory_space<hbm>> -> memref<1x32x79x128xi32, #tpu.memory_space<hbm>>
      %dma_wait3A_622 = tpu.memref_squeeze %dma_wait3A_621 : memref<1x32x79x128xi32, #tpu.memory_space<hbm>> -> memref<32x79x128xi32, #tpu.memory_space<hbm>>
      %dma_wait3A_623 = arith.constant 0 : i32
      %dma_wait3A_624 = arith.constant 0 : i32
      %dma_wait3A_625 = tpu.memref_slice %dma_wait3A_622[%add3A, %dma_wait3A_623, %dma_wait3A_624] : memref<32x79x128xi32, #tpu.memory_space<hbm>> -> memref<1x79x128xi32, #tpu.memory_space<hbm>>
      %dma_wait3A_626 = tpu.memref_squeeze %dma_wait3A_625 : memref<1x79x128xi32, #tpu.memory_space<hbm>> -> memref<79x128xi32, #tpu.memory_space<hbm>>
      %dma_wait3A_627 = arith.constant 0 : i32
      %dma_wait3A_628 = arith.constant 0 : i32
      %dma_wait3A_629 = arith.constant 0 : i32
      %dma_wait3A_630 = tpu.memref_slice %arg3[%run_scoped3A_147, %dma_wait3A_627, %dma_wait3A_628, %dma_wait3A_629] : memref<4x32x79x128xi32, #tpu.memory_space<hbm>> -> memref<1x32x79x128xi32, #tpu.memory_space<hbm>>
      %dma_wait3A_631 = tpu.memref_squeeze %dma_wait3A_630 : memref<1x32x79x128xi32, #tpu.memory_space<hbm>> -> memref<32x79x128xi32, #tpu.memory_space<hbm>>
      %dma_wait3A_632 = arith.constant 0 : i32
      %dma_wait3A_633 = arith.constant 0 : i32
      %dma_wait3A_634 = tpu.memref_slice %dma_wait3A_631[%add3A, %dma_wait3A_632, %dma_wait3A_633] : memref<32x79x128xi32, #tpu.memory_space<hbm>> -> memref<1x79x128xi32, #tpu.memory_space<hbm>>
      %dma_wait3A_635 = tpu.memref_squeeze %dma_wait3A_634 : memref<1x79x128xi32, #tpu.memory_space<hbm>> -> memref<79x128xi32, #tpu.memory_space<hbm>>
      tpu.wait_dma2 semaphore(%run_scoped3A_599 : memref<!tpu.dma_semaphore, #tpu.memory_space<semaphore_mem>>) src(%dma_wait3A_635 : memref<79x128xi32, #tpu.memory_space<hbm>>) dst(%arg7 : memref<79x128xi32, #tpu.memory_space<vmem>>)
      tpu.yield
    }) : () -> ()
    %mul3A_148 = arith.constant 632 : i32
    %mul3A_149 = arith.muli %arg1, %mul3A_148 : i32
    "tpu.region"() ({
      %run_scoped3A_599 = tpu.sem_alloc : memref<!tpu.dma_semaphore, #tpu.memory_space<semaphore_mem>>
      %dma_start3A_600 = arith.constant 0 : i32
      %dma_start3A_601 = tpu.memref_slice %arg10[%mul3A_149, %dma_start3A_600] : memref<10112x128xf32, #tpu.memory_space<vmem_shared>> -> memref<632x128xf32, #tpu.memory_space<vmem_shared>>
      tpu.enqueue_dma source(%arg5 : memref<632x128xf32, #tpu.memory_space<hbm>>) target(%dma_start3A_601 : memref<632x128xf32, #tpu.memory_space<vmem_shared>>) target_semaphore(%run_scoped3A_599 : memref<!tpu.dma_semaphore, #tpu.memory_space<semaphore_mem>>)
      %dma_wait3A_602 = arith.constant 0 : i32
      %dma_wait3A_603 = tpu.memref_slice %arg10[%mul3A_149, %dma_wait3A_602] : memref<10112x128xf32, #tpu.memory_space<vmem_shared>> -> memref<632x128xf32, #tpu.memory_space<vmem_shared>>
      tpu.wait_dma2 semaphore(%run_scoped3A_599 : memref<!tpu.dma_semaphore, #tpu.memory_space<semaphore_mem>>) src(%arg5 : memref<632x128xf32, #tpu.memory_space<hbm>>) dst(%dma_wait3A_603 : memref<632x128xf32, #tpu.memory_space<vmem_shared>>)
      tpu.yield
    }) : () -> ()
    %barrier3A_150 = arith.constant 0 : index
    tpu.barrier barrier_id(%barrier3A_150)
    %dma_start3A_151 = arith.constant 0 : i32
    %dma_start3A_152 = arith.constant 0 : i32
    %dma_start3A_153 = arith.constant 0 : i32
    %dma_start3A_154 = arith.constant 0 : i32
    %dma_start3A_155 = tpu.memref_slice %arg9[%dma_start3A_152, %dma_start3A_153, %dma_start3A_154] : memref<2x128x128xf32, #tpu.memory_space<vmem>> -> memref<1x128x128xf32, #tpu.memory_space<vmem>>
    %dma_start3A_156 = tpu.memref_squeeze %dma_start3A_155 : memref<1x128x128xf32, #tpu.memory_space<vmem>> -> memref<128x128xf32, #tpu.memory_space<vmem>>
    %dma_start3A_157 = arith.constant 0 : i32
    %dma_start3A_158 = tpu.memref_slice %arg7[%dma_start3A_151, %dma_start3A_157] : memref<79x128xi32, #tpu.memory_space<vmem>> -> memref<1x128xi32, #tpu.memory_space<vmem>>
    %dma_start3A_159 = tpu.memref_squeeze %dma_start3A_158 : memref<1x128xi32, #tpu.memory_space<vmem>> -> memref<128xi32, #tpu.memory_space<vmem>>
    %dma_start3A_160 = arith.constant 0 : i32
    %dma_start3A_161 = arith.constant 0 : i32
    %dma_start3A_162 = tpu.memref_slice %arg2[%dma_start3A_160, %dma_start3A_161] : memref<40000x128xf32, #tpu.memory_space<hbm>> -> memref<40000x128xf32, #tpu.memory_space<hbm>>
    tpu.enqueue_indirect_dma source(%dma_start3A_162 : memref<40000x128xf32, #tpu.memory_space<hbm>>) target(%dma_start3A_156 : memref<128x128xf32, #tpu.memory_space<vmem>>) offsets(%dma_start3A_159 : memref<128xi32, #tpu.memory_space<vmem>>) semaphore(%arg11 : memref<!tpu.dma_semaphore, #tpu.memory_space<semaphore_mem>>)
    %dma_start3A_163 = arith.constant 0 : i32
    %dma_start3A_164 = arith.constant 0 : i32
    %dma_start3A_165 = arith.constant 0 : i32
    %dma_start3A_166 = tpu.memref_slice %arg8[%dma_start3A_164, %dma_start3A_165] : memref<2x128xi32, #tpu.memory_space<vmem>> -> memref<1x128xi32, #tpu.memory_space<vmem>>
    %dma_start3A_167 = arith.constant 0 : i32
    %dma_start3A_168 = arith.constant 0 : i32
    %dma_start3A_169 = arith.constant 0 : i32
    %dma_start3A_170 = tpu.memref_slice %arg4[%add3A, %dma_start3A_167, %dma_start3A_168, %dma_start3A_169] : memref<32x79x1x128xi32, #tpu.memory_space<hbm>> -> memref<1x79x1x128xi32, #tpu.memory_space<hbm>>
    %dma_start3A_171 = tpu.memref_squeeze %dma_start3A_170 : memref<1x79x1x128xi32, #tpu.memory_space<hbm>> -> memref<79x1x128xi32, #tpu.memory_space<hbm>>
    %dma_start3A_172 = arith.constant 0 : i32
    %dma_start3A_173 = arith.constant 0 : i32
    %dma_start3A_174 = tpu.memref_slice %dma_start3A_171[%dma_start3A_163, %dma_start3A_172, %dma_start3A_173] : memref<79x1x128xi32, #tpu.memory_space<hbm>> -> memref<1x1x128xi32, #tpu.memory_space<hbm>>
    %dma_start3A_175 = tpu.memref_squeeze %dma_start3A_174 : memref<1x1x128xi32, #tpu.memory_space<hbm>> -> memref<1x128xi32, #tpu.memory_space<hbm>>
    %dma_start3A_176 = arith.constant 0 : i32
    %dma_start3A_177 = arith.constant 0 : i32
    %dma_start3A_178 = tpu.memref_slice %arg8[%dma_start3A_176, %dma_start3A_177] : memref<2x128xi32, #tpu.memory_space<vmem>> -> memref<1x128xi32, #tpu.memory_space<vmem>>
    %dma_start3A_179 = arith.constant 0 : i32
    %dma_start3A_180 = arith.constant 0 : i32
    %dma_start3A_181 = arith.constant 0 : i32
    %dma_start3A_182 = tpu.memref_slice %arg4[%add3A, %dma_start3A_179, %dma_start3A_180, %dma_start3A_181] : memref<32x79x1x128xi32, #tpu.memory_space<hbm>> -> memref<1x79x1x128xi32, #tpu.memory_space<hbm>>
    %dma_start3A_183 = tpu.memref_squeeze %dma_start3A_182 : memref<1x79x1x128xi32, #tpu.memory_space<hbm>> -> memref<79x1x128xi32, #tpu.memory_space<hbm>>
    %dma_start3A_184 = arith.constant 0 : i32
    %dma_start3A_185 = arith.constant 0 : i32
    %dma_start3A_186 = tpu.memref_slice %dma_start3A_183[%dma_start3A_163, %dma_start3A_184, %dma_start3A_185] : memref<79x1x128xi32, #tpu.memory_space<hbm>> -> memref<1x1x128xi32, #tpu.memory_space<hbm>>
    %dma_start3A_187 = tpu.memref_squeeze %dma_start3A_186 : memref<1x1x128xi32, #tpu.memory_space<hbm>> -> memref<1x128xi32, #tpu.memory_space<hbm>>
    tpu.enqueue_dma source(%dma_start3A_187 : memref<1x128xi32, #tpu.memory_space<hbm>>) target(%dma_start3A_178 : memref<1x128xi32, #tpu.memory_space<vmem>>) target_semaphore(%arg13 : memref<!tpu.dma_semaphore, #tpu.memory_space<semaphore_mem>>)
    %dma_start3A_188 = arith.constant 1 : i32
    %dma_start3A_189 = arith.constant 1 : i32
    %dma_start3A_190 = arith.constant 0 : i32
    %dma_start3A_191 = arith.constant 0 : i32
    %dma_start3A_192 = tpu.memref_slice %arg9[%dma_start3A_189, %dma_start3A_190, %dma_start3A_191] : memref<2x128x128xf32, #tpu.memory_space<vmem>> -> memref<1x128x128xf32, #tpu.memory_space<vmem>>
    %dma_start3A_193 = tpu.memref_squeeze %dma_start3A_192 : memref<1x128x128xf32, #tpu.memory_space<vmem>> -> memref<128x128xf32, #tpu.memory_space<vmem>>
    %dma_start3A_194 = arith.constant 0 : i32
    %dma_start3A_195 = tpu.memref_slice %arg7[%dma_start3A_188, %dma_start3A_194] : memref<79x128xi32, #tpu.memory_space<vmem>> -> memref<1x128xi32, #tpu.memory_space<vmem>>
    %dma_start3A_196 = tpu.memref_squeeze %dma_start3A_195 : memref<1x128xi32, #tpu.memory_space<vmem>> -> memref<128xi32, #tpu.memory_space<vmem>>
    %dma_start3A_197 = arith.constant 0 : i32
    %dma_start3A_198 = arith.constant 0 : i32
    %dma_start3A_199 = tpu.memref_slice %arg2[%dma_start3A_197, %dma_start3A_198] : memref<40000x128xf32, #tpu.memory_space<hbm>> -> memref<40000x128xf32, #tpu.memory_space<hbm>>
    tpu.enqueue_indirect_dma source(%dma_start3A_199 : memref<40000x128xf32, #tpu.memory_space<hbm>>) target(%dma_start3A_193 : memref<128x128xf32, #tpu.memory_space<vmem>>) offsets(%dma_start3A_196 : memref<128xi32, #tpu.memory_space<vmem>>) semaphore(%arg12 : memref<!tpu.dma_semaphore, #tpu.memory_space<semaphore_mem>>)
    %dma_start3A_200 = arith.constant 1 : i32
    %dma_start3A_201 = arith.constant 1 : i32
    %dma_start3A_202 = arith.constant 0 : i32
    %dma_start3A_203 = tpu.memref_slice %arg8[%dma_start3A_201, %dma_start3A_202] : memref<2x128xi32, #tpu.memory_space<vmem>> -> memref<1x128xi32, #tpu.memory_space<vmem>>
    %dma_start3A_204 = arith.constant 0 : i32
    %dma_start3A_205 = arith.constant 0 : i32
    %dma_start3A_206 = arith.constant 0 : i32
    %dma_start3A_207 = tpu.memref_slice %arg4[%add3A, %dma_start3A_204, %dma_start3A_205, %dma_start3A_206] : memref<32x79x1x128xi32, #tpu.memory_space<hbm>> -> memref<1x79x1x128xi32, #tpu.memory_space<hbm>>
    %dma_start3A_208 = tpu.memref_squeeze %dma_start3A_207 : memref<1x79x1x128xi32, #tpu.memory_space<hbm>> -> memref<79x1x128xi32, #tpu.memory_space<hbm>>
    %dma_start3A_209 = arith.constant 0 : i32
    %dma_start3A_210 = arith.constant 0 : i32
    %dma_start3A_211 = tpu.memref_slice %dma_start3A_208[%dma_start3A_200, %dma_start3A_209, %dma_start3A_210] : memref<79x1x128xi32, #tpu.memory_space<hbm>> -> memref<1x1x128xi32, #tpu.memory_space<hbm>>
    %dma_start3A_212 = tpu.memref_squeeze %dma_start3A_211 : memref<1x1x128xi32, #tpu.memory_space<hbm>> -> memref<1x128xi32, #tpu.memory_space<hbm>>
    %dma_start3A_213 = arith.constant 1 : i32
    %dma_start3A_214 = arith.constant 0 : i32
    %dma_start3A_215 = tpu.memref_slice %arg8[%dma_start3A_213, %dma_start3A_214] : memref<2x128xi32, #tpu.memory_space<vmem>> -> memref<1x128xi32, #tpu.memory_space<vmem>>
    %dma_start3A_216 = arith.constant 0 : i32
    %dma_start3A_217 = arith.constant 0 : i32
    %dma_start3A_218 = arith.constant 0 : i32
    %dma_start3A_219 = tpu.memref_slice %arg4[%add3A, %dma_start3A_216, %dma_start3A_217, %dma_start3A_218] : memref<32x79x1x128xi32, #tpu.memory_space<hbm>> -> memref<1x79x1x128xi32, #tpu.memory_space<hbm>>
    %dma_start3A_220 = tpu.memref_squeeze %dma_start3A_219 : memref<1x79x1x128xi32, #tpu.memory_space<hbm>> -> memref<79x1x128xi32, #tpu.memory_space<hbm>>
    %dma_start3A_221 = arith.constant 0 : i32
    %dma_start3A_222 = arith.constant 0 : i32
    %dma_start3A_223 = tpu.memref_slice %dma_start3A_220[%dma_start3A_200, %dma_start3A_221, %dma_start3A_222] : memref<79x1x128xi32, #tpu.memory_space<hbm>> -> memref<1x1x128xi32, #tpu.memory_space<hbm>>
    %dma_start3A_224 = tpu.memref_squeeze %dma_start3A_223 : memref<1x1x128xi32, #tpu.memory_space<hbm>> -> memref<1x128xi32, #tpu.memory_space<hbm>>
    tpu.enqueue_dma source(%dma_start3A_224 : memref<1x128xi32, #tpu.memory_space<hbm>>) target(%dma_start3A_215 : memref<1x128xi32, #tpu.memory_space<vmem>>) target_semaphore(%arg14 : memref<!tpu.dma_semaphore, #tpu.memory_space<semaphore_mem>>)
    %scan3A_225 = arith.constant 0 : i32
    %scan3A_226 = arith.constant 39 : i32
    %scan3A_227 = arith.addi %scan3A_225, %scan3A_226 : i32
    %scan3A_228 = arith.constant 1 : i32
    scf.for %scan3A_599 = %scan3A_225 to %scan3A_227 step %scan3A_228  : i32 {
      %mul3A_600 = arith.constant 2 : i32
      %mul3A_601 = arith.muli %scan3A_599, %mul3A_600 : i32
      %add3A_602 = arith.constant 0 : i32
      %add3A_603 = arith.addi %add3A_602, %mul3A_601 : i32
      %dma_wait3A_604 = arith.constant 0 : i32
      %dma_wait3A_605 = arith.constant 0 : i32
      %dma_wait3A_606 = arith.constant 0 : i32
      %dma_wait3A_607 = arith.constant 0 : i32
      %dma_wait3A_608 = tpu.memref_slice %arg9[%dma_wait3A_605, %dma_wait3A_606, %dma_wait3A_607] : memref<2x128x128xf32, #tpu.memory_space<vmem>> -> memref<1x128x128xf32, #tpu.memory_space<vmem>>
      %dma_wait3A_609 = tpu.memref_squeeze %dma_wait3A_608 : memref<1x128x128xf32, #tpu.memory_space<vmem>> -> memref<128x128xf32, #tpu.memory_space<vmem>>
      %dma_wait3A_610 = arith.constant 0 : i32
      %dma_wait3A_611 = tpu.memref_slice %arg7[%dma_wait3A_604, %dma_wait3A_610] : memref<79x128xi32, #tpu.memory_space<vmem>> -> memref<1x128xi32, #tpu.memory_space<vmem>>
      %dma_wait3A_612 = tpu.memref_squeeze %dma_wait3A_611 : memref<1x128xi32, #tpu.memory_space<vmem>> -> memref<128xi32, #tpu.memory_space<vmem>>
      %dma_wait3A_613 = arith.constant 0 : i32
      %dma_wait3A_614 = arith.constant 0 : i32
      %dma_wait3A_615 = tpu.memref_slice %arg2[%dma_wait3A_613, %dma_wait3A_614] : memref<40000x128xf32, #tpu.memory_space<hbm>> -> memref<40000x128xf32, #tpu.memory_space<hbm>>
      tpu.wait_indirect_dma semaphore(%arg11 : memref<!tpu.dma_semaphore, #tpu.memory_space<semaphore_mem>>) src(%dma_wait3A_615 : memref<40000x128xf32, #tpu.memory_space<hbm>>) dst(%dma_wait3A_609 : memref<128x128xf32, #tpu.memory_space<vmem>>)
      %dma_wait3A_616 = arith.constant 0 : i32
      %dma_wait3A_617 = arith.constant 0 : i32
      %dma_wait3A_618 = arith.constant 0 : i32
      %dma_wait3A_619 = tpu.memref_slice %arg8[%dma_wait3A_617, %dma_wait3A_618] : memref<2x128xi32, #tpu.memory_space<vmem>> -> memref<1x128xi32, #tpu.memory_space<vmem>>
      %dma_wait3A_620 = arith.constant 0 : i32
      %dma_wait3A_621 = arith.constant 0 : i32
      %dma_wait3A_622 = arith.constant 0 : i32
      %dma_wait3A_623 = tpu.memref_slice %arg4[%add3A, %dma_wait3A_620, %dma_wait3A_621, %dma_wait3A_622] : memref<32x79x1x128xi32, #tpu.memory_space<hbm>> -> memref<1x79x1x128xi32, #tpu.memory_space<hbm>>
      %dma_wait3A_624 = tpu.memref_squeeze %dma_wait3A_623 : memref<1x79x1x128xi32, #tpu.memory_space<hbm>> -> memref<79x1x128xi32, #tpu.memory_space<hbm>>
      %dma_wait3A_625 = arith.constant 0 : i32
      %dma_wait3A_626 = arith.constant 0 : i32
      %dma_wait3A_627 = tpu.memref_slice %dma_wait3A_624[%dma_wait3A_616, %dma_wait3A_625, %dma_wait3A_626] : memref<79x1x128xi32, #tpu.memory_space<hbm>> -> memref<1x1x128xi32, #tpu.memory_space<hbm>>
      %dma_wait3A_628 = tpu.memref_squeeze %dma_wait3A_627 : memref<1x1x128xi32, #tpu.memory_space<hbm>> -> memref<1x128xi32, #tpu.memory_space<hbm>>
      %dma_wait3A_629 = arith.constant 0 : i32
      %dma_wait3A_630 = arith.constant 0 : i32
      %dma_wait3A_631 = tpu.memref_slice %arg8[%dma_wait3A_629, %dma_wait3A_630] : memref<2x128xi32, #tpu.memory_space<vmem>> -> memref<1x128xi32, #tpu.memory_space<vmem>>
      %dma_wait3A_632 = arith.constant 0 : i32
      %dma_wait3A_633 = arith.constant 0 : i32
      %dma_wait3A_634 = arith.constant 0 : i32
      %dma_wait3A_635 = tpu.memref_slice %arg4[%add3A, %dma_wait3A_632, %dma_wait3A_633, %dma_wait3A_634] : memref<32x79x1x128xi32, #tpu.memory_space<hbm>> -> memref<1x79x1x128xi32, #tpu.memory_space<hbm>>
      %dma_wait3A_636 = tpu.memref_squeeze %dma_wait3A_635 : memref<1x79x1x128xi32, #tpu.memory_space<hbm>> -> memref<79x1x128xi32, #tpu.memory_space<hbm>>
      %dma_wait3A_637 = arith.constant 0 : i32
      %dma_wait3A_638 = arith.constant 0 : i32
      %dma_wait3A_639 = tpu.memref_slice %dma_wait3A_636[%dma_wait3A_616, %dma_wait3A_637, %dma_wait3A_638] : memref<79x1x128xi32, #tpu.memory_space<hbm>> -> memref<1x1x128xi32, #tpu.memory_space<hbm>>
      %dma_wait3A_640 = tpu.memref_squeeze %dma_wait3A_639 : memref<1x1x128xi32, #tpu.memory_space<hbm>> -> memref<1x128xi32, #tpu.memory_space<hbm>>
      tpu.wait_dma2 semaphore(%arg13 : memref<!tpu.dma_semaphore, #tpu.memory_space<semaphore_mem>>) src(%dma_wait3A_640 : memref<1x128xi32, #tpu.memory_space<hbm>>) dst(%dma_wait3A_631 : memref<1x128xi32, #tpu.memory_space<vmem>>)
      %dma_start3A_641 = arith.constant 0 : i32
      %dma_start3A_642 = arith.constant 0 : i32
      %dma_start3A_643 = arith.constant 0 : i32
      %dma_start3A_644 = arith.constant 0 : i32
      %dma_start3A_645 = tpu.memref_slice %arg9[%dma_start3A_641, %dma_start3A_643, %dma_start3A_644] : memref<2x128x128xf32, #tpu.memory_space<vmem>> -> memref<1x128x128xf32, #tpu.memory_space<vmem>>
      %dma_start3A_646 = tpu.memref_squeeze %dma_start3A_645 : memref<1x128x128xf32, #tpu.memory_space<vmem>> -> memref<128x128xf32, #tpu.memory_space<vmem>>
      %dma_start3A_647 = arith.constant 0 : i32
      %dma_start3A_648 = tpu.memref_slice %arg8[%dma_start3A_642, %dma_start3A_647] : memref<2x128xi32, #tpu.memory_space<vmem>> -> memref<1x128xi32, #tpu.memory_space<vmem>>
      %dma_start3A_649 = tpu.memref_squeeze %dma_start3A_648 : memref<1x128xi32, #tpu.memory_space<vmem>> -> memref<128xi32, #tpu.memory_space<vmem>>
      %dma_start3A_650 = arith.constant 0 : i32
      %dma_start3A_651 = arith.constant 0 : i32
      %dma_start3A_652 = tpu.memref_slice %arg10[%dma_start3A_650, %dma_start3A_651] : memref<10112x128xf32, #tpu.memory_space<vmem_shared>> -> memref<10112x128xf32, #tpu.memory_space<vmem_shared>>
      tpu.enqueue_indirect_dma source(%dma_start3A_646 : memref<128x128xf32, #tpu.memory_space<vmem>>) target(%dma_start3A_652 : memref<10112x128xf32, #tpu.memory_space<vmem_shared>>) offsets(%dma_start3A_649 : memref<128xi32, #tpu.memory_space<vmem>>) semaphore(%arg15 : memref<!tpu.dma_semaphore, #tpu.memory_space<semaphore_mem>>) {add = true}
      %dma_wait3A_653 = arith.constant 0 : i32
      %dma_wait3A_654 = arith.constant 1 : i32
      %dma_wait3A_655 = arith.constant 0 : i32
      %dma_wait3A_656 = arith.constant 0 : i32
      %dma_wait3A_657 = tpu.memref_slice %arg9[%dma_wait3A_654, %dma_wait3A_655, %dma_wait3A_656] : memref<2x128x128xf32, #tpu.memory_space<vmem>> -> memref<1x128x128xf32, #tpu.memory_space<vmem>>
      %dma_wait3A_658 = tpu.memref_squeeze %dma_wait3A_657 : memref<1x128x128xf32, #tpu.memory_space<vmem>> -> memref<128x128xf32, #tpu.memory_space<vmem>>
      %dma_wait3A_659 = arith.constant 0 : i32
      %dma_wait3A_660 = tpu.memref_slice %arg7[%dma_wait3A_653, %dma_wait3A_659] : memref<79x128xi32, #tpu.memory_space<vmem>> -> memref<1x128xi32, #tpu.memory_space<vmem>>
      %dma_wait3A_661 = tpu.memref_squeeze %dma_wait3A_660 : memref<1x128xi32, #tpu.memory_space<vmem>> -> memref<128xi32, #tpu.memory_space<vmem>>
      %dma_wait3A_662 = arith.constant 0 : i32
      %dma_wait3A_663 = arith.constant 0 : i32
      %dma_wait3A_664 = tpu.memref_slice %arg2[%dma_wait3A_662, %dma_wait3A_663] : memref<40000x128xf32, #tpu.memory_space<hbm>> -> memref<40000x128xf32, #tpu.memory_space<hbm>>
      tpu.wait_indirect_dma semaphore(%arg12 : memref<!tpu.dma_semaphore, #tpu.memory_space<semaphore_mem>>) src(%dma_wait3A_664 : memref<40000x128xf32, #tpu.memory_space<hbm>>) dst(%dma_wait3A_658 : memref<128x128xf32, #tpu.memory_space<vmem>>)
      %dma_wait3A_665 = arith.constant 0 : i32
      %dma_wait3A_666 = arith.constant 1 : i32
      %dma_wait3A_667 = arith.constant 0 : i32
      %dma_wait3A_668 = tpu.memref_slice %arg8[%dma_wait3A_666, %dma_wait3A_667] : memref<2x128xi32, #tpu.memory_space<vmem>> -> memref<1x128xi32, #tpu.memory_space<vmem>>
      %dma_wait3A_669 = arith.constant 0 : i32
      %dma_wait3A_670 = arith.constant 0 : i32
      %dma_wait3A_671 = arith.constant 0 : i32
      %dma_wait3A_672 = tpu.memref_slice %arg4[%add3A, %dma_wait3A_669, %dma_wait3A_670, %dma_wait3A_671] : memref<32x79x1x128xi32, #tpu.memory_space<hbm>> -> memref<1x79x1x128xi32, #tpu.memory_space<hbm>>
      %dma_wait3A_673 = tpu.memref_squeeze %dma_wait3A_672 : memref<1x79x1x128xi32, #tpu.memory_space<hbm>> -> memref<79x1x128xi32, #tpu.memory_space<hbm>>
      %dma_wait3A_674 = arith.constant 0 : i32
      %dma_wait3A_675 = arith.constant 0 : i32
      %dma_wait3A_676 = tpu.memref_slice %dma_wait3A_673[%dma_wait3A_665, %dma_wait3A_674, %dma_wait3A_675] : memref<79x1x128xi32, #tpu.memory_space<hbm>> -> memref<1x1x128xi32, #tpu.memory_space<hbm>>
      %dma_wait3A_677 = tpu.memref_squeeze %dma_wait3A_676 : memref<1x1x128xi32, #tpu.memory_space<hbm>> -> memref<1x128xi32, #tpu.memory_space<hbm>>
      %dma_wait3A_678 = arith.constant 1 : i32
      %dma_wait3A_679 = arith.constant 0 : i32
      %dma_wait3A_680 = tpu.memref_slice %arg8[%dma_wait3A_678, %dma_wait3A_679] : memref<2x128xi32, #tpu.memory_space<vmem>> -> memref<1x128xi32, #tpu.memory_space<vmem>>
      %dma_wait3A_681 = arith.constant 0 : i32
      %dma_wait3A_682 = arith.constant 0 : i32
      %dma_wait3A_683 = arith.constant 0 : i32
      %dma_wait3A_684 = tpu.memref_slice %arg4[%add3A, %dma_wait3A_681, %dma_wait3A_682, %dma_wait3A_683] : memref<32x79x1x128xi32, #tpu.memory_space<hbm>> -> memref<1x79x1x128xi32, #tpu.memory_space<hbm>>
      %dma_wait3A_685 = tpu.memref_squeeze %dma_wait3A_684 : memref<1x79x1x128xi32, #tpu.memory_space<hbm>> -> memref<79x1x128xi32, #tpu.memory_space<hbm>>
      %dma_wait3A_686 = arith.constant 0 : i32
      %dma_wait3A_687 = arith.constant 0 : i32
      %dma_wait3A_688 = tpu.memref_slice %dma_wait3A_685[%dma_wait3A_665, %dma_wait3A_686, %dma_wait3A_687] : memref<79x1x128xi32, #tpu.memory_space<hbm>> -> memref<1x1x128xi32, #tpu.memory_space<hbm>>
      %dma_wait3A_689 = tpu.memref_squeeze %dma_wait3A_688 : memref<1x1x128xi32, #tpu.memory_space<hbm>> -> memref<1x128xi32, #tpu.memory_space<hbm>>
      tpu.wait_dma2 semaphore(%arg14 : memref<!tpu.dma_semaphore, #tpu.memory_space<semaphore_mem>>) src(%dma_wait3A_689 : memref<1x128xi32, #tpu.memory_space<hbm>>) dst(%dma_wait3A_680 : memref<1x128xi32, #tpu.memory_space<vmem>>)
      %dma_start3A_690 = arith.constant 1 : i32
      %dma_start3A_691 = arith.constant 1 : i32
      %dma_start3A_692 = arith.constant 0 : i32
      %dma_start3A_693 = arith.constant 0 : i32
      %dma_start3A_694 = tpu.memref_slice %arg9[%dma_start3A_690, %dma_start3A_692, %dma_start3A_693] : memref<2x128x128xf32, #tpu.memory_space<vmem>> -> memref<1x128x128xf32, #tpu.memory_space<vmem>>
      %dma_start3A_695 = tpu.memref_squeeze %dma_start3A_694 : memref<1x128x128xf32, #tpu.memory_space<vmem>> -> memref<128x128xf32, #tpu.memory_space<vmem>>
      %dma_start3A_696 = arith.constant 0 : i32
      %dma_start3A_697 = tpu.memref_slice %arg8[%dma_start3A_691, %dma_start3A_696] : memref<2x128xi32, #tpu.memory_space<vmem>> -> memref<1x128xi32, #tpu.memory_space<vmem>>
      %dma_start3A_698 = tpu.memref_squeeze %dma_start3A_697 : memref<1x128xi32, #tpu.memory_space<vmem>> -> memref<128xi32, #tpu.memory_space<vmem>>
      %dma_start3A_699 = arith.constant 0 : i32
      %dma_start3A_700 = arith.constant 0 : i32
      %dma_start3A_701 = tpu.memref_slice %arg10[%dma_start3A_699, %dma_start3A_700] : memref<10112x128xf32, #tpu.memory_space<vmem_shared>> -> memref<10112x128xf32, #tpu.memory_space<vmem_shared>>
      tpu.enqueue_indirect_dma source(%dma_start3A_695 : memref<128x128xf32, #tpu.memory_space<vmem>>) target(%dma_start3A_701 : memref<10112x128xf32, #tpu.memory_space<vmem_shared>>) offsets(%dma_start3A_698 : memref<128xi32, #tpu.memory_space<vmem>>) semaphore(%arg16 : memref<!tpu.dma_semaphore, #tpu.memory_space<semaphore_mem>>) {add = true}
      %dma_wait3A_702 = arith.constant 0 : i32
      %dma_wait3A_703 = arith.constant 0 : i32
      %dma_wait3A_704 = arith.constant 0 : i32
      %dma_wait3A_705 = arith.constant 0 : i32
      %dma_wait3A_706 = tpu.memref_slice %arg9[%dma_wait3A_702, %dma_wait3A_704, %dma_wait3A_705] : memref<2x128x128xf32, #tpu.memory_space<vmem>> -> memref<1x128x128xf32, #tpu.memory_space<vmem>>
      %dma_wait3A_707 = tpu.memref_squeeze %dma_wait3A_706 : memref<1x128x128xf32, #tpu.memory_space<vmem>> -> memref<128x128xf32, #tpu.memory_space<vmem>>
      %dma_wait3A_708 = arith.constant 0 : i32
      %dma_wait3A_709 = tpu.memref_slice %arg8[%dma_wait3A_703, %dma_wait3A_708] : memref<2x128xi32, #tpu.memory_space<vmem>> -> memref<1x128xi32, #tpu.memory_space<vmem>>
      %dma_wait3A_710 = tpu.memref_squeeze %dma_wait3A_709 : memref<1x128xi32, #tpu.memory_space<vmem>> -> memref<128xi32, #tpu.memory_space<vmem>>
      %dma_wait3A_711 = arith.constant 0 : i32
      %dma_wait3A_712 = arith.constant 0 : i32
      %dma_wait3A_713 = tpu.memref_slice %arg10[%dma_wait3A_711, %dma_wait3A_712] : memref<10112x128xf32, #tpu.memory_space<vmem_shared>> -> memref<10112x128xf32, #tpu.memory_space<vmem_shared>>
      tpu.wait_indirect_dma semaphore(%arg15 : memref<!tpu.dma_semaphore, #tpu.memory_space<semaphore_mem>>) src(%dma_wait3A_707 : memref<128x128xf32, #tpu.memory_space<vmem>>) dst(%dma_wait3A_713 : memref<10112x128xf32, #tpu.memory_space<vmem_shared>>)
      %add3A_714 = arith.constant 2 : i32
      %add3A_715 = arith.addi %add3A_603, %add3A_714 : i32
      %lt3A = arith.constant 79 : i32
      %lt3A_716 = arith.cmpi slt, %add3A_715, %lt3A : i32
      %convert_element_type3A = arith.extui %lt3A_716 : i1 to i32
      %cond3A = arith.constant 0 : i32
      %cond3A_717 = arith.cmpi ne, %convert_element_type3A, %cond3A : i32
      scf.if %cond3A_717 {
        %add3A_737 = arith.constant 2 : i32
        %add3A_738 = arith.addi %add3A_603, %add3A_737 : i32
        %dma_start3A_739 = arith.constant 0 : i32
        %dma_start3A_740 = arith.constant 0 : i32
        %dma_start3A_741 = arith.constant 0 : i32
        %dma_start3A_742 = tpu.memref_slice %arg9[%dma_start3A_739, %dma_start3A_740, %dma_start3A_741] : memref<2x128x128xf32, #tpu.memory_space<vmem>> -> memref<1x128x128xf32, #tpu.memory_space<vmem>>
        %dma_start3A_743 = tpu.memref_squeeze %dma_start3A_742 : memref<1x128x128xf32, #tpu.memory_space<vmem>> -> memref<128x128xf32, #tpu.memory_space<vmem>>
        %dma_start3A_744 = arith.constant 0 : i32
        %dma_start3A_745 = tpu.memref_slice %arg7[%add3A_738, %dma_start3A_744] : memref<79x128xi32, #tpu.memory_space<vmem>> -> memref<1x128xi32, #tpu.memory_space<vmem>>
        %dma_start3A_746 = tpu.memref_squeeze %dma_start3A_745 : memref<1x128xi32, #tpu.memory_space<vmem>> -> memref<128xi32, #tpu.memory_space<vmem>>
        %dma_start3A_747 = arith.constant 0 : i32
        %dma_start3A_748 = arith.constant 0 : i32
        %dma_start3A_749 = tpu.memref_slice %arg2[%dma_start3A_747, %dma_start3A_748] : memref<40000x128xf32, #tpu.memory_space<hbm>> -> memref<40000x128xf32, #tpu.memory_space<hbm>>
        tpu.enqueue_indirect_dma source(%dma_start3A_749 : memref<40000x128xf32, #tpu.memory_space<hbm>>) target(%dma_start3A_743 : memref<128x128xf32, #tpu.memory_space<vmem>>) offsets(%dma_start3A_746 : memref<128xi32, #tpu.memory_space<vmem>>) semaphore(%arg11 : memref<!tpu.dma_semaphore, #tpu.memory_space<semaphore_mem>>)
        %dma_start3A_750 = arith.constant 0 : i32
        %dma_start3A_751 = arith.constant 0 : i32
        %dma_start3A_752 = tpu.memref_slice %arg8[%dma_start3A_750, %dma_start3A_751] : memref<2x128xi32, #tpu.memory_space<vmem>> -> memref<1x128xi32, #tpu.memory_space<vmem>>
        %dma_start3A_753 = arith.constant 0 : i32
        %dma_start3A_754 = arith.constant 0 : i32
        %dma_start3A_755 = arith.constant 0 : i32
        %dma_start3A_756 = tpu.memref_slice %arg4[%add3A, %dma_start3A_753, %dma_start3A_754, %dma_start3A_755] : memref<32x79x1x128xi32, #tpu.memory_space<hbm>> -> memref<1x79x1x128xi32, #tpu.memory_space<hbm>>
        %dma_start3A_757 = tpu.memref_squeeze %dma_start3A_756 : memref<1x79x1x128xi32, #tpu.memory_space<hbm>> -> memref<79x1x128xi32, #tpu.memory_space<hbm>>
        %dma_start3A_758 = arith.constant 0 : i32
        %dma_start3A_759 = arith.constant 0 : i32
        %dma_start3A_760 = tpu.memref_slice %dma_start3A_757[%add3A_738, %dma_start3A_758, %dma_start3A_759] : memref<79x1x128xi32, #tpu.memory_space<hbm>> -> memref<1x1x128xi32, #tpu.memory_space<hbm>>
        %dma_start3A_761 = tpu.memref_squeeze %dma_start3A_760 : memref<1x1x128xi32, #tpu.memory_space<hbm>> -> memref<1x128xi32, #tpu.memory_space<hbm>>
        %dma_start3A_762 = arith.constant 0 : i32
        %dma_start3A_763 = arith.constant 0 : i32
        %dma_start3A_764 = tpu.memref_slice %arg8[%dma_start3A_762, %dma_start3A_763] : memref<2x128xi32, #tpu.memory_space<vmem>> -> memref<1x128xi32, #tpu.memory_space<vmem>>
        %dma_start3A_765 = arith.constant 0 : i32
        %dma_start3A_766 = arith.constant 0 : i32
        %dma_start3A_767 = arith.constant 0 : i32
        %dma_start3A_768 = tpu.memref_slice %arg4[%add3A, %dma_start3A_765, %dma_start3A_766, %dma_start3A_767] : memref<32x79x1x128xi32, #tpu.memory_space<hbm>> -> memref<1x79x1x128xi32, #tpu.memory_space<hbm>>
        %dma_start3A_769 = tpu.memref_squeeze %dma_start3A_768 : memref<1x79x1x128xi32, #tpu.memory_space<hbm>> -> memref<79x1x128xi32, #tpu.memory_space<hbm>>
        %dma_start3A_770 = arith.constant 0 : i32
        %dma_start3A_771 = arith.constant 0 : i32
        %dma_start3A_772 = tpu.memref_slice %dma_start3A_769[%add3A_738, %dma_start3A_770, %dma_start3A_771] : memref<79x1x128xi32, #tpu.memory_space<hbm>> -> memref<1x1x128xi32, #tpu.memory_space<hbm>>
        %dma_start3A_773 = tpu.memref_squeeze %dma_start3A_772 : memref<1x1x128xi32, #tpu.memory_space<hbm>> -> memref<1x128xi32, #tpu.memory_space<hbm>>
        tpu.enqueue_dma source(%dma_start3A_773 : memref<1x128xi32, #tpu.memory_space<hbm>>) target(%dma_start3A_764 : memref<1x128xi32, #tpu.memory_space<vmem>>) target_semaphore(%arg13 : memref<!tpu.dma_semaphore, #tpu.memory_space<semaphore_mem>>)
      } else {
      }
      %dma_wait3A_718 = arith.constant 1 : i32
      %dma_wait3A_719 = arith.constant 1 : i32
      %dma_wait3A_720 = arith.constant 0 : i32
      %dma_wait3A_721 = arith.constant 0 : i32
      %dma_wait3A_722 = tpu.memref_slice %arg9[%dma_wait3A_718, %dma_wait3A_720, %dma_wait3A_721] : memref<2x128x128xf32, #tpu.memory_space<vmem>> -> memref<1x128x128xf32, #tpu.memory_space<vmem>>
      %dma_wait3A_723 = tpu.memref_squeeze %dma_wait3A_722 : memref<1x128x128xf32, #tpu.memory_space<vmem>> -> memref<128x128xf32, #tpu.memory_space<vmem>>
      %dma_wait3A_724 = arith.constant 0 : i32
      %dma_wait3A_725 = tpu.memref_slice %arg8[%dma_wait3A_719, %dma_wait3A_724] : memref<2x128xi32, #tpu.memory_space<vmem>> -> memref<1x128xi32, #tpu.memory_space<vmem>>
      %dma_wait3A_726 = tpu.memref_squeeze %dma_wait3A_725 : memref<1x128xi32, #tpu.memory_space<vmem>> -> memref<128xi32, #tpu.memory_space<vmem>>
      %dma_wait3A_727 = arith.constant 0 : i32
      %dma_wait3A_728 = arith.constant 0 : i32
      %dma_wait3A_729 = tpu.memref_slice %arg10[%dma_wait3A_727, %dma_wait3A_728] : memref<10112x128xf32, #tpu.memory_space<vmem_shared>> -> memref<10112x128xf32, #tpu.memory_space<vmem_shared>>
      tpu.wait_indirect_dma semaphore(%arg16 : memref<!tpu.dma_semaphore, #tpu.memory_space<semaphore_mem>>) src(%dma_wait3A_723 : memref<128x128xf32, #tpu.memory_space<vmem>>) dst(%dma_wait3A_729 : memref<10112x128xf32, #tpu.memory_space<vmem_shared>>)
      %add3A_730 = arith.constant 3 : i32
      %add3A_731 = arith.addi %add3A_603, %add3A_730 : i32
      %lt3A_732 = arith.constant 79 : i32
      %lt3A_733 = arith.cmpi slt, %add3A_731, %lt3A_732 : i32
      %convert_element_type3A_734 = arith.extui %lt3A_733 : i1 to i32
      %cond3A_735 = arith.constant 0 : i32
      %cond3A_736 = arith.cmpi ne, %convert_element_type3A_734, %cond3A_735 : i32
      scf.if %cond3A_736 {
        %add3A_737 = arith.constant 3 : i32
        %add3A_738 = arith.addi %add3A_603, %add3A_737 : i32
        %dma_start3A_739 = arith.constant 1 : i32
        %dma_start3A_740 = arith.constant 0 : i32
        %dma_start3A_741 = arith.constant 0 : i32
        %dma_start3A_742 = tpu.memref_slice %arg9[%dma_start3A_739, %dma_start3A_740, %dma_start3A_741] : memref<2x128x128xf32, #tpu.memory_space<vmem>> -> memref<1x128x128xf32, #tpu.memory_space<vmem>>
        %dma_start3A_743 = tpu.memref_squeeze %dma_start3A_742 : memref<1x128x128xf32, #tpu.memory_space<vmem>> -> memref<128x128xf32, #tpu.memory_space<vmem>>
        %dma_start3A_744 = arith.constant 0 : i32
        %dma_start3A_745 = tpu.memref_slice %arg7[%add3A_738, %dma_start3A_744] : memref<79x128xi32, #tpu.memory_space<vmem>> -> memref<1x128xi32, #tpu.memory_space<vmem>>
        %dma_start3A_746 = tpu.memref_squeeze %dma_start3A_745 : memref<1x128xi32, #tpu.memory_space<vmem>> -> memref<128xi32, #tpu.memory_space<vmem>>
        %dma_start3A_747 = arith.constant 0 : i32
        %dma_start3A_748 = arith.constant 0 : i32
        %dma_start3A_749 = tpu.memref_slice %arg2[%dma_start3A_747, %dma_start3A_748] : memref<40000x128xf32, #tpu.memory_space<hbm>> -> memref<40000x128xf32, #tpu.memory_space<hbm>>
        tpu.enqueue_indirect_dma source(%dma_start3A_749 : memref<40000x128xf32, #tpu.memory_space<hbm>>) target(%dma_start3A_743 : memref<128x128xf32, #tpu.memory_space<vmem>>) offsets(%dma_start3A_746 : memref<128xi32, #tpu.memory_space<vmem>>) semaphore(%arg12 : memref<!tpu.dma_semaphore, #tpu.memory_space<semaphore_mem>>)
        %dma_start3A_750 = arith.constant 1 : i32
        %dma_start3A_751 = arith.constant 0 : i32
        %dma_start3A_752 = tpu.memref_slice %arg8[%dma_start3A_750, %dma_start3A_751] : memref<2x128xi32, #tpu.memory_space<vmem>> -> memref<1x128xi32, #tpu.memory_space<vmem>>
        %dma_start3A_753 = arith.constant 0 : i32
        %dma_start3A_754 = arith.constant 0 : i32
        %dma_start3A_755 = arith.constant 0 : i32
        %dma_start3A_756 = tpu.memref_slice %arg4[%add3A, %dma_start3A_753, %dma_start3A_754, %dma_start3A_755] : memref<32x79x1x128xi32, #tpu.memory_space<hbm>> -> memref<1x79x1x128xi32, #tpu.memory_space<hbm>>
        %dma_start3A_757 = tpu.memref_squeeze %dma_start3A_756 : memref<1x79x1x128xi32, #tpu.memory_space<hbm>> -> memref<79x1x128xi32, #tpu.memory_space<hbm>>
        %dma_start3A_758 = arith.constant 0 : i32
        %dma_start3A_759 = arith.constant 0 : i32
        %dma_start3A_760 = tpu.memref_slice %dma_start3A_757[%add3A_738, %dma_start3A_758, %dma_start3A_759] : memref<79x1x128xi32, #tpu.memory_space<hbm>> -> memref<1x1x128xi32, #tpu.memory_space<hbm>>
        %dma_start3A_761 = tpu.memref_squeeze %dma_start3A_760 : memref<1x1x128xi32, #tpu.memory_space<hbm>> -> memref<1x128xi32, #tpu.memory_space<hbm>>
        %dma_start3A_762 = arith.constant 1 : i32
        %dma_start3A_763 = arith.constant 0 : i32
        %dma_start3A_764 = tpu.memref_slice %arg8[%dma_start3A_762, %dma_start3A_763] : memref<2x128xi32, #tpu.memory_space<vmem>> -> memref<1x128xi32, #tpu.memory_space<vmem>>
        %dma_start3A_765 = arith.constant 0 : i32
        %dma_start3A_766 = arith.constant 0 : i32
        %dma_start3A_767 = arith.constant 0 : i32
        %dma_start3A_768 = tpu.memref_slice %arg4[%add3A, %dma_start3A_765, %dma_start3A_766, %dma_start3A_767] : memref<32x79x1x128xi32, #tpu.memory_space<hbm>> -> memref<1x79x1x128xi32, #tpu.memory_space<hbm>>
        %dma_start3A_769 = tpu.memref_squeeze %dma_start3A_768 : memref<1x79x1x128xi32, #tpu.memory_space<hbm>> -> memref<79x1x128xi32, #tpu.memory_space<hbm>>
        %dma_start3A_770 = arith.constant 0 : i32
        %dma_start3A_771 = arith.constant 0 : i32
        %dma_start3A_772 = tpu.memref_slice %dma_start3A_769[%add3A_738, %dma_start3A_770, %dma_start3A_771] : memref<79x1x128xi32, #tpu.memory_space<hbm>> -> memref<1x1x128xi32, #tpu.memory_space<hbm>>
        %dma_start3A_773 = tpu.memref_squeeze %dma_start3A_772 : memref<1x1x128xi32, #tpu.memory_space<hbm>> -> memref<1x128xi32, #tpu.memory_space<hbm>>
        tpu.enqueue_dma source(%dma_start3A_773 : memref<1x128xi32, #tpu.memory_space<hbm>>) target(%dma_start3A_764 : memref<1x128xi32, #tpu.memory_space<vmem>>) target_semaphore(%arg14 : memref<!tpu.dma_semaphore, #tpu.memory_space<semaphore_mem>>)
      } else {
      }
    }
    %scan3A_229 = arith.constant 39 : i32
    %dma_wait3A_230 = arith.constant 0 : i32
    %dma_wait3A_231 = arith.constant 0 : i32
    %dma_wait3A_232 = arith.constant 0 : i32
    %dma_wait3A_233 = arith.constant 0 : i32
    %dma_wait3A_234 = tpu.memref_slice %arg9[%dma_wait3A_231, %dma_wait3A_232, %dma_wait3A_233] : memref<2x128x128xf32, #tpu.memory_space<vmem>> -> memref<1x128x128xf32, #tpu.memory_space<vmem>>
    %dma_wait3A_235 = tpu.memref_squeeze %dma_wait3A_234 : memref<1x128x128xf32, #tpu.memory_space<vmem>> -> memref<128x128xf32, #tpu.memory_space<vmem>>
    %dma_wait3A_236 = arith.constant 0 : i32
    %dma_wait3A_237 = tpu.memref_slice %arg7[%dma_wait3A_230, %dma_wait3A_236] : memref<79x128xi32, #tpu.memory_space<vmem>> -> memref<1x128xi32, #tpu.memory_space<vmem>>
    %dma_wait3A_238 = tpu.memref_squeeze %dma_wait3A_237 : memref<1x128xi32, #tpu.memory_space<vmem>> -> memref<128xi32, #tpu.memory_space<vmem>>
    %dma_wait3A_239 = arith.constant 0 : i32
    %dma_wait3A_240 = arith.constant 0 : i32
    %dma_wait3A_241 = tpu.memref_slice %arg2[%dma_wait3A_239, %dma_wait3A_240] : memref<40000x128xf32, #tpu.memory_space<hbm>> -> memref<40000x128xf32, #tpu.memory_space<hbm>>
    tpu.wait_indirect_dma semaphore(%arg11 : memref<!tpu.dma_semaphore, #tpu.memory_space<semaphore_mem>>) src(%dma_wait3A_241 : memref<40000x128xf32, #tpu.memory_space<hbm>>) dst(%dma_wait3A_235 : memref<128x128xf32, #tpu.memory_space<vmem>>)
    %dma_wait3A_242 = arith.constant 0 : i32
    %dma_wait3A_243 = arith.constant 0 : i32
    %dma_wait3A_244 = arith.constant 0 : i32
    %dma_wait3A_245 = tpu.memref_slice %arg8[%dma_wait3A_243, %dma_wait3A_244] : memref<2x128xi32, #tpu.memory_space<vmem>> -> memref<1x128xi32, #tpu.memory_space<vmem>>
    %dma_wait3A_246 = arith.constant 0 : i32
    %dma_wait3A_247 = arith.constant 0 : i32
    %dma_wait3A_248 = arith.constant 0 : i32
    %dma_wait3A_249 = tpu.memref_slice %arg4[%add3A, %dma_wait3A_246, %dma_wait3A_247, %dma_wait3A_248] : memref<32x79x1x128xi32, #tpu.memory_space<hbm>> -> memref<1x79x1x128xi32, #tpu.memory_space<hbm>>
    %dma_wait3A_250 = tpu.memref_squeeze %dma_wait3A_249 : memref<1x79x1x128xi32, #tpu.memory_space<hbm>> -> memref<79x1x128xi32, #tpu.memory_space<hbm>>
    %dma_wait3A_251 = arith.constant 0 : i32
    %dma_wait3A_252 = arith.constant 0 : i32
    %dma_wait3A_253 = tpu.memref_slice %dma_wait3A_250[%dma_wait3A_242, %dma_wait3A_251, %dma_wait3A_252] : memref<79x1x128xi32, #tpu.memory_space<hbm>> -> memref<1x1x128xi32, #tpu.memory_space<hbm>>
    %dma_wait3A_254 = tpu.memref_squeeze %dma_wait3A_253 : memref<1x1x128xi32, #tpu.memory_space<hbm>> -> memref<1x128xi32, #tpu.memory_space<hbm>>
    %dma_wait3A_255 = arith.constant 0 : i32
    %dma_wait3A_256 = arith.constant 0 : i32
    %dma_wait3A_257 = tpu.memref_slice %arg8[%dma_wait3A_255, %dma_wait3A_256] : memref<2x128xi32, #tpu.memory_space<vmem>> -> memref<1x128xi32, #tpu.memory_space<vmem>>
    %dma_wait3A_258 = arith.constant 0 : i32
    %dma_wait3A_259 = arith.constant 0 : i32
    %dma_wait3A_260 = arith.constant 0 : i32
    %dma_wait3A_261 = tpu.memref_slice %arg4[%add3A, %dma_wait3A_258, %dma_wait3A_259, %dma_wait3A_260] : memref<32x79x1x128xi32, #tpu.memory_space<hbm>> -> memref<1x79x1x128xi32, #tpu.memory_space<hbm>>
    %dma_wait3A_262 = tpu.memref_squeeze %dma_wait3A_261 : memref<1x79x1x128xi32, #tpu.memory_space<hbm>> -> memref<79x1x128xi32, #tpu.memory_space<hbm>>
    %dma_wait3A_263 = arith.constant 0 : i32
    %dma_wait3A_264 = arith.constant 0 : i32
    %dma_wait3A_265 = tpu.memref_slice %dma_wait3A_262[%dma_wait3A_242, %dma_wait3A_263, %dma_wait3A_264] : memref<79x1x128xi32, #tpu.memory_space<hbm>> -> memref<1x1x128xi32, #tpu.memory_space<hbm>>
    %dma_wait3A_266 = tpu.memref_squeeze %dma_wait3A_265 : memref<1x1x128xi32, #tpu.memory_space<hbm>> -> memref<1x128xi32, #tpu.memory_space<hbm>>
    tpu.wait_dma2 semaphore(%arg13 : memref<!tpu.dma_semaphore, #tpu.memory_space<semaphore_mem>>) src(%dma_wait3A_266 : memref<1x128xi32, #tpu.memory_space<hbm>>) dst(%dma_wait3A_257 : memref<1x128xi32, #tpu.memory_space<vmem>>)
    %dma_start3A_267 = arith.constant 0 : i32
    %dma_start3A_268 = arith.constant 0 : i32
    %dma_start3A_269 = arith.constant 0 : i32
    %dma_start3A_270 = arith.constant 0 : i32
    %dma_start3A_271 = tpu.memref_slice %arg9[%dma_start3A_267, %dma_start3A_269, %dma_start3A_270] : memref<2x128x128xf32, #tpu.memory_space<vmem>> -> memref<1x128x128xf32, #tpu.memory_space<vmem>>
    %dma_start3A_272 = tpu.memref_squeeze %dma_start3A_271 : memref<1x128x128xf32, #tpu.memory_space<vmem>> -> memref<128x128xf32, #tpu.memory_space<vmem>>
    %dma_start3A_273 = arith.constant 0 : i32
    %dma_start3A_274 = tpu.memref_slice %arg8[%dma_start3A_268, %dma_start3A_273] : memref<2x128xi32, #tpu.memory_space<vmem>> -> memref<1x128xi32, #tpu.memory_space<vmem>>
    %dma_start3A_275 = tpu.memref_squeeze %dma_start3A_274 : memref<1x128xi32, #tpu.memory_space<vmem>> -> memref<128xi32, #tpu.memory_space<vmem>>
    %dma_start3A_276 = arith.constant 0 : i32
    %dma_start3A_277 = arith.constant 0 : i32
    %dma_start3A_278 = tpu.memref_slice %arg10[%dma_start3A_276, %dma_start3A_277] : memref<10112x128xf32, #tpu.memory_space<vmem_shared>> -> memref<10112x128xf32, #tpu.memory_space<vmem_shared>>
    tpu.enqueue_indirect_dma source(%dma_start3A_272 : memref<128x128xf32, #tpu.memory_space<vmem>>) target(%dma_start3A_278 : memref<10112x128xf32, #tpu.memory_space<vmem_shared>>) offsets(%dma_start3A_275 : memref<128xi32, #tpu.memory_space<vmem>>) semaphore(%arg15 : memref<!tpu.dma_semaphore, #tpu.memory_space<semaphore_mem>>) {add = true}
    %dma_wait3A_279 = arith.constant 0 : i32
    %dma_wait3A_280 = arith.constant 0 : i32
    %dma_wait3A_281 = arith.constant 0 : i32
    %dma_wait3A_282 = arith.constant 0 : i32
    %dma_wait3A_283 = tpu.memref_slice %arg9[%dma_wait3A_279, %dma_wait3A_281, %dma_wait3A_282] : memref<2x128x128xf32, #tpu.memory_space<vmem>> -> memref<1x128x128xf32, #tpu.memory_space<vmem>>
    %dma_wait3A_284 = tpu.memref_squeeze %dma_wait3A_283 : memref<1x128x128xf32, #tpu.memory_space<vmem>> -> memref<128x128xf32, #tpu.memory_space<vmem>>
    %dma_wait3A_285 = arith.constant 0 : i32
    %dma_wait3A_286 = tpu.memref_slice %arg8[%dma_wait3A_280, %dma_wait3A_285] : memref<2x128xi32, #tpu.memory_space<vmem>> -> memref<1x128xi32, #tpu.memory_space<vmem>>
    %dma_wait3A_287 = tpu.memref_squeeze %dma_wait3A_286 : memref<1x128xi32, #tpu.memory_space<vmem>> -> memref<128xi32, #tpu.memory_space<vmem>>
    %dma_wait3A_288 = arith.constant 0 : i32
    %dma_wait3A_289 = arith.constant 0 : i32
    %dma_wait3A_290 = tpu.memref_slice %arg10[%dma_wait3A_288, %dma_wait3A_289] : memref<10112x128xf32, #tpu.memory_space<vmem_shared>> -> memref<10112x128xf32, #tpu.memory_space<vmem_shared>>
    tpu.wait_indirect_dma semaphore(%arg15 : memref<!tpu.dma_semaphore, #tpu.memory_space<semaphore_mem>>) src(%dma_wait3A_284 : memref<128x128xf32, #tpu.memory_space<vmem>>) dst(%dma_wait3A_290 : memref<10112x128xf32, #tpu.memory_space<vmem_shared>>)
    %barrier3A_291 = arith.constant 0 : index
    tpu.barrier barrier_id(%barrier3A_291)
    %mul3A_292 = arith.constant 632 : i32
    %mul3A_293 = arith.muli %arg1, %mul3A_292 : i32
    %mul3A_294 = arith.constant 632 : i32
    %mul3A_295 = arith.muli %arg1, %mul3A_294 : i32
    %run_scoped3A_296 = arith.constant 1 : i32
    "tpu.region"() ({
      %run_scoped3A_599 = tpu.sem_alloc : memref<!tpu.dma_semaphore, #tpu.memory_space<semaphore_mem>>
      %dma_start3A_600 = arith.constant 0 : i32
      %dma_start3A_601 = arith.constant 0 : i32
      %dma_start3A_602 = arith.constant 0 : i32
      %dma_start3A_603 = tpu.memref_slice %arg6[%arg0, %dma_start3A_600, %dma_start3A_601, %dma_start3A_602] : memref<2x4x10112x128xf32, #tpu.memory_space<hbm>> -> memref<1x4x10112x128xf32, #tpu.memory_space<hbm>>
      %dma_start3A_604 = tpu.memref_squeeze %dma_start3A_603 : memref<1x4x10112x128xf32, #tpu.memory_space<hbm>> -> memref<4x10112x128xf32, #tpu.memory_space<hbm>>
      %dma_start3A_605 = arith.constant 0 : i32
      %dma_start3A_606 = arith.constant 0 : i32
      %dma_start3A_607 = tpu.memref_slice %dma_start3A_604[%run_scoped3A_296, %dma_start3A_605, %dma_start3A_606] : memref<4x10112x128xf32, #tpu.memory_space<hbm>> -> memref<1x10112x128xf32, #tpu.memory_space<hbm>>
      %dma_start3A_608 = tpu.memref_squeeze %dma_start3A_607 : memref<1x10112x128xf32, #tpu.memory_space<hbm>> -> memref<10112x128xf32, #tpu.memory_space<hbm>>
      %dma_start3A_609 = arith.constant 0 : i32
      %dma_start3A_610 = tpu.memref_slice %dma_start3A_608[%mul3A_295, %dma_start3A_609] : memref<10112x128xf32, #tpu.memory_space<hbm>> -> memref<632x128xf32, #tpu.memory_space<hbm>>
      %dma_start3A_611 = arith.constant 0 : i32
      %dma_start3A_612 = tpu.memref_slice %arg10[%mul3A_293, %dma_start3A_611] : memref<10112x128xf32, #tpu.memory_space<vmem_shared>> -> memref<632x128xf32, #tpu.memory_space<vmem_shared>>
      tpu.enqueue_dma source(%dma_start3A_612 : memref<632x128xf32, #tpu.memory_space<vmem_shared>>) target(%dma_start3A_610 : memref<632x128xf32, #tpu.memory_space<hbm>>) target_semaphore(%run_scoped3A_599 : memref<!tpu.dma_semaphore, #tpu.memory_space<semaphore_mem>>)
      %dma_wait3A_613 = arith.constant 0 : i32
      %dma_wait3A_614 = arith.constant 0 : i32
      %dma_wait3A_615 = arith.constant 0 : i32
      %dma_wait3A_616 = tpu.memref_slice %arg6[%arg0, %dma_wait3A_613, %dma_wait3A_614, %dma_wait3A_615] : memref<2x4x10112x128xf32, #tpu.memory_space<hbm>> -> memref<1x4x10112x128xf32, #tpu.memory_space<hbm>>
      %dma_wait3A_617 = tpu.memref_squeeze %dma_wait3A_616 : memref<1x4x10112x128xf32, #tpu.memory_space<hbm>> -> memref<4x10112x128xf32, #tpu.memory_space<hbm>>
      %dma_wait3A_618 = arith.constant 0 : i32
      %dma_wait3A_619 = arith.constant 0 : i32
      %dma_wait3A_620 = tpu.memref_slice %dma_wait3A_617[%run_scoped3A_296, %dma_wait3A_618, %dma_wait3A_619] : memref<4x10112x128xf32, #tpu.memory_space<hbm>> -> memref<1x10112x128xf32, #tpu.memory_space<hbm>>
      %dma_wait3A_621 = tpu.memref_squeeze %dma_wait3A_620 : memref<1x10112x128xf32, #tpu.memory_space<hbm>> -> memref<10112x128xf32, #tpu.memory_space<hbm>>
      %dma_wait3A_622 = arith.constant 0 : i32
      %dma_wait3A_623 = tpu.memref_slice %dma_wait3A_621[%mul3A_295, %dma_wait3A_622] : memref<10112x128xf32, #tpu.memory_space<hbm>> -> memref<632x128xf32, #tpu.memory_space<hbm>>
      %dma_wait3A_624 = arith.constant 0 : i32
      %dma_wait3A_625 = tpu.memref_slice %arg10[%mul3A_293, %dma_wait3A_624] : memref<10112x128xf32, #tpu.memory_space<vmem_shared>> -> memref<632x128xf32, #tpu.memory_space<vmem_shared>>
      tpu.wait_dma2 semaphore(%run_scoped3A_599 : memref<!tpu.dma_semaphore, #tpu.memory_space<semaphore_mem>>) src(%dma_wait3A_625 : memref<632x128xf32, #tpu.memory_space<vmem_shared>>) dst(%dma_wait3A_623 : memref<632x128xf32, #tpu.memory_space<hbm>>)
      tpu.yield
    }) : () -> ()
    %barrier3A_297 = arith.constant 0 : index
    tpu.barrier barrier_id(%barrier3A_297)
    %run_scoped3A_298 = arith.constant 2 : i32
    "tpu.region"() ({
      %run_scoped3A_599 = tpu.sem_alloc : memref<!tpu.dma_semaphore, #tpu.memory_space<semaphore_mem>>
      %dma_start3A_600 = arith.constant 0 : i32
      %dma_start3A_601 = arith.constant 0 : i32
      %dma_start3A_602 = arith.constant 0 : i32
      %dma_start3A_603 = tpu.memref_slice %arg3[%run_scoped3A_298, %dma_start3A_600, %dma_start3A_601, %dma_start3A_602] : memref<4x32x79x128xi32, #tpu.memory_space<hbm>> -> memref<1x32x79x128xi32, #tpu.memory_space<hbm>>
      %dma_start3A_604 = tpu.memref_squeeze %dma_start3A_603 : memref<1x32x79x128xi32, #tpu.memory_space<hbm>> -> memref<32x79x128xi32, #tpu.memory_space<hbm>>
      %dma_start3A_605 = arith.constant 0 : i32
      %dma_start3A_606 = arith.constant 0 : i32
      %dma_start3A_607 = tpu.memref_slice %dma_start3A_604[%add3A, %dma_start3A_605, %dma_start3A_606] : memref<32x79x128xi32, #tpu.memory_space<hbm>> -> memref<1x79x128xi32, #tpu.memory_space<hbm>>
      %dma_start3A_608 = tpu.memref_squeeze %dma_start3A_607 : memref<1x79x128xi32, #tpu.memory_space<hbm>> -> memref<79x128xi32, #tpu.memory_space<hbm>>
      %dma_start3A_609 = arith.constant 0 : i32
      %dma_start3A_610 = arith.constant 0 : i32
      %dma_start3A_611 = arith.constant 0 : i32
      %dma_start3A_612 = tpu.memref_slice %arg3[%run_scoped3A_298, %dma_start3A_609, %dma_start3A_610, %dma_start3A_611] : memref<4x32x79x128xi32, #tpu.memory_space<hbm>> -> memref<1x32x79x128xi32, #tpu.memory_space<hbm>>
      %dma_start3A_613 = tpu.memref_squeeze %dma_start3A_612 : memref<1x32x79x128xi32, #tpu.memory_space<hbm>> -> memref<32x79x128xi32, #tpu.memory_space<hbm>>
      %dma_start3A_614 = arith.constant 0 : i32
      %dma_start3A_615 = arith.constant 0 : i32
      %dma_start3A_616 = tpu.memref_slice %dma_start3A_613[%add3A, %dma_start3A_614, %dma_start3A_615] : memref<32x79x128xi32, #tpu.memory_space<hbm>> -> memref<1x79x128xi32, #tpu.memory_space<hbm>>
      %dma_start3A_617 = tpu.memref_squeeze %dma_start3A_616 : memref<1x79x128xi32, #tpu.memory_space<hbm>> -> memref<79x128xi32, #tpu.memory_space<hbm>>
      tpu.enqueue_dma source(%dma_start3A_617 : memref<79x128xi32, #tpu.memory_space<hbm>>) target(%arg7 : memref<79x128xi32, #tpu.memory_space<vmem>>) target_semaphore(%run_scoped3A_599 : memref<!tpu.dma_semaphore, #tpu.memory_space<semaphore_mem>>)
      %dma_wait3A_618 = arith.constant 0 : i32
      %dma_wait3A_619 = arith.constant 0 : i32
      %dma_wait3A_620 = arith.constant 0 : i32
      %dma_wait3A_621 = tpu.memref_slice %arg3[%run_scoped3A_298, %dma_wait3A_618, %dma_wait3A_619, %dma_wait3A_620] : memref<4x32x79x128xi32, #tpu.memory_space<hbm>> -> memref<1x32x79x128xi32, #tpu.memory_space<hbm>>
      %dma_wait3A_622 = tpu.memref_squeeze %dma_wait3A_621 : memref<1x32x79x128xi32, #tpu.memory_space<hbm>> -> memref<32x79x128xi32, #tpu.memory_space<hbm>>
      %dma_wait3A_623 = arith.constant 0 : i32
      %dma_wait3A_624 = arith.constant 0 : i32
      %dma_wait3A_625 = tpu.memref_slice %dma_wait3A_622[%add3A, %dma_wait3A_623, %dma_wait3A_624] : memref<32x79x128xi32, #tpu.memory_space<hbm>> -> memref<1x79x128xi32, #tpu.memory_space<hbm>>
      %dma_wait3A_626 = tpu.memref_squeeze %dma_wait3A_625 : memref<1x79x128xi32, #tpu.memory_space<hbm>> -> memref<79x128xi32, #tpu.memory_space<hbm>>
      %dma_wait3A_627 = arith.constant 0 : i32
      %dma_wait3A_628 = arith.constant 0 : i32
      %dma_wait3A_629 = arith.constant 0 : i32
      %dma_wait3A_630 = tpu.memref_slice %arg3[%run_scoped3A_298, %dma_wait3A_627, %dma_wait3A_628, %dma_wait3A_629] : memref<4x32x79x128xi32, #tpu.memory_space<hbm>> -> memref<1x32x79x128xi32, #tpu.memory_space<hbm>>
      %dma_wait3A_631 = tpu.memref_squeeze %dma_wait3A_630 : memref<1x32x79x128xi32, #tpu.memory_space<hbm>> -> memref<32x79x128xi32, #tpu.memory_space<hbm>>
      %dma_wait3A_632 = arith.constant 0 : i32
      %dma_wait3A_633 = arith.constant 0 : i32
      %dma_wait3A_634 = tpu.memref_slice %dma_wait3A_631[%add3A, %dma_wait3A_632, %dma_wait3A_633] : memref<32x79x128xi32, #tpu.memory_space<hbm>> -> memref<1x79x128xi32, #tpu.memory_space<hbm>>
      %dma_wait3A_635 = tpu.memref_squeeze %dma_wait3A_634 : memref<1x79x128xi32, #tpu.memory_space<hbm>> -> memref<79x128xi32, #tpu.memory_space<hbm>>
      tpu.wait_dma2 semaphore(%run_scoped3A_599 : memref<!tpu.dma_semaphore, #tpu.memory_space<semaphore_mem>>) src(%dma_wait3A_635 : memref<79x128xi32, #tpu.memory_space<hbm>>) dst(%arg7 : memref<79x128xi32, #tpu.memory_space<vmem>>)
      tpu.yield
    }) : () -> ()
    %mul3A_299 = arith.constant 632 : i32
    %mul3A_300 = arith.muli %arg1, %mul3A_299 : i32
    "tpu.region"() ({
      %run_scoped3A_599 = tpu.sem_alloc : memref<!tpu.dma_semaphore, #tpu.memory_space<semaphore_mem>>
      %dma_start3A_600 = arith.constant 0 : i32
      %dma_start3A_601 = tpu.memref_slice %arg10[%mul3A_300, %dma_start3A_600] : memref<10112x128xf32, #tpu.memory_space<vmem_shared>> -> memref<632x128xf32, #tpu.memory_space<vmem_shared>>
      tpu.enqueue_dma source(%arg5 : memref<632x128xf32, #tpu.memory_space<hbm>>) target(%dma_start3A_601 : memref<632x128xf32, #tpu.memory_space<vmem_shared>>) target_semaphore(%run_scoped3A_599 : memref<!tpu.dma_semaphore, #tpu.memory_space<semaphore_mem>>)
      %dma_wait3A_602 = arith.constant 0 : i32
      %dma_wait3A_603 = tpu.memref_slice %arg10[%mul3A_300, %dma_wait3A_602] : memref<10112x128xf32, #tpu.memory_space<vmem_shared>> -> memref<632x128xf32, #tpu.memory_space<vmem_shared>>
      tpu.wait_dma2 semaphore(%run_scoped3A_599 : memref<!tpu.dma_semaphore, #tpu.memory_space<semaphore_mem>>) src(%arg5 : memref<632x128xf32, #tpu.memory_space<hbm>>) dst(%dma_wait3A_603 : memref<632x128xf32, #tpu.memory_space<vmem_shared>>)
      tpu.yield
    }) : () -> ()
    %barrier3A_301 = arith.constant 0 : index
    tpu.barrier barrier_id(%barrier3A_301)
    %dma_start3A_302 = arith.constant 0 : i32
    %dma_start3A_303 = arith.constant 0 : i32
    %dma_start3A_304 = arith.constant 0 : i32
    %dma_start3A_305 = arith.constant 0 : i32
    %dma_start3A_306 = tpu.memref_slice %arg9[%dma_start3A_303, %dma_start3A_304, %dma_start3A_305] : memref<2x128x128xf32, #tpu.memory_space<vmem>> -> memref<1x128x128xf32, #tpu.memory_space<vmem>>
    %dma_start3A_307 = tpu.memref_squeeze %dma_start3A_306 : memref<1x128x128xf32, #tpu.memory_space<vmem>> -> memref<128x128xf32, #tpu.memory_space<vmem>>
    %dma_start3A_308 = arith.constant 0 : i32
    %dma_start3A_309 = tpu.memref_slice %arg7[%dma_start3A_302, %dma_start3A_308] : memref<79x128xi32, #tpu.memory_space<vmem>> -> memref<1x128xi32, #tpu.memory_space<vmem>>
    %dma_start3A_310 = tpu.memref_squeeze %dma_start3A_309 : memref<1x128xi32, #tpu.memory_space<vmem>> -> memref<128xi32, #tpu.memory_space<vmem>>
    %dma_start3A_311 = arith.constant 0 : i32
    %dma_start3A_312 = arith.constant 0 : i32
    %dma_start3A_313 = tpu.memref_slice %arg2[%dma_start3A_311, %dma_start3A_312] : memref<40000x128xf32, #tpu.memory_space<hbm>> -> memref<40000x128xf32, #tpu.memory_space<hbm>>
    tpu.enqueue_indirect_dma source(%dma_start3A_313 : memref<40000x128xf32, #tpu.memory_space<hbm>>) target(%dma_start3A_307 : memref<128x128xf32, #tpu.memory_space<vmem>>) offsets(%dma_start3A_310 : memref<128xi32, #tpu.memory_space<vmem>>) semaphore(%arg11 : memref<!tpu.dma_semaphore, #tpu.memory_space<semaphore_mem>>)
    %dma_start3A_314 = arith.constant 0 : i32
    %dma_start3A_315 = arith.constant 0 : i32
    %dma_start3A_316 = arith.constant 0 : i32
    %dma_start3A_317 = tpu.memref_slice %arg8[%dma_start3A_315, %dma_start3A_316] : memref<2x128xi32, #tpu.memory_space<vmem>> -> memref<1x128xi32, #tpu.memory_space<vmem>>
    %dma_start3A_318 = arith.constant 0 : i32
    %dma_start3A_319 = arith.constant 0 : i32
    %dma_start3A_320 = arith.constant 0 : i32
    %dma_start3A_321 = tpu.memref_slice %arg4[%add3A, %dma_start3A_318, %dma_start3A_319, %dma_start3A_320] : memref<32x79x1x128xi32, #tpu.memory_space<hbm>> -> memref<1x79x1x128xi32, #tpu.memory_space<hbm>>
    %dma_start3A_322 = tpu.memref_squeeze %dma_start3A_321 : memref<1x79x1x128xi32, #tpu.memory_space<hbm>> -> memref<79x1x128xi32, #tpu.memory_space<hbm>>
    %dma_start3A_323 = arith.constant 0 : i32
    %dma_start3A_324 = arith.constant 0 : i32
    %dma_start3A_325 = tpu.memref_slice %dma_start3A_322[%dma_start3A_314, %dma_start3A_323, %dma_start3A_324] : memref<79x1x128xi32, #tpu.memory_space<hbm>> -> memref<1x1x128xi32, #tpu.memory_space<hbm>>
    %dma_start3A_326 = tpu.memref_squeeze %dma_start3A_325 : memref<1x1x128xi32, #tpu.memory_space<hbm>> -> memref<1x128xi32, #tpu.memory_space<hbm>>
    %dma_start3A_327 = arith.constant 0 : i32
    %dma_start3A_328 = arith.constant 0 : i32
    %dma_start3A_329 = tpu.memref_slice %arg8[%dma_start3A_327, %dma_start3A_328] : memref<2x128xi32, #tpu.memory_space<vmem>> -> memref<1x128xi32, #tpu.memory_space<vmem>>
    %dma_start3A_330 = arith.constant 0 : i32
    %dma_start3A_331 = arith.constant 0 : i32
    %dma_start3A_332 = arith.constant 0 : i32
    %dma_start3A_333 = tpu.memref_slice %arg4[%add3A, %dma_start3A_330, %dma_start3A_331, %dma_start3A_332] : memref<32x79x1x128xi32, #tpu.memory_space<hbm>> -> memref<1x79x1x128xi32, #tpu.memory_space<hbm>>
    %dma_start3A_334 = tpu.memref_squeeze %dma_start3A_333 : memref<1x79x1x128xi32, #tpu.memory_space<hbm>> -> memref<79x1x128xi32, #tpu.memory_space<hbm>>
    %dma_start3A_335 = arith.constant 0 : i32
    %dma_start3A_336 = arith.constant 0 : i32
    %dma_start3A_337 = tpu.memref_slice %dma_start3A_334[%dma_start3A_314, %dma_start3A_335, %dma_start3A_336] : memref<79x1x128xi32, #tpu.memory_space<hbm>> -> memref<1x1x128xi32, #tpu.memory_space<hbm>>
    %dma_start3A_338 = tpu.memref_squeeze %dma_start3A_337 : memref<1x1x128xi32, #tpu.memory_space<hbm>> -> memref<1x128xi32, #tpu.memory_space<hbm>>
    tpu.enqueue_dma source(%dma_start3A_338 : memref<1x128xi32, #tpu.memory_space<hbm>>) target(%dma_start3A_329 : memref<1x128xi32, #tpu.memory_space<vmem>>) target_semaphore(%arg13 : memref<!tpu.dma_semaphore, #tpu.memory_space<semaphore_mem>>)
    %dma_start3A_339 = arith.constant 1 : i32
    %dma_start3A_340 = arith.constant 1 : i32
    %dma_start3A_341 = arith.constant 0 : i32
    %dma_start3A_342 = arith.constant 0 : i32
    %dma_start3A_343 = tpu.memref_slice %arg9[%dma_start3A_340, %dma_start3A_341, %dma_start3A_342] : memref<2x128x128xf32, #tpu.memory_space<vmem>> -> memref<1x128x128xf32, #tpu.memory_space<vmem>>
    %dma_start3A_344 = tpu.memref_squeeze %dma_start3A_343 : memref<1x128x128xf32, #tpu.memory_space<vmem>> -> memref<128x128xf32, #tpu.memory_space<vmem>>
    %dma_start3A_345 = arith.constant 0 : i32
    %dma_start3A_346 = tpu.memref_slice %arg7[%dma_start3A_339, %dma_start3A_345] : memref<79x128xi32, #tpu.memory_space<vmem>> -> memref<1x128xi32, #tpu.memory_space<vmem>>
    %dma_start3A_347 = tpu.memref_squeeze %dma_start3A_346 : memref<1x128xi32, #tpu.memory_space<vmem>> -> memref<128xi32, #tpu.memory_space<vmem>>
    %dma_start3A_348 = arith.constant 0 : i32
    %dma_start3A_349 = arith.constant 0 : i32
    %dma_start3A_350 = tpu.memref_slice %arg2[%dma_start3A_348, %dma_start3A_349] : memref<40000x128xf32, #tpu.memory_space<hbm>> -> memref<40000x128xf32, #tpu.memory_space<hbm>>
    tpu.enqueue_indirect_dma source(%dma_start3A_350 : memref<40000x128xf32, #tpu.memory_space<hbm>>) target(%dma_start3A_344 : memref<128x128xf32, #tpu.memory_space<vmem>>) offsets(%dma_start3A_347 : memref<128xi32, #tpu.memory_space<vmem>>) semaphore(%arg12 : memref<!tpu.dma_semaphore, #tpu.memory_space<semaphore_mem>>)
    %dma_start3A_351 = arith.constant 1 : i32
    %dma_start3A_352 = arith.constant 1 : i32
    %dma_start3A_353 = arith.constant 0 : i32
    %dma_start3A_354 = tpu.memref_slice %arg8[%dma_start3A_352, %dma_start3A_353] : memref<2x128xi32, #tpu.memory_space<vmem>> -> memref<1x128xi32, #tpu.memory_space<vmem>>
    %dma_start3A_355 = arith.constant 0 : i32
    %dma_start3A_356 = arith.constant 0 : i32
    %dma_start3A_357 = arith.constant 0 : i32
    %dma_start3A_358 = tpu.memref_slice %arg4[%add3A, %dma_start3A_355, %dma_start3A_356, %dma_start3A_357] : memref<32x79x1x128xi32, #tpu.memory_space<hbm>> -> memref<1x79x1x128xi32, #tpu.memory_space<hbm>>
    %dma_start3A_359 = tpu.memref_squeeze %dma_start3A_358 : memref<1x79x1x128xi32, #tpu.memory_space<hbm>> -> memref<79x1x128xi32, #tpu.memory_space<hbm>>
    %dma_start3A_360 = arith.constant 0 : i32
    %dma_start3A_361 = arith.constant 0 : i32
    %dma_start3A_362 = tpu.memref_slice %dma_start3A_359[%dma_start3A_351, %dma_start3A_360, %dma_start3A_361] : memref<79x1x128xi32, #tpu.memory_space<hbm>> -> memref<1x1x128xi32, #tpu.memory_space<hbm>>
    %dma_start3A_363 = tpu.memref_squeeze %dma_start3A_362 : memref<1x1x128xi32, #tpu.memory_space<hbm>> -> memref<1x128xi32, #tpu.memory_space<hbm>>
    %dma_start3A_364 = arith.constant 1 : i32
    %dma_start3A_365 = arith.constant 0 : i32
    %dma_start3A_366 = tpu.memref_slice %arg8[%dma_start3A_364, %dma_start3A_365] : memref<2x128xi32, #tpu.memory_space<vmem>> -> memref<1x128xi32, #tpu.memory_space<vmem>>
    %dma_start3A_367 = arith.constant 0 : i32
    %dma_start3A_368 = arith.constant 0 : i32
    %dma_start3A_369 = arith.constant 0 : i32
    %dma_start3A_370 = tpu.memref_slice %arg4[%add3A, %dma_start3A_367, %dma_start3A_368, %dma_start3A_369] : memref<32x79x1x128xi32, #tpu.memory_space<hbm>> -> memref<1x79x1x128xi32, #tpu.memory_space<hbm>>
    %dma_start3A_371 = tpu.memref_squeeze %dma_start3A_370 : memref<1x79x1x128xi32, #tpu.memory_space<hbm>> -> memref<79x1x128xi32, #tpu.memory_space<hbm>>
    %dma_start3A_372 = arith.constant 0 : i32
    %dma_start3A_373 = arith.constant 0 : i32
    %dma_start3A_374 = tpu.memref_slice %dma_start3A_371[%dma_start3A_351, %dma_start3A_372, %dma_start3A_373] : memref<79x1x128xi32, #tpu.memory_space<hbm>> -> memref<1x1x128xi32, #tpu.memory_space<hbm>>
    %dma_start3A_375 = tpu.memref_squeeze %dma_start3A_374 : memref<1x1x128xi32, #tpu.memory_space<hbm>> -> memref<1x128xi32, #tpu.memory_space<hbm>>
    tpu.enqueue_dma source(%dma_start3A_375 : memref<1x128xi32, #tpu.memory_space<hbm>>) target(%dma_start3A_366 : memref<1x128xi32, #tpu.memory_space<vmem>>) target_semaphore(%arg14 : memref<!tpu.dma_semaphore, #tpu.memory_space<semaphore_mem>>)
    %scan3A_376 = arith.constant 0 : i32
    %scan3A_377 = arith.constant 39 : i32
    %scan3A_378 = arith.addi %scan3A_376, %scan3A_377 : i32
    %scan3A_379 = arith.constant 1 : i32
    scf.for %scan3A_599 = %scan3A_376 to %scan3A_378 step %scan3A_379  : i32 {
      %mul3A_600 = arith.constant 2 : i32
      %mul3A_601 = arith.muli %scan3A_599, %mul3A_600 : i32
      %add3A_602 = arith.constant 0 : i32
      %add3A_603 = arith.addi %add3A_602, %mul3A_601 : i32
      %dma_wait3A_604 = arith.constant 0 : i32
      %dma_wait3A_605 = arith.constant 0 : i32
      %dma_wait3A_606 = arith.constant 0 : i32
      %dma_wait3A_607 = arith.constant 0 : i32
      %dma_wait3A_608 = tpu.memref_slice %arg9[%dma_wait3A_605, %dma_wait3A_606, %dma_wait3A_607] : memref<2x128x128xf32, #tpu.memory_space<vmem>> -> memref<1x128x128xf32, #tpu.memory_space<vmem>>
      %dma_wait3A_609 = tpu.memref_squeeze %dma_wait3A_608 : memref<1x128x128xf32, #tpu.memory_space<vmem>> -> memref<128x128xf32, #tpu.memory_space<vmem>>
      %dma_wait3A_610 = arith.constant 0 : i32
      %dma_wait3A_611 = tpu.memref_slice %arg7[%dma_wait3A_604, %dma_wait3A_610] : memref<79x128xi32, #tpu.memory_space<vmem>> -> memref<1x128xi32, #tpu.memory_space<vmem>>
      %dma_wait3A_612 = tpu.memref_squeeze %dma_wait3A_611 : memref<1x128xi32, #tpu.memory_space<vmem>> -> memref<128xi32, #tpu.memory_space<vmem>>
      %dma_wait3A_613 = arith.constant 0 : i32
      %dma_wait3A_614 = arith.constant 0 : i32
      %dma_wait3A_615 = tpu.memref_slice %arg2[%dma_wait3A_613, %dma_wait3A_614] : memref<40000x128xf32, #tpu.memory_space<hbm>> -> memref<40000x128xf32, #tpu.memory_space<hbm>>
      tpu.wait_indirect_dma semaphore(%arg11 : memref<!tpu.dma_semaphore, #tpu.memory_space<semaphore_mem>>) src(%dma_wait3A_615 : memref<40000x128xf32, #tpu.memory_space<hbm>>) dst(%dma_wait3A_609 : memref<128x128xf32, #tpu.memory_space<vmem>>)
      %dma_wait3A_616 = arith.constant 0 : i32
      %dma_wait3A_617 = arith.constant 0 : i32
      %dma_wait3A_618 = arith.constant 0 : i32
      %dma_wait3A_619 = tpu.memref_slice %arg8[%dma_wait3A_617, %dma_wait3A_618] : memref<2x128xi32, #tpu.memory_space<vmem>> -> memref<1x128xi32, #tpu.memory_space<vmem>>
      %dma_wait3A_620 = arith.constant 0 : i32
      %dma_wait3A_621 = arith.constant 0 : i32
      %dma_wait3A_622 = arith.constant 0 : i32
      %dma_wait3A_623 = tpu.memref_slice %arg4[%add3A, %dma_wait3A_620, %dma_wait3A_621, %dma_wait3A_622] : memref<32x79x1x128xi32, #tpu.memory_space<hbm>> -> memref<1x79x1x128xi32, #tpu.memory_space<hbm>>
      %dma_wait3A_624 = tpu.memref_squeeze %dma_wait3A_623 : memref<1x79x1x128xi32, #tpu.memory_space<hbm>> -> memref<79x1x128xi32, #tpu.memory_space<hbm>>
      %dma_wait3A_625 = arith.constant 0 : i32
      %dma_wait3A_626 = arith.constant 0 : i32
      %dma_wait3A_627 = tpu.memref_slice %dma_wait3A_624[%dma_wait3A_616, %dma_wait3A_625, %dma_wait3A_626] : memref<79x1x128xi32, #tpu.memory_space<hbm>> -> memref<1x1x128xi32, #tpu.memory_space<hbm>>
      %dma_wait3A_628 = tpu.memref_squeeze %dma_wait3A_627 : memref<1x1x128xi32, #tpu.memory_space<hbm>> -> memref<1x128xi32, #tpu.memory_space<hbm>>
      %dma_wait3A_629 = arith.constant 0 : i32
      %dma_wait3A_630 = arith.constant 0 : i32
      %dma_wait3A_631 = tpu.memref_slice %arg8[%dma_wait3A_629, %dma_wait3A_630] : memref<2x128xi32, #tpu.memory_space<vmem>> -> memref<1x128xi32, #tpu.memory_space<vmem>>
      %dma_wait3A_632 = arith.constant 0 : i32
      %dma_wait3A_633 = arith.constant 0 : i32
      %dma_wait3A_634 = arith.constant 0 : i32
      %dma_wait3A_635 = tpu.memref_slice %arg4[%add3A, %dma_wait3A_632, %dma_wait3A_633, %dma_wait3A_634] : memref<32x79x1x128xi32, #tpu.memory_space<hbm>> -> memref<1x79x1x128xi32, #tpu.memory_space<hbm>>
      %dma_wait3A_636 = tpu.memref_squeeze %dma_wait3A_635 : memref<1x79x1x128xi32, #tpu.memory_space<hbm>> -> memref<79x1x128xi32, #tpu.memory_space<hbm>>
      %dma_wait3A_637 = arith.constant 0 : i32
      %dma_wait3A_638 = arith.constant 0 : i32
      %dma_wait3A_639 = tpu.memref_slice %dma_wait3A_636[%dma_wait3A_616, %dma_wait3A_637, %dma_wait3A_638] : memref<79x1x128xi32, #tpu.memory_space<hbm>> -> memref<1x1x128xi32, #tpu.memory_space<hbm>>
      %dma_wait3A_640 = tpu.memref_squeeze %dma_wait3A_639 : memref<1x1x128xi32, #tpu.memory_space<hbm>> -> memref<1x128xi32, #tpu.memory_space<hbm>>
      tpu.wait_dma2 semaphore(%arg13 : memref<!tpu.dma_semaphore, #tpu.memory_space<semaphore_mem>>) src(%dma_wait3A_640 : memref<1x128xi32, #tpu.memory_space<hbm>>) dst(%dma_wait3A_631 : memref<1x128xi32, #tpu.memory_space<vmem>>)
      %dma_start3A_641 = arith.constant 0 : i32
      %dma_start3A_642 = arith.constant 0 : i32
      %dma_start3A_643 = arith.constant 0 : i32
      %dma_start3A_644 = arith.constant 0 : i32
      %dma_start3A_645 = tpu.memref_slice %arg9[%dma_start3A_641, %dma_start3A_643, %dma_start3A_644] : memref<2x128x128xf32, #tpu.memory_space<vmem>> -> memref<1x128x128xf32, #tpu.memory_space<vmem>>
      %dma_start3A_646 = tpu.memref_squeeze %dma_start3A_645 : memref<1x128x128xf32, #tpu.memory_space<vmem>> -> memref<128x128xf32, #tpu.memory_space<vmem>>
      %dma_start3A_647 = arith.constant 0 : i32
      %dma_start3A_648 = tpu.memref_slice %arg8[%dma_start3A_642, %dma_start3A_647] : memref<2x128xi32, #tpu.memory_space<vmem>> -> memref<1x128xi32, #tpu.memory_space<vmem>>
      %dma_start3A_649 = tpu.memref_squeeze %dma_start3A_648 : memref<1x128xi32, #tpu.memory_space<vmem>> -> memref<128xi32, #tpu.memory_space<vmem>>
      %dma_start3A_650 = arith.constant 0 : i32
      %dma_start3A_651 = arith.constant 0 : i32
      %dma_start3A_652 = tpu.memref_slice %arg10[%dma_start3A_650, %dma_start3A_651] : memref<10112x128xf32, #tpu.memory_space<vmem_shared>> -> memref<10112x128xf32, #tpu.memory_space<vmem_shared>>
      tpu.enqueue_indirect_dma source(%dma_start3A_646 : memref<128x128xf32, #tpu.memory_space<vmem>>) target(%dma_start3A_652 : memref<10112x128xf32, #tpu.memory_space<vmem_shared>>) offsets(%dma_start3A_649 : memref<128xi32, #tpu.memory_space<vmem>>) semaphore(%arg15 : memref<!tpu.dma_semaphore, #tpu.memory_space<semaphore_mem>>) {add = true}
      %dma_wait3A_653 = arith.constant 0 : i32
      %dma_wait3A_654 = arith.constant 1 : i32
      %dma_wait3A_655 = arith.constant 0 : i32
      %dma_wait3A_656 = arith.constant 0 : i32
      %dma_wait3A_657 = tpu.memref_slice %arg9[%dma_wait3A_654, %dma_wait3A_655, %dma_wait3A_656] : memref<2x128x128xf32, #tpu.memory_space<vmem>> -> memref<1x128x128xf32, #tpu.memory_space<vmem>>
      %dma_wait3A_658 = tpu.memref_squeeze %dma_wait3A_657 : memref<1x128x128xf32, #tpu.memory_space<vmem>> -> memref<128x128xf32, #tpu.memory_space<vmem>>
      %dma_wait3A_659 = arith.constant 0 : i32
      %dma_wait3A_660 = tpu.memref_slice %arg7[%dma_wait3A_653, %dma_wait3A_659] : memref<79x128xi32, #tpu.memory_space<vmem>> -> memref<1x128xi32, #tpu.memory_space<vmem>>
      %dma_wait3A_661 = tpu.memref_squeeze %dma_wait3A_660 : memref<1x128xi32, #tpu.memory_space<vmem>> -> memref<128xi32, #tpu.memory_space<vmem>>
      %dma_wait3A_662 = arith.constant 0 : i32
      %dma_wait3A_663 = arith.constant 0 : i32
      %dma_wait3A_664 = tpu.memref_slice %arg2[%dma_wait3A_662, %dma_wait3A_663] : memref<40000x128xf32, #tpu.memory_space<hbm>> -> memref<40000x128xf32, #tpu.memory_space<hbm>>
      tpu.wait_indirect_dma semaphore(%arg12 : memref<!tpu.dma_semaphore, #tpu.memory_space<semaphore_mem>>) src(%dma_wait3A_664 : memref<40000x128xf32, #tpu.memory_space<hbm>>) dst(%dma_wait3A_658 : memref<128x128xf32, #tpu.memory_space<vmem>>)
      %dma_wait3A_665 = arith.constant 0 : i32
      %dma_wait3A_666 = arith.constant 1 : i32
      %dma_wait3A_667 = arith.constant 0 : i32
      %dma_wait3A_668 = tpu.memref_slice %arg8[%dma_wait3A_666, %dma_wait3A_667] : memref<2x128xi32, #tpu.memory_space<vmem>> -> memref<1x128xi32, #tpu.memory_space<vmem>>
      %dma_wait3A_669 = arith.constant 0 : i32
      %dma_wait3A_670 = arith.constant 0 : i32
      %dma_wait3A_671 = arith.constant 0 : i32
      %dma_wait3A_672 = tpu.memref_slice %arg4[%add3A, %dma_wait3A_669, %dma_wait3A_670, %dma_wait3A_671] : memref<32x79x1x128xi32, #tpu.memory_space<hbm>> -> memref<1x79x1x128xi32, #tpu.memory_space<hbm>>
      %dma_wait3A_673 = tpu.memref_squeeze %dma_wait3A_672 : memref<1x79x1x128xi32, #tpu.memory_space<hbm>> -> memref<79x1x128xi32, #tpu.memory_space<hbm>>
      %dma_wait3A_674 = arith.constant 0 : i32
      %dma_wait3A_675 = arith.constant 0 : i32
      %dma_wait3A_676 = tpu.memref_slice %dma_wait3A_673[%dma_wait3A_665, %dma_wait3A_674, %dma_wait3A_675] : memref<79x1x128xi32, #tpu.memory_space<hbm>> -> memref<1x1x128xi32, #tpu.memory_space<hbm>>
      %dma_wait3A_677 = tpu.memref_squeeze %dma_wait3A_676 : memref<1x1x128xi32, #tpu.memory_space<hbm>> -> memref<1x128xi32, #tpu.memory_space<hbm>>
      %dma_wait3A_678 = arith.constant 1 : i32
      %dma_wait3A_679 = arith.constant 0 : i32
      %dma_wait3A_680 = tpu.memref_slice %arg8[%dma_wait3A_678, %dma_wait3A_679] : memref<2x128xi32, #tpu.memory_space<vmem>> -> memref<1x128xi32, #tpu.memory_space<vmem>>
      %dma_wait3A_681 = arith.constant 0 : i32
      %dma_wait3A_682 = arith.constant 0 : i32
      %dma_wait3A_683 = arith.constant 0 : i32
      %dma_wait3A_684 = tpu.memref_slice %arg4[%add3A, %dma_wait3A_681, %dma_wait3A_682, %dma_wait3A_683] : memref<32x79x1x128xi32, #tpu.memory_space<hbm>> -> memref<1x79x1x128xi32, #tpu.memory_space<hbm>>
      %dma_wait3A_685 = tpu.memref_squeeze %dma_wait3A_684 : memref<1x79x1x128xi32, #tpu.memory_space<hbm>> -> memref<79x1x128xi32, #tpu.memory_space<hbm>>
      %dma_wait3A_686 = arith.constant 0 : i32
      %dma_wait3A_687 = arith.constant 0 : i32
      %dma_wait3A_688 = tpu.memref_slice %dma_wait3A_685[%dma_wait3A_665, %dma_wait3A_686, %dma_wait3A_687] : memref<79x1x128xi32, #tpu.memory_space<hbm>> -> memref<1x1x128xi32, #tpu.memory_space<hbm>>
      %dma_wait3A_689 = tpu.memref_squeeze %dma_wait3A_688 : memref<1x1x128xi32, #tpu.memory_space<hbm>> -> memref<1x128xi32, #tpu.memory_space<hbm>>
      tpu.wait_dma2 semaphore(%arg14 : memref<!tpu.dma_semaphore, #tpu.memory_space<semaphore_mem>>) src(%dma_wait3A_689 : memref<1x128xi32, #tpu.memory_space<hbm>>) dst(%dma_wait3A_680 : memref<1x128xi32, #tpu.memory_space<vmem>>)
      %dma_start3A_690 = arith.constant 1 : i32
      %dma_start3A_691 = arith.constant 1 : i32
      %dma_start3A_692 = arith.constant 0 : i32
      %dma_start3A_693 = arith.constant 0 : i32
      %dma_start3A_694 = tpu.memref_slice %arg9[%dma_start3A_690, %dma_start3A_692, %dma_start3A_693] : memref<2x128x128xf32, #tpu.memory_space<vmem>> -> memref<1x128x128xf32, #tpu.memory_space<vmem>>
      %dma_start3A_695 = tpu.memref_squeeze %dma_start3A_694 : memref<1x128x128xf32, #tpu.memory_space<vmem>> -> memref<128x128xf32, #tpu.memory_space<vmem>>
      %dma_start3A_696 = arith.constant 0 : i32
      %dma_start3A_697 = tpu.memref_slice %arg8[%dma_start3A_691, %dma_start3A_696] : memref<2x128xi32, #tpu.memory_space<vmem>> -> memref<1x128xi32, #tpu.memory_space<vmem>>
      %dma_start3A_698 = tpu.memref_squeeze %dma_start3A_697 : memref<1x128xi32, #tpu.memory_space<vmem>> -> memref<128xi32, #tpu.memory_space<vmem>>
      %dma_start3A_699 = arith.constant 0 : i32
      %dma_start3A_700 = arith.constant 0 : i32
      %dma_start3A_701 = tpu.memref_slice %arg10[%dma_start3A_699, %dma_start3A_700] : memref<10112x128xf32, #tpu.memory_space<vmem_shared>> -> memref<10112x128xf32, #tpu.memory_space<vmem_shared>>
      tpu.enqueue_indirect_dma source(%dma_start3A_695 : memref<128x128xf32, #tpu.memory_space<vmem>>) target(%dma_start3A_701 : memref<10112x128xf32, #tpu.memory_space<vmem_shared>>) offsets(%dma_start3A_698 : memref<128xi32, #tpu.memory_space<vmem>>) semaphore(%arg16 : memref<!tpu.dma_semaphore, #tpu.memory_space<semaphore_mem>>) {add = true}
      %dma_wait3A_702 = arith.constant 0 : i32
      %dma_wait3A_703 = arith.constant 0 : i32
      %dma_wait3A_704 = arith.constant 0 : i32
      %dma_wait3A_705 = arith.constant 0 : i32
      %dma_wait3A_706 = tpu.memref_slice %arg9[%dma_wait3A_702, %dma_wait3A_704, %dma_wait3A_705] : memref<2x128x128xf32, #tpu.memory_space<vmem>> -> memref<1x128x128xf32, #tpu.memory_space<vmem>>
      %dma_wait3A_707 = tpu.memref_squeeze %dma_wait3A_706 : memref<1x128x128xf32, #tpu.memory_space<vmem>> -> memref<128x128xf32, #tpu.memory_space<vmem>>
      %dma_wait3A_708 = arith.constant 0 : i32
      %dma_wait3A_709 = tpu.memref_slice %arg8[%dma_wait3A_703, %dma_wait3A_708] : memref<2x128xi32, #tpu.memory_space<vmem>> -> memref<1x128xi32, #tpu.memory_space<vmem>>
      %dma_wait3A_710 = tpu.memref_squeeze %dma_wait3A_709 : memref<1x128xi32, #tpu.memory_space<vmem>> -> memref<128xi32, #tpu.memory_space<vmem>>
      %dma_wait3A_711 = arith.constant 0 : i32
      %dma_wait3A_712 = arith.constant 0 : i32
      %dma_wait3A_713 = tpu.memref_slice %arg10[%dma_wait3A_711, %dma_wait3A_712] : memref<10112x128xf32, #tpu.memory_space<vmem_shared>> -> memref<10112x128xf32, #tpu.memory_space<vmem_shared>>
      tpu.wait_indirect_dma semaphore(%arg15 : memref<!tpu.dma_semaphore, #tpu.memory_space<semaphore_mem>>) src(%dma_wait3A_707 : memref<128x128xf32, #tpu.memory_space<vmem>>) dst(%dma_wait3A_713 : memref<10112x128xf32, #tpu.memory_space<vmem_shared>>)
      %add3A_714 = arith.constant 2 : i32
      %add3A_715 = arith.addi %add3A_603, %add3A_714 : i32
      %lt3A = arith.constant 79 : i32
      %lt3A_716 = arith.cmpi slt, %add3A_715, %lt3A : i32
      %convert_element_type3A = arith.extui %lt3A_716 : i1 to i32
      %cond3A = arith.constant 0 : i32
      %cond3A_717 = arith.cmpi ne, %convert_element_type3A, %cond3A : i32
      scf.if %cond3A_717 {
        %add3A_737 = arith.constant 2 : i32
        %add3A_738 = arith.addi %add3A_603, %add3A_737 : i32
        %dma_start3A_739 = arith.constant 0 : i32
        %dma_start3A_740 = arith.constant 0 : i32
        %dma_start3A_741 = arith.constant 0 : i32
        %dma_start3A_742 = tpu.memref_slice %arg9[%dma_start3A_739, %dma_start3A_740, %dma_start3A_741] : memref<2x128x128xf32, #tpu.memory_space<vmem>> -> memref<1x128x128xf32, #tpu.memory_space<vmem>>
        %dma_start3A_743 = tpu.memref_squeeze %dma_start3A_742 : memref<1x128x128xf32, #tpu.memory_space<vmem>> -> memref<128x128xf32, #tpu.memory_space<vmem>>
        %dma_start3A_744 = arith.constant 0 : i32
        %dma_start3A_745 = tpu.memref_slice %arg7[%add3A_738, %dma_start3A_744] : memref<79x128xi32, #tpu.memory_space<vmem>> -> memref<1x128xi32, #tpu.memory_space<vmem>>
        %dma_start3A_746 = tpu.memref_squeeze %dma_start3A_745 : memref<1x128xi32, #tpu.memory_space<vmem>> -> memref<128xi32, #tpu.memory_space<vmem>>
        %dma_start3A_747 = arith.constant 0 : i32
        %dma_start3A_748 = arith.constant 0 : i32
        %dma_start3A_749 = tpu.memref_slice %arg2[%dma_start3A_747, %dma_start3A_748] : memref<40000x128xf32, #tpu.memory_space<hbm>> -> memref<40000x128xf32, #tpu.memory_space<hbm>>
        tpu.enqueue_indirect_dma source(%dma_start3A_749 : memref<40000x128xf32, #tpu.memory_space<hbm>>) target(%dma_start3A_743 : memref<128x128xf32, #tpu.memory_space<vmem>>) offsets(%dma_start3A_746 : memref<128xi32, #tpu.memory_space<vmem>>) semaphore(%arg11 : memref<!tpu.dma_semaphore, #tpu.memory_space<semaphore_mem>>)
        %dma_start3A_750 = arith.constant 0 : i32
        %dma_start3A_751 = arith.constant 0 : i32
        %dma_start3A_752 = tpu.memref_slice %arg8[%dma_start3A_750, %dma_start3A_751] : memref<2x128xi32, #tpu.memory_space<vmem>> -> memref<1x128xi32, #tpu.memory_space<vmem>>
        %dma_start3A_753 = arith.constant 0 : i32
        %dma_start3A_754 = arith.constant 0 : i32
        %dma_start3A_755 = arith.constant 0 : i32
        %dma_start3A_756 = tpu.memref_slice %arg4[%add3A, %dma_start3A_753, %dma_start3A_754, %dma_start3A_755] : memref<32x79x1x128xi32, #tpu.memory_space<hbm>> -> memref<1x79x1x128xi32, #tpu.memory_space<hbm>>
        %dma_start3A_757 = tpu.memref_squeeze %dma_start3A_756 : memref<1x79x1x128xi32, #tpu.memory_space<hbm>> -> memref<79x1x128xi32, #tpu.memory_space<hbm>>
        %dma_start3A_758 = arith.constant 0 : i32
        %dma_start3A_759 = arith.constant 0 : i32
        %dma_start3A_760 = tpu.memref_slice %dma_start3A_757[%add3A_738, %dma_start3A_758, %dma_start3A_759] : memref<79x1x128xi32, #tpu.memory_space<hbm>> -> memref<1x1x128xi32, #tpu.memory_space<hbm>>
        %dma_start3A_761 = tpu.memref_squeeze %dma_start3A_760 : memref<1x1x128xi32, #tpu.memory_space<hbm>> -> memref<1x128xi32, #tpu.memory_space<hbm>>
        %dma_start3A_762 = arith.constant 0 : i32
        %dma_start3A_763 = arith.constant 0 : i32
        %dma_start3A_764 = tpu.memref_slice %arg8[%dma_start3A_762, %dma_start3A_763] : memref<2x128xi32, #tpu.memory_space<vmem>> -> memref<1x128xi32, #tpu.memory_space<vmem>>
        %dma_start3A_765 = arith.constant 0 : i32
        %dma_start3A_766 = arith.constant 0 : i32
        %dma_start3A_767 = arith.constant 0 : i32
        %dma_start3A_768 = tpu.memref_slice %arg4[%add3A, %dma_start3A_765, %dma_start3A_766, %dma_start3A_767] : memref<32x79x1x128xi32, #tpu.memory_space<hbm>> -> memref<1x79x1x128xi32, #tpu.memory_space<hbm>>
        %dma_start3A_769 = tpu.memref_squeeze %dma_start3A_768 : memref<1x79x1x128xi32, #tpu.memory_space<hbm>> -> memref<79x1x128xi32, #tpu.memory_space<hbm>>
        %dma_start3A_770 = arith.constant 0 : i32
        %dma_start3A_771 = arith.constant 0 : i32
        %dma_start3A_772 = tpu.memref_slice %dma_start3A_769[%add3A_738, %dma_start3A_770, %dma_start3A_771] : memref<79x1x128xi32, #tpu.memory_space<hbm>> -> memref<1x1x128xi32, #tpu.memory_space<hbm>>
        %dma_start3A_773 = tpu.memref_squeeze %dma_start3A_772 : memref<1x1x128xi32, #tpu.memory_space<hbm>> -> memref<1x128xi32, #tpu.memory_space<hbm>>
        tpu.enqueue_dma source(%dma_start3A_773 : memref<1x128xi32, #tpu.memory_space<hbm>>) target(%dma_start3A_764 : memref<1x128xi32, #tpu.memory_space<vmem>>) target_semaphore(%arg13 : memref<!tpu.dma_semaphore, #tpu.memory_space<semaphore_mem>>)
      } else {
      }
      %dma_wait3A_718 = arith.constant 1 : i32
      %dma_wait3A_719 = arith.constant 1 : i32
      %dma_wait3A_720 = arith.constant 0 : i32
      %dma_wait3A_721 = arith.constant 0 : i32
      %dma_wait3A_722 = tpu.memref_slice %arg9[%dma_wait3A_718, %dma_wait3A_720, %dma_wait3A_721] : memref<2x128x128xf32, #tpu.memory_space<vmem>> -> memref<1x128x128xf32, #tpu.memory_space<vmem>>
      %dma_wait3A_723 = tpu.memref_squeeze %dma_wait3A_722 : memref<1x128x128xf32, #tpu.memory_space<vmem>> -> memref<128x128xf32, #tpu.memory_space<vmem>>
      %dma_wait3A_724 = arith.constant 0 : i32
      %dma_wait3A_725 = tpu.memref_slice %arg8[%dma_wait3A_719, %dma_wait3A_724] : memref<2x128xi32, #tpu.memory_space<vmem>> -> memref<1x128xi32, #tpu.memory_space<vmem>>
      %dma_wait3A_726 = tpu.memref_squeeze %dma_wait3A_725 : memref<1x128xi32, #tpu.memory_space<vmem>> -> memref<128xi32, #tpu.memory_space<vmem>>
      %dma_wait3A_727 = arith.constant 0 : i32
      %dma_wait3A_728 = arith.constant 0 : i32
      %dma_wait3A_729 = tpu.memref_slice %arg10[%dma_wait3A_727, %dma_wait3A_728] : memref<10112x128xf32, #tpu.memory_space<vmem_shared>> -> memref<10112x128xf32, #tpu.memory_space<vmem_shared>>
      tpu.wait_indirect_dma semaphore(%arg16 : memref<!tpu.dma_semaphore, #tpu.memory_space<semaphore_mem>>) src(%dma_wait3A_723 : memref<128x128xf32, #tpu.memory_space<vmem>>) dst(%dma_wait3A_729 : memref<10112x128xf32, #tpu.memory_space<vmem_shared>>)
      %add3A_730 = arith.constant 3 : i32
      %add3A_731 = arith.addi %add3A_603, %add3A_730 : i32
      %lt3A_732 = arith.constant 79 : i32
      %lt3A_733 = arith.cmpi slt, %add3A_731, %lt3A_732 : i32
      %convert_element_type3A_734 = arith.extui %lt3A_733 : i1 to i32
      %cond3A_735 = arith.constant 0 : i32
      %cond3A_736 = arith.cmpi ne, %convert_element_type3A_734, %cond3A_735 : i32
      scf.if %cond3A_736 {
        %add3A_737 = arith.constant 3 : i32
        %add3A_738 = arith.addi %add3A_603, %add3A_737 : i32
        %dma_start3A_739 = arith.constant 1 : i32
        %dma_start3A_740 = arith.constant 0 : i32
        %dma_start3A_741 = arith.constant 0 : i32
        %dma_start3A_742 = tpu.memref_slice %arg9[%dma_start3A_739, %dma_start3A_740, %dma_start3A_741] : memref<2x128x128xf32, #tpu.memory_space<vmem>> -> memref<1x128x128xf32, #tpu.memory_space<vmem>>
        %dma_start3A_743 = tpu.memref_squeeze %dma_start3A_742 : memref<1x128x128xf32, #tpu.memory_space<vmem>> -> memref<128x128xf32, #tpu.memory_space<vmem>>
        %dma_start3A_744 = arith.constant 0 : i32
        %dma_start3A_745 = tpu.memref_slice %arg7[%add3A_738, %dma_start3A_744] : memref<79x128xi32, #tpu.memory_space<vmem>> -> memref<1x128xi32, #tpu.memory_space<vmem>>
        %dma_start3A_746 = tpu.memref_squeeze %dma_start3A_745 : memref<1x128xi32, #tpu.memory_space<vmem>> -> memref<128xi32, #tpu.memory_space<vmem>>
        %dma_start3A_747 = arith.constant 0 : i32
        %dma_start3A_748 = arith.constant 0 : i32
        %dma_start3A_749 = tpu.memref_slice %arg2[%dma_start3A_747, %dma_start3A_748] : memref<40000x128xf32, #tpu.memory_space<hbm>> -> memref<40000x128xf32, #tpu.memory_space<hbm>>
        tpu.enqueue_indirect_dma source(%dma_start3A_749 : memref<40000x128xf32, #tpu.memory_space<hbm>>) target(%dma_start3A_743 : memref<128x128xf32, #tpu.memory_space<vmem>>) offsets(%dma_start3A_746 : memref<128xi32, #tpu.memory_space<vmem>>) semaphore(%arg12 : memref<!tpu.dma_semaphore, #tpu.memory_space<semaphore_mem>>)
        %dma_start3A_750 = arith.constant 1 : i32
        %dma_start3A_751 = arith.constant 0 : i32
        %dma_start3A_752 = tpu.memref_slice %arg8[%dma_start3A_750, %dma_start3A_751] : memref<2x128xi32, #tpu.memory_space<vmem>> -> memref<1x128xi32, #tpu.memory_space<vmem>>
        %dma_start3A_753 = arith.constant 0 : i32
        %dma_start3A_754 = arith.constant 0 : i32
        %dma_start3A_755 = arith.constant 0 : i32
        %dma_start3A_756 = tpu.memref_slice %arg4[%add3A, %dma_start3A_753, %dma_start3A_754, %dma_start3A_755] : memref<32x79x1x128xi32, #tpu.memory_space<hbm>> -> memref<1x79x1x128xi32, #tpu.memory_space<hbm>>
        %dma_start3A_757 = tpu.memref_squeeze %dma_start3A_756 : memref<1x79x1x128xi32, #tpu.memory_space<hbm>> -> memref<79x1x128xi32, #tpu.memory_space<hbm>>
        %dma_start3A_758 = arith.constant 0 : i32
        %dma_start3A_759 = arith.constant 0 : i32
        %dma_start3A_760 = tpu.memref_slice %dma_start3A_757[%add3A_738, %dma_start3A_758, %dma_start3A_759] : memref<79x1x128xi32, #tpu.memory_space<hbm>> -> memref<1x1x128xi32, #tpu.memory_space<hbm>>
        %dma_start3A_761 = tpu.memref_squeeze %dma_start3A_760 : memref<1x1x128xi32, #tpu.memory_space<hbm>> -> memref<1x128xi32, #tpu.memory_space<hbm>>
        %dma_start3A_762 = arith.constant 1 : i32
        %dma_start3A_763 = arith.constant 0 : i32
        %dma_start3A_764 = tpu.memref_slice %arg8[%dma_start3A_762, %dma_start3A_763] : memref<2x128xi32, #tpu.memory_space<vmem>> -> memref<1x128xi32, #tpu.memory_space<vmem>>
        %dma_start3A_765 = arith.constant 0 : i32
        %dma_start3A_766 = arith.constant 0 : i32
        %dma_start3A_767 = arith.constant 0 : i32
        %dma_start3A_768 = tpu.memref_slice %arg4[%add3A, %dma_start3A_765, %dma_start3A_766, %dma_start3A_767] : memref<32x79x1x128xi32, #tpu.memory_space<hbm>> -> memref<1x79x1x128xi32, #tpu.memory_space<hbm>>
        %dma_start3A_769 = tpu.memref_squeeze %dma_start3A_768 : memref<1x79x1x128xi32, #tpu.memory_space<hbm>> -> memref<79x1x128xi32, #tpu.memory_space<hbm>>
        %dma_start3A_770 = arith.constant 0 : i32
        %dma_start3A_771 = arith.constant 0 : i32
        %dma_start3A_772 = tpu.memref_slice %dma_start3A_769[%add3A_738, %dma_start3A_770, %dma_start3A_771] : memref<79x1x128xi32, #tpu.memory_space<hbm>> -> memref<1x1x128xi32, #tpu.memory_space<hbm>>
        %dma_start3A_773 = tpu.memref_squeeze %dma_start3A_772 : memref<1x1x128xi32, #tpu.memory_space<hbm>> -> memref<1x128xi32, #tpu.memory_space<hbm>>
        tpu.enqueue_dma source(%dma_start3A_773 : memref<1x128xi32, #tpu.memory_space<hbm>>) target(%dma_start3A_764 : memref<1x128xi32, #tpu.memory_space<vmem>>) target_semaphore(%arg14 : memref<!tpu.dma_semaphore, #tpu.memory_space<semaphore_mem>>)
      } else {
      }
    }
    %scan3A_380 = arith.constant 39 : i32
    %dma_wait3A_381 = arith.constant 0 : i32
    %dma_wait3A_382 = arith.constant 0 : i32
    %dma_wait3A_383 = arith.constant 0 : i32
    %dma_wait3A_384 = arith.constant 0 : i32
    %dma_wait3A_385 = tpu.memref_slice %arg9[%dma_wait3A_382, %dma_wait3A_383, %dma_wait3A_384] : memref<2x128x128xf32, #tpu.memory_space<vmem>> -> memref<1x128x128xf32, #tpu.memory_space<vmem>>
    %dma_wait3A_386 = tpu.memref_squeeze %dma_wait3A_385 : memref<1x128x128xf32, #tpu.memory_space<vmem>> -> memref<128x128xf32, #tpu.memory_space<vmem>>
    %dma_wait3A_387 = arith.constant 0 : i32
    %dma_wait3A_388 = tpu.memref_slice %arg7[%dma_wait3A_381, %dma_wait3A_387] : memref<79x128xi32, #tpu.memory_space<vmem>> -> memref<1x128xi32, #tpu.memory_space<vmem>>
    %dma_wait3A_389 = tpu.memref_squeeze %dma_wait3A_388 : memref<1x128xi32, #tpu.memory_space<vmem>> -> memref<128xi32, #tpu.memory_space<vmem>>
    %dma_wait3A_390 = arith.constant 0 : i32
    %dma_wait3A_391 = arith.constant 0 : i32
    %dma_wait3A_392 = tpu.memref_slice %arg2[%dma_wait3A_390, %dma_wait3A_391] : memref<40000x128xf32, #tpu.memory_space<hbm>> -> memref<40000x128xf32, #tpu.memory_space<hbm>>
    tpu.wait_indirect_dma semaphore(%arg11 : memref<!tpu.dma_semaphore, #tpu.memory_space<semaphore_mem>>) src(%dma_wait3A_392 : memref<40000x128xf32, #tpu.memory_space<hbm>>) dst(%dma_wait3A_386 : memref<128x128xf32, #tpu.memory_space<vmem>>)
    %dma_wait3A_393 = arith.constant 0 : i32
    %dma_wait3A_394 = arith.constant 0 : i32
    %dma_wait3A_395 = arith.constant 0 : i32
    %dma_wait3A_396 = tpu.memref_slice %arg8[%dma_wait3A_394, %dma_wait3A_395] : memref<2x128xi32, #tpu.memory_space<vmem>> -> memref<1x128xi32, #tpu.memory_space<vmem>>
    %dma_wait3A_397 = arith.constant 0 : i32
    %dma_wait3A_398 = arith.constant 0 : i32
    %dma_wait3A_399 = arith.constant 0 : i32
    %dma_wait3A_400 = tpu.memref_slice %arg4[%add3A, %dma_wait3A_397, %dma_wait3A_398, %dma_wait3A_399] : memref<32x79x1x128xi32, #tpu.memory_space<hbm>> -> memref<1x79x1x128xi32, #tpu.memory_space<hbm>>
    %dma_wait3A_401 = tpu.memref_squeeze %dma_wait3A_400 : memref<1x79x1x128xi32, #tpu.memory_space<hbm>> -> memref<79x1x128xi32, #tpu.memory_space<hbm>>
    %dma_wait3A_402 = arith.constant 0 : i32
    %dma_wait3A_403 = arith.constant 0 : i32
    %dma_wait3A_404 = tpu.memref_slice %dma_wait3A_401[%dma_wait3A_393, %dma_wait3A_402, %dma_wait3A_403] : memref<79x1x128xi32, #tpu.memory_space<hbm>> -> memref<1x1x128xi32, #tpu.memory_space<hbm>>
    %dma_wait3A_405 = tpu.memref_squeeze %dma_wait3A_404 : memref<1x1x128xi32, #tpu.memory_space<hbm>> -> memref<1x128xi32, #tpu.memory_space<hbm>>
    %dma_wait3A_406 = arith.constant 0 : i32
    %dma_wait3A_407 = arith.constant 0 : i32
    %dma_wait3A_408 = tpu.memref_slice %arg8[%dma_wait3A_406, %dma_wait3A_407] : memref<2x128xi32, #tpu.memory_space<vmem>> -> memref<1x128xi32, #tpu.memory_space<vmem>>
    %dma_wait3A_409 = arith.constant 0 : i32
    %dma_wait3A_410 = arith.constant 0 : i32
    %dma_wait3A_411 = arith.constant 0 : i32
    %dma_wait3A_412 = tpu.memref_slice %arg4[%add3A, %dma_wait3A_409, %dma_wait3A_410, %dma_wait3A_411] : memref<32x79x1x128xi32, #tpu.memory_space<hbm>> -> memref<1x79x1x128xi32, #tpu.memory_space<hbm>>
    %dma_wait3A_413 = tpu.memref_squeeze %dma_wait3A_412 : memref<1x79x1x128xi32, #tpu.memory_space<hbm>> -> memref<79x1x128xi32, #tpu.memory_space<hbm>>
    %dma_wait3A_414 = arith.constant 0 : i32
    %dma_wait3A_415 = arith.constant 0 : i32
    %dma_wait3A_416 = tpu.memref_slice %dma_wait3A_413[%dma_wait3A_393, %dma_wait3A_414, %dma_wait3A_415] : memref<79x1x128xi32, #tpu.memory_space<hbm>> -> memref<1x1x128xi32, #tpu.memory_space<hbm>>
    %dma_wait3A_417 = tpu.memref_squeeze %dma_wait3A_416 : memref<1x1x128xi32, #tpu.memory_space<hbm>> -> memref<1x128xi32, #tpu.memory_space<hbm>>
    tpu.wait_dma2 semaphore(%arg13 : memref<!tpu.dma_semaphore, #tpu.memory_space<semaphore_mem>>) src(%dma_wait3A_417 : memref<1x128xi32, #tpu.memory_space<hbm>>) dst(%dma_wait3A_408 : memref<1x128xi32, #tpu.memory_space<vmem>>)
    %dma_start3A_418 = arith.constant 0 : i32
    %dma_start3A_419 = arith.constant 0 : i32
    %dma_start3A_420 = arith.constant 0 : i32
    %dma_start3A_421 = arith.constant 0 : i32
    %dma_start3A_422 = tpu.memref_slice %arg9[%dma_start3A_418, %dma_start3A_420, %dma_start3A_421] : memref<2x128x128xf32, #tpu.memory_space<vmem>> -> memref<1x128x128xf32, #tpu.memory_space<vmem>>
    %dma_start3A_423 = tpu.memref_squeeze %dma_start3A_422 : memref<1x128x128xf32, #tpu.memory_space<vmem>> -> memref<128x128xf32, #tpu.memory_space<vmem>>
    %dma_start3A_424 = arith.constant 0 : i32
    %dma_start3A_425 = tpu.memref_slice %arg8[%dma_start3A_419, %dma_start3A_424] : memref<2x128xi32, #tpu.memory_space<vmem>> -> memref<1x128xi32, #tpu.memory_space<vmem>>
    %dma_start3A_426 = tpu.memref_squeeze %dma_start3A_425 : memref<1x128xi32, #tpu.memory_space<vmem>> -> memref<128xi32, #tpu.memory_space<vmem>>
    %dma_start3A_427 = arith.constant 0 : i32
    %dma_start3A_428 = arith.constant 0 : i32
    %dma_start3A_429 = tpu.memref_slice %arg10[%dma_start3A_427, %dma_start3A_428] : memref<10112x128xf32, #tpu.memory_space<vmem_shared>> -> memref<10112x128xf32, #tpu.memory_space<vmem_shared>>
    tpu.enqueue_indirect_dma source(%dma_start3A_423 : memref<128x128xf32, #tpu.memory_space<vmem>>) target(%dma_start3A_429 : memref<10112x128xf32, #tpu.memory_space<vmem_shared>>) offsets(%dma_start3A_426 : memref<128xi32, #tpu.memory_space<vmem>>) semaphore(%arg15 : memref<!tpu.dma_semaphore, #tpu.memory_space<semaphore_mem>>) {add = true}
    %dma_wait3A_430 = arith.constant 0 : i32
    %dma_wait3A_431 = arith.constant 0 : i32
    %dma_wait3A_432 = arith.constant 0 : i32
    %dma_wait3A_433 = arith.constant 0 : i32
    %dma_wait3A_434 = tpu.memref_slice %arg9[%dma_wait3A_430, %dma_wait3A_432, %dma_wait3A_433] : memref<2x128x128xf32, #tpu.memory_space<vmem>> -> memref<1x128x128xf32, #tpu.memory_space<vmem>>
    %dma_wait3A_435 = tpu.memref_squeeze %dma_wait3A_434 : memref<1x128x128xf32, #tpu.memory_space<vmem>> -> memref<128x128xf32, #tpu.memory_space<vmem>>
    %dma_wait3A_436 = arith.constant 0 : i32
    %dma_wait3A_437 = tpu.memref_slice %arg8[%dma_wait3A_431, %dma_wait3A_436] : memref<2x128xi32, #tpu.memory_space<vmem>> -> memref<1x128xi32, #tpu.memory_space<vmem>>
    %dma_wait3A_438 = tpu.memref_squeeze %dma_wait3A_437 : memref<1x128xi32, #tpu.memory_space<vmem>> -> memref<128xi32, #tpu.memory_space<vmem>>
    %dma_wait3A_439 = arith.constant 0 : i32
    %dma_wait3A_440 = arith.constant 0 : i32
    %dma_wait3A_441 = tpu.memref_slice %arg10[%dma_wait3A_439, %dma_wait3A_440] : memref<10112x128xf32, #tpu.memory_space<vmem_shared>> -> memref<10112x128xf32, #tpu.memory_space<vmem_shared>>
    tpu.wait_indirect_dma semaphore(%arg15 : memref<!tpu.dma_semaphore, #tpu.memory_space<semaphore_mem>>) src(%dma_wait3A_435 : memref<128x128xf32, #tpu.memory_space<vmem>>) dst(%dma_wait3A_441 : memref<10112x128xf32, #tpu.memory_space<vmem_shared>>)
    %barrier3A_442 = arith.constant 0 : index
    tpu.barrier barrier_id(%barrier3A_442)
    %mul3A_443 = arith.constant 632 : i32
    %mul3A_444 = arith.muli %arg1, %mul3A_443 : i32
    %mul3A_445 = arith.constant 632 : i32
    %mul3A_446 = arith.muli %arg1, %mul3A_445 : i32
    %run_scoped3A_447 = arith.constant 2 : i32
    "tpu.region"() ({
      %run_scoped3A_599 = tpu.sem_alloc : memref<!tpu.dma_semaphore, #tpu.memory_space<semaphore_mem>>
      %dma_start3A_600 = arith.constant 0 : i32
      %dma_start3A_601 = arith.constant 0 : i32
      %dma_start3A_602 = arith.constant 0 : i32
      %dma_start3A_603 = tpu.memref_slice %arg6[%arg0, %dma_start3A_600, %dma_start3A_601, %dma_start3A_602] : memref<2x4x10112x128xf32, #tpu.memory_space<hbm>> -> memref<1x4x10112x128xf32, #tpu.memory_space<hbm>>
      %dma_start3A_604 = tpu.memref_squeeze %dma_start3A_603 : memref<1x4x10112x128xf32, #tpu.memory_space<hbm>> -> memref<4x10112x128xf32, #tpu.memory_space<hbm>>
      %dma_start3A_605 = arith.constant 0 : i32
      %dma_start3A_606 = arith.constant 0 : i32
      %dma_start3A_607 = tpu.memref_slice %dma_start3A_604[%run_scoped3A_447, %dma_start3A_605, %dma_start3A_606] : memref<4x10112x128xf32, #tpu.memory_space<hbm>> -> memref<1x10112x128xf32, #tpu.memory_space<hbm>>
      %dma_start3A_608 = tpu.memref_squeeze %dma_start3A_607 : memref<1x10112x128xf32, #tpu.memory_space<hbm>> -> memref<10112x128xf32, #tpu.memory_space<hbm>>
      %dma_start3A_609 = arith.constant 0 : i32
      %dma_start3A_610 = tpu.memref_slice %dma_start3A_608[%mul3A_446, %dma_start3A_609] : memref<10112x128xf32, #tpu.memory_space<hbm>> -> memref<632x128xf32, #tpu.memory_space<hbm>>
      %dma_start3A_611 = arith.constant 0 : i32
      %dma_start3A_612 = tpu.memref_slice %arg10[%mul3A_444, %dma_start3A_611] : memref<10112x128xf32, #tpu.memory_space<vmem_shared>> -> memref<632x128xf32, #tpu.memory_space<vmem_shared>>
      tpu.enqueue_dma source(%dma_start3A_612 : memref<632x128xf32, #tpu.memory_space<vmem_shared>>) target(%dma_start3A_610 : memref<632x128xf32, #tpu.memory_space<hbm>>) target_semaphore(%run_scoped3A_599 : memref<!tpu.dma_semaphore, #tpu.memory_space<semaphore_mem>>)
      %dma_wait3A_613 = arith.constant 0 : i32
      %dma_wait3A_614 = arith.constant 0 : i32
      %dma_wait3A_615 = arith.constant 0 : i32
      %dma_wait3A_616 = tpu.memref_slice %arg6[%arg0, %dma_wait3A_613, %dma_wait3A_614, %dma_wait3A_615] : memref<2x4x10112x128xf32, #tpu.memory_space<hbm>> -> memref<1x4x10112x128xf32, #tpu.memory_space<hbm>>
      %dma_wait3A_617 = tpu.memref_squeeze %dma_wait3A_616 : memref<1x4x10112x128xf32, #tpu.memory_space<hbm>> -> memref<4x10112x128xf32, #tpu.memory_space<hbm>>
      %dma_wait3A_618 = arith.constant 0 : i32
      %dma_wait3A_619 = arith.constant 0 : i32
      %dma_wait3A_620 = tpu.memref_slice %dma_wait3A_617[%run_scoped3A_447, %dma_wait3A_618, %dma_wait3A_619] : memref<4x10112x128xf32, #tpu.memory_space<hbm>> -> memref<1x10112x128xf32, #tpu.memory_space<hbm>>
      %dma_wait3A_621 = tpu.memref_squeeze %dma_wait3A_620 : memref<1x10112x128xf32, #tpu.memory_space<hbm>> -> memref<10112x128xf32, #tpu.memory_space<hbm>>
      %dma_wait3A_622 = arith.constant 0 : i32
      %dma_wait3A_623 = tpu.memref_slice %dma_wait3A_621[%mul3A_446, %dma_wait3A_622] : memref<10112x128xf32, #tpu.memory_space<hbm>> -> memref<632x128xf32, #tpu.memory_space<hbm>>
      %dma_wait3A_624 = arith.constant 0 : i32
      %dma_wait3A_625 = tpu.memref_slice %arg10[%mul3A_444, %dma_wait3A_624] : memref<10112x128xf32, #tpu.memory_space<vmem_shared>> -> memref<632x128xf32, #tpu.memory_space<vmem_shared>>
      tpu.wait_dma2 semaphore(%run_scoped3A_599 : memref<!tpu.dma_semaphore, #tpu.memory_space<semaphore_mem>>) src(%dma_wait3A_625 : memref<632x128xf32, #tpu.memory_space<vmem_shared>>) dst(%dma_wait3A_623 : memref<632x128xf32, #tpu.memory_space<hbm>>)
      tpu.yield
    }) : () -> ()
    %barrier3A_448 = arith.constant 0 : index
    tpu.barrier barrier_id(%barrier3A_448)
    %run_scoped3A_449 = arith.constant 3 : i32
    "tpu.region"() ({
      %run_scoped3A_599 = tpu.sem_alloc : memref<!tpu.dma_semaphore, #tpu.memory_space<semaphore_mem>>
      %dma_start3A_600 = arith.constant 0 : i32
      %dma_start3A_601 = arith.constant 0 : i32
      %dma_start3A_602 = arith.constant 0 : i32
      %dma_start3A_603 = tpu.memref_slice %arg3[%run_scoped3A_449, %dma_start3A_600, %dma_start3A_601, %dma_start3A_602] : memref<4x32x79x128xi32, #tpu.memory_space<hbm>> -> memref<1x32x79x128xi32, #tpu.memory_space<hbm>>
      %dma_start3A_604 = tpu.memref_squeeze %dma_start3A_603 : memref<1x32x79x128xi32, #tpu.memory_space<hbm>> -> memref<32x79x128xi32, #tpu.memory_space<hbm>>
      %dma_start3A_605 = arith.constant 0 : i32
      %dma_start3A_606 = arith.constant 0 : i32
      %dma_start3A_607 = tpu.memref_slice %dma_start3A_604[%add3A, %dma_start3A_605, %dma_start3A_606] : memref<32x79x128xi32, #tpu.memory_space<hbm>> -> memref<1x79x128xi32, #tpu.memory_space<hbm>>
      %dma_start3A_608 = tpu.memref_squeeze %dma_start3A_607 : memref<1x79x128xi32, #tpu.memory_space<hbm>> -> memref<79x128xi32, #tpu.memory_space<hbm>>
      %dma_start3A_609 = arith.constant 0 : i32
      %dma_start3A_610 = arith.constant 0 : i32
      %dma_start3A_611 = arith.constant 0 : i32
      %dma_start3A_612 = tpu.memref_slice %arg3[%run_scoped3A_449, %dma_start3A_609, %dma_start3A_610, %dma_start3A_611] : memref<4x32x79x128xi32, #tpu.memory_space<hbm>> -> memref<1x32x79x128xi32, #tpu.memory_space<hbm>>
      %dma_start3A_613 = tpu.memref_squeeze %dma_start3A_612 : memref<1x32x79x128xi32, #tpu.memory_space<hbm>> -> memref<32x79x128xi32, #tpu.memory_space<hbm>>
      %dma_start3A_614 = arith.constant 0 : i32
      %dma_start3A_615 = arith.constant 0 : i32
      %dma_start3A_616 = tpu.memref_slice %dma_start3A_613[%add3A, %dma_start3A_614, %dma_start3A_615] : memref<32x79x128xi32, #tpu.memory_space<hbm>> -> memref<1x79x128xi32, #tpu.memory_space<hbm>>
      %dma_start3A_617 = tpu.memref_squeeze %dma_start3A_616 : memref<1x79x128xi32, #tpu.memory_space<hbm>> -> memref<79x128xi32, #tpu.memory_space<hbm>>
      tpu.enqueue_dma source(%dma_start3A_617 : memref<79x128xi32, #tpu.memory_space<hbm>>) target(%arg7 : memref<79x128xi32, #tpu.memory_space<vmem>>) target_semaphore(%run_scoped3A_599 : memref<!tpu.dma_semaphore, #tpu.memory_space<semaphore_mem>>)
      %dma_wait3A_618 = arith.constant 0 : i32
      %dma_wait3A_619 = arith.constant 0 : i32
      %dma_wait3A_620 = arith.constant 0 : i32
      %dma_wait3A_621 = tpu.memref_slice %arg3[%run_scoped3A_449, %dma_wait3A_618, %dma_wait3A_619, %dma_wait3A_620] : memref<4x32x79x128xi32, #tpu.memory_space<hbm>> -> memref<1x32x79x128xi32, #tpu.memory_space<hbm>>
      %dma_wait3A_622 = tpu.memref_squeeze %dma_wait3A_621 : memref<1x32x79x128xi32, #tpu.memory_space<hbm>> -> memref<32x79x128xi32, #tpu.memory_space<hbm>>
      %dma_wait3A_623 = arith.constant 0 : i32
      %dma_wait3A_624 = arith.constant 0 : i32
      %dma_wait3A_625 = tpu.memref_slice %dma_wait3A_622[%add3A, %dma_wait3A_623, %dma_wait3A_624] : memref<32x79x128xi32, #tpu.memory_space<hbm>> -> memref<1x79x128xi32, #tpu.memory_space<hbm>>
      %dma_wait3A_626 = tpu.memref_squeeze %dma_wait3A_625 : memref<1x79x128xi32, #tpu.memory_space<hbm>> -> memref<79x128xi32, #tpu.memory_space<hbm>>
      %dma_wait3A_627 = arith.constant 0 : i32
      %dma_wait3A_628 = arith.constant 0 : i32
      %dma_wait3A_629 = arith.constant 0 : i32
      %dma_wait3A_630 = tpu.memref_slice %arg3[%run_scoped3A_449, %dma_wait3A_627, %dma_wait3A_628, %dma_wait3A_629] : memref<4x32x79x128xi32, #tpu.memory_space<hbm>> -> memref<1x32x79x128xi32, #tpu.memory_space<hbm>>
      %dma_wait3A_631 = tpu.memref_squeeze %dma_wait3A_630 : memref<1x32x79x128xi32, #tpu.memory_space<hbm>> -> memref<32x79x128xi32, #tpu.memory_space<hbm>>
      %dma_wait3A_632 = arith.constant 0 : i32
      %dma_wait3A_633 = arith.constant 0 : i32
      %dma_wait3A_634 = tpu.memref_slice %dma_wait3A_631[%add3A, %dma_wait3A_632, %dma_wait3A_633] : memref<32x79x128xi32, #tpu.memory_space<hbm>> -> memref<1x79x128xi32, #tpu.memory_space<hbm>>
      %dma_wait3A_635 = tpu.memref_squeeze %dma_wait3A_634 : memref<1x79x128xi32, #tpu.memory_space<hbm>> -> memref<79x128xi32, #tpu.memory_space<hbm>>
      tpu.wait_dma2 semaphore(%run_scoped3A_599 : memref<!tpu.dma_semaphore, #tpu.memory_space<semaphore_mem>>) src(%dma_wait3A_635 : memref<79x128xi32, #tpu.memory_space<hbm>>) dst(%arg7 : memref<79x128xi32, #tpu.memory_space<vmem>>)
      tpu.yield
    }) : () -> ()
    %mul3A_450 = arith.constant 632 : i32
    %mul3A_451 = arith.muli %arg1, %mul3A_450 : i32
    "tpu.region"() ({
      %run_scoped3A_599 = tpu.sem_alloc : memref<!tpu.dma_semaphore, #tpu.memory_space<semaphore_mem>>
      %dma_start3A_600 = arith.constant 0 : i32
      %dma_start3A_601 = tpu.memref_slice %arg10[%mul3A_451, %dma_start3A_600] : memref<10112x128xf32, #tpu.memory_space<vmem_shared>> -> memref<632x128xf32, #tpu.memory_space<vmem_shared>>
      tpu.enqueue_dma source(%arg5 : memref<632x128xf32, #tpu.memory_space<hbm>>) target(%dma_start3A_601 : memref<632x128xf32, #tpu.memory_space<vmem_shared>>) target_semaphore(%run_scoped3A_599 : memref<!tpu.dma_semaphore, #tpu.memory_space<semaphore_mem>>)
      %dma_wait3A_602 = arith.constant 0 : i32
      %dma_wait3A_603 = tpu.memref_slice %arg10[%mul3A_451, %dma_wait3A_602] : memref<10112x128xf32, #tpu.memory_space<vmem_shared>> -> memref<632x128xf32, #tpu.memory_space<vmem_shared>>
      tpu.wait_dma2 semaphore(%run_scoped3A_599 : memref<!tpu.dma_semaphore, #tpu.memory_space<semaphore_mem>>) src(%arg5 : memref<632x128xf32, #tpu.memory_space<hbm>>) dst(%dma_wait3A_603 : memref<632x128xf32, #tpu.memory_space<vmem_shared>>)
      tpu.yield
    }) : () -> ()
    %barrier3A_452 = arith.constant 0 : index
    tpu.barrier barrier_id(%barrier3A_452)
    %dma_start3A_453 = arith.constant 0 : i32
    %dma_start3A_454 = arith.constant 0 : i32
    %dma_start3A_455 = arith.constant 0 : i32
    %dma_start3A_456 = arith.constant 0 : i32
    %dma_start3A_457 = tpu.memref_slice %arg9[%dma_start3A_454, %dma_start3A_455, %dma_start3A_456] : memref<2x128x128xf32, #tpu.memory_space<vmem>> -> memref<1x128x128xf32, #tpu.memory_space<vmem>>
    %dma_start3A_458 = tpu.memref_squeeze %dma_start3A_457 : memref<1x128x128xf32, #tpu.memory_space<vmem>> -> memref<128x128xf32, #tpu.memory_space<vmem>>
    %dma_start3A_459 = arith.constant 0 : i32
    %dma_start3A_460 = tpu.memref_slice %arg7[%dma_start3A_453, %dma_start3A_459] : memref<79x128xi32, #tpu.memory_space<vmem>> -> memref<1x128xi32, #tpu.memory_space<vmem>>
    %dma_start3A_461 = tpu.memref_squeeze %dma_start3A_460 : memref<1x128xi32, #tpu.memory_space<vmem>> -> memref<128xi32, #tpu.memory_space<vmem>>
    %dma_start3A_462 = arith.constant 0 : i32
    %dma_start3A_463 = arith.constant 0 : i32
    %dma_start3A_464 = tpu.memref_slice %arg2[%dma_start3A_462, %dma_start3A_463] : memref<40000x128xf32, #tpu.memory_space<hbm>> -> memref<40000x128xf32, #tpu.memory_space<hbm>>
    tpu.enqueue_indirect_dma source(%dma_start3A_464 : memref<40000x128xf32, #tpu.memory_space<hbm>>) target(%dma_start3A_458 : memref<128x128xf32, #tpu.memory_space<vmem>>) offsets(%dma_start3A_461 : memref<128xi32, #tpu.memory_space<vmem>>) semaphore(%arg11 : memref<!tpu.dma_semaphore, #tpu.memory_space<semaphore_mem>>)
    %dma_start3A_465 = arith.constant 0 : i32
    %dma_start3A_466 = arith.constant 0 : i32
    %dma_start3A_467 = arith.constant 0 : i32
    %dma_start3A_468 = tpu.memref_slice %arg8[%dma_start3A_466, %dma_start3A_467] : memref<2x128xi32, #tpu.memory_space<vmem>> -> memref<1x128xi32, #tpu.memory_space<vmem>>
    %dma_start3A_469 = arith.constant 0 : i32
    %dma_start3A_470 = arith.constant 0 : i32
    %dma_start3A_471 = arith.constant 0 : i32
    %dma_start3A_472 = tpu.memref_slice %arg4[%add3A, %dma_start3A_469, %dma_start3A_470, %dma_start3A_471] : memref<32x79x1x128xi32, #tpu.memory_space<hbm>> -> memref<1x79x1x128xi32, #tpu.memory_space<hbm>>
    %dma_start3A_473 = tpu.memref_squeeze %dma_start3A_472 : memref<1x79x1x128xi32, #tpu.memory_space<hbm>> -> memref<79x1x128xi32, #tpu.memory_space<hbm>>
    %dma_start3A_474 = arith.constant 0 : i32
    %dma_start3A_475 = arith.constant 0 : i32
    %dma_start3A_476 = tpu.memref_slice %dma_start3A_473[%dma_start3A_465, %dma_start3A_474, %dma_start3A_475] : memref<79x1x128xi32, #tpu.memory_space<hbm>> -> memref<1x1x128xi32, #tpu.memory_space<hbm>>
    %dma_start3A_477 = tpu.memref_squeeze %dma_start3A_476 : memref<1x1x128xi32, #tpu.memory_space<hbm>> -> memref<1x128xi32, #tpu.memory_space<hbm>>
    %dma_start3A_478 = arith.constant 0 : i32
    %dma_start3A_479 = arith.constant 0 : i32
    %dma_start3A_480 = tpu.memref_slice %arg8[%dma_start3A_478, %dma_start3A_479] : memref<2x128xi32, #tpu.memory_space<vmem>> -> memref<1x128xi32, #tpu.memory_space<vmem>>
    %dma_start3A_481 = arith.constant 0 : i32
    %dma_start3A_482 = arith.constant 0 : i32
    %dma_start3A_483 = arith.constant 0 : i32
    %dma_start3A_484 = tpu.memref_slice %arg4[%add3A, %dma_start3A_481, %dma_start3A_482, %dma_start3A_483] : memref<32x79x1x128xi32, #tpu.memory_space<hbm>> -> memref<1x79x1x128xi32, #tpu.memory_space<hbm>>
    %dma_start3A_485 = tpu.memref_squeeze %dma_start3A_484 : memref<1x79x1x128xi32, #tpu.memory_space<hbm>> -> memref<79x1x128xi32, #tpu.memory_space<hbm>>
    %dma_start3A_486 = arith.constant 0 : i32
    %dma_start3A_487 = arith.constant 0 : i32
    %dma_start3A_488 = tpu.memref_slice %dma_start3A_485[%dma_start3A_465, %dma_start3A_486, %dma_start3A_487] : memref<79x1x128xi32, #tpu.memory_space<hbm>> -> memref<1x1x128xi32, #tpu.memory_space<hbm>>
    %dma_start3A_489 = tpu.memref_squeeze %dma_start3A_488 : memref<1x1x128xi32, #tpu.memory_space<hbm>> -> memref<1x128xi32, #tpu.memory_space<hbm>>
    tpu.enqueue_dma source(%dma_start3A_489 : memref<1x128xi32, #tpu.memory_space<hbm>>) target(%dma_start3A_480 : memref<1x128xi32, #tpu.memory_space<vmem>>) target_semaphore(%arg13 : memref<!tpu.dma_semaphore, #tpu.memory_space<semaphore_mem>>)
    %dma_start3A_490 = arith.constant 1 : i32
    %dma_start3A_491 = arith.constant 1 : i32
    %dma_start3A_492 = arith.constant 0 : i32
    %dma_start3A_493 = arith.constant 0 : i32
    %dma_start3A_494 = tpu.memref_slice %arg9[%dma_start3A_491, %dma_start3A_492, %dma_start3A_493] : memref<2x128x128xf32, #tpu.memory_space<vmem>> -> memref<1x128x128xf32, #tpu.memory_space<vmem>>
    %dma_start3A_495 = tpu.memref_squeeze %dma_start3A_494 : memref<1x128x128xf32, #tpu.memory_space<vmem>> -> memref<128x128xf32, #tpu.memory_space<vmem>>
    %dma_start3A_496 = arith.constant 0 : i32
    %dma_start3A_497 = tpu.memref_slice %arg7[%dma_start3A_490, %dma_start3A_496] : memref<79x128xi32, #tpu.memory_space<vmem>> -> memref<1x128xi32, #tpu.memory_space<vmem>>
    %dma_start3A_498 = tpu.memref_squeeze %dma_start3A_497 : memref<1x128xi32, #tpu.memory_space<vmem>> -> memref<128xi32, #tpu.memory_space<vmem>>
    %dma_start3A_499 = arith.constant 0 : i32
    %dma_start3A_500 = arith.constant 0 : i32
    %dma_start3A_501 = tpu.memref_slice %arg2[%dma_start3A_499, %dma_start3A_500] : memref<40000x128xf32, #tpu.memory_space<hbm>> -> memref<40000x128xf32, #tpu.memory_space<hbm>>
    tpu.enqueue_indirect_dma source(%dma_start3A_501 : memref<40000x128xf32, #tpu.memory_space<hbm>>) target(%dma_start3A_495 : memref<128x128xf32, #tpu.memory_space<vmem>>) offsets(%dma_start3A_498 : memref<128xi32, #tpu.memory_space<vmem>>) semaphore(%arg12 : memref<!tpu.dma_semaphore, #tpu.memory_space<semaphore_mem>>)
    %dma_start3A_502 = arith.constant 1 : i32
    %dma_start3A_503 = arith.constant 1 : i32
    %dma_start3A_504 = arith.constant 0 : i32
    %dma_start3A_505 = tpu.memref_slice %arg8[%dma_start3A_503, %dma_start3A_504] : memref<2x128xi32, #tpu.memory_space<vmem>> -> memref<1x128xi32, #tpu.memory_space<vmem>>
    %dma_start3A_506 = arith.constant 0 : i32
    %dma_start3A_507 = arith.constant 0 : i32
    %dma_start3A_508 = arith.constant 0 : i32
    %dma_start3A_509 = tpu.memref_slice %arg4[%add3A, %dma_start3A_506, %dma_start3A_507, %dma_start3A_508] : memref<32x79x1x128xi32, #tpu.memory_space<hbm>> -> memref<1x79x1x128xi32, #tpu.memory_space<hbm>>
    %dma_start3A_510 = tpu.memref_squeeze %dma_start3A_509 : memref<1x79x1x128xi32, #tpu.memory_space<hbm>> -> memref<79x1x128xi32, #tpu.memory_space<hbm>>
    %dma_start3A_511 = arith.constant 0 : i32
    %dma_start3A_512 = arith.constant 0 : i32
    %dma_start3A_513 = tpu.memref_slice %dma_start3A_510[%dma_start3A_502, %dma_start3A_511, %dma_start3A_512] : memref<79x1x128xi32, #tpu.memory_space<hbm>> -> memref<1x1x128xi32, #tpu.memory_space<hbm>>
    %dma_start3A_514 = tpu.memref_squeeze %dma_start3A_513 : memref<1x1x128xi32, #tpu.memory_space<hbm>> -> memref<1x128xi32, #tpu.memory_space<hbm>>
    %dma_start3A_515 = arith.constant 1 : i32
    %dma_start3A_516 = arith.constant 0 : i32
    %dma_start3A_517 = tpu.memref_slice %arg8[%dma_start3A_515, %dma_start3A_516] : memref<2x128xi32, #tpu.memory_space<vmem>> -> memref<1x128xi32, #tpu.memory_space<vmem>>
    %dma_start3A_518 = arith.constant 0 : i32
    %dma_start3A_519 = arith.constant 0 : i32
    %dma_start3A_520 = arith.constant 0 : i32
    %dma_start3A_521 = tpu.memref_slice %arg4[%add3A, %dma_start3A_518, %dma_start3A_519, %dma_start3A_520] : memref<32x79x1x128xi32, #tpu.memory_space<hbm>> -> memref<1x79x1x128xi32, #tpu.memory_space<hbm>>
    %dma_start3A_522 = tpu.memref_squeeze %dma_start3A_521 : memref<1x79x1x128xi32, #tpu.memory_space<hbm>> -> memref<79x1x128xi32, #tpu.memory_space<hbm>>
    %dma_start3A_523 = arith.constant 0 : i32
    %dma_start3A_524 = arith.constant 0 : i32
    %dma_start3A_525 = tpu.memref_slice %dma_start3A_522[%dma_start3A_502, %dma_start3A_523, %dma_start3A_524] : memref<79x1x128xi32, #tpu.memory_space<hbm>> -> memref<1x1x128xi32, #tpu.memory_space<hbm>>
    %dma_start3A_526 = tpu.memref_squeeze %dma_start3A_525 : memref<1x1x128xi32, #tpu.memory_space<hbm>> -> memref<1x128xi32, #tpu.memory_space<hbm>>
    tpu.enqueue_dma source(%dma_start3A_526 : memref<1x128xi32, #tpu.memory_space<hbm>>) target(%dma_start3A_517 : memref<1x128xi32, #tpu.memory_space<vmem>>) target_semaphore(%arg14 : memref<!tpu.dma_semaphore, #tpu.memory_space<semaphore_mem>>)
    %scan3A_527 = arith.constant 0 : i32
    %scan3A_528 = arith.constant 39 : i32
    %scan3A_529 = arith.addi %scan3A_527, %scan3A_528 : i32
    %scan3A_530 = arith.constant 1 : i32
    scf.for %scan3A_599 = %scan3A_527 to %scan3A_529 step %scan3A_530  : i32 {
      %mul3A_600 = arith.constant 2 : i32
      %mul3A_601 = arith.muli %scan3A_599, %mul3A_600 : i32
      %add3A_602 = arith.constant 0 : i32
      %add3A_603 = arith.addi %add3A_602, %mul3A_601 : i32
      %dma_wait3A_604 = arith.constant 0 : i32
      %dma_wait3A_605 = arith.constant 0 : i32
      %dma_wait3A_606 = arith.constant 0 : i32
      %dma_wait3A_607 = arith.constant 0 : i32
      %dma_wait3A_608 = tpu.memref_slice %arg9[%dma_wait3A_605, %dma_wait3A_606, %dma_wait3A_607] : memref<2x128x128xf32, #tpu.memory_space<vmem>> -> memref<1x128x128xf32, #tpu.memory_space<vmem>>
      %dma_wait3A_609 = tpu.memref_squeeze %dma_wait3A_608 : memref<1x128x128xf32, #tpu.memory_space<vmem>> -> memref<128x128xf32, #tpu.memory_space<vmem>>
      %dma_wait3A_610 = arith.constant 0 : i32
      %dma_wait3A_611 = tpu.memref_slice %arg7[%dma_wait3A_604, %dma_wait3A_610] : memref<79x128xi32, #tpu.memory_space<vmem>> -> memref<1x128xi32, #tpu.memory_space<vmem>>
      %dma_wait3A_612 = tpu.memref_squeeze %dma_wait3A_611 : memref<1x128xi32, #tpu.memory_space<vmem>> -> memref<128xi32, #tpu.memory_space<vmem>>
      %dma_wait3A_613 = arith.constant 0 : i32
      %dma_wait3A_614 = arith.constant 0 : i32
      %dma_wait3A_615 = tpu.memref_slice %arg2[%dma_wait3A_613, %dma_wait3A_614] : memref<40000x128xf32, #tpu.memory_space<hbm>> -> memref<40000x128xf32, #tpu.memory_space<hbm>>
      tpu.wait_indirect_dma semaphore(%arg11 : memref<!tpu.dma_semaphore, #tpu.memory_space<semaphore_mem>>) src(%dma_wait3A_615 : memref<40000x128xf32, #tpu.memory_space<hbm>>) dst(%dma_wait3A_609 : memref<128x128xf32, #tpu.memory_space<vmem>>)
      %dma_wait3A_616 = arith.constant 0 : i32
      %dma_wait3A_617 = arith.constant 0 : i32
      %dma_wait3A_618 = arith.constant 0 : i32
      %dma_wait3A_619 = tpu.memref_slice %arg8[%dma_wait3A_617, %dma_wait3A_618] : memref<2x128xi32, #tpu.memory_space<vmem>> -> memref<1x128xi32, #tpu.memory_space<vmem>>
      %dma_wait3A_620 = arith.constant 0 : i32
      %dma_wait3A_621 = arith.constant 0 : i32
      %dma_wait3A_622 = arith.constant 0 : i32
      %dma_wait3A_623 = tpu.memref_slice %arg4[%add3A, %dma_wait3A_620, %dma_wait3A_621, %dma_wait3A_622] : memref<32x79x1x128xi32, #tpu.memory_space<hbm>> -> memref<1x79x1x128xi32, #tpu.memory_space<hbm>>
      %dma_wait3A_624 = tpu.memref_squeeze %dma_wait3A_623 : memref<1x79x1x128xi32, #tpu.memory_space<hbm>> -> memref<79x1x128xi32, #tpu.memory_space<hbm>>
      %dma_wait3A_625 = arith.constant 0 : i32
      %dma_wait3A_626 = arith.constant 0 : i32
      %dma_wait3A_627 = tpu.memref_slice %dma_wait3A_624[%dma_wait3A_616, %dma_wait3A_625, %dma_wait3A_626] : memref<79x1x128xi32, #tpu.memory_space<hbm>> -> memref<1x1x128xi32, #tpu.memory_space<hbm>>
      %dma_wait3A_628 = tpu.memref_squeeze %dma_wait3A_627 : memref<1x1x128xi32, #tpu.memory_space<hbm>> -> memref<1x128xi32, #tpu.memory_space<hbm>>
      %dma_wait3A_629 = arith.constant 0 : i32
      %dma_wait3A_630 = arith.constant 0 : i32
      %dma_wait3A_631 = tpu.memref_slice %arg8[%dma_wait3A_629, %dma_wait3A_630] : memref<2x128xi32, #tpu.memory_space<vmem>> -> memref<1x128xi32, #tpu.memory_space<vmem>>
      %dma_wait3A_632 = arith.constant 0 : i32
      %dma_wait3A_633 = arith.constant 0 : i32
      %dma_wait3A_634 = arith.constant 0 : i32
      %dma_wait3A_635 = tpu.memref_slice %arg4[%add3A, %dma_wait3A_632, %dma_wait3A_633, %dma_wait3A_634] : memref<32x79x1x128xi32, #tpu.memory_space<hbm>> -> memref<1x79x1x128xi32, #tpu.memory_space<hbm>>
      %dma_wait3A_636 = tpu.memref_squeeze %dma_wait3A_635 : memref<1x79x1x128xi32, #tpu.memory_space<hbm>> -> memref<79x1x128xi32, #tpu.memory_space<hbm>>
      %dma_wait3A_637 = arith.constant 0 : i32
      %dma_wait3A_638 = arith.constant 0 : i32
      %dma_wait3A_639 = tpu.memref_slice %dma_wait3A_636[%dma_wait3A_616, %dma_wait3A_637, %dma_wait3A_638] : memref<79x1x128xi32, #tpu.memory_space<hbm>> -> memref<1x1x128xi32, #tpu.memory_space<hbm>>
      %dma_wait3A_640 = tpu.memref_squeeze %dma_wait3A_639 : memref<1x1x128xi32, #tpu.memory_space<hbm>> -> memref<1x128xi32, #tpu.memory_space<hbm>>
      tpu.wait_dma2 semaphore(%arg13 : memref<!tpu.dma_semaphore, #tpu.memory_space<semaphore_mem>>) src(%dma_wait3A_640 : memref<1x128xi32, #tpu.memory_space<hbm>>) dst(%dma_wait3A_631 : memref<1x128xi32, #tpu.memory_space<vmem>>)
      %dma_start3A_641 = arith.constant 0 : i32
      %dma_start3A_642 = arith.constant 0 : i32
      %dma_start3A_643 = arith.constant 0 : i32
      %dma_start3A_644 = arith.constant 0 : i32
      %dma_start3A_645 = tpu.memref_slice %arg9[%dma_start3A_641, %dma_start3A_643, %dma_start3A_644] : memref<2x128x128xf32, #tpu.memory_space<vmem>> -> memref<1x128x128xf32, #tpu.memory_space<vmem>>
      %dma_start3A_646 = tpu.memref_squeeze %dma_start3A_645 : memref<1x128x128xf32, #tpu.memory_space<vmem>> -> memref<128x128xf32, #tpu.memory_space<vmem>>
      %dma_start3A_647 = arith.constant 0 : i32
      %dma_start3A_648 = tpu.memref_slice %arg8[%dma_start3A_642, %dma_start3A_647] : memref<2x128xi32, #tpu.memory_space<vmem>> -> memref<1x128xi32, #tpu.memory_space<vmem>>
      %dma_start3A_649 = tpu.memref_squeeze %dma_start3A_648 : memref<1x128xi32, #tpu.memory_space<vmem>> -> memref<128xi32, #tpu.memory_space<vmem>>
      %dma_start3A_650 = arith.constant 0 : i32
      %dma_start3A_651 = arith.constant 0 : i32
      %dma_start3A_652 = tpu.memref_slice %arg10[%dma_start3A_650, %dma_start3A_651] : memref<10112x128xf32, #tpu.memory_space<vmem_shared>> -> memref<10112x128xf32, #tpu.memory_space<vmem_shared>>
      tpu.enqueue_indirect_dma source(%dma_start3A_646 : memref<128x128xf32, #tpu.memory_space<vmem>>) target(%dma_start3A_652 : memref<10112x128xf32, #tpu.memory_space<vmem_shared>>) offsets(%dma_start3A_649 : memref<128xi32, #tpu.memory_space<vmem>>) semaphore(%arg15 : memref<!tpu.dma_semaphore, #tpu.memory_space<semaphore_mem>>) {add = true}
      %dma_wait3A_653 = arith.constant 0 : i32
      %dma_wait3A_654 = arith.constant 1 : i32
      %dma_wait3A_655 = arith.constant 0 : i32
      %dma_wait3A_656 = arith.constant 0 : i32
      %dma_wait3A_657 = tpu.memref_slice %arg9[%dma_wait3A_654, %dma_wait3A_655, %dma_wait3A_656] : memref<2x128x128xf32, #tpu.memory_space<vmem>> -> memref<1x128x128xf32, #tpu.memory_space<vmem>>
      %dma_wait3A_658 = tpu.memref_squeeze %dma_wait3A_657 : memref<1x128x128xf32, #tpu.memory_space<vmem>> -> memref<128x128xf32, #tpu.memory_space<vmem>>
      %dma_wait3A_659 = arith.constant 0 : i32
      %dma_wait3A_660 = tpu.memref_slice %arg7[%dma_wait3A_653, %dma_wait3A_659] : memref<79x128xi32, #tpu.memory_space<vmem>> -> memref<1x128xi32, #tpu.memory_space<vmem>>
      %dma_wait3A_661 = tpu.memref_squeeze %dma_wait3A_660 : memref<1x128xi32, #tpu.memory_space<vmem>> -> memref<128xi32, #tpu.memory_space<vmem>>
      %dma_wait3A_662 = arith.constant 0 : i32
      %dma_wait3A_663 = arith.constant 0 : i32
      %dma_wait3A_664 = tpu.memref_slice %arg2[%dma_wait3A_662, %dma_wait3A_663] : memref<40000x128xf32, #tpu.memory_space<hbm>> -> memref<40000x128xf32, #tpu.memory_space<hbm>>
      tpu.wait_indirect_dma semaphore(%arg12 : memref<!tpu.dma_semaphore, #tpu.memory_space<semaphore_mem>>) src(%dma_wait3A_664 : memref<40000x128xf32, #tpu.memory_space<hbm>>) dst(%dma_wait3A_658 : memref<128x128xf32, #tpu.memory_space<vmem>>)
      %dma_wait3A_665 = arith.constant 0 : i32
      %dma_wait3A_666 = arith.constant 1 : i32
      %dma_wait3A_667 = arith.constant 0 : i32
      %dma_wait3A_668 = tpu.memref_slice %arg8[%dma_wait3A_666, %dma_wait3A_667] : memref<2x128xi32, #tpu.memory_space<vmem>> -> memref<1x128xi32, #tpu.memory_space<vmem>>
      %dma_wait3A_669 = arith.constant 0 : i32
      %dma_wait3A_670 = arith.constant 0 : i32
      %dma_wait3A_671 = arith.constant 0 : i32
      %dma_wait3A_672 = tpu.memref_slice %arg4[%add3A, %dma_wait3A_669, %dma_wait3A_670, %dma_wait3A_671] : memref<32x79x1x128xi32, #tpu.memory_space<hbm>> -> memref<1x79x1x128xi32, #tpu.memory_space<hbm>>
      %dma_wait3A_673 = tpu.memref_squeeze %dma_wait3A_672 : memref<1x79x1x128xi32, #tpu.memory_space<hbm>> -> memref<79x1x128xi32, #tpu.memory_space<hbm>>
      %dma_wait3A_674 = arith.constant 0 : i32
      %dma_wait3A_675 = arith.constant 0 : i32
      %dma_wait3A_676 = tpu.memref_slice %dma_wait3A_673[%dma_wait3A_665, %dma_wait3A_674, %dma_wait3A_675] : memref<79x1x128xi32, #tpu.memory_space<hbm>> -> memref<1x1x128xi32, #tpu.memory_space<hbm>>
      %dma_wait3A_677 = tpu.memref_squeeze %dma_wait3A_676 : memref<1x1x128xi32, #tpu.memory_space<hbm>> -> memref<1x128xi32, #tpu.memory_space<hbm>>
      %dma_wait3A_678 = arith.constant 1 : i32
      %dma_wait3A_679 = arith.constant 0 : i32
      %dma_wait3A_680 = tpu.memref_slice %arg8[%dma_wait3A_678, %dma_wait3A_679] : memref<2x128xi32, #tpu.memory_space<vmem>> -> memref<1x128xi32, #tpu.memory_space<vmem>>
      %dma_wait3A_681 = arith.constant 0 : i32
      %dma_wait3A_682 = arith.constant 0 : i32
      %dma_wait3A_683 = arith.constant 0 : i32
      %dma_wait3A_684 = tpu.memref_slice %arg4[%add3A, %dma_wait3A_681, %dma_wait3A_682, %dma_wait3A_683] : memref<32x79x1x128xi32, #tpu.memory_space<hbm>> -> memref<1x79x1x128xi32, #tpu.memory_space<hbm>>
      %dma_wait3A_685 = tpu.memref_squeeze %dma_wait3A_684 : memref<1x79x1x128xi32, #tpu.memory_space<hbm>> -> memref<79x1x128xi32, #tpu.memory_space<hbm>>
      %dma_wait3A_686 = arith.constant 0 : i32
      %dma_wait3A_687 = arith.constant 0 : i32
      %dma_wait3A_688 = tpu.memref_slice %dma_wait3A_685[%dma_wait3A_665, %dma_wait3A_686, %dma_wait3A_687] : memref<79x1x128xi32, #tpu.memory_space<hbm>> -> memref<1x1x128xi32, #tpu.memory_space<hbm>>
      %dma_wait3A_689 = tpu.memref_squeeze %dma_wait3A_688 : memref<1x1x128xi32, #tpu.memory_space<hbm>> -> memref<1x128xi32, #tpu.memory_space<hbm>>
      tpu.wait_dma2 semaphore(%arg14 : memref<!tpu.dma_semaphore, #tpu.memory_space<semaphore_mem>>) src(%dma_wait3A_689 : memref<1x128xi32, #tpu.memory_space<hbm>>) dst(%dma_wait3A_680 : memref<1x128xi32, #tpu.memory_space<vmem>>)
      %dma_start3A_690 = arith.constant 1 : i32
      %dma_start3A_691 = arith.constant 1 : i32
      %dma_start3A_692 = arith.constant 0 : i32
      %dma_start3A_693 = arith.constant 0 : i32
      %dma_start3A_694 = tpu.memref_slice %arg9[%dma_start3A_690, %dma_start3A_692, %dma_start3A_693] : memref<2x128x128xf32, #tpu.memory_space<vmem>> -> memref<1x128x128xf32, #tpu.memory_space<vmem>>
      %dma_start3A_695 = tpu.memref_squeeze %dma_start3A_694 : memref<1x128x128xf32, #tpu.memory_space<vmem>> -> memref<128x128xf32, #tpu.memory_space<vmem>>
      %dma_start3A_696 = arith.constant 0 : i32
      %dma_start3A_697 = tpu.memref_slice %arg8[%dma_start3A_691, %dma_start3A_696] : memref<2x128xi32, #tpu.memory_space<vmem>> -> memref<1x128xi32, #tpu.memory_space<vmem>>
      %dma_start3A_698 = tpu.memref_squeeze %dma_start3A_697 : memref<1x128xi32, #tpu.memory_space<vmem>> -> memref<128xi32, #tpu.memory_space<vmem>>
      %dma_start3A_699 = arith.constant 0 : i32
      %dma_start3A_700 = arith.constant 0 : i32
      %dma_start3A_701 = tpu.memref_slice %arg10[%dma_start3A_699, %dma_start3A_700] : memref<10112x128xf32, #tpu.memory_space<vmem_shared>> -> memref<10112x128xf32, #tpu.memory_space<vmem_shared>>
      tpu.enqueue_indirect_dma source(%dma_start3A_695 : memref<128x128xf32, #tpu.memory_space<vmem>>) target(%dma_start3A_701 : memref<10112x128xf32, #tpu.memory_space<vmem_shared>>) offsets(%dma_start3A_698 : memref<128xi32, #tpu.memory_space<vmem>>) semaphore(%arg16 : memref<!tpu.dma_semaphore, #tpu.memory_space<semaphore_mem>>) {add = true}
      %dma_wait3A_702 = arith.constant 0 : i32
      %dma_wait3A_703 = arith.constant 0 : i32
      %dma_wait3A_704 = arith.constant 0 : i32
      %dma_wait3A_705 = arith.constant 0 : i32
      %dma_wait3A_706 = tpu.memref_slice %arg9[%dma_wait3A_702, %dma_wait3A_704, %dma_wait3A_705] : memref<2x128x128xf32, #tpu.memory_space<vmem>> -> memref<1x128x128xf32, #tpu.memory_space<vmem>>
      %dma_wait3A_707 = tpu.memref_squeeze %dma_wait3A_706 : memref<1x128x128xf32, #tpu.memory_space<vmem>> -> memref<128x128xf32, #tpu.memory_space<vmem>>
      %dma_wait3A_708 = arith.constant 0 : i32
      %dma_wait3A_709 = tpu.memref_slice %arg8[%dma_wait3A_703, %dma_wait3A_708] : memref<2x128xi32, #tpu.memory_space<vmem>> -> memref<1x128xi32, #tpu.memory_space<vmem>>
      %dma_wait3A_710 = tpu.memref_squeeze %dma_wait3A_709 : memref<1x128xi32, #tpu.memory_space<vmem>> -> memref<128xi32, #tpu.memory_space<vmem>>
      %dma_wait3A_711 = arith.constant 0 : i32
      %dma_wait3A_712 = arith.constant 0 : i32
      %dma_wait3A_713 = tpu.memref_slice %arg10[%dma_wait3A_711, %dma_wait3A_712] : memref<10112x128xf32, #tpu.memory_space<vmem_shared>> -> memref<10112x128xf32, #tpu.memory_space<vmem_shared>>
      tpu.wait_indirect_dma semaphore(%arg15 : memref<!tpu.dma_semaphore, #tpu.memory_space<semaphore_mem>>) src(%dma_wait3A_707 : memref<128x128xf32, #tpu.memory_space<vmem>>) dst(%dma_wait3A_713 : memref<10112x128xf32, #tpu.memory_space<vmem_shared>>)
      %add3A_714 = arith.constant 2 : i32
      %add3A_715 = arith.addi %add3A_603, %add3A_714 : i32
      %lt3A = arith.constant 79 : i32
      %lt3A_716 = arith.cmpi slt, %add3A_715, %lt3A : i32
      %convert_element_type3A = arith.extui %lt3A_716 : i1 to i32
      %cond3A = arith.constant 0 : i32
      %cond3A_717 = arith.cmpi ne, %convert_element_type3A, %cond3A : i32
      scf.if %cond3A_717 {
        %add3A_737 = arith.constant 2 : i32
        %add3A_738 = arith.addi %add3A_603, %add3A_737 : i32
        %dma_start3A_739 = arith.constant 0 : i32
        %dma_start3A_740 = arith.constant 0 : i32
        %dma_start3A_741 = arith.constant 0 : i32
        %dma_start3A_742 = tpu.memref_slice %arg9[%dma_start3A_739, %dma_start3A_740, %dma_start3A_741] : memref<2x128x128xf32, #tpu.memory_space<vmem>> -> memref<1x128x128xf32, #tpu.memory_space<vmem>>
        %dma_start3A_743 = tpu.memref_squeeze %dma_start3A_742 : memref<1x128x128xf32, #tpu.memory_space<vmem>> -> memref<128x128xf32, #tpu.memory_space<vmem>>
        %dma_start3A_744 = arith.constant 0 : i32
        %dma_start3A_745 = tpu.memref_slice %arg7[%add3A_738, %dma_start3A_744] : memref<79x128xi32, #tpu.memory_space<vmem>> -> memref<1x128xi32, #tpu.memory_space<vmem>>
        %dma_start3A_746 = tpu.memref_squeeze %dma_start3A_745 : memref<1x128xi32, #tpu.memory_space<vmem>> -> memref<128xi32, #tpu.memory_space<vmem>>
        %dma_start3A_747 = arith.constant 0 : i32
        %dma_start3A_748 = arith.constant 0 : i32
        %dma_start3A_749 = tpu.memref_slice %arg2[%dma_start3A_747, %dma_start3A_748] : memref<40000x128xf32, #tpu.memory_space<hbm>> -> memref<40000x128xf32, #tpu.memory_space<hbm>>
        tpu.enqueue_indirect_dma source(%dma_start3A_749 : memref<40000x128xf32, #tpu.memory_space<hbm>>) target(%dma_start3A_743 : memref<128x128xf32, #tpu.memory_space<vmem>>) offsets(%dma_start3A_746 : memref<128xi32, #tpu.memory_space<vmem>>) semaphore(%arg11 : memref<!tpu.dma_semaphore, #tpu.memory_space<semaphore_mem>>)
        %dma_start3A_750 = arith.constant 0 : i32
        %dma_start3A_751 = arith.constant 0 : i32
        %dma_start3A_752 = tpu.memref_slice %arg8[%dma_start3A_750, %dma_start3A_751] : memref<2x128xi32, #tpu.memory_space<vmem>> -> memref<1x128xi32, #tpu.memory_space<vmem>>
        %dma_start3A_753 = arith.constant 0 : i32
        %dma_start3A_754 = arith.constant 0 : i32
        %dma_start3A_755 = arith.constant 0 : i32
        %dma_start3A_756 = tpu.memref_slice %arg4[%add3A, %dma_start3A_753, %dma_start3A_754, %dma_start3A_755] : memref<32x79x1x128xi32, #tpu.memory_space<hbm>> -> memref<1x79x1x128xi32, #tpu.memory_space<hbm>>
        %dma_start3A_757 = tpu.memref_squeeze %dma_start3A_756 : memref<1x79x1x128xi32, #tpu.memory_space<hbm>> -> memref<79x1x128xi32, #tpu.memory_space<hbm>>
        %dma_start3A_758 = arith.constant 0 : i32
        %dma_start3A_759 = arith.constant 0 : i32
        %dma_start3A_760 = tpu.memref_slice %dma_start3A_757[%add3A_738, %dma_start3A_758, %dma_start3A_759] : memref<79x1x128xi32, #tpu.memory_space<hbm>> -> memref<1x1x128xi32, #tpu.memory_space<hbm>>
        %dma_start3A_761 = tpu.memref_squeeze %dma_start3A_760 : memref<1x1x128xi32, #tpu.memory_space<hbm>> -> memref<1x128xi32, #tpu.memory_space<hbm>>
        %dma_start3A_762 = arith.constant 0 : i32
        %dma_start3A_763 = arith.constant 0 : i32
        %dma_start3A_764 = tpu.memref_slice %arg8[%dma_start3A_762, %dma_start3A_763] : memref<2x128xi32, #tpu.memory_space<vmem>> -> memref<1x128xi32, #tpu.memory_space<vmem>>
        %dma_start3A_765 = arith.constant 0 : i32
        %dma_start3A_766 = arith.constant 0 : i32
        %dma_start3A_767 = arith.constant 0 : i32
        %dma_start3A_768 = tpu.memref_slice %arg4[%add3A, %dma_start3A_765, %dma_start3A_766, %dma_start3A_767] : memref<32x79x1x128xi32, #tpu.memory_space<hbm>> -> memref<1x79x1x128xi32, #tpu.memory_space<hbm>>
        %dma_start3A_769 = tpu.memref_squeeze %dma_start3A_768 : memref<1x79x1x128xi32, #tpu.memory_space<hbm>> -> memref<79x1x128xi32, #tpu.memory_space<hbm>>
        %dma_start3A_770 = arith.constant 0 : i32
        %dma_start3A_771 = arith.constant 0 : i32
        %dma_start3A_772 = tpu.memref_slice %dma_start3A_769[%add3A_738, %dma_start3A_770, %dma_start3A_771] : memref<79x1x128xi32, #tpu.memory_space<hbm>> -> memref<1x1x128xi32, #tpu.memory_space<hbm>>
        %dma_start3A_773 = tpu.memref_squeeze %dma_start3A_772 : memref<1x1x128xi32, #tpu.memory_space<hbm>> -> memref<1x128xi32, #tpu.memory_space<hbm>>
        tpu.enqueue_dma source(%dma_start3A_773 : memref<1x128xi32, #tpu.memory_space<hbm>>) target(%dma_start3A_764 : memref<1x128xi32, #tpu.memory_space<vmem>>) target_semaphore(%arg13 : memref<!tpu.dma_semaphore, #tpu.memory_space<semaphore_mem>>)
      } else {
      }
      %dma_wait3A_718 = arith.constant 1 : i32
      %dma_wait3A_719 = arith.constant 1 : i32
      %dma_wait3A_720 = arith.constant 0 : i32
      %dma_wait3A_721 = arith.constant 0 : i32
      %dma_wait3A_722 = tpu.memref_slice %arg9[%dma_wait3A_718, %dma_wait3A_720, %dma_wait3A_721] : memref<2x128x128xf32, #tpu.memory_space<vmem>> -> memref<1x128x128xf32, #tpu.memory_space<vmem>>
      %dma_wait3A_723 = tpu.memref_squeeze %dma_wait3A_722 : memref<1x128x128xf32, #tpu.memory_space<vmem>> -> memref<128x128xf32, #tpu.memory_space<vmem>>
      %dma_wait3A_724 = arith.constant 0 : i32
      %dma_wait3A_725 = tpu.memref_slice %arg8[%dma_wait3A_719, %dma_wait3A_724] : memref<2x128xi32, #tpu.memory_space<vmem>> -> memref<1x128xi32, #tpu.memory_space<vmem>>
      %dma_wait3A_726 = tpu.memref_squeeze %dma_wait3A_725 : memref<1x128xi32, #tpu.memory_space<vmem>> -> memref<128xi32, #tpu.memory_space<vmem>>
      %dma_wait3A_727 = arith.constant 0 : i32
      %dma_wait3A_728 = arith.constant 0 : i32
      %dma_wait3A_729 = tpu.memref_slice %arg10[%dma_wait3A_727, %dma_wait3A_728] : memref<10112x128xf32, #tpu.memory_space<vmem_shared>> -> memref<10112x128xf32, #tpu.memory_space<vmem_shared>>
      tpu.wait_indirect_dma semaphore(%arg16 : memref<!tpu.dma_semaphore, #tpu.memory_space<semaphore_mem>>) src(%dma_wait3A_723 : memref<128x128xf32, #tpu.memory_space<vmem>>) dst(%dma_wait3A_729 : memref<10112x128xf32, #tpu.memory_space<vmem_shared>>)
      %add3A_730 = arith.constant 3 : i32
      %add3A_731 = arith.addi %add3A_603, %add3A_730 : i32
      %lt3A_732 = arith.constant 79 : i32
      %lt3A_733 = arith.cmpi slt, %add3A_731, %lt3A_732 : i32
      %convert_element_type3A_734 = arith.extui %lt3A_733 : i1 to i32
      %cond3A_735 = arith.constant 0 : i32
      %cond3A_736 = arith.cmpi ne, %convert_element_type3A_734, %cond3A_735 : i32
      scf.if %cond3A_736 {
        %add3A_737 = arith.constant 3 : i32
        %add3A_738 = arith.addi %add3A_603, %add3A_737 : i32
        %dma_start3A_739 = arith.constant 1 : i32
        %dma_start3A_740 = arith.constant 0 : i32
        %dma_start3A_741 = arith.constant 0 : i32
        %dma_start3A_742 = tpu.memref_slice %arg9[%dma_start3A_739, %dma_start3A_740, %dma_start3A_741] : memref<2x128x128xf32, #tpu.memory_space<vmem>> -> memref<1x128x128xf32, #tpu.memory_space<vmem>>
        %dma_start3A_743 = tpu.memref_squeeze %dma_start3A_742 : memref<1x128x128xf32, #tpu.memory_space<vmem>> -> memref<128x128xf32, #tpu.memory_space<vmem>>
        %dma_start3A_744 = arith.constant 0 : i32
        %dma_start3A_745 = tpu.memref_slice %arg7[%add3A_738, %dma_start3A_744] : memref<79x128xi32, #tpu.memory_space<vmem>> -> memref<1x128xi32, #tpu.memory_space<vmem>>
        %dma_start3A_746 = tpu.memref_squeeze %dma_start3A_745 : memref<1x128xi32, #tpu.memory_space<vmem>> -> memref<128xi32, #tpu.memory_space<vmem>>
        %dma_start3A_747 = arith.constant 0 : i32
        %dma_start3A_748 = arith.constant 0 : i32
        %dma_start3A_749 = tpu.memref_slice %arg2[%dma_start3A_747, %dma_start3A_748] : memref<40000x128xf32, #tpu.memory_space<hbm>> -> memref<40000x128xf32, #tpu.memory_space<hbm>>
        tpu.enqueue_indirect_dma source(%dma_start3A_749 : memref<40000x128xf32, #tpu.memory_space<hbm>>) target(%dma_start3A_743 : memref<128x128xf32, #tpu.memory_space<vmem>>) offsets(%dma_start3A_746 : memref<128xi32, #tpu.memory_space<vmem>>) semaphore(%arg12 : memref<!tpu.dma_semaphore, #tpu.memory_space<semaphore_mem>>)
        %dma_start3A_750 = arith.constant 1 : i32
        %dma_start3A_751 = arith.constant 0 : i32
        %dma_start3A_752 = tpu.memref_slice %arg8[%dma_start3A_750, %dma_start3A_751] : memref<2x128xi32, #tpu.memory_space<vmem>> -> memref<1x128xi32, #tpu.memory_space<vmem>>
        %dma_start3A_753 = arith.constant 0 : i32
        %dma_start3A_754 = arith.constant 0 : i32
        %dma_start3A_755 = arith.constant 0 : i32
        %dma_start3A_756 = tpu.memref_slice %arg4[%add3A, %dma_start3A_753, %dma_start3A_754, %dma_start3A_755] : memref<32x79x1x128xi32, #tpu.memory_space<hbm>> -> memref<1x79x1x128xi32, #tpu.memory_space<hbm>>
        %dma_start3A_757 = tpu.memref_squeeze %dma_start3A_756 : memref<1x79x1x128xi32, #tpu.memory_space<hbm>> -> memref<79x1x128xi32, #tpu.memory_space<hbm>>
        %dma_start3A_758 = arith.constant 0 : i32
        %dma_start3A_759 = arith.constant 0 : i32
        %dma_start3A_760 = tpu.memref_slice %dma_start3A_757[%add3A_738, %dma_start3A_758, %dma_start3A_759] : memref<79x1x128xi32, #tpu.memory_space<hbm>> -> memref<1x1x128xi32, #tpu.memory_space<hbm>>
        %dma_start3A_761 = tpu.memref_squeeze %dma_start3A_760 : memref<1x1x128xi32, #tpu.memory_space<hbm>> -> memref<1x128xi32, #tpu.memory_space<hbm>>
        %dma_start3A_762 = arith.constant 1 : i32
        %dma_start3A_763 = arith.constant 0 : i32
        %dma_start3A_764 = tpu.memref_slice %arg8[%dma_start3A_762, %dma_start3A_763] : memref<2x128xi32, #tpu.memory_space<vmem>> -> memref<1x128xi32, #tpu.memory_space<vmem>>
        %dma_start3A_765 = arith.constant 0 : i32
        %dma_start3A_766 = arith.constant 0 : i32
        %dma_start3A_767 = arith.constant 0 : i32
        %dma_start3A_768 = tpu.memref_slice %arg4[%add3A, %dma_start3A_765, %dma_start3A_766, %dma_start3A_767] : memref<32x79x1x128xi32, #tpu.memory_space<hbm>> -> memref<1x79x1x128xi32, #tpu.memory_space<hbm>>
        %dma_start3A_769 = tpu.memref_squeeze %dma_start3A_768 : memref<1x79x1x128xi32, #tpu.memory_space<hbm>> -> memref<79x1x128xi32, #tpu.memory_space<hbm>>
        %dma_start3A_770 = arith.constant 0 : i32
        %dma_start3A_771 = arith.constant 0 : i32
        %dma_start3A_772 = tpu.memref_slice %dma_start3A_769[%add3A_738, %dma_start3A_770, %dma_start3A_771] : memref<79x1x128xi32, #tpu.memory_space<hbm>> -> memref<1x1x128xi32, #tpu.memory_space<hbm>>
        %dma_start3A_773 = tpu.memref_squeeze %dma_start3A_772 : memref<1x1x128xi32, #tpu.memory_space<hbm>> -> memref<1x128xi32, #tpu.memory_space<hbm>>
        tpu.enqueue_dma source(%dma_start3A_773 : memref<1x128xi32, #tpu.memory_space<hbm>>) target(%dma_start3A_764 : memref<1x128xi32, #tpu.memory_space<vmem>>) target_semaphore(%arg14 : memref<!tpu.dma_semaphore, #tpu.memory_space<semaphore_mem>>)
      } else {
      }
    }
    %scan3A_531 = arith.constant 39 : i32
    %dma_wait3A_532 = arith.constant 0 : i32
    %dma_wait3A_533 = arith.constant 0 : i32
    %dma_wait3A_534 = arith.constant 0 : i32
    %dma_wait3A_535 = arith.constant 0 : i32
    %dma_wait3A_536 = tpu.memref_slice %arg9[%dma_wait3A_533, %dma_wait3A_534, %dma_wait3A_535] : memref<2x128x128xf32, #tpu.memory_space<vmem>> -> memref<1x128x128xf32, #tpu.memory_space<vmem>>
    %dma_wait3A_537 = tpu.memref_squeeze %dma_wait3A_536 : memref<1x128x128xf32, #tpu.memory_space<vmem>> -> memref<128x128xf32, #tpu.memory_space<vmem>>
    %dma_wait3A_538 = arith.constant 0 : i32
    %dma_wait3A_539 = tpu.memref_slice %arg7[%dma_wait3A_532, %dma_wait3A_538] : memref<79x128xi32, #tpu.memory_space<vmem>> -> memref<1x128xi32, #tpu.memory_space<vmem>>
    %dma_wait3A_540 = tpu.memref_squeeze %dma_wait3A_539 : memref<1x128xi32, #tpu.memory_space<vmem>> -> memref<128xi32, #tpu.memory_space<vmem>>
    %dma_wait3A_541 = arith.constant 0 : i32
    %dma_wait3A_542 = arith.constant 0 : i32
    %dma_wait3A_543 = tpu.memref_slice %arg2[%dma_wait3A_541, %dma_wait3A_542] : memref<40000x128xf32, #tpu.memory_space<hbm>> -> memref<40000x128xf32, #tpu.memory_space<hbm>>
    tpu.wait_indirect_dma semaphore(%arg11 : memref<!tpu.dma_semaphore, #tpu.memory_space<semaphore_mem>>) src(%dma_wait3A_543 : memref<40000x128xf32, #tpu.memory_space<hbm>>) dst(%dma_wait3A_537 : memref<128x128xf32, #tpu.memory_space<vmem>>)
    %dma_wait3A_544 = arith.constant 0 : i32
    %dma_wait3A_545 = arith.constant 0 : i32
    %dma_wait3A_546 = arith.constant 0 : i32
    %dma_wait3A_547 = tpu.memref_slice %arg8[%dma_wait3A_545, %dma_wait3A_546] : memref<2x128xi32, #tpu.memory_space<vmem>> -> memref<1x128xi32, #tpu.memory_space<vmem>>
    %dma_wait3A_548 = arith.constant 0 : i32
    %dma_wait3A_549 = arith.constant 0 : i32
    %dma_wait3A_550 = arith.constant 0 : i32
    %dma_wait3A_551 = tpu.memref_slice %arg4[%add3A, %dma_wait3A_548, %dma_wait3A_549, %dma_wait3A_550] : memref<32x79x1x128xi32, #tpu.memory_space<hbm>> -> memref<1x79x1x128xi32, #tpu.memory_space<hbm>>
    %dma_wait3A_552 = tpu.memref_squeeze %dma_wait3A_551 : memref<1x79x1x128xi32, #tpu.memory_space<hbm>> -> memref<79x1x128xi32, #tpu.memory_space<hbm>>
    %dma_wait3A_553 = arith.constant 0 : i32
    %dma_wait3A_554 = arith.constant 0 : i32
    %dma_wait3A_555 = tpu.memref_slice %dma_wait3A_552[%dma_wait3A_544, %dma_wait3A_553, %dma_wait3A_554] : memref<79x1x128xi32, #tpu.memory_space<hbm>> -> memref<1x1x128xi32, #tpu.memory_space<hbm>>
    %dma_wait3A_556 = tpu.memref_squeeze %dma_wait3A_555 : memref<1x1x128xi32, #tpu.memory_space<hbm>> -> memref<1x128xi32, #tpu.memory_space<hbm>>
    %dma_wait3A_557 = arith.constant 0 : i32
    %dma_wait3A_558 = arith.constant 0 : i32
    %dma_wait3A_559 = tpu.memref_slice %arg8[%dma_wait3A_557, %dma_wait3A_558] : memref<2x128xi32, #tpu.memory_space<vmem>> -> memref<1x128xi32, #tpu.memory_space<vmem>>
    %dma_wait3A_560 = arith.constant 0 : i32
    %dma_wait3A_561 = arith.constant 0 : i32
    %dma_wait3A_562 = arith.constant 0 : i32
    %dma_wait3A_563 = tpu.memref_slice %arg4[%add3A, %dma_wait3A_560, %dma_wait3A_561, %dma_wait3A_562] : memref<32x79x1x128xi32, #tpu.memory_space<hbm>> -> memref<1x79x1x128xi32, #tpu.memory_space<hbm>>
    %dma_wait3A_564 = tpu.memref_squeeze %dma_wait3A_563 : memref<1x79x1x128xi32, #tpu.memory_space<hbm>> -> memref<79x1x128xi32, #tpu.memory_space<hbm>>
    %dma_wait3A_565 = arith.constant 0 : i32
    %dma_wait3A_566 = arith.constant 0 : i32
    %dma_wait3A_567 = tpu.memref_slice %dma_wait3A_564[%dma_wait3A_544, %dma_wait3A_565, %dma_wait3A_566] : memref<79x1x128xi32, #tpu.memory_space<hbm>> -> memref<1x1x128xi32, #tpu.memory_space<hbm>>
    %dma_wait3A_568 = tpu.memref_squeeze %dma_wait3A_567 : memref<1x1x128xi32, #tpu.memory_space<hbm>> -> memref<1x128xi32, #tpu.memory_space<hbm>>
    tpu.wait_dma2 semaphore(%arg13 : memref<!tpu.dma_semaphore, #tpu.memory_space<semaphore_mem>>) src(%dma_wait3A_568 : memref<1x128xi32, #tpu.memory_space<hbm>>) dst(%dma_wait3A_559 : memref<1x128xi32, #tpu.memory_space<vmem>>)
    %dma_start3A_569 = arith.constant 0 : i32
    %dma_start3A_570 = arith.constant 0 : i32
    %dma_start3A_571 = arith.constant 0 : i32
    %dma_start3A_572 = arith.constant 0 : i32
    %dma_start3A_573 = tpu.memref_slice %arg9[%dma_start3A_569, %dma_start3A_571, %dma_start3A_572] : memref<2x128x128xf32, #tpu.memory_space<vmem>> -> memref<1x128x128xf32, #tpu.memory_space<vmem>>
    %dma_start3A_574 = tpu.memref_squeeze %dma_start3A_573 : memref<1x128x128xf32, #tpu.memory_space<vmem>> -> memref<128x128xf32, #tpu.memory_space<vmem>>
    %dma_start3A_575 = arith.constant 0 : i32
    %dma_start3A_576 = tpu.memref_slice %arg8[%dma_start3A_570, %dma_start3A_575] : memref<2x128xi32, #tpu.memory_space<vmem>> -> memref<1x128xi32, #tpu.memory_space<vmem>>
    %dma_start3A_577 = tpu.memref_squeeze %dma_start3A_576 : memref<1x128xi32, #tpu.memory_space<vmem>> -> memref<128xi32, #tpu.memory_space<vmem>>
    %dma_start3A_578 = arith.constant 0 : i32
    %dma_start3A_579 = arith.constant 0 : i32
    %dma_start3A_580 = tpu.memref_slice %arg10[%dma_start3A_578, %dma_start3A_579] : memref<10112x128xf32, #tpu.memory_space<vmem_shared>> -> memref<10112x128xf32, #tpu.memory_space<vmem_shared>>
    tpu.enqueue_indirect_dma source(%dma_start3A_574 : memref<128x128xf32, #tpu.memory_space<vmem>>) target(%dma_start3A_580 : memref<10112x128xf32, #tpu.memory_space<vmem_shared>>) offsets(%dma_start3A_577 : memref<128xi32, #tpu.memory_space<vmem>>) semaphore(%arg15 : memref<!tpu.dma_semaphore, #tpu.memory_space<semaphore_mem>>) {add = true}
    %dma_wait3A_581 = arith.constant 0 : i32
    %dma_wait3A_582 = arith.constant 0 : i32
    %dma_wait3A_583 = arith.constant 0 : i32
    %dma_wait3A_584 = arith.constant 0 : i32
    %dma_wait3A_585 = tpu.memref_slice %arg9[%dma_wait3A_581, %dma_wait3A_583, %dma_wait3A_584] : memref<2x128x128xf32, #tpu.memory_space<vmem>> -> memref<1x128x128xf32, #tpu.memory_space<vmem>>
    %dma_wait3A_586 = tpu.memref_squeeze %dma_wait3A_585 : memref<1x128x128xf32, #tpu.memory_space<vmem>> -> memref<128x128xf32, #tpu.memory_space<vmem>>
    %dma_wait3A_587 = arith.constant 0 : i32
    %dma_wait3A_588 = tpu.memref_slice %arg8[%dma_wait3A_582, %dma_wait3A_587] : memref<2x128xi32, #tpu.memory_space<vmem>> -> memref<1x128xi32, #tpu.memory_space<vmem>>
    %dma_wait3A_589 = tpu.memref_squeeze %dma_wait3A_588 : memref<1x128xi32, #tpu.memory_space<vmem>> -> memref<128xi32, #tpu.memory_space<vmem>>
    %dma_wait3A_590 = arith.constant 0 : i32
    %dma_wait3A_591 = arith.constant 0 : i32
    %dma_wait3A_592 = tpu.memref_slice %arg10[%dma_wait3A_590, %dma_wait3A_591] : memref<10112x128xf32, #tpu.memory_space<vmem_shared>> -> memref<10112x128xf32, #tpu.memory_space<vmem_shared>>
    tpu.wait_indirect_dma semaphore(%arg15 : memref<!tpu.dma_semaphore, #tpu.memory_space<semaphore_mem>>) src(%dma_wait3A_586 : memref<128x128xf32, #tpu.memory_space<vmem>>) dst(%dma_wait3A_592 : memref<10112x128xf32, #tpu.memory_space<vmem_shared>>)
    %barrier3A_593 = arith.constant 0 : index
    tpu.barrier barrier_id(%barrier3A_593)
    %mul3A_594 = arith.constant 632 : i32
    %mul3A_595 = arith.muli %arg1, %mul3A_594 : i32
    %mul3A_596 = arith.constant 632 : i32
    %mul3A_597 = arith.muli %arg1, %mul3A_596 : i32
    %run_scoped3A_598 = arith.constant 3 : i32
    "tpu.region"() ({
      %run_scoped3A_599 = tpu.sem_alloc : memref<!tpu.dma_semaphore, #tpu.memory_space<semaphore_mem>>
      %dma_start3A_600 = arith.constant 0 : i32
      %dma_start3A_601 = arith.constant 0 : i32
      %dma_start3A_602 = arith.constant 0 : i32
      %dma_start3A_603 = tpu.memref_slice %arg6[%arg0, %dma_start3A_600, %dma_start3A_601, %dma_start3A_602] : memref<2x4x10112x128xf32, #tpu.memory_space<hbm>> -> memref<1x4x10112x128xf32, #tpu.memory_space<hbm>>
      %dma_start3A_604 = tpu.memref_squeeze %dma_start3A_603 : memref<1x4x10112x128xf32, #tpu.memory_space<hbm>> -> memref<4x10112x128xf32, #tpu.memory_space<hbm>>
      %dma_start3A_605 = arith.constant 0 : i32
      %dma_start3A_606 = arith.constant 0 : i32
      %dma_start3A_607 = tpu.memref_slice %dma_start3A_604[%run_scoped3A_598, %dma_start3A_605, %dma_start3A_606] : memref<4x10112x128xf32, #tpu.memory_space<hbm>> -> memref<1x10112x128xf32, #tpu.memory_space<hbm>>
      %dma_start3A_608 = tpu.memref_squeeze %dma_start3A_607 : memref<1x10112x128xf32, #tpu.memory_space<hbm>> -> memref<10112x128xf32, #tpu.memory_space<hbm>>
      %dma_start3A_609 = arith.constant 0 : i32
      %dma_start3A_610 = tpu.memref_slice %dma_start3A_608[%mul3A_597, %dma_start3A_609] : memref<10112x128xf32, #tpu.memory_space<hbm>> -> memref<632x128xf32, #tpu.memory_space<hbm>>
      %dma_start3A_611 = arith.constant 0 : i32
      %dma_start3A_612 = tpu.memref_slice %arg10[%mul3A_595, %dma_start3A_611] : memref<10112x128xf32, #tpu.memory_space<vmem_shared>> -> memref<632x128xf32, #tpu.memory_space<vmem_shared>>
      tpu.enqueue_dma source(%dma_start3A_612 : memref<632x128xf32, #tpu.memory_space<vmem_shared>>) target(%dma_start3A_610 : memref<632x128xf32, #tpu.memory_space<hbm>>) target_semaphore(%run_scoped3A_599 : memref<!tpu.dma_semaphore, #tpu.memory_space<semaphore_mem>>)
      %dma_wait3A_613 = arith.constant 0 : i32
      %dma_wait3A_614 = arith.constant 0 : i32
      %dma_wait3A_615 = arith.constant 0 : i32
      %dma_wait3A_616 = tpu.memref_slice %arg6[%arg0, %dma_wait3A_613, %dma_wait3A_614, %dma_wait3A_615] : memref<2x4x10112x128xf32, #tpu.memory_space<hbm>> -> memref<1x4x10112x128xf32, #tpu.memory_space<hbm>>
      %dma_wait3A_617 = tpu.memref_squeeze %dma_wait3A_616 : memref<1x4x10112x128xf32, #tpu.memory_space<hbm>> -> memref<4x10112x128xf32, #tpu.memory_space<hbm>>
      %dma_wait3A_618 = arith.constant 0 : i32
      %dma_wait3A_619 = arith.constant 0 : i32
      %dma_wait3A_620 = tpu.memref_slice %dma_wait3A_617[%run_scoped3A_598, %dma_wait3A_618, %dma_wait3A_619] : memref<4x10112x128xf32, #tpu.memory_space<hbm>> -> memref<1x10112x128xf32, #tpu.memory_space<hbm>>
      %dma_wait3A_621 = tpu.memref_squeeze %dma_wait3A_620 : memref<1x10112x128xf32, #tpu.memory_space<hbm>> -> memref<10112x128xf32, #tpu.memory_space<hbm>>
      %dma_wait3A_622 = arith.constant 0 : i32
      %dma_wait3A_623 = tpu.memref_slice %dma_wait3A_621[%mul3A_597, %dma_wait3A_622] : memref<10112x128xf32, #tpu.memory_space<hbm>> -> memref<632x128xf32, #tpu.memory_space<hbm>>
      %dma_wait3A_624 = arith.constant 0 : i32
      %dma_wait3A_625 = tpu.memref_slice %arg10[%mul3A_595, %dma_wait3A_624] : memref<10112x128xf32, #tpu.memory_space<vmem_shared>> -> memref<632x128xf32, #tpu.memory_space<vmem_shared>>
      tpu.wait_dma2 semaphore(%run_scoped3A_599 : memref<!tpu.dma_semaphore, #tpu.memory_space<semaphore_mem>>) src(%dma_wait3A_625 : memref<632x128xf32, #tpu.memory_space<vmem_shared>>) dst(%dma_wait3A_623 : memref<632x128xf32, #tpu.memory_space<hbm>>)
      tpu.yield
    }) : () -> ()
    return
  }
}

#map = affine_map<(d0, d1) -> (0, 0)>
#map1 = affine_map<(d0, d1) -> (0, 0, 0, 0)>
module attributes {stable_mosaic.version = 14 : i64} {
  func.func @_agg_body(%arg0: i32, %arg1: i32, %arg2: memref<10000x128xf32, #tpu.memory_space<hbm>>, %arg3: memref<1x32x79x128xi32, #tpu.memory_space<hbm>>, %arg4: memref<32x79x1x128xi32, #tpu.memory_space<hbm>>, %arg5: memref<632x128xf32, #tpu.memory_space<hbm>>, %arg6: memref<2x1x10112x128xf32, #tpu.memory_space<hbm>>, %arg7: memref<79x128xi32, #tpu.memory_space<vmem>>, %arg8: memref<2x128xi32, #tpu.memory_space<vmem>>, %arg9: memref<2x128x128xf32, #tpu.memory_space<vmem>>, %arg10: memref<10112x128xf32, #tpu.memory_space<vmem_shared>>, %arg11: memref<!tpu.dma_semaphore, #tpu.memory_space<semaphore_mem>>, %arg12: memref<!tpu.dma_semaphore, #tpu.memory_space<semaphore_mem>>, %arg13: memref<!tpu.dma_semaphore, #tpu.memory_space<semaphore_mem>>, %arg14: memref<!tpu.dma_semaphore, #tpu.memory_space<semaphore_mem>>, %arg15: memref<!tpu.dma_semaphore, #tpu.memory_space<semaphore_mem>>, %arg16: memref<!tpu.dma_semaphore, #tpu.memory_space<semaphore_mem>>) attributes {dimension_semantics = [#tpu.dimension_semantics<core_parallel>, #tpu.dimension_semantics<subcore_parallel>], iteration_bounds = array<i64: 2, 16>, scalar_prefetch = 0 : i64, scratch_operands = 10 : i64, tpu.core_type = #tpu.core_type<sc_vector_subcore>, window_params = [{transform_indices = #map}, {transform_indices = #map1}, {transform_indices = #map1}, {transform_indices = #map}, {transform_indices = #map1}]} {
    %mul3A = arith.constant 16 : i32
    %mul3A_0 = arith.muli %arg0, %mul3A : i32
    %add3A = arith.addi %mul3A_0, %arg1 : i32
    %run_scoped3A = arith.constant 0 : i32
    "tpu.region"() ({
      %run_scoped3A_146 = tpu.sem_alloc : memref<!tpu.dma_semaphore, #tpu.memory_space<semaphore_mem>>
      %dma_start3A_147 = arith.constant 0 : i32
      %dma_start3A_148 = arith.constant 0 : i32
      %dma_start3A_149 = arith.constant 0 : i32
      %dma_start3A_150 = tpu.memref_slice %arg3[%run_scoped3A, %dma_start3A_147, %dma_start3A_148, %dma_start3A_149] : memref<1x32x79x128xi32, #tpu.memory_space<hbm>> -> memref<1x32x79x128xi32, #tpu.memory_space<hbm>>
      %dma_start3A_151 = tpu.memref_squeeze %dma_start3A_150 : memref<1x32x79x128xi32, #tpu.memory_space<hbm>> -> memref<32x79x128xi32, #tpu.memory_space<hbm>>
      %dma_start3A_152 = arith.constant 0 : i32
      %dma_start3A_153 = arith.constant 0 : i32
      %dma_start3A_154 = tpu.memref_slice %dma_start3A_151[%add3A, %dma_start3A_152, %dma_start3A_153] : memref<32x79x128xi32, #tpu.memory_space<hbm>> -> memref<1x79x128xi32, #tpu.memory_space<hbm>>
      %dma_start3A_155 = tpu.memref_squeeze %dma_start3A_154 : memref<1x79x128xi32, #tpu.memory_space<hbm>> -> memref<79x128xi32, #tpu.memory_space<hbm>>
      %dma_start3A_156 = arith.constant 0 : i32
      %dma_start3A_157 = arith.constant 0 : i32
      %dma_start3A_158 = arith.constant 0 : i32
      %dma_start3A_159 = tpu.memref_slice %arg3[%run_scoped3A, %dma_start3A_156, %dma_start3A_157, %dma_start3A_158] : memref<1x32x79x128xi32, #tpu.memory_space<hbm>> -> memref<1x32x79x128xi32, #tpu.memory_space<hbm>>
      %dma_start3A_160 = tpu.memref_squeeze %dma_start3A_159 : memref<1x32x79x128xi32, #tpu.memory_space<hbm>> -> memref<32x79x128xi32, #tpu.memory_space<hbm>>
      %dma_start3A_161 = arith.constant 0 : i32
      %dma_start3A_162 = arith.constant 0 : i32
      %dma_start3A_163 = tpu.memref_slice %dma_start3A_160[%add3A, %dma_start3A_161, %dma_start3A_162] : memref<32x79x128xi32, #tpu.memory_space<hbm>> -> memref<1x79x128xi32, #tpu.memory_space<hbm>>
      %dma_start3A_164 = tpu.memref_squeeze %dma_start3A_163 : memref<1x79x128xi32, #tpu.memory_space<hbm>> -> memref<79x128xi32, #tpu.memory_space<hbm>>
      tpu.enqueue_dma source(%dma_start3A_164 : memref<79x128xi32, #tpu.memory_space<hbm>>) target(%arg7 : memref<79x128xi32, #tpu.memory_space<vmem>>) target_semaphore(%run_scoped3A_146 : memref<!tpu.dma_semaphore, #tpu.memory_space<semaphore_mem>>)
      %dma_wait3A_165 = arith.constant 0 : i32
      %dma_wait3A_166 = arith.constant 0 : i32
      %dma_wait3A_167 = arith.constant 0 : i32
      %dma_wait3A_168 = tpu.memref_slice %arg3[%run_scoped3A, %dma_wait3A_165, %dma_wait3A_166, %dma_wait3A_167] : memref<1x32x79x128xi32, #tpu.memory_space<hbm>> -> memref<1x32x79x128xi32, #tpu.memory_space<hbm>>
      %dma_wait3A_169 = tpu.memref_squeeze %dma_wait3A_168 : memref<1x32x79x128xi32, #tpu.memory_space<hbm>> -> memref<32x79x128xi32, #tpu.memory_space<hbm>>
      %dma_wait3A_170 = arith.constant 0 : i32
      %dma_wait3A_171 = arith.constant 0 : i32
      %dma_wait3A_172 = tpu.memref_slice %dma_wait3A_169[%add3A, %dma_wait3A_170, %dma_wait3A_171] : memref<32x79x128xi32, #tpu.memory_space<hbm>> -> memref<1x79x128xi32, #tpu.memory_space<hbm>>
      %dma_wait3A_173 = tpu.memref_squeeze %dma_wait3A_172 : memref<1x79x128xi32, #tpu.memory_space<hbm>> -> memref<79x128xi32, #tpu.memory_space<hbm>>
      %dma_wait3A_174 = arith.constant 0 : i32
      %dma_wait3A_175 = arith.constant 0 : i32
      %dma_wait3A_176 = arith.constant 0 : i32
      %dma_wait3A_177 = tpu.memref_slice %arg3[%run_scoped3A, %dma_wait3A_174, %dma_wait3A_175, %dma_wait3A_176] : memref<1x32x79x128xi32, #tpu.memory_space<hbm>> -> memref<1x32x79x128xi32, #tpu.memory_space<hbm>>
      %dma_wait3A_178 = tpu.memref_squeeze %dma_wait3A_177 : memref<1x32x79x128xi32, #tpu.memory_space<hbm>> -> memref<32x79x128xi32, #tpu.memory_space<hbm>>
      %dma_wait3A_179 = arith.constant 0 : i32
      %dma_wait3A_180 = arith.constant 0 : i32
      %dma_wait3A_181 = tpu.memref_slice %dma_wait3A_178[%add3A, %dma_wait3A_179, %dma_wait3A_180] : memref<32x79x128xi32, #tpu.memory_space<hbm>> -> memref<1x79x128xi32, #tpu.memory_space<hbm>>
      %dma_wait3A_182 = tpu.memref_squeeze %dma_wait3A_181 : memref<1x79x128xi32, #tpu.memory_space<hbm>> -> memref<79x128xi32, #tpu.memory_space<hbm>>
      tpu.wait_dma2 semaphore(%run_scoped3A_146 : memref<!tpu.dma_semaphore, #tpu.memory_space<semaphore_mem>>) src(%dma_wait3A_182 : memref<79x128xi32, #tpu.memory_space<hbm>>) dst(%arg7 : memref<79x128xi32, #tpu.memory_space<vmem>>)
      tpu.yield
    }) : () -> ()
    %mul3A_1 = arith.constant 632 : i32
    %mul3A_2 = arith.muli %arg1, %mul3A_1 : i32
    "tpu.region"() ({
      %run_scoped3A_146 = tpu.sem_alloc : memref<!tpu.dma_semaphore, #tpu.memory_space<semaphore_mem>>
      %dma_start3A_147 = arith.constant 0 : i32
      %dma_start3A_148 = tpu.memref_slice %arg10[%mul3A_2, %dma_start3A_147] : memref<10112x128xf32, #tpu.memory_space<vmem_shared>> -> memref<632x128xf32, #tpu.memory_space<vmem_shared>>
      tpu.enqueue_dma source(%arg5 : memref<632x128xf32, #tpu.memory_space<hbm>>) target(%dma_start3A_148 : memref<632x128xf32, #tpu.memory_space<vmem_shared>>) target_semaphore(%run_scoped3A_146 : memref<!tpu.dma_semaphore, #tpu.memory_space<semaphore_mem>>)
      %dma_wait3A_149 = arith.constant 0 : i32
      %dma_wait3A_150 = tpu.memref_slice %arg10[%mul3A_2, %dma_wait3A_149] : memref<10112x128xf32, #tpu.memory_space<vmem_shared>> -> memref<632x128xf32, #tpu.memory_space<vmem_shared>>
      tpu.wait_dma2 semaphore(%run_scoped3A_146 : memref<!tpu.dma_semaphore, #tpu.memory_space<semaphore_mem>>) src(%arg5 : memref<632x128xf32, #tpu.memory_space<hbm>>) dst(%dma_wait3A_150 : memref<632x128xf32, #tpu.memory_space<vmem_shared>>)
      tpu.yield
    }) : () -> ()
    %barrier3A = arith.constant 0 : index
    tpu.barrier barrier_id(%barrier3A)
    %dma_start3A = arith.constant 0 : i32
    %dma_start3A_3 = arith.constant 0 : i32
    %dma_start3A_4 = arith.constant 0 : i32
    %dma_start3A_5 = arith.constant 0 : i32
    %dma_start3A_6 = tpu.memref_slice %arg9[%dma_start3A_3, %dma_start3A_4, %dma_start3A_5] : memref<2x128x128xf32, #tpu.memory_space<vmem>> -> memref<1x128x128xf32, #tpu.memory_space<vmem>>
    %dma_start3A_7 = tpu.memref_squeeze %dma_start3A_6 : memref<1x128x128xf32, #tpu.memory_space<vmem>> -> memref<128x128xf32, #tpu.memory_space<vmem>>
    %dma_start3A_8 = arith.constant 0 : i32
    %dma_start3A_9 = tpu.memref_slice %arg7[%dma_start3A, %dma_start3A_8] : memref<79x128xi32, #tpu.memory_space<vmem>> -> memref<1x128xi32, #tpu.memory_space<vmem>>
    %dma_start3A_10 = tpu.memref_squeeze %dma_start3A_9 : memref<1x128xi32, #tpu.memory_space<vmem>> -> memref<128xi32, #tpu.memory_space<vmem>>
    %dma_start3A_11 = arith.constant 0 : i32
    %dma_start3A_12 = arith.constant 0 : i32
    %dma_start3A_13 = tpu.memref_slice %arg2[%dma_start3A_11, %dma_start3A_12] : memref<10000x128xf32, #tpu.memory_space<hbm>> -> memref<10000x128xf32, #tpu.memory_space<hbm>>
    tpu.enqueue_indirect_dma source(%dma_start3A_13 : memref<10000x128xf32, #tpu.memory_space<hbm>>) target(%dma_start3A_7 : memref<128x128xf32, #tpu.memory_space<vmem>>) offsets(%dma_start3A_10 : memref<128xi32, #tpu.memory_space<vmem>>) semaphore(%arg11 : memref<!tpu.dma_semaphore, #tpu.memory_space<semaphore_mem>>)
    %dma_start3A_14 = arith.constant 0 : i32
    %dma_start3A_15 = arith.constant 0 : i32
    %dma_start3A_16 = arith.constant 0 : i32
    %dma_start3A_17 = tpu.memref_slice %arg8[%dma_start3A_15, %dma_start3A_16] : memref<2x128xi32, #tpu.memory_space<vmem>> -> memref<1x128xi32, #tpu.memory_space<vmem>>
    %dma_start3A_18 = arith.constant 0 : i32
    %dma_start3A_19 = arith.constant 0 : i32
    %dma_start3A_20 = arith.constant 0 : i32
    %dma_start3A_21 = tpu.memref_slice %arg4[%add3A, %dma_start3A_18, %dma_start3A_19, %dma_start3A_20] : memref<32x79x1x128xi32, #tpu.memory_space<hbm>> -> memref<1x79x1x128xi32, #tpu.memory_space<hbm>>
    %dma_start3A_22 = tpu.memref_squeeze %dma_start3A_21 : memref<1x79x1x128xi32, #tpu.memory_space<hbm>> -> memref<79x1x128xi32, #tpu.memory_space<hbm>>
    %dma_start3A_23 = arith.constant 0 : i32
    %dma_start3A_24 = arith.constant 0 : i32
    %dma_start3A_25 = tpu.memref_slice %dma_start3A_22[%dma_start3A_14, %dma_start3A_23, %dma_start3A_24] : memref<79x1x128xi32, #tpu.memory_space<hbm>> -> memref<1x1x128xi32, #tpu.memory_space<hbm>>
    %dma_start3A_26 = tpu.memref_squeeze %dma_start3A_25 : memref<1x1x128xi32, #tpu.memory_space<hbm>> -> memref<1x128xi32, #tpu.memory_space<hbm>>
    %dma_start3A_27 = arith.constant 0 : i32
    %dma_start3A_28 = arith.constant 0 : i32
    %dma_start3A_29 = tpu.memref_slice %arg8[%dma_start3A_27, %dma_start3A_28] : memref<2x128xi32, #tpu.memory_space<vmem>> -> memref<1x128xi32, #tpu.memory_space<vmem>>
    %dma_start3A_30 = arith.constant 0 : i32
    %dma_start3A_31 = arith.constant 0 : i32
    %dma_start3A_32 = arith.constant 0 : i32
    %dma_start3A_33 = tpu.memref_slice %arg4[%add3A, %dma_start3A_30, %dma_start3A_31, %dma_start3A_32] : memref<32x79x1x128xi32, #tpu.memory_space<hbm>> -> memref<1x79x1x128xi32, #tpu.memory_space<hbm>>
    %dma_start3A_34 = tpu.memref_squeeze %dma_start3A_33 : memref<1x79x1x128xi32, #tpu.memory_space<hbm>> -> memref<79x1x128xi32, #tpu.memory_space<hbm>>
    %dma_start3A_35 = arith.constant 0 : i32
    %dma_start3A_36 = arith.constant 0 : i32
    %dma_start3A_37 = tpu.memref_slice %dma_start3A_34[%dma_start3A_14, %dma_start3A_35, %dma_start3A_36] : memref<79x1x128xi32, #tpu.memory_space<hbm>> -> memref<1x1x128xi32, #tpu.memory_space<hbm>>
    %dma_start3A_38 = tpu.memref_squeeze %dma_start3A_37 : memref<1x1x128xi32, #tpu.memory_space<hbm>> -> memref<1x128xi32, #tpu.memory_space<hbm>>
    tpu.enqueue_dma source(%dma_start3A_38 : memref<1x128xi32, #tpu.memory_space<hbm>>) target(%dma_start3A_29 : memref<1x128xi32, #tpu.memory_space<vmem>>) target_semaphore(%arg13 : memref<!tpu.dma_semaphore, #tpu.memory_space<semaphore_mem>>)
    %dma_start3A_39 = arith.constant 1 : i32
    %dma_start3A_40 = arith.constant 1 : i32
    %dma_start3A_41 = arith.constant 0 : i32
    %dma_start3A_42 = arith.constant 0 : i32
    %dma_start3A_43 = tpu.memref_slice %arg9[%dma_start3A_40, %dma_start3A_41, %dma_start3A_42] : memref<2x128x128xf32, #tpu.memory_space<vmem>> -> memref<1x128x128xf32, #tpu.memory_space<vmem>>
    %dma_start3A_44 = tpu.memref_squeeze %dma_start3A_43 : memref<1x128x128xf32, #tpu.memory_space<vmem>> -> memref<128x128xf32, #tpu.memory_space<vmem>>
    %dma_start3A_45 = arith.constant 0 : i32
    %dma_start3A_46 = tpu.memref_slice %arg7[%dma_start3A_39, %dma_start3A_45] : memref<79x128xi32, #tpu.memory_space<vmem>> -> memref<1x128xi32, #tpu.memory_space<vmem>>
    %dma_start3A_47 = tpu.memref_squeeze %dma_start3A_46 : memref<1x128xi32, #tpu.memory_space<vmem>> -> memref<128xi32, #tpu.memory_space<vmem>>
    %dma_start3A_48 = arith.constant 0 : i32
    %dma_start3A_49 = arith.constant 0 : i32
    %dma_start3A_50 = tpu.memref_slice %arg2[%dma_start3A_48, %dma_start3A_49] : memref<10000x128xf32, #tpu.memory_space<hbm>> -> memref<10000x128xf32, #tpu.memory_space<hbm>>
    tpu.enqueue_indirect_dma source(%dma_start3A_50 : memref<10000x128xf32, #tpu.memory_space<hbm>>) target(%dma_start3A_44 : memref<128x128xf32, #tpu.memory_space<vmem>>) offsets(%dma_start3A_47 : memref<128xi32, #tpu.memory_space<vmem>>) semaphore(%arg12 : memref<!tpu.dma_semaphore, #tpu.memory_space<semaphore_mem>>)
    %dma_start3A_51 = arith.constant 1 : i32
    %dma_start3A_52 = arith.constant 1 : i32
    %dma_start3A_53 = arith.constant 0 : i32
    %dma_start3A_54 = tpu.memref_slice %arg8[%dma_start3A_52, %dma_start3A_53] : memref<2x128xi32, #tpu.memory_space<vmem>> -> memref<1x128xi32, #tpu.memory_space<vmem>>
    %dma_start3A_55 = arith.constant 0 : i32
    %dma_start3A_56 = arith.constant 0 : i32
    %dma_start3A_57 = arith.constant 0 : i32
    %dma_start3A_58 = tpu.memref_slice %arg4[%add3A, %dma_start3A_55, %dma_start3A_56, %dma_start3A_57] : memref<32x79x1x128xi32, #tpu.memory_space<hbm>> -> memref<1x79x1x128xi32, #tpu.memory_space<hbm>>
    %dma_start3A_59 = tpu.memref_squeeze %dma_start3A_58 : memref<1x79x1x128xi32, #tpu.memory_space<hbm>> -> memref<79x1x128xi32, #tpu.memory_space<hbm>>
    %dma_start3A_60 = arith.constant 0 : i32
    %dma_start3A_61 = arith.constant 0 : i32
    %dma_start3A_62 = tpu.memref_slice %dma_start3A_59[%dma_start3A_51, %dma_start3A_60, %dma_start3A_61] : memref<79x1x128xi32, #tpu.memory_space<hbm>> -> memref<1x1x128xi32, #tpu.memory_space<hbm>>
    %dma_start3A_63 = tpu.memref_squeeze %dma_start3A_62 : memref<1x1x128xi32, #tpu.memory_space<hbm>> -> memref<1x128xi32, #tpu.memory_space<hbm>>
    %dma_start3A_64 = arith.constant 1 : i32
    %dma_start3A_65 = arith.constant 0 : i32
    %dma_start3A_66 = tpu.memref_slice %arg8[%dma_start3A_64, %dma_start3A_65] : memref<2x128xi32, #tpu.memory_space<vmem>> -> memref<1x128xi32, #tpu.memory_space<vmem>>
    %dma_start3A_67 = arith.constant 0 : i32
    %dma_start3A_68 = arith.constant 0 : i32
    %dma_start3A_69 = arith.constant 0 : i32
    %dma_start3A_70 = tpu.memref_slice %arg4[%add3A, %dma_start3A_67, %dma_start3A_68, %dma_start3A_69] : memref<32x79x1x128xi32, #tpu.memory_space<hbm>> -> memref<1x79x1x128xi32, #tpu.memory_space<hbm>>
    %dma_start3A_71 = tpu.memref_squeeze %dma_start3A_70 : memref<1x79x1x128xi32, #tpu.memory_space<hbm>> -> memref<79x1x128xi32, #tpu.memory_space<hbm>>
    %dma_start3A_72 = arith.constant 0 : i32
    %dma_start3A_73 = arith.constant 0 : i32
    %dma_start3A_74 = tpu.memref_slice %dma_start3A_71[%dma_start3A_51, %dma_start3A_72, %dma_start3A_73] : memref<79x1x128xi32, #tpu.memory_space<hbm>> -> memref<1x1x128xi32, #tpu.memory_space<hbm>>
    %dma_start3A_75 = tpu.memref_squeeze %dma_start3A_74 : memref<1x1x128xi32, #tpu.memory_space<hbm>> -> memref<1x128xi32, #tpu.memory_space<hbm>>
    tpu.enqueue_dma source(%dma_start3A_75 : memref<1x128xi32, #tpu.memory_space<hbm>>) target(%dma_start3A_66 : memref<1x128xi32, #tpu.memory_space<vmem>>) target_semaphore(%arg14 : memref<!tpu.dma_semaphore, #tpu.memory_space<semaphore_mem>>)
    %scan3A = arith.constant 0 : i32
    %scan3A_76 = arith.constant 39 : i32
    %scan3A_77 = arith.addi %scan3A, %scan3A_76 : i32
    %scan3A_78 = arith.constant 1 : i32
    scf.for %scan3A_146 = %scan3A to %scan3A_77 step %scan3A_78  : i32 {
      %mul3A_147 = arith.constant 2 : i32
      %mul3A_148 = arith.muli %scan3A_146, %mul3A_147 : i32
      %add3A_149 = arith.constant 0 : i32
      %add3A_150 = arith.addi %add3A_149, %mul3A_148 : i32
      %dma_wait3A_151 = arith.constant 0 : i32
      %dma_wait3A_152 = arith.constant 0 : i32
      %dma_wait3A_153 = arith.constant 0 : i32
      %dma_wait3A_154 = arith.constant 0 : i32
      %dma_wait3A_155 = tpu.memref_slice %arg9[%dma_wait3A_152, %dma_wait3A_153, %dma_wait3A_154] : memref<2x128x128xf32, #tpu.memory_space<vmem>> -> memref<1x128x128xf32, #tpu.memory_space<vmem>>
      %dma_wait3A_156 = tpu.memref_squeeze %dma_wait3A_155 : memref<1x128x128xf32, #tpu.memory_space<vmem>> -> memref<128x128xf32, #tpu.memory_space<vmem>>
      %dma_wait3A_157 = arith.constant 0 : i32
      %dma_wait3A_158 = tpu.memref_slice %arg7[%dma_wait3A_151, %dma_wait3A_157] : memref<79x128xi32, #tpu.memory_space<vmem>> -> memref<1x128xi32, #tpu.memory_space<vmem>>
      %dma_wait3A_159 = tpu.memref_squeeze %dma_wait3A_158 : memref<1x128xi32, #tpu.memory_space<vmem>> -> memref<128xi32, #tpu.memory_space<vmem>>
      %dma_wait3A_160 = arith.constant 0 : i32
      %dma_wait3A_161 = arith.constant 0 : i32
      %dma_wait3A_162 = tpu.memref_slice %arg2[%dma_wait3A_160, %dma_wait3A_161] : memref<10000x128xf32, #tpu.memory_space<hbm>> -> memref<10000x128xf32, #tpu.memory_space<hbm>>
      tpu.wait_indirect_dma semaphore(%arg11 : memref<!tpu.dma_semaphore, #tpu.memory_space<semaphore_mem>>) src(%dma_wait3A_162 : memref<10000x128xf32, #tpu.memory_space<hbm>>) dst(%dma_wait3A_156 : memref<128x128xf32, #tpu.memory_space<vmem>>)
      %dma_wait3A_163 = arith.constant 0 : i32
      %dma_wait3A_164 = arith.constant 0 : i32
      %dma_wait3A_165 = arith.constant 0 : i32
      %dma_wait3A_166 = tpu.memref_slice %arg8[%dma_wait3A_164, %dma_wait3A_165] : memref<2x128xi32, #tpu.memory_space<vmem>> -> memref<1x128xi32, #tpu.memory_space<vmem>>
      %dma_wait3A_167 = arith.constant 0 : i32
      %dma_wait3A_168 = arith.constant 0 : i32
      %dma_wait3A_169 = arith.constant 0 : i32
      %dma_wait3A_170 = tpu.memref_slice %arg4[%add3A, %dma_wait3A_167, %dma_wait3A_168, %dma_wait3A_169] : memref<32x79x1x128xi32, #tpu.memory_space<hbm>> -> memref<1x79x1x128xi32, #tpu.memory_space<hbm>>
      %dma_wait3A_171 = tpu.memref_squeeze %dma_wait3A_170 : memref<1x79x1x128xi32, #tpu.memory_space<hbm>> -> memref<79x1x128xi32, #tpu.memory_space<hbm>>
      %dma_wait3A_172 = arith.constant 0 : i32
      %dma_wait3A_173 = arith.constant 0 : i32
      %dma_wait3A_174 = tpu.memref_slice %dma_wait3A_171[%dma_wait3A_163, %dma_wait3A_172, %dma_wait3A_173] : memref<79x1x128xi32, #tpu.memory_space<hbm>> -> memref<1x1x128xi32, #tpu.memory_space<hbm>>
      %dma_wait3A_175 = tpu.memref_squeeze %dma_wait3A_174 : memref<1x1x128xi32, #tpu.memory_space<hbm>> -> memref<1x128xi32, #tpu.memory_space<hbm>>
      %dma_wait3A_176 = arith.constant 0 : i32
      %dma_wait3A_177 = arith.constant 0 : i32
      %dma_wait3A_178 = tpu.memref_slice %arg8[%dma_wait3A_176, %dma_wait3A_177] : memref<2x128xi32, #tpu.memory_space<vmem>> -> memref<1x128xi32, #tpu.memory_space<vmem>>
      %dma_wait3A_179 = arith.constant 0 : i32
      %dma_wait3A_180 = arith.constant 0 : i32
      %dma_wait3A_181 = arith.constant 0 : i32
      %dma_wait3A_182 = tpu.memref_slice %arg4[%add3A, %dma_wait3A_179, %dma_wait3A_180, %dma_wait3A_181] : memref<32x79x1x128xi32, #tpu.memory_space<hbm>> -> memref<1x79x1x128xi32, #tpu.memory_space<hbm>>
      %dma_wait3A_183 = tpu.memref_squeeze %dma_wait3A_182 : memref<1x79x1x128xi32, #tpu.memory_space<hbm>> -> memref<79x1x128xi32, #tpu.memory_space<hbm>>
      %dma_wait3A_184 = arith.constant 0 : i32
      %dma_wait3A_185 = arith.constant 0 : i32
      %dma_wait3A_186 = tpu.memref_slice %dma_wait3A_183[%dma_wait3A_163, %dma_wait3A_184, %dma_wait3A_185] : memref<79x1x128xi32, #tpu.memory_space<hbm>> -> memref<1x1x128xi32, #tpu.memory_space<hbm>>
      %dma_wait3A_187 = tpu.memref_squeeze %dma_wait3A_186 : memref<1x1x128xi32, #tpu.memory_space<hbm>> -> memref<1x128xi32, #tpu.memory_space<hbm>>
      tpu.wait_dma2 semaphore(%arg13 : memref<!tpu.dma_semaphore, #tpu.memory_space<semaphore_mem>>) src(%dma_wait3A_187 : memref<1x128xi32, #tpu.memory_space<hbm>>) dst(%dma_wait3A_178 : memref<1x128xi32, #tpu.memory_space<vmem>>)
      %dma_start3A_188 = arith.constant 0 : i32
      %dma_start3A_189 = arith.constant 0 : i32
      %dma_start3A_190 = arith.constant 0 : i32
      %dma_start3A_191 = arith.constant 0 : i32
      %dma_start3A_192 = tpu.memref_slice %arg9[%dma_start3A_188, %dma_start3A_190, %dma_start3A_191] : memref<2x128x128xf32, #tpu.memory_space<vmem>> -> memref<1x128x128xf32, #tpu.memory_space<vmem>>
      %dma_start3A_193 = tpu.memref_squeeze %dma_start3A_192 : memref<1x128x128xf32, #tpu.memory_space<vmem>> -> memref<128x128xf32, #tpu.memory_space<vmem>>
      %dma_start3A_194 = arith.constant 0 : i32
      %dma_start3A_195 = tpu.memref_slice %arg8[%dma_start3A_189, %dma_start3A_194] : memref<2x128xi32, #tpu.memory_space<vmem>> -> memref<1x128xi32, #tpu.memory_space<vmem>>
      %dma_start3A_196 = tpu.memref_squeeze %dma_start3A_195 : memref<1x128xi32, #tpu.memory_space<vmem>> -> memref<128xi32, #tpu.memory_space<vmem>>
      %dma_start3A_197 = arith.constant 0 : i32
      %dma_start3A_198 = arith.constant 0 : i32
      %dma_start3A_199 = tpu.memref_slice %arg10[%dma_start3A_197, %dma_start3A_198] : memref<10112x128xf32, #tpu.memory_space<vmem_shared>> -> memref<10112x128xf32, #tpu.memory_space<vmem_shared>>
      tpu.enqueue_indirect_dma source(%dma_start3A_193 : memref<128x128xf32, #tpu.memory_space<vmem>>) target(%dma_start3A_199 : memref<10112x128xf32, #tpu.memory_space<vmem_shared>>) offsets(%dma_start3A_196 : memref<128xi32, #tpu.memory_space<vmem>>) semaphore(%arg15 : memref<!tpu.dma_semaphore, #tpu.memory_space<semaphore_mem>>) {add = true}
      %dma_wait3A_200 = arith.constant 0 : i32
      %dma_wait3A_201 = arith.constant 1 : i32
      %dma_wait3A_202 = arith.constant 0 : i32
      %dma_wait3A_203 = arith.constant 0 : i32
      %dma_wait3A_204 = tpu.memref_slice %arg9[%dma_wait3A_201, %dma_wait3A_202, %dma_wait3A_203] : memref<2x128x128xf32, #tpu.memory_space<vmem>> -> memref<1x128x128xf32, #tpu.memory_space<vmem>>
      %dma_wait3A_205 = tpu.memref_squeeze %dma_wait3A_204 : memref<1x128x128xf32, #tpu.memory_space<vmem>> -> memref<128x128xf32, #tpu.memory_space<vmem>>
      %dma_wait3A_206 = arith.constant 0 : i32
      %dma_wait3A_207 = tpu.memref_slice %arg7[%dma_wait3A_200, %dma_wait3A_206] : memref<79x128xi32, #tpu.memory_space<vmem>> -> memref<1x128xi32, #tpu.memory_space<vmem>>
      %dma_wait3A_208 = tpu.memref_squeeze %dma_wait3A_207 : memref<1x128xi32, #tpu.memory_space<vmem>> -> memref<128xi32, #tpu.memory_space<vmem>>
      %dma_wait3A_209 = arith.constant 0 : i32
      %dma_wait3A_210 = arith.constant 0 : i32
      %dma_wait3A_211 = tpu.memref_slice %arg2[%dma_wait3A_209, %dma_wait3A_210] : memref<10000x128xf32, #tpu.memory_space<hbm>> -> memref<10000x128xf32, #tpu.memory_space<hbm>>
      tpu.wait_indirect_dma semaphore(%arg12 : memref<!tpu.dma_semaphore, #tpu.memory_space<semaphore_mem>>) src(%dma_wait3A_211 : memref<10000x128xf32, #tpu.memory_space<hbm>>) dst(%dma_wait3A_205 : memref<128x128xf32, #tpu.memory_space<vmem>>)
      %dma_wait3A_212 = arith.constant 0 : i32
      %dma_wait3A_213 = arith.constant 1 : i32
      %dma_wait3A_214 = arith.constant 0 : i32
      %dma_wait3A_215 = tpu.memref_slice %arg8[%dma_wait3A_213, %dma_wait3A_214] : memref<2x128xi32, #tpu.memory_space<vmem>> -> memref<1x128xi32, #tpu.memory_space<vmem>>
      %dma_wait3A_216 = arith.constant 0 : i32
      %dma_wait3A_217 = arith.constant 0 : i32
      %dma_wait3A_218 = arith.constant 0 : i32
      %dma_wait3A_219 = tpu.memref_slice %arg4[%add3A, %dma_wait3A_216, %dma_wait3A_217, %dma_wait3A_218] : memref<32x79x1x128xi32, #tpu.memory_space<hbm>> -> memref<1x79x1x128xi32, #tpu.memory_space<hbm>>
      %dma_wait3A_220 = tpu.memref_squeeze %dma_wait3A_219 : memref<1x79x1x128xi32, #tpu.memory_space<hbm>> -> memref<79x1x128xi32, #tpu.memory_space<hbm>>
      %dma_wait3A_221 = arith.constant 0 : i32
      %dma_wait3A_222 = arith.constant 0 : i32
      %dma_wait3A_223 = tpu.memref_slice %dma_wait3A_220[%dma_wait3A_212, %dma_wait3A_221, %dma_wait3A_222] : memref<79x1x128xi32, #tpu.memory_space<hbm>> -> memref<1x1x128xi32, #tpu.memory_space<hbm>>
      %dma_wait3A_224 = tpu.memref_squeeze %dma_wait3A_223 : memref<1x1x128xi32, #tpu.memory_space<hbm>> -> memref<1x128xi32, #tpu.memory_space<hbm>>
      %dma_wait3A_225 = arith.constant 1 : i32
      %dma_wait3A_226 = arith.constant 0 : i32
      %dma_wait3A_227 = tpu.memref_slice %arg8[%dma_wait3A_225, %dma_wait3A_226] : memref<2x128xi32, #tpu.memory_space<vmem>> -> memref<1x128xi32, #tpu.memory_space<vmem>>
      %dma_wait3A_228 = arith.constant 0 : i32
      %dma_wait3A_229 = arith.constant 0 : i32
      %dma_wait3A_230 = arith.constant 0 : i32
      %dma_wait3A_231 = tpu.memref_slice %arg4[%add3A, %dma_wait3A_228, %dma_wait3A_229, %dma_wait3A_230] : memref<32x79x1x128xi32, #tpu.memory_space<hbm>> -> memref<1x79x1x128xi32, #tpu.memory_space<hbm>>
      %dma_wait3A_232 = tpu.memref_squeeze %dma_wait3A_231 : memref<1x79x1x128xi32, #tpu.memory_space<hbm>> -> memref<79x1x128xi32, #tpu.memory_space<hbm>>
      %dma_wait3A_233 = arith.constant 0 : i32
      %dma_wait3A_234 = arith.constant 0 : i32
      %dma_wait3A_235 = tpu.memref_slice %dma_wait3A_232[%dma_wait3A_212, %dma_wait3A_233, %dma_wait3A_234] : memref<79x1x128xi32, #tpu.memory_space<hbm>> -> memref<1x1x128xi32, #tpu.memory_space<hbm>>
      %dma_wait3A_236 = tpu.memref_squeeze %dma_wait3A_235 : memref<1x1x128xi32, #tpu.memory_space<hbm>> -> memref<1x128xi32, #tpu.memory_space<hbm>>
      tpu.wait_dma2 semaphore(%arg14 : memref<!tpu.dma_semaphore, #tpu.memory_space<semaphore_mem>>) src(%dma_wait3A_236 : memref<1x128xi32, #tpu.memory_space<hbm>>) dst(%dma_wait3A_227 : memref<1x128xi32, #tpu.memory_space<vmem>>)
      %dma_start3A_237 = arith.constant 1 : i32
      %dma_start3A_238 = arith.constant 1 : i32
      %dma_start3A_239 = arith.constant 0 : i32
      %dma_start3A_240 = arith.constant 0 : i32
      %dma_start3A_241 = tpu.memref_slice %arg9[%dma_start3A_237, %dma_start3A_239, %dma_start3A_240] : memref<2x128x128xf32, #tpu.memory_space<vmem>> -> memref<1x128x128xf32, #tpu.memory_space<vmem>>
      %dma_start3A_242 = tpu.memref_squeeze %dma_start3A_241 : memref<1x128x128xf32, #tpu.memory_space<vmem>> -> memref<128x128xf32, #tpu.memory_space<vmem>>
      %dma_start3A_243 = arith.constant 0 : i32
      %dma_start3A_244 = tpu.memref_slice %arg8[%dma_start3A_238, %dma_start3A_243] : memref<2x128xi32, #tpu.memory_space<vmem>> -> memref<1x128xi32, #tpu.memory_space<vmem>>
      %dma_start3A_245 = tpu.memref_squeeze %dma_start3A_244 : memref<1x128xi32, #tpu.memory_space<vmem>> -> memref<128xi32, #tpu.memory_space<vmem>>
      %dma_start3A_246 = arith.constant 0 : i32
      %dma_start3A_247 = arith.constant 0 : i32
      %dma_start3A_248 = tpu.memref_slice %arg10[%dma_start3A_246, %dma_start3A_247] : memref<10112x128xf32, #tpu.memory_space<vmem_shared>> -> memref<10112x128xf32, #tpu.memory_space<vmem_shared>>
      tpu.enqueue_indirect_dma source(%dma_start3A_242 : memref<128x128xf32, #tpu.memory_space<vmem>>) target(%dma_start3A_248 : memref<10112x128xf32, #tpu.memory_space<vmem_shared>>) offsets(%dma_start3A_245 : memref<128xi32, #tpu.memory_space<vmem>>) semaphore(%arg16 : memref<!tpu.dma_semaphore, #tpu.memory_space<semaphore_mem>>) {add = true}
      %dma_wait3A_249 = arith.constant 0 : i32
      %dma_wait3A_250 = arith.constant 0 : i32
      %dma_wait3A_251 = arith.constant 0 : i32
      %dma_wait3A_252 = arith.constant 0 : i32
      %dma_wait3A_253 = tpu.memref_slice %arg9[%dma_wait3A_249, %dma_wait3A_251, %dma_wait3A_252] : memref<2x128x128xf32, #tpu.memory_space<vmem>> -> memref<1x128x128xf32, #tpu.memory_space<vmem>>
      %dma_wait3A_254 = tpu.memref_squeeze %dma_wait3A_253 : memref<1x128x128xf32, #tpu.memory_space<vmem>> -> memref<128x128xf32, #tpu.memory_space<vmem>>
      %dma_wait3A_255 = arith.constant 0 : i32
      %dma_wait3A_256 = tpu.memref_slice %arg8[%dma_wait3A_250, %dma_wait3A_255] : memref<2x128xi32, #tpu.memory_space<vmem>> -> memref<1x128xi32, #tpu.memory_space<vmem>>
      %dma_wait3A_257 = tpu.memref_squeeze %dma_wait3A_256 : memref<1x128xi32, #tpu.memory_space<vmem>> -> memref<128xi32, #tpu.memory_space<vmem>>
      %dma_wait3A_258 = arith.constant 0 : i32
      %dma_wait3A_259 = arith.constant 0 : i32
      %dma_wait3A_260 = tpu.memref_slice %arg10[%dma_wait3A_258, %dma_wait3A_259] : memref<10112x128xf32, #tpu.memory_space<vmem_shared>> -> memref<10112x128xf32, #tpu.memory_space<vmem_shared>>
      tpu.wait_indirect_dma semaphore(%arg15 : memref<!tpu.dma_semaphore, #tpu.memory_space<semaphore_mem>>) src(%dma_wait3A_254 : memref<128x128xf32, #tpu.memory_space<vmem>>) dst(%dma_wait3A_260 : memref<10112x128xf32, #tpu.memory_space<vmem_shared>>)
      %add3A_261 = arith.constant 2 : i32
      %add3A_262 = arith.addi %add3A_150, %add3A_261 : i32
      %lt3A = arith.constant 79 : i32
      %lt3A_263 = arith.cmpi slt, %add3A_262, %lt3A : i32
      %convert_element_type3A = arith.extui %lt3A_263 : i1 to i32
      %cond3A = arith.constant 0 : i32
      %cond3A_264 = arith.cmpi ne, %convert_element_type3A, %cond3A : i32
      scf.if %cond3A_264 {
        %add3A_284 = arith.constant 2 : i32
        %add3A_285 = arith.addi %add3A_150, %add3A_284 : i32
        %dma_start3A_286 = arith.constant 0 : i32
        %dma_start3A_287 = arith.constant 0 : i32
        %dma_start3A_288 = arith.constant 0 : i32
        %dma_start3A_289 = tpu.memref_slice %arg9[%dma_start3A_286, %dma_start3A_287, %dma_start3A_288] : memref<2x128x128xf32, #tpu.memory_space<vmem>> -> memref<1x128x128xf32, #tpu.memory_space<vmem>>
        %dma_start3A_290 = tpu.memref_squeeze %dma_start3A_289 : memref<1x128x128xf32, #tpu.memory_space<vmem>> -> memref<128x128xf32, #tpu.memory_space<vmem>>
        %dma_start3A_291 = arith.constant 0 : i32
        %dma_start3A_292 = tpu.memref_slice %arg7[%add3A_285, %dma_start3A_291] : memref<79x128xi32, #tpu.memory_space<vmem>> -> memref<1x128xi32, #tpu.memory_space<vmem>>
        %dma_start3A_293 = tpu.memref_squeeze %dma_start3A_292 : memref<1x128xi32, #tpu.memory_space<vmem>> -> memref<128xi32, #tpu.memory_space<vmem>>
        %dma_start3A_294 = arith.constant 0 : i32
        %dma_start3A_295 = arith.constant 0 : i32
        %dma_start3A_296 = tpu.memref_slice %arg2[%dma_start3A_294, %dma_start3A_295] : memref<10000x128xf32, #tpu.memory_space<hbm>> -> memref<10000x128xf32, #tpu.memory_space<hbm>>
        tpu.enqueue_indirect_dma source(%dma_start3A_296 : memref<10000x128xf32, #tpu.memory_space<hbm>>) target(%dma_start3A_290 : memref<128x128xf32, #tpu.memory_space<vmem>>) offsets(%dma_start3A_293 : memref<128xi32, #tpu.memory_space<vmem>>) semaphore(%arg11 : memref<!tpu.dma_semaphore, #tpu.memory_space<semaphore_mem>>)
        %dma_start3A_297 = arith.constant 0 : i32
        %dma_start3A_298 = arith.constant 0 : i32
        %dma_start3A_299 = tpu.memref_slice %arg8[%dma_start3A_297, %dma_start3A_298] : memref<2x128xi32, #tpu.memory_space<vmem>> -> memref<1x128xi32, #tpu.memory_space<vmem>>
        %dma_start3A_300 = arith.constant 0 : i32
        %dma_start3A_301 = arith.constant 0 : i32
        %dma_start3A_302 = arith.constant 0 : i32
        %dma_start3A_303 = tpu.memref_slice %arg4[%add3A, %dma_start3A_300, %dma_start3A_301, %dma_start3A_302] : memref<32x79x1x128xi32, #tpu.memory_space<hbm>> -> memref<1x79x1x128xi32, #tpu.memory_space<hbm>>
        %dma_start3A_304 = tpu.memref_squeeze %dma_start3A_303 : memref<1x79x1x128xi32, #tpu.memory_space<hbm>> -> memref<79x1x128xi32, #tpu.memory_space<hbm>>
        %dma_start3A_305 = arith.constant 0 : i32
        %dma_start3A_306 = arith.constant 0 : i32
        %dma_start3A_307 = tpu.memref_slice %dma_start3A_304[%add3A_285, %dma_start3A_305, %dma_start3A_306] : memref<79x1x128xi32, #tpu.memory_space<hbm>> -> memref<1x1x128xi32, #tpu.memory_space<hbm>>
        %dma_start3A_308 = tpu.memref_squeeze %dma_start3A_307 : memref<1x1x128xi32, #tpu.memory_space<hbm>> -> memref<1x128xi32, #tpu.memory_space<hbm>>
        %dma_start3A_309 = arith.constant 0 : i32
        %dma_start3A_310 = arith.constant 0 : i32
        %dma_start3A_311 = tpu.memref_slice %arg8[%dma_start3A_309, %dma_start3A_310] : memref<2x128xi32, #tpu.memory_space<vmem>> -> memref<1x128xi32, #tpu.memory_space<vmem>>
        %dma_start3A_312 = arith.constant 0 : i32
        %dma_start3A_313 = arith.constant 0 : i32
        %dma_start3A_314 = arith.constant 0 : i32
        %dma_start3A_315 = tpu.memref_slice %arg4[%add3A, %dma_start3A_312, %dma_start3A_313, %dma_start3A_314] : memref<32x79x1x128xi32, #tpu.memory_space<hbm>> -> memref<1x79x1x128xi32, #tpu.memory_space<hbm>>
        %dma_start3A_316 = tpu.memref_squeeze %dma_start3A_315 : memref<1x79x1x128xi32, #tpu.memory_space<hbm>> -> memref<79x1x128xi32, #tpu.memory_space<hbm>>
        %dma_start3A_317 = arith.constant 0 : i32
        %dma_start3A_318 = arith.constant 0 : i32
        %dma_start3A_319 = tpu.memref_slice %dma_start3A_316[%add3A_285, %dma_start3A_317, %dma_start3A_318] : memref<79x1x128xi32, #tpu.memory_space<hbm>> -> memref<1x1x128xi32, #tpu.memory_space<hbm>>
        %dma_start3A_320 = tpu.memref_squeeze %dma_start3A_319 : memref<1x1x128xi32, #tpu.memory_space<hbm>> -> memref<1x128xi32, #tpu.memory_space<hbm>>
        tpu.enqueue_dma source(%dma_start3A_320 : memref<1x128xi32, #tpu.memory_space<hbm>>) target(%dma_start3A_311 : memref<1x128xi32, #tpu.memory_space<vmem>>) target_semaphore(%arg13 : memref<!tpu.dma_semaphore, #tpu.memory_space<semaphore_mem>>)
      } else {
      }
      %dma_wait3A_265 = arith.constant 1 : i32
      %dma_wait3A_266 = arith.constant 1 : i32
      %dma_wait3A_267 = arith.constant 0 : i32
      %dma_wait3A_268 = arith.constant 0 : i32
      %dma_wait3A_269 = tpu.memref_slice %arg9[%dma_wait3A_265, %dma_wait3A_267, %dma_wait3A_268] : memref<2x128x128xf32, #tpu.memory_space<vmem>> -> memref<1x128x128xf32, #tpu.memory_space<vmem>>
      %dma_wait3A_270 = tpu.memref_squeeze %dma_wait3A_269 : memref<1x128x128xf32, #tpu.memory_space<vmem>> -> memref<128x128xf32, #tpu.memory_space<vmem>>
      %dma_wait3A_271 = arith.constant 0 : i32
      %dma_wait3A_272 = tpu.memref_slice %arg8[%dma_wait3A_266, %dma_wait3A_271] : memref<2x128xi32, #tpu.memory_space<vmem>> -> memref<1x128xi32, #tpu.memory_space<vmem>>
      %dma_wait3A_273 = tpu.memref_squeeze %dma_wait3A_272 : memref<1x128xi32, #tpu.memory_space<vmem>> -> memref<128xi32, #tpu.memory_space<vmem>>
      %dma_wait3A_274 = arith.constant 0 : i32
      %dma_wait3A_275 = arith.constant 0 : i32
      %dma_wait3A_276 = tpu.memref_slice %arg10[%dma_wait3A_274, %dma_wait3A_275] : memref<10112x128xf32, #tpu.memory_space<vmem_shared>> -> memref<10112x128xf32, #tpu.memory_space<vmem_shared>>
      tpu.wait_indirect_dma semaphore(%arg16 : memref<!tpu.dma_semaphore, #tpu.memory_space<semaphore_mem>>) src(%dma_wait3A_270 : memref<128x128xf32, #tpu.memory_space<vmem>>) dst(%dma_wait3A_276 : memref<10112x128xf32, #tpu.memory_space<vmem_shared>>)
      %add3A_277 = arith.constant 3 : i32
      %add3A_278 = arith.addi %add3A_150, %add3A_277 : i32
      %lt3A_279 = arith.constant 79 : i32
      %lt3A_280 = arith.cmpi slt, %add3A_278, %lt3A_279 : i32
      %convert_element_type3A_281 = arith.extui %lt3A_280 : i1 to i32
      %cond3A_282 = arith.constant 0 : i32
      %cond3A_283 = arith.cmpi ne, %convert_element_type3A_281, %cond3A_282 : i32
      scf.if %cond3A_283 {
        %add3A_284 = arith.constant 3 : i32
        %add3A_285 = arith.addi %add3A_150, %add3A_284 : i32
        %dma_start3A_286 = arith.constant 1 : i32
        %dma_start3A_287 = arith.constant 0 : i32
        %dma_start3A_288 = arith.constant 0 : i32
        %dma_start3A_289 = tpu.memref_slice %arg9[%dma_start3A_286, %dma_start3A_287, %dma_start3A_288] : memref<2x128x128xf32, #tpu.memory_space<vmem>> -> memref<1x128x128xf32, #tpu.memory_space<vmem>>
        %dma_start3A_290 = tpu.memref_squeeze %dma_start3A_289 : memref<1x128x128xf32, #tpu.memory_space<vmem>> -> memref<128x128xf32, #tpu.memory_space<vmem>>
        %dma_start3A_291 = arith.constant 0 : i32
        %dma_start3A_292 = tpu.memref_slice %arg7[%add3A_285, %dma_start3A_291] : memref<79x128xi32, #tpu.memory_space<vmem>> -> memref<1x128xi32, #tpu.memory_space<vmem>>
        %dma_start3A_293 = tpu.memref_squeeze %dma_start3A_292 : memref<1x128xi32, #tpu.memory_space<vmem>> -> memref<128xi32, #tpu.memory_space<vmem>>
        %dma_start3A_294 = arith.constant 0 : i32
        %dma_start3A_295 = arith.constant 0 : i32
        %dma_start3A_296 = tpu.memref_slice %arg2[%dma_start3A_294, %dma_start3A_295] : memref<10000x128xf32, #tpu.memory_space<hbm>> -> memref<10000x128xf32, #tpu.memory_space<hbm>>
        tpu.enqueue_indirect_dma source(%dma_start3A_296 : memref<10000x128xf32, #tpu.memory_space<hbm>>) target(%dma_start3A_290 : memref<128x128xf32, #tpu.memory_space<vmem>>) offsets(%dma_start3A_293 : memref<128xi32, #tpu.memory_space<vmem>>) semaphore(%arg12 : memref<!tpu.dma_semaphore, #tpu.memory_space<semaphore_mem>>)
        %dma_start3A_297 = arith.constant 1 : i32
        %dma_start3A_298 = arith.constant 0 : i32
        %dma_start3A_299 = tpu.memref_slice %arg8[%dma_start3A_297, %dma_start3A_298] : memref<2x128xi32, #tpu.memory_space<vmem>> -> memref<1x128xi32, #tpu.memory_space<vmem>>
        %dma_start3A_300 = arith.constant 0 : i32
        %dma_start3A_301 = arith.constant 0 : i32
        %dma_start3A_302 = arith.constant 0 : i32
        %dma_start3A_303 = tpu.memref_slice %arg4[%add3A, %dma_start3A_300, %dma_start3A_301, %dma_start3A_302] : memref<32x79x1x128xi32, #tpu.memory_space<hbm>> -> memref<1x79x1x128xi32, #tpu.memory_space<hbm>>
        %dma_start3A_304 = tpu.memref_squeeze %dma_start3A_303 : memref<1x79x1x128xi32, #tpu.memory_space<hbm>> -> memref<79x1x128xi32, #tpu.memory_space<hbm>>
        %dma_start3A_305 = arith.constant 0 : i32
        %dma_start3A_306 = arith.constant 0 : i32
        %dma_start3A_307 = tpu.memref_slice %dma_start3A_304[%add3A_285, %dma_start3A_305, %dma_start3A_306] : memref<79x1x128xi32, #tpu.memory_space<hbm>> -> memref<1x1x128xi32, #tpu.memory_space<hbm>>
        %dma_start3A_308 = tpu.memref_squeeze %dma_start3A_307 : memref<1x1x128xi32, #tpu.memory_space<hbm>> -> memref<1x128xi32, #tpu.memory_space<hbm>>
        %dma_start3A_309 = arith.constant 1 : i32
        %dma_start3A_310 = arith.constant 0 : i32
        %dma_start3A_311 = tpu.memref_slice %arg8[%dma_start3A_309, %dma_start3A_310] : memref<2x128xi32, #tpu.memory_space<vmem>> -> memref<1x128xi32, #tpu.memory_space<vmem>>
        %dma_start3A_312 = arith.constant 0 : i32
        %dma_start3A_313 = arith.constant 0 : i32
        %dma_start3A_314 = arith.constant 0 : i32
        %dma_start3A_315 = tpu.memref_slice %arg4[%add3A, %dma_start3A_312, %dma_start3A_313, %dma_start3A_314] : memref<32x79x1x128xi32, #tpu.memory_space<hbm>> -> memref<1x79x1x128xi32, #tpu.memory_space<hbm>>
        %dma_start3A_316 = tpu.memref_squeeze %dma_start3A_315 : memref<1x79x1x128xi32, #tpu.memory_space<hbm>> -> memref<79x1x128xi32, #tpu.memory_space<hbm>>
        %dma_start3A_317 = arith.constant 0 : i32
        %dma_start3A_318 = arith.constant 0 : i32
        %dma_start3A_319 = tpu.memref_slice %dma_start3A_316[%add3A_285, %dma_start3A_317, %dma_start3A_318] : memref<79x1x128xi32, #tpu.memory_space<hbm>> -> memref<1x1x128xi32, #tpu.memory_space<hbm>>
        %dma_start3A_320 = tpu.memref_squeeze %dma_start3A_319 : memref<1x1x128xi32, #tpu.memory_space<hbm>> -> memref<1x128xi32, #tpu.memory_space<hbm>>
        tpu.enqueue_dma source(%dma_start3A_320 : memref<1x128xi32, #tpu.memory_space<hbm>>) target(%dma_start3A_311 : memref<1x128xi32, #tpu.memory_space<vmem>>) target_semaphore(%arg14 : memref<!tpu.dma_semaphore, #tpu.memory_space<semaphore_mem>>)
      } else {
      }
    }
    %scan3A_79 = arith.constant 39 : i32
    %dma_wait3A = arith.constant 0 : i32
    %dma_wait3A_80 = arith.constant 0 : i32
    %dma_wait3A_81 = arith.constant 0 : i32
    %dma_wait3A_82 = arith.constant 0 : i32
    %dma_wait3A_83 = tpu.memref_slice %arg9[%dma_wait3A_80, %dma_wait3A_81, %dma_wait3A_82] : memref<2x128x128xf32, #tpu.memory_space<vmem>> -> memref<1x128x128xf32, #tpu.memory_space<vmem>>
    %dma_wait3A_84 = tpu.memref_squeeze %dma_wait3A_83 : memref<1x128x128xf32, #tpu.memory_space<vmem>> -> memref<128x128xf32, #tpu.memory_space<vmem>>
    %dma_wait3A_85 = arith.constant 0 : i32
    %dma_wait3A_86 = tpu.memref_slice %arg7[%dma_wait3A, %dma_wait3A_85] : memref<79x128xi32, #tpu.memory_space<vmem>> -> memref<1x128xi32, #tpu.memory_space<vmem>>
    %dma_wait3A_87 = tpu.memref_squeeze %dma_wait3A_86 : memref<1x128xi32, #tpu.memory_space<vmem>> -> memref<128xi32, #tpu.memory_space<vmem>>
    %dma_wait3A_88 = arith.constant 0 : i32
    %dma_wait3A_89 = arith.constant 0 : i32
    %dma_wait3A_90 = tpu.memref_slice %arg2[%dma_wait3A_88, %dma_wait3A_89] : memref<10000x128xf32, #tpu.memory_space<hbm>> -> memref<10000x128xf32, #tpu.memory_space<hbm>>
    tpu.wait_indirect_dma semaphore(%arg11 : memref<!tpu.dma_semaphore, #tpu.memory_space<semaphore_mem>>) src(%dma_wait3A_90 : memref<10000x128xf32, #tpu.memory_space<hbm>>) dst(%dma_wait3A_84 : memref<128x128xf32, #tpu.memory_space<vmem>>)
    %dma_wait3A_91 = arith.constant 0 : i32
    %dma_wait3A_92 = arith.constant 0 : i32
    %dma_wait3A_93 = arith.constant 0 : i32
    %dma_wait3A_94 = tpu.memref_slice %arg8[%dma_wait3A_92, %dma_wait3A_93] : memref<2x128xi32, #tpu.memory_space<vmem>> -> memref<1x128xi32, #tpu.memory_space<vmem>>
    %dma_wait3A_95 = arith.constant 0 : i32
    %dma_wait3A_96 = arith.constant 0 : i32
    %dma_wait3A_97 = arith.constant 0 : i32
    %dma_wait3A_98 = tpu.memref_slice %arg4[%add3A, %dma_wait3A_95, %dma_wait3A_96, %dma_wait3A_97] : memref<32x79x1x128xi32, #tpu.memory_space<hbm>> -> memref<1x79x1x128xi32, #tpu.memory_space<hbm>>
    %dma_wait3A_99 = tpu.memref_squeeze %dma_wait3A_98 : memref<1x79x1x128xi32, #tpu.memory_space<hbm>> -> memref<79x1x128xi32, #tpu.memory_space<hbm>>
    %dma_wait3A_100 = arith.constant 0 : i32
    %dma_wait3A_101 = arith.constant 0 : i32
    %dma_wait3A_102 = tpu.memref_slice %dma_wait3A_99[%dma_wait3A_91, %dma_wait3A_100, %dma_wait3A_101] : memref<79x1x128xi32, #tpu.memory_space<hbm>> -> memref<1x1x128xi32, #tpu.memory_space<hbm>>
    %dma_wait3A_103 = tpu.memref_squeeze %dma_wait3A_102 : memref<1x1x128xi32, #tpu.memory_space<hbm>> -> memref<1x128xi32, #tpu.memory_space<hbm>>
    %dma_wait3A_104 = arith.constant 0 : i32
    %dma_wait3A_105 = arith.constant 0 : i32
    %dma_wait3A_106 = tpu.memref_slice %arg8[%dma_wait3A_104, %dma_wait3A_105] : memref<2x128xi32, #tpu.memory_space<vmem>> -> memref<1x128xi32, #tpu.memory_space<vmem>>
    %dma_wait3A_107 = arith.constant 0 : i32
    %dma_wait3A_108 = arith.constant 0 : i32
    %dma_wait3A_109 = arith.constant 0 : i32
    %dma_wait3A_110 = tpu.memref_slice %arg4[%add3A, %dma_wait3A_107, %dma_wait3A_108, %dma_wait3A_109] : memref<32x79x1x128xi32, #tpu.memory_space<hbm>> -> memref<1x79x1x128xi32, #tpu.memory_space<hbm>>
    %dma_wait3A_111 = tpu.memref_squeeze %dma_wait3A_110 : memref<1x79x1x128xi32, #tpu.memory_space<hbm>> -> memref<79x1x128xi32, #tpu.memory_space<hbm>>
    %dma_wait3A_112 = arith.constant 0 : i32
    %dma_wait3A_113 = arith.constant 0 : i32
    %dma_wait3A_114 = tpu.memref_slice %dma_wait3A_111[%dma_wait3A_91, %dma_wait3A_112, %dma_wait3A_113] : memref<79x1x128xi32, #tpu.memory_space<hbm>> -> memref<1x1x128xi32, #tpu.memory_space<hbm>>
    %dma_wait3A_115 = tpu.memref_squeeze %dma_wait3A_114 : memref<1x1x128xi32, #tpu.memory_space<hbm>> -> memref<1x128xi32, #tpu.memory_space<hbm>>
    tpu.wait_dma2 semaphore(%arg13 : memref<!tpu.dma_semaphore, #tpu.memory_space<semaphore_mem>>) src(%dma_wait3A_115 : memref<1x128xi32, #tpu.memory_space<hbm>>) dst(%dma_wait3A_106 : memref<1x128xi32, #tpu.memory_space<vmem>>)
    %dma_start3A_116 = arith.constant 0 : i32
    %dma_start3A_117 = arith.constant 0 : i32
    %dma_start3A_118 = arith.constant 0 : i32
    %dma_start3A_119 = arith.constant 0 : i32
    %dma_start3A_120 = tpu.memref_slice %arg9[%dma_start3A_116, %dma_start3A_118, %dma_start3A_119] : memref<2x128x128xf32, #tpu.memory_space<vmem>> -> memref<1x128x128xf32, #tpu.memory_space<vmem>>
    %dma_start3A_121 = tpu.memref_squeeze %dma_start3A_120 : memref<1x128x128xf32, #tpu.memory_space<vmem>> -> memref<128x128xf32, #tpu.memory_space<vmem>>
    %dma_start3A_122 = arith.constant 0 : i32
    %dma_start3A_123 = tpu.memref_slice %arg8[%dma_start3A_117, %dma_start3A_122] : memref<2x128xi32, #tpu.memory_space<vmem>> -> memref<1x128xi32, #tpu.memory_space<vmem>>
    %dma_start3A_124 = tpu.memref_squeeze %dma_start3A_123 : memref<1x128xi32, #tpu.memory_space<vmem>> -> memref<128xi32, #tpu.memory_space<vmem>>
    %dma_start3A_125 = arith.constant 0 : i32
    %dma_start3A_126 = arith.constant 0 : i32
    %dma_start3A_127 = tpu.memref_slice %arg10[%dma_start3A_125, %dma_start3A_126] : memref<10112x128xf32, #tpu.memory_space<vmem_shared>> -> memref<10112x128xf32, #tpu.memory_space<vmem_shared>>
    tpu.enqueue_indirect_dma source(%dma_start3A_121 : memref<128x128xf32, #tpu.memory_space<vmem>>) target(%dma_start3A_127 : memref<10112x128xf32, #tpu.memory_space<vmem_shared>>) offsets(%dma_start3A_124 : memref<128xi32, #tpu.memory_space<vmem>>) semaphore(%arg15 : memref<!tpu.dma_semaphore, #tpu.memory_space<semaphore_mem>>) {add = true}
    %dma_wait3A_128 = arith.constant 0 : i32
    %dma_wait3A_129 = arith.constant 0 : i32
    %dma_wait3A_130 = arith.constant 0 : i32
    %dma_wait3A_131 = arith.constant 0 : i32
    %dma_wait3A_132 = tpu.memref_slice %arg9[%dma_wait3A_128, %dma_wait3A_130, %dma_wait3A_131] : memref<2x128x128xf32, #tpu.memory_space<vmem>> -> memref<1x128x128xf32, #tpu.memory_space<vmem>>
    %dma_wait3A_133 = tpu.memref_squeeze %dma_wait3A_132 : memref<1x128x128xf32, #tpu.memory_space<vmem>> -> memref<128x128xf32, #tpu.memory_space<vmem>>
    %dma_wait3A_134 = arith.constant 0 : i32
    %dma_wait3A_135 = tpu.memref_slice %arg8[%dma_wait3A_129, %dma_wait3A_134] : memref<2x128xi32, #tpu.memory_space<vmem>> -> memref<1x128xi32, #tpu.memory_space<vmem>>
    %dma_wait3A_136 = tpu.memref_squeeze %dma_wait3A_135 : memref<1x128xi32, #tpu.memory_space<vmem>> -> memref<128xi32, #tpu.memory_space<vmem>>
    %dma_wait3A_137 = arith.constant 0 : i32
    %dma_wait3A_138 = arith.constant 0 : i32
    %dma_wait3A_139 = tpu.memref_slice %arg10[%dma_wait3A_137, %dma_wait3A_138] : memref<10112x128xf32, #tpu.memory_space<vmem_shared>> -> memref<10112x128xf32, #tpu.memory_space<vmem_shared>>
    tpu.wait_indirect_dma semaphore(%arg15 : memref<!tpu.dma_semaphore, #tpu.memory_space<semaphore_mem>>) src(%dma_wait3A_133 : memref<128x128xf32, #tpu.memory_space<vmem>>) dst(%dma_wait3A_139 : memref<10112x128xf32, #tpu.memory_space<vmem_shared>>)
    %barrier3A_140 = arith.constant 0 : index
    tpu.barrier barrier_id(%barrier3A_140)
    %mul3A_141 = arith.constant 632 : i32
    %mul3A_142 = arith.muli %arg1, %mul3A_141 : i32
    %mul3A_143 = arith.constant 632 : i32
    %mul3A_144 = arith.muli %arg1, %mul3A_143 : i32
    %run_scoped3A_145 = arith.constant 0 : i32
    "tpu.region"() ({
      %run_scoped3A_146 = tpu.sem_alloc : memref<!tpu.dma_semaphore, #tpu.memory_space<semaphore_mem>>
      %dma_start3A_147 = arith.constant 0 : i32
      %dma_start3A_148 = arith.constant 0 : i32
      %dma_start3A_149 = arith.constant 0 : i32
      %dma_start3A_150 = tpu.memref_slice %arg6[%arg0, %dma_start3A_147, %dma_start3A_148, %dma_start3A_149] : memref<2x1x10112x128xf32, #tpu.memory_space<hbm>> -> memref<1x1x10112x128xf32, #tpu.memory_space<hbm>>
      %dma_start3A_151 = tpu.memref_squeeze %dma_start3A_150 : memref<1x1x10112x128xf32, #tpu.memory_space<hbm>> -> memref<1x10112x128xf32, #tpu.memory_space<hbm>>
      %dma_start3A_152 = arith.constant 0 : i32
      %dma_start3A_153 = arith.constant 0 : i32
      %dma_start3A_154 = tpu.memref_slice %dma_start3A_151[%run_scoped3A_145, %dma_start3A_152, %dma_start3A_153] : memref<1x10112x128xf32, #tpu.memory_space<hbm>> -> memref<1x10112x128xf32, #tpu.memory_space<hbm>>
      %dma_start3A_155 = tpu.memref_squeeze %dma_start3A_154 : memref<1x10112x128xf32, #tpu.memory_space<hbm>> -> memref<10112x128xf32, #tpu.memory_space<hbm>>
      %dma_start3A_156 = arith.constant 0 : i32
      %dma_start3A_157 = tpu.memref_slice %dma_start3A_155[%mul3A_144, %dma_start3A_156] : memref<10112x128xf32, #tpu.memory_space<hbm>> -> memref<632x128xf32, #tpu.memory_space<hbm>>
      %dma_start3A_158 = arith.constant 0 : i32
      %dma_start3A_159 = tpu.memref_slice %arg10[%mul3A_142, %dma_start3A_158] : memref<10112x128xf32, #tpu.memory_space<vmem_shared>> -> memref<632x128xf32, #tpu.memory_space<vmem_shared>>
      tpu.enqueue_dma source(%dma_start3A_159 : memref<632x128xf32, #tpu.memory_space<vmem_shared>>) target(%dma_start3A_157 : memref<632x128xf32, #tpu.memory_space<hbm>>) target_semaphore(%run_scoped3A_146 : memref<!tpu.dma_semaphore, #tpu.memory_space<semaphore_mem>>)
      %dma_wait3A_160 = arith.constant 0 : i32
      %dma_wait3A_161 = arith.constant 0 : i32
      %dma_wait3A_162 = arith.constant 0 : i32
      %dma_wait3A_163 = tpu.memref_slice %arg6[%arg0, %dma_wait3A_160, %dma_wait3A_161, %dma_wait3A_162] : memref<2x1x10112x128xf32, #tpu.memory_space<hbm>> -> memref<1x1x10112x128xf32, #tpu.memory_space<hbm>>
      %dma_wait3A_164 = tpu.memref_squeeze %dma_wait3A_163 : memref<1x1x10112x128xf32, #tpu.memory_space<hbm>> -> memref<1x10112x128xf32, #tpu.memory_space<hbm>>
      %dma_wait3A_165 = arith.constant 0 : i32
      %dma_wait3A_166 = arith.constant 0 : i32
      %dma_wait3A_167 = tpu.memref_slice %dma_wait3A_164[%run_scoped3A_145, %dma_wait3A_165, %dma_wait3A_166] : memref<1x10112x128xf32, #tpu.memory_space<hbm>> -> memref<1x10112x128xf32, #tpu.memory_space<hbm>>
      %dma_wait3A_168 = tpu.memref_squeeze %dma_wait3A_167 : memref<1x10112x128xf32, #tpu.memory_space<hbm>> -> memref<10112x128xf32, #tpu.memory_space<hbm>>
      %dma_wait3A_169 = arith.constant 0 : i32
      %dma_wait3A_170 = tpu.memref_slice %dma_wait3A_168[%mul3A_144, %dma_wait3A_169] : memref<10112x128xf32, #tpu.memory_space<hbm>> -> memref<632x128xf32, #tpu.memory_space<hbm>>
      %dma_wait3A_171 = arith.constant 0 : i32
      %dma_wait3A_172 = tpu.memref_slice %arg10[%mul3A_142, %dma_wait3A_171] : memref<10112x128xf32, #tpu.memory_space<vmem_shared>> -> memref<632x128xf32, #tpu.memory_space<vmem_shared>>
      tpu.wait_dma2 semaphore(%run_scoped3A_146 : memref<!tpu.dma_semaphore, #tpu.memory_space<semaphore_mem>>) src(%dma_wait3A_172 : memref<632x128xf32, #tpu.memory_space<vmem_shared>>) dst(%dma_wait3A_170 : memref<632x128xf32, #tpu.memory_space<hbm>>)
      tpu.yield
    }) : () -> ()
    return
  }
}

module attributes {stable_mosaic.version = 14 : i64} {
  func.func @_nsd_body(%arg0: memref<2x20480xf32, #tpu.memory_space<vmem>>, %arg1: memref<1x20480xf32, #tpu.memory_space<vmem>>) attributes {dimension_semantics = [], scalar_prefetch = 0 : i64, scratch_operands = 0 : i64, tpu.core_type = #tpu.core_type<tc>} {
    %get3A = arith.constant 0 : index
    %get3A_0 = arith.constant 0 : index
    %get3A_1 = vector.load %arg0[%get3A, %get3A_0] : memref<2x20480xf32, #tpu.memory_space<vmem>>, vector<1x20480xf32>
    %get3A_2 = arith.constant 1 : index
    %get3A_3 = arith.constant 0 : index
    %get3A_4 = vector.load %arg0[%get3A_2, %get3A_3] : memref<2x20480xf32, #tpu.memory_space<vmem>>, vector<1x20480xf32>
    %add3A = arith.addf %get3A_1, %get3A_4 : vector<1x20480xf32>
    %max3A = arith.constant 1.000000e+00 : f32
    %max3A_5 = vector.broadcast %max3A : f32 to vector<1x20480xf32>
    %max3A_6 = arith.maximumf %add3A, %max3A_5 : vector<1x20480xf32>
    %rsqrt3A = math.rsqrt %max3A_6 : vector<1x20480xf32>
    %swap3A = arith.constant 0 : index
    %swap3A_7 = arith.constant 0 : index
    %swap3A_8 = vector.load %arg1[%swap3A, %swap3A_7] : memref<1x20480xf32, #tpu.memory_space<vmem>>, vector<1x20480xf32>
    tpu.vector_store %arg1[%swap3A, %swap3A_7], %rsqrt3A {strides = array<i32>} : memref<1x20480xf32, #tpu.memory_space<vmem>>, vector<1x20480xf32>,
    return
  }
}

module attributes {stable_mosaic.version = 14 : i64} {
  func.func @_scale_body(%arg0: i32, %arg1: memref<400x128xf32, #tpu.memory_space<vmem>>, %arg2: memref<400x1xf32, #tpu.memory_space<vmem>>, %arg3: memref<400x128xf32, #tpu.memory_space<vmem>>) attributes {dimension_semantics = [#tpu.dimension_semantics<arbitrary>], iteration_bounds = array<i64: 25>, scalar_prefetch = 0 : i64, scratch_operands = 0 : i64, tpu.core_type = #tpu.core_type<tc>, window_params = [{transform_indices = @transform_0, window_bounds = array<i64: 400, 128>}, {transform_indices = @transform_1, window_bounds = array<i64: 400, 1>}, {transform_indices = @transform_2, window_bounds = array<i64: 400, 128>}]} {
    %get3A = arith.constant 0 : index
    %get3A_0 = arith.constant 0 : index
    %get3A_1 = vector.load %arg1[%get3A, %get3A_0] : memref<400x128xf32, #tpu.memory_space<vmem>>, vector<400x128xf32>
    %get3A_2 = arith.constant 0 : index
    %get3A_3 = arith.constant 0 : index
    %get3A_4 = vector.load %arg2[%get3A_2, %get3A_3] : memref<400x1xf32, #tpu.memory_space<vmem>>, vector<400x1xf32>
    %mul3A = vector.broadcast %get3A_4 : vector<400x1xf32> to vector<400x128xf32>
    %mul3A_5 = arith.mulf %get3A_1, %mul3A : vector<400x128xf32>
    %swap3A = arith.constant 0 : index
    %swap3A_6 = arith.constant 0 : index
    %swap3A_7 = vector.load %arg3[%swap3A, %swap3A_6] : memref<400x128xf32, #tpu.memory_space<vmem>>, vector<400x128xf32>
    tpu.vector_store %arg3[%swap3A, %swap3A_6], %mul3A_5 {strides = array<i32>} : memref<400x128xf32, #tpu.memory_space<vmem>>, vector<400x128xf32>,
    return
  }
  func.func @transform_0(%arg0: i32) -> (i32, i32) {
    %c0_i32 = arith.constant 0 : i32
    %c0_i32_0 = arith.constant 0 : i32
    return %arg0, %c0_i32 : i32, i32
  }
  func.func @transform_1(%arg0: i32) -> (i32, i32) {
    %c0_i32 = arith.constant 0 : i32
    %c0_i32_0 = arith.constant 0 : i32
    return %arg0, %c0_i32 : i32, i32
  }
  func.func @transform_2(%arg0: i32) -> (i32, i32) {
    %c0_i32 = arith.constant 0 : i32
    %c0_i32_0 = arith.constant 0 : i32
    return %arg0, %c0_i32 : i32, i32
  }
}

module attributes {stable_mosaic.version = 14 : i64} {
  func.func @_mm1_body(%arg0: i32, %arg1: i32, %arg2: memref<2x1x400x128xf32, #tpu.memory_space<vmem>>, %arg3: memref<400x1xf32, #tpu.memory_space<vmem>>, %arg4: memref<400x1xf32, #tpu.memory_space<vmem>>, %arg5: memref<128x128xf32, #tpu.memory_space<vmem>>, %arg6: memref<1x128xf32, #tpu.memory_space<vmem>>, %arg7: memref<1x400x128xf32, #tpu.memory_space<vmem>>) attributes {dimension_semantics = [#tpu.dimension_semantics<arbitrary>, #tpu.dimension_semantics<arbitrary>], iteration_bounds = array<i64: 25, 4>, scalar_prefetch = 0 : i64, scratch_operands = 0 : i64, tpu.core_type = #tpu.core_type<tc>, window_params = [{transform_indices = @transform_0, window_bounds = array<i64: 2, 1, 400, 128>}, {transform_indices = @transform_1, window_bounds = array<i64: 400, 1>}, {transform_indices = @transform_2, window_bounds = array<i64: 400, 1>}, {transform_indices = @transform_3, window_bounds = array<i64: 128, 128>}, {transform_indices = @transform_4, window_bounds = array<i64: 1, 128>}, {transform_indices = @transform_5, window_bounds = array<i64: 1, 400, 128>}]} {
    %get3A = arith.constant 0 : index
    %get3A_0 = arith.constant 0 : index
    %get3A_1 = arith.constant 0 : index
    %get3A_2 = arith.constant 0 : index
    %get3A_3 = vector.load %arg2[%get3A, %get3A_0, %get3A_1, %get3A_2] : memref<2x1x400x128xf32, #tpu.memory_space<vmem>>, vector<1x1x400x128xf32>
    %get3A_4 = vector.shape_cast %get3A_3 : vector<1x1x400x128xf32> to vector<400x128xf32>
    %get3A_5 = arith.constant 1 : index
    %get3A_6 = arith.constant 0 : index
    %get3A_7 = arith.constant 0 : index
    %get3A_8 = arith.constant 0 : index
    %get3A_9 = vector.load %arg2[%get3A_5, %get3A_6, %get3A_7, %get3A_8] : memref<2x1x400x128xf32, #tpu.memory_space<vmem>>, vector<1x1x400x128xf32>
    %get3A_10 = vector.shape_cast %get3A_9 : vector<1x1x400x128xf32> to vector<400x128xf32>
    %add3A = arith.addf %get3A_4, %get3A_10 : vector<400x128xf32>
    %get3A_11 = arith.constant 0 : index
    %get3A_12 = arith.constant 0 : index
    %get3A_13 = vector.load %arg3[%get3A_11, %get3A_12] : memref<400x1xf32, #tpu.memory_space<vmem>>, vector<400x1xf32>
    %mul3A = vector.broadcast %get3A_13 : vector<400x1xf32> to vector<400x128xf32>
    %mul3A_14 = arith.mulf %add3A, %mul3A : vector<400x128xf32>
    %get3A_15 = arith.constant 0 : index
    %get3A_16 = arith.constant 0 : index
    %get3A_17 = vector.load %arg5[%get3A_15, %get3A_16] : memref<128x128xf32, #tpu.memory_space<vmem>>, vector<128x128xf32>
    %dot_general3A = arith.constant dense<0.000000e+00> : vector<400x128xf32>
    %dot_general3A_18 = tpu.matmul %mul3A_14, %get3A_17, %dot_general3A {dimension_numbers = #tpu.dot_dimension_numbers<[1], [0], [0], [1], [0, 0, 1, 1], [], []>, transpose_lhs_hint = false} : vector<400x128xf32>, vector<128x128xf32>, vector<400x128xf32> -> vector<400x128xf32>
    %get3A_19 = arith.constant 0 : index
    %get3A_20 = arith.constant 0 : index
    %get3A_21 = vector.load %arg6[%get3A_19, %get3A_20] : memref<1x128xf32, #tpu.memory_space<vmem>>, vector<1x128xf32>
    %add3A_22 = vector.broadcast %get3A_21 : vector<1x128xf32> to vector<400x128xf32>
    %add3A_23 = arith.addf %dot_general3A_18, %add3A_22 : vector<400x128xf32>
    %gt3A = arith.constant 0.000000e+00 : f32
    %gt3A_24 = vector.broadcast %gt3A : f32 to vector<400x128xf32>
    %gt3A_25 = arith.cmpf ogt, %add3A_23, %gt3A_24 : vector<400x128xf32>
    %mul3A_26 = arith.constant 0.00999999977 : f32
    %mul3A_27 = vector.broadcast %mul3A_26 : f32 to vector<400x128xf32>
    %mul3A_28 = arith.mulf %mul3A_27, %add3A_23 : vector<400x128xf32>
    %select_n3A = arith.select %gt3A_25, %add3A_23, %mul3A_28 : vector<400x128xi1>, vector<400x128xf32>
    %get3A_29 = arith.constant 0 : index
    %get3A_30 = arith.constant 0 : index
    %get3A_31 = vector.load %arg4[%get3A_29, %get3A_30] : memref<400x1xf32, #tpu.memory_space<vmem>>, vector<400x1xf32>
    %mul3A_32 = vector.broadcast %get3A_31 : vector<400x1xf32> to vector<400x128xf32>
    %mul3A_33 = arith.mulf %select_n3A, %mul3A_32 : vector<400x128xf32>
    %swap3A = arith.constant 0 : index
    %swap3A_34 = arith.constant 0 : index
    %swap3A_35 = arith.constant 0 : index
    %swap3A_36 = vector.load %arg7[%swap3A, %swap3A_34, %swap3A_35] : memref<1x400x128xf32, #tpu.memory_space<vmem>>, vector<1x400x128xf32>
    %swap3A_37 = vector.shape_cast %swap3A_36 : vector<1x400x128xf32> to vector<400x128xf32>
    %swap3A_38 = vector.shape_cast %mul3A_33 : vector<400x128xf32> to vector<1x400x128xf32>
    tpu.vector_store %arg7[%swap3A, %swap3A_34, %swap3A_35], %swap3A_38 {strides = array<i32>} : memref<1x400x128xf32, #tpu.memory_space<vmem>>, vector<1x400x128xf32>,
    return
  }
  func.func @transform_0(%arg0: i32, %arg1: i32) -> (i32, i32, i32, i32) {
    %c0_i32 = arith.constant 0 : i32
    %c0_i32_0 = arith.constant 0 : i32
    %c0_i32_1 = arith.constant 0 : i32
    %c0_i32_2 = arith.constant 0 : i32
    return %c0_i32, %c0_i32_0, %arg0, %c0_i32_1 : i32, i32, i32, i32
  }
  func.func @transform_1(%arg0: i32, %arg1: i32) -> (i32, i32) {
    %c0_i32 = arith.constant 0 : i32
    %c0_i32_0 = arith.constant 0 : i32
    return %arg0, %c0_i32 : i32, i32
  }
  func.func @transform_2(%arg0: i32, %arg1: i32) -> (i32, i32) {
    %c0_i32 = arith.constant 0 : i32
    %c0_i32_0 = arith.constant 0 : i32
    return %arg0, %c0_i32 : i32, i32
  }
  func.func @transform_3(%arg0: i32, %arg1: i32) -> (i32, i32) {
    %c0_i32 = arith.constant 0 : i32
    %c0_i32_0 = arith.constant 0 : i32
    return %c0_i32, %arg1 : i32, i32
  }
  func.func @transform_4(%arg0: i32, %arg1: i32) -> (i32, i32) {
    %c0_i32 = arith.constant 0 : i32
    %c0_i32_0 = arith.constant 0 : i32
    return %c0_i32, %arg1 : i32, i32
  }
  func.func @transform_5(%arg0: i32, %arg1: i32) -> (i32, i32, i32) {
    %c0_i32 = arith.constant 0 : i32
    %c0_i32_0 = arith.constant 0 : i32
    return %arg1, %arg0, %c0_i32 : i32, i32, i32
  }
}

module attributes {stable_mosaic.version = 14 : i64} {
  func.func @_mm2_body(%arg0: i32, %arg1: memref<2x4x400x128xf32, #tpu.memory_space<vmem>>, %arg2: memref<400x1xf32, #tpu.memory_space<vmem>>, %arg3: memref<400x1xf32, #tpu.memory_space<vmem>>, %arg4: memref<512x1024xf32, #tpu.memory_space<vmem>>, %arg5: memref<1x1024xf32, #tpu.memory_space<vmem>>, %arg6: memref<1024x128xf32, #tpu.memory_space<vmem>>, %arg7: memref<400x128xf32, #tpu.memory_space<vmem>>) attributes {dimension_semantics = [#tpu.dimension_semantics<arbitrary>], iteration_bounds = array<i64: 25>, scalar_prefetch = 0 : i64, scratch_operands = 0 : i64, tpu.core_type = #tpu.core_type<tc>, window_params = [{transform_indices = @transform_0, window_bounds = array<i64: 2, 4, 400, 128>}, {transform_indices = @transform_1, window_bounds = array<i64: 400, 1>}, {transform_indices = @transform_2, window_bounds = array<i64: 400, 1>}, {pipeline_mode = #tpu.pipeline_mode<synchronous>, transform_indices = @transform_3, window_bounds = array<i64: 512, 1024>}, {pipeline_mode = #tpu.pipeline_mode<synchronous>, transform_indices = @transform_4, window_bounds = array<i64: 1, 1024>}, {pipeline_mode = #tpu.pipeline_mode<synchronous>, transform_indices = @transform_5, window_bounds = array<i64: 1024, 128>}, {transform_indices = @transform_6, window_bounds = array<i64: 400, 128>}]} {
    %get3A = arith.constant 0 : index
    %get3A_0 = arith.constant 0 : index
    %get3A_1 = arith.constant 0 : index
    %get3A_2 = arith.constant 0 : index
    %get3A_3 = vector.load %arg1[%get3A, %get3A_0, %get3A_1, %get3A_2] : memref<2x4x400x128xf32, #tpu.memory_space<vmem>>, vector<2x4x400x128xf32>
    %slice3A = vector.extract_strided_slice %get3A_3 {offsets = [0, 0, 0, 0], sizes = [1, 1, 400, 128], strides = [1, 1, 1, 1]} : vector<2x4x400x128xf32> to vector<1x1x400x128xf32>
    %squeeze3A = vector.shape_cast %slice3A : vector<1x1x400x128xf32> to vector<400x128xf32>
    %slice3A_4 = vector.extract_strided_slice %get3A_3 {offsets = [1, 0, 0, 0], sizes = [1, 1, 400, 128], strides = [1, 1, 1, 1]} : vector<2x4x400x128xf32> to vector<1x1x400x128xf32>
    %squeeze3A_5 = vector.shape_cast %slice3A_4 : vector<1x1x400x128xf32> to vector<400x128xf32>
    %add3A = arith.addf %squeeze3A, %squeeze3A_5 : vector<400x128xf32>
    %slice3A_6 = vector.extract_strided_slice %get3A_3 {offsets = [0, 1, 0, 0], sizes = [1, 1, 400, 128], strides = [1, 1, 1, 1]} : vector<2x4x400x128xf32> to vector<1x1x400x128xf32>
    %squeeze3A_7 = vector.shape_cast %slice3A_6 : vector<1x1x400x128xf32> to vector<400x128xf32>
    %slice3A_8 = vector.extract_strided_slice %get3A_3 {offsets = [1, 1, 0, 0], sizes = [1, 1, 400, 128], strides = [1, 1, 1, 1]} : vector<2x4x400x128xf32> to vector<1x1x400x128xf32>
    %squeeze3A_9 = vector.shape_cast %slice3A_8 : vector<1x1x400x128xf32> to vector<400x128xf32>
    %add3A_10 = arith.addf %squeeze3A_7, %squeeze3A_9 : vector<400x128xf32>
    %slice3A_11 = vector.extract_strided_slice %get3A_3 {offsets = [0, 2, 0, 0], sizes = [1, 1, 400, 128], strides = [1, 1, 1, 1]} : vector<2x4x400x128xf32> to vector<1x1x400x128xf32>
    %squeeze3A_12 = vector.shape_cast %slice3A_11 : vector<1x1x400x128xf32> to vector<400x128xf32>
    %slice3A_13 = vector.extract_strided_slice %get3A_3 {offsets = [1, 2, 0, 0], sizes = [1, 1, 400, 128], strides = [1, 1, 1, 1]} : vector<2x4x400x128xf32> to vector<1x1x400x128xf32>
    %squeeze3A_14 = vector.shape_cast %slice3A_13 : vector<1x1x400x128xf32> to vector<400x128xf32>
    %add3A_15 = arith.addf %squeeze3A_12, %squeeze3A_14 : vector<400x128xf32>
    %slice3A_16 = vector.extract_strided_slice %get3A_3 {offsets = [0, 3, 0, 0], sizes = [1, 1, 400, 128], strides = [1, 1, 1, 1]} : vector<2x4x400x128xf32> to vector<1x1x400x128xf32>
    %squeeze3A_17 = vector.shape_cast %slice3A_16 : vector<1x1x400x128xf32> to vector<400x128xf32>
    %slice3A_18 = vector.extract_strided_slice %get3A_3 {offsets = [1, 3, 0, 0], sizes = [1, 1, 400, 128], strides = [1, 1, 1, 1]} : vector<2x4x400x128xf32> to vector<1x1x400x128xf32>
    %squeeze3A_19 = vector.shape_cast %slice3A_18 : vector<1x1x400x128xf32> to vector<400x128xf32>
    %add3A_20 = arith.addf %squeeze3A_17, %squeeze3A_19 : vector<400x128xf32>
    %concatenate3A = tpu.concatenate %add3A, %add3A_10, %add3A_15, %add3A_20 in 1 : vector<400x128xf32>, vector<400x128xf32>, vector<400x128xf32>, vector<400x128xf32> -> vector<400x512xf32>
    %get3A_21 = arith.constant 0 : index
    %get3A_22 = arith.constant 0 : index
    %get3A_23 = vector.load %arg2[%get3A_21, %get3A_22] : memref<400x1xf32, #tpu.memory_space<vmem>>, vector<400x1xf32>
    %mul3A = vector.broadcast %get3A_23 : vector<400x1xf32> to vector<400x512xf32>
    %mul3A_24 = arith.mulf %concatenate3A, %mul3A : vector<400x512xf32>
    %get3A_25 = arith.constant 0 : index
    %get3A_26 = arith.constant 0 : index
    %get3A_27 = vector.load %arg4[%get3A_25, %get3A_26] : memref<512x1024xf32, #tpu.memory_space<vmem>>, vector<512x1024xf32>
    %dot_general3A = arith.constant dense<0.000000e+00> : vector<400x1024xf32>
    %dot_general3A_28 = tpu.matmul %mul3A_24, %get3A_27, %dot_general3A {dimension_numbers = #tpu.dot_dimension_numbers<[1], [0], [0], [1], [0, 0, 1, 1], [], []>, transpose_lhs_hint = false} : vector<400x512xf32>, vector<512x1024xf32>, vector<400x1024xf32> -> vector<400x1024xf32>
    %get3A_29 = arith.constant 0 : index
    %get3A_30 = arith.constant 0 : index
    %get3A_31 = vector.load %arg5[%get3A_29, %get3A_30] : memref<1x1024xf32, #tpu.memory_space<vmem>>, vector<1x1024xf32>
    %add3A_32 = vector.broadcast %get3A_31 : vector<1x1024xf32> to vector<400x1024xf32>
    %add3A_33 = arith.addf %dot_general3A_28, %add3A_32 : vector<400x1024xf32>
    %gt3A = arith.constant 0.000000e+00 : f32
    %gt3A_34 = vector.broadcast %gt3A : f32 to vector<400x1024xf32>
    %gt3A_35 = arith.cmpf ogt, %add3A_33, %gt3A_34 : vector<400x1024xf32>
    %mul3A_36 = arith.constant 0.00999999977 : f32
    %mul3A_37 = vector.broadcast %mul3A_36 : f32 to vector<400x1024xf32>
    %mul3A_38 = arith.mulf %mul3A_37, %add3A_33 : vector<400x1024xf32>
    %select_n3A = arith.select %gt3A_35, %add3A_33, %mul3A_38 : vector<400x1024xi1>, vector<400x1024xf32>
    %get3A_39 = arith.constant 0 : index
    %get3A_40 = arith.constant 0 : index
    %get3A_41 = vector.load %arg3[%get3A_39, %get3A_40] : memref<400x1xf32, #tpu.memory_space<vmem>>, vector<400x1xf32>
    %mul3A_42 = vector.broadcast %get3A_41 : vector<400x1xf32> to vector<400x1024xf32>
    %mul3A_43 = arith.mulf %select_n3A, %mul3A_42 : vector<400x1024xf32>
    %get3A_44 = arith.constant 0 : index
    %get3A_45 = arith.constant 0 : index
    %get3A_46 = vector.load %arg6[%get3A_44, %get3A_45] : memref<1024x128xf32, #tpu.memory_space<vmem>>, vector<1024x128xf32>
    %dot_general3A_47 = arith.constant dense<0.000000e+00> : vector<400x128xf32>
    %dot_general3A_48 = tpu.matmul %mul3A_43, %get3A_46, %dot_general3A_47 {dimension_numbers = #tpu.dot_dimension_numbers<[1], [0], [0], [1], [0, 0, 1, 1], [], []>, transpose_lhs_hint = false} : vector<400x1024xf32>, vector<1024x128xf32>, vector<400x128xf32> -> vector<400x128xf32>
    %swap3A = arith.constant 0 : index
    %swap3A_49 = arith.constant 0 : index
    %swap3A_50 = vector.load %arg7[%swap3A, %swap3A_49] : memref<400x128xf32, #tpu.memory_space<vmem>>, vector<400x128xf32>
    tpu.vector_store %arg7[%swap3A, %swap3A_49], %dot_general3A_48 {strides = array<i32>} : memref<400x128xf32, #tpu.memory_space<vmem>>, vector<400x128xf32>,
    return
  }
  func.func @transform_0(%arg0: i32) -> (i32, i32, i32, i32) {
    %c0_i32 = arith.constant 0 : i32
    %c0_i32_0 = arith.constant 0 : i32
    %c0_i32_1 = arith.constant 0 : i32
    %c0_i32_2 = arith.constant 0 : i32
    return %c0_i32, %c0_i32_0, %arg0, %c0_i32_1 : i32, i32, i32, i32
  }
  func.func @transform_1(%arg0: i32) -> (i32, i32) {
    %c0_i32 = arith.constant 0 : i32
    %c0_i32_0 = arith.constant 0 : i32
    return %arg0, %c0_i32 : i32, i32
  }
  func.func @transform_2(%arg0: i32) -> (i32, i32) {
    %c0_i32 = arith.constant 0 : i32
    %c0_i32_0 = arith.constant 0 : i32
    return %arg0, %c0_i32 : i32, i32
  }
  func.func @transform_3(%arg0: i32) -> (i32, i32) {
    %c0_i32 = arith.constant 0 : i32
    %c0_i32_0 = arith.constant 0 : i32
    %c0_i32_1 = arith.constant 0 : i32
    return %c0_i32, %c0_i32_0 : i32, i32
  }
  func.func @transform_4(%arg0: i32) -> (i32, i32) {
    %c0_i32 = arith.constant 0 : i32
    %c0_i32_0 = arith.constant 0 : i32
    %c0_i32_1 = arith.constant 0 : i32
    return %c0_i32, %c0_i32_0 : i32, i32
  }
  func.func @transform_5(%arg0: i32) -> (i32, i32) {
    %c0_i32 = arith.constant 0 : i32
    %c0_i32_0 = arith.constant 0 : i32
    %c0_i32_1 = arith.constant 0 : i32
    return %c0_i32, %c0_i32_0 : i32, i32
  }
  func.func @transform_6(%arg0: i32) -> (i32, i32) {
    %c0_i32 = arith.constant 0 : i32
    %c0_i32_0 = arith.constant 0 : i32
    return %arg0, %c0_i32 : i32, i32
  }
}

module attributes {stable_mosaic.version = 14 : i64} {
  func.func @_final_body(%arg0: i32, %arg1: memref<2x1x400x128xf32, #tpu.memory_space<vmem>>, %arg2: memref<400x1xf32, #tpu.memory_space<vmem>>, %arg3: memref<1x128xf32, #tpu.memory_space<vmem>>, %arg4: memref<400x128xf32, #tpu.memory_space<vmem>>) attributes {dimension_semantics = [#tpu.dimension_semantics<arbitrary>], iteration_bounds = array<i64: 25>, scalar_prefetch = 0 : i64, scratch_operands = 0 : i64, tpu.core_type = #tpu.core_type<tc>, window_params = [{transform_indices = @transform_0, window_bounds = array<i64: 2, 1, 400, 128>}, {transform_indices = @transform_1, window_bounds = array<i64: 400, 1>}, {pipeline_mode = #tpu.pipeline_mode<synchronous>, transform_indices = @transform_2, window_bounds = array<i64: 1, 128>}, {transform_indices = @transform_3, window_bounds = array<i64: 400, 128>}]} {
    %get3A = arith.constant 0 : index
    %get3A_0 = arith.constant 0 : index
    %get3A_1 = arith.constant 0 : index
    %get3A_2 = arith.constant 0 : index
    %get3A_3 = vector.load %arg1[%get3A, %get3A_0, %get3A_1, %get3A_2] : memref<2x1x400x128xf32, #tpu.memory_space<vmem>>, vector<1x1x400x128xf32>
    %get3A_4 = vector.shape_cast %get3A_3 : vector<1x1x400x128xf32> to vector<400x128xf32>
    %get3A_5 = arith.constant 1 : index
    %get3A_6 = arith.constant 0 : index
    %get3A_7 = arith.constant 0 : index
    %get3A_8 = arith.constant 0 : index
    %get3A_9 = vector.load %arg1[%get3A_5, %get3A_6, %get3A_7, %get3A_8] : memref<2x1x400x128xf32, #tpu.memory_space<vmem>>, vector<1x1x400x128xf32>
    %get3A_10 = vector.shape_cast %get3A_9 : vector<1x1x400x128xf32> to vector<400x128xf32>
    %add3A = arith.addf %get3A_4, %get3A_10 : vector<400x128xf32>
    %get3A_11 = arith.constant 0 : index
    %get3A_12 = arith.constant 0 : index
    %get3A_13 = vector.load %arg2[%get3A_11, %get3A_12] : memref<400x1xf32, #tpu.memory_space<vmem>>, vector<400x1xf32>
    %mul3A = vector.broadcast %get3A_13 : vector<400x1xf32> to vector<400x128xf32>
    %mul3A_14 = arith.mulf %add3A, %mul3A : vector<400x128xf32>
    %get3A_15 = arith.constant 0 : index
    %get3A_16 = arith.constant 0 : index
    %get3A_17 = vector.load %arg3[%get3A_15, %get3A_16] : memref<1x128xf32, #tpu.memory_space<vmem>>, vector<1x128xf32>
    %add3A_18 = vector.broadcast %get3A_17 : vector<1x128xf32> to vector<400x128xf32>
    %add3A_19 = arith.addf %mul3A_14, %add3A_18 : vector<400x128xf32>
    %swap3A = arith.constant 0 : index
    %swap3A_20 = arith.constant 0 : index
    %swap3A_21 = vector.load %arg4[%swap3A, %swap3A_20] : memref<400x128xf32, #tpu.memory_space<vmem>>, vector<400x128xf32>
    tpu.vector_store %arg4[%swap3A, %swap3A_20], %add3A_19 {strides = array<i32>} : memref<400x128xf32, #tpu.memory_space<vmem>>, vector<400x128xf32>,
    return
  }
  func.func @transform_0(%arg0: i32) -> (i32, i32, i32, i32) {
    %c0_i32 = arith.constant 0 : i32
    %c0_i32_0 = arith.constant 0 : i32
    %c0_i32_1 = arith.constant 0 : i32
    %c0_i32_2 = arith.constant 0 : i32
    return %c0_i32, %c0_i32_0, %arg0, %c0_i32_1 : i32, i32, i32, i32
  }
  func.func @transform_1(%arg0: i32) -> (i32, i32) {
    %c0_i32 = arith.constant 0 : i32
    %c0_i32_0 = arith.constant 0 : i32
    return %arg0, %c0_i32 : i32, i32
  }
  func.func @transform_2(%arg0: i32) -> (i32, i32) {
    %c0_i32 = arith.constant 0 : i32
    %c0_i32_0 = arith.constant 0 : i32
    %c0_i32_1 = arith.constant 0 : i32
    return %c0_i32, %c0_i32_0 : i32, i32
  }
  func.func @transform_3(%arg0: i32) -> (i32, i32) {
    %c0_i32 = arith.constant 0 : i32
    %c0_i32_0 = arith.constant 0 : i32
    return %arg0, %c0_i32 : i32, i32
  }
}

</mosaic_0001>

<sc_bundles>
// kernel: kernel.11.cloned.1.call-start
scs
__scs_entry_jumppad:
0x0: {  	(pc) =	sbr.rel $0x88, $3  }
0x1: {  	(tag) =	ssettag $0x0;
	lr =	simm.s32 $0x1  }
0x2: {  	[smem:$0x3F99] =	sst lr;
	_ =	strace $0xD0000000  }
0x3: {  	_ = 	snop  }
0x4: {  	_ = 	snop  }
0x5: {  	_ = 	snop  }
0x6: {  	_ = 	snop  }
0x7: {  	_ = 	snop  }
__scs_overlays_trampoline_lowered:
0x8: {  	[smem:$0x3FA8] =	sst s0  }
0x9: {  	[smem:$0x3FA9] =	sst s1  }
0xa: {  	[smem:$0x3FAA] =	sst s2  }
0xb: {  	[smem:$0x3FAB] =	sst s3  }
0xc: {  	[smem:$0x3FAC] =	sst s4  }
0xd: {  	[smem:$0x3FAD] =	sst s5  }
0xe: {  	[smem:$0x3FAE] =	sst s6  }
0xf: {  	[smem:$0x3FAF] =	sst s7  }
0x10: {  	[smem:$0x3FB0] =	sst s8  }
0x11: {  	[smem:$0x3FB1] =	sst s9;
	s0 =	simm.s32 @!p0 $0x0  }
0x12: {  	s1 =	sld [smem:$0x3F97];
	s0 =	simm.s32 @p0 $0x1  }
0x13: {  	[smem:$0x3FB2] =	sst s0;
	s0 =	simm.s32 @!p1 $0x0  }
0x14: {  	s2 =	sld [smem:$0x3F96];
	s0 =	simm.s32 @p1 $0x1  }
0x15: {  	[smem:$0x3FB3] =	sst s0;
	s0 =	simm.s32 @!p2 $0x0  }
0x16: {  	s3 =	sld [smem:$0x3FDB];
	s0 =	simm.s32 @p2 $0x1  }
0x17: {  	s4 =	simm.s32 $0x1BF5;
	[smem:$0x3FB5] =	sst s0  }
0x18: {  	s0 =	sld [smem:$0x3F98];
	_ =	swait.ge [sflag:s4], $0x0  }
0x19: {  	s7 =	sld [smem:$0x3F99]  }
0x1a: {  	s8 =	sadd.s32 $0xFFFFE003, lr  }
0x1b: {  	s9 =	sadd.s32 $0xFFFFFEF7, lr;
	s5 =	simm.s32 $0xFFFFFFFF;
	p2 =	slt.u32 s8, $0xFFFFF086  }
0x1c: {  	p1 =	slt.u32 s9, $0xF7A;
	s5 =	simm.s32 @!p2 $0x0  }
0x1d: {  	s5 =	simm.s32 @p1 $0x1;
	p0 =	seq.s32 s7, s2  }
0x1e: {  	s7 =	smul.u32 @!p0 $0xF7A, s2;
	p2 =	seq.s32 @!p0 s5, $0x0  }
0x1f: {  	s9 =	smul.u32 $0xF7A, s1;
	s8 =	simm.s32 @!p0 $0x1BF5;
	p2 =	por !p2, p0  }
0x20: {  	[sflag:s8] =	ssyncset.s32 @!p0 $0xFFFFF086;
	s6 =	sadd.s32 @!p0 s3, s7;
	s7 =	simm.s32 @!p0 $0x108  }
0x21: {  	s3 =	sadd.s32 s3, s9;
	s6 =	sadd.s32 @!p0 $0x88, s6;
	s7 =	simm.s32 @p2 $0x1082  }
0x22: {  	[simem:s7], [sflag:s8] =	dma.local @!p0 [hbm:s6], $0xF7A  }
0x23: {  	s9 =	sor.u32 $0xD0000000, s2;
	s6 =	simm.s32 $0x108;
	_ =	swait.ge @!p0 [sflag:s8], $0x0  }
0x24: {  	s3 =	sadd.s32 $0x88, s3;
	s6 =	simm.s32 @!p1 $0x1082;
	[sflag:s4] =	ssyncset.s32 $0xFFFFF086  }
0x25: {  	[simem:s6], [sflag:s4] =	dma.local [hbm:s3], $0xF7A  }
0x26: {  	[smem:$0x3F99] =	sst s1;
	(tag) =	ssettag s2;
	_ =	strace s9  }
0x27: {  	s1 =	sld [smem:$0x3FA9]  }
0x28: {  	s2 =	sld [smem:$0x3FAA]  }
0x29: {  	s4 =	sld [smem:$0x3FAC]  }
0x2a: {  	p0 =	seq.s32 s5, $0x0;
	s5 =	sld [smem:$0x3FAD]  }
0x2b: {  	s6 =	sld [smem:$0x3FAE]  }
0x2c: {  	s7 =	sld [smem:$0x3FAF]  }
0x2d: {  	s3 =	simm.s32 $0x108;
	s8 =	sld [smem:$0x3FB0]  }
0x2e: {  	s3 =	simm.s32 @!p0 $0x1082;
	s9 =	sld [smem:$0x3FB1]  }
0x2f: {  	lr =	sadd.s32 s0, s3;
	s0 =	sld [smem:$0x3FA8]  }
0x30: {  	s3 =	sld [smem:$0x3FAB]  }
0x31: {  	[smem:$0x3FB4] =	sst s10  }
0x32: {  	s10 =	sld [smem:$0x3FB2];
	_ =	sdelay $0x3  }
0x33: {  	p0 =	seq.s32 s10, $0x1;
	s10 =	sld [smem:$0x3FB4];
	_ =	sdelay $0x3  }
0x34: {  	[smem:$0x3FB4] =	sst s10  }
0x35: {  	s10 =	sld [smem:$0x3FB3];
	_ =	sdelay $0x3  }
0x36: {  	p1 =	seq.s32 s10, $0x1;
	s10 =	sld [smem:$0x3FB4];
	_ =	sdelay $0x3  }
0x37: {  	[smem:$0x3FB4] =	sst s10  }
0x38: {  	s10 =	sld [smem:$0x3FB5]  }
0x39: {  	_ = 	snop;
	(pc) =	sbr.ind lr, $3  }
0x3a: {  	_ = 	snop  }
0x3b: {  	_ = 	snop  }
0x3c: {  	p2 =	seq.s32 s10, $0x1;
	s10 =	sld [smem:$0x3FB4]  }
0x3d: {  	_ =	shalt  }
0x3e: {  	_ =	shalt  }
0x3f: {  	_ =	shalt  }
0x40: {  	_ =	shalt  }
0x41: {  	_ =	shalt  }
0x42: {  	_ =	shalt  }
0x43: {  	_ =	shalt  }
0x44: {  	_ =	shalt  }
0x45: {  	_ =	shalt  }
0x46: {  	_ =	shalt  }
0x47: {  	_ =	shalt  }
0x48: {  	_ =	shalt  }
0x49: {  	_ =	shalt  }
0x4a: {  	_ =	shalt  }
0x4b: {  	_ =	shalt  }
0x4c: {  	_ =	shalt  }
0x4d: {  	_ =	shalt  }
0x4e: {  	_ =	shalt  }
0x4f: {  	_ =	shalt  }
0x50: {  	_ =	shalt  }
0x51: {  	_ =	shalt  }
0x52: {  	_ =	shalt  }
0x53: {  	_ =	shalt  }
0x54: {  	_ =	shalt  }
0x55: {  	_ =	shalt  }
0x56: {  	_ =	shalt  }
0x57: {  	_ =	shalt  }
0x58: {  	_ =	shalt  }
0x59: {  	_ =	shalt  }
0x5a: {  	_ =	shalt  }
0x5b: {  	_ =	shalt  }
0x5c: {  	_ =	shalt  }
0x5d: {  	_ =	shalt  }
0x5e: {  	_ =	shalt  }
0x5f: {  	_ =	shalt  }
0x60: {  	_ =	shalt  }
0x61: {  	_ =	shalt  }
0x62: {  	_ =	shalt  }
0x63: {  	_ =	shalt  }
0x64: {  	_ =	shalt  }
0x65: {  	_ =	shalt  }
0x66: {  	_ =	shalt  }
0x67: {  	_ =	shalt  }
0x68: {  	_ =	shalt  }
0x69: {  	_ =	shalt  }
0x6a: {  	_ =	shalt  }
0x6b: {  	_ =	shalt  }
0x6c: {  	_ =	shalt  }
0x6d: {  	_ =	shalt  }
0x6e: {  	_ =	shalt  }
0x6f: {  	_ =	shalt  }
0x70: {  	_ =	shalt  }
0x71: {  	_ =	shalt  }
0x72: {  	_ =	shalt  }
0x73: {  	_ =	shalt  }
0x74: {  	_ =	shalt  }
0x75: {  	_ =	shalt  }
0x76: {  	_ =	shalt  }
0x77: {  	_ =	shalt  }
0x78: {  	_ =	shalt  }
0x79: {  	_ =	shalt  }
0x7a: {  	_ =	shalt  }
0x7b: {  	_ =	shalt  }
0x7c: {  	_ =	shalt  }
0x7d: {  	_ =	shalt  }
0x7e: {  	_ =	shalt  }
0x7f: {  	_ =	shalt  }
0x80: {  	_ =	shalt  }
0x81: {  	_ =	shalt  }
0x82: {  	_ =	shalt  }
0x83: {  	_ =	shalt  }
0x84: {  	_ =	shalt  }
0x85: {  	_ =	shalt  }
0x86: {  	_ =	shalt  }
0x87: {  	_ =	shalt  }
.Lfunc_end0:
.L_simem_size_0:
called_computation_lowered:
.L_overlay_start_0:
0x88: {  	s2 =	sld [smem:$0x3FD9]  }
0x89: {  	s3 =	sld [smem:$0x3FFE];
	_ =	sdelay $0x1  }
0x8a: {  	s1 =	srdreg.scid  }
0x8b: {  	s0 =	sand.u32 $0x1, s1  }
0x8c: {  	s17 =	sshll.u32 s0, $0xA;
	s2 =	sadd.s32 s3, s2  }
0x8d: {  	s2 =	sadd.s32 s2, s17  }
0x8e: {  	[smem:$0x3FC0] =	sst s2  }
0x8f: {  	_ = 	snop  }
0x90: {  	s2 =	sld [smem:$0x3FD0];
	(tm) =	ssettm $0x1  }
0x91: {  	s18 =	sld [smem:$0x3FFB];
	_ =	sdelay $0x3  }
0x92: {  	_ =	strace s18  }
0x93: {  	s3 =	sld [smem:$0x3FFC];
	_ =	sdelay $0x3  }
0x94: {  	_ =	strace s3  }
0x95: {  	s3 =	sld [smem:$0x3FFD];
	_ =	sdelay $0x3  }
0x96: {  	_ =	strace s3  }
0x97: {  	_ =	strace $0x8FFFFFFF  }
0x98: {  	s19 =	sld [smem:$0x3FDB];
	_ =	sdelay $0x1  }
0x99: {  	s4 =	simm.s32 $_scs_section_size  }
0x9a: {  	s5 =	simm.s32 $_size__tile_overlayer_lowered;
	s6 =	simm.s32 $_tile_overlayer_lowered  }
0x9b: {  	s22 =	simm.s32 $0x1BFF;
	s21 =	sshll.u32 s6, $0x1;
	s3 =	sadd.s32 s4, s19  }
0x9c: {  	s7 =	simm.s32 $0x0;
	s20 =	sshll.u32 s5, $0x1;
	s5 =	sadd.s32 s21, s3  }
0x9d: {  	[timem:s7], [sflag:s22] =	dma.local [hbm:s5], s20  }
0x9e: {  	_ =	swait.ge [sflag:s22], s20  }
0x9f: {  	s4 =	ssub.s32 $0x0, s20;
	[sflag:s22] =	ssyncset.done $0x0  }
0xa0: {  	[sflag:s22] =	ssyncadd.s32 s4;
	_ =	sdelay $0x1  }
0xa1: {  	s23 =	simm.s32 $0x1B8B  }
0xa2: {  	_ =	swait.ge [sflag:s23], $0x1  }
0xa3: {  	[sflag:s23] =	ssyncset.done $0x0  }
0xa4: {  	s25 =	simm.s32 $0x1B8E;
	s24 =	sld [smem:$0x3FFE];
	[sflag:s23] =	ssyncadd.s32 $0xFFFFFFFF  }
0xa5: {  	s26 =	simm.s32 $execute0_lowered;
	[smem:$0x3FD2] =	sst s25  }
0xa6: {  	s5 =	sshll.u32 s26, $0x1;
	_ =	strace $0x80000046;
	[dreg:$0x1] =	wrdreg $0xFFFFFFFF  }
0xa7: {  	s28 =	simm.s32 $_size_execute0_lowered;
	s3 =	sadd.s32 s3, s5;
	[dreg:$0x0] =	wrdreg $0x0  }
0xa8: {  	s5 =	sshll.u32 s28, $0x1;
	[dreg:$0x2] =	wrdreg s3  }
0xa9: {  	[dreg:$0x3] =	wrdreg s5  }
0xaa: {  	[dreg:$0x4] =	wrdreg $0xC0  }
0xab: {  	_ =	task [dreg:s7], $0x5FFFF  }
0xac: {  	[dreg:$0x1] =	wrdreg $0xFFFFFFFF  }
0xad: {  	[dreg:$0x0] =	wrdreg $0x60  }
0xae: {  	[dreg:$0x2] =	wrdreg s2  }
0xaf: {  	[dreg:$0x3] =	wrdreg s24  }
0xb0: {  	[dreg:$0x4] =	wrdreg $0x80800  }
0xb1: {  	[dreg:$0x5] =	wrdreg $0x9  }
0xb2: {  	_ =	task.clear_ibuf [dreg:s7], $0x6FFFF;
	_ =	strace $0x90000046  }
0xb3: {  	s29 =	simm.s32 $0x9;
	_ =	strace $0x80000048  }
0xb4: {  	_ =	swait.ge [sflag:s29], $0x1  }
0xb5: {  	[sflag:s29] =	ssyncadd.s32 $0xFFFFFFFF  }
0xb6: {  	_ =	strace $0x90000048  }
0xb7: {  	_ =	sfence  }
0xb8: {  	s30 =	sld [smem:$0x0];
	_ =	sdelay $0x2  }
0xb9: {  	s31 =	sshll.u32 s1, $0xD;
	s1 =	sshrl.u32 s1, $0x2  }
0xba: {  	s3 =	sand.u32 $0x4000, s31;
	s1 =	sadd.s32 s1, s30  }
0xbb: {  	s0 =	sor.u32 s3, s0;
	s1 =	sshll.u32 s1, $0x11  }
0xbc: {  	s0 =	sor.u32 s1, s0  }
0xbd: {  	s0 =	sadd.s32 $0x8F2B, s0  }
0xbe: {  	[sflag:s0] =	ssyncadd.remote.s32 $0x1  }
0xbf: {  	_ =	sfence.sel $0xFFFF  }
0xc0: {  	[dreg:$0x0] =	wrdreg $0xFFFFFFFF;
	(pc) =	sbr.abs _section_cstart, $3  }
0xc1: {  	[dreg:$0x1] =	wrdreg $0xFFFFFFFF  }
0xc2: {  	_ =	task.clear_ibuf [dreg:s7], $0x2FFFF;
	_ =	strace $0x9FFFFFFF  }
0xc3: {  	(tm) =	ssettm $0x7FFFFFFF  }
tec
execute0_lowered:
.L_overlay_start_1:
0x0: {  	(tag) =	ssettag $0x1  }
0x1: {  	s6 =	rddreg [dreg:$0x0]  }
0x2: {  	s7 =	rddreg [dreg:$0x1]  }
0x3: {  	s1 =	rddreg [dreg:$0x2]  }
0x4: {  	s0 =	rddreg [dreg:$0x3]  }
0x5: {  	s2 =	simm.s32 $0x0;
	s3 =	srdreg.scid;
	s15 =	simm.s32 $0x10  }
0x6: {  	s16 =	simm.s32 $0x0;
	[smem:$0x7FF] =	sst s2;
	s4 =	sadd.s32 $0x2200, s7  }
0x7: {  	s8 =	sand.u32 $0x1, s3;
	s5 =	sadd.s32 $0x2400, s7;
	s3 =	stileid.u32  }
0x8: {  	_ =	strace $0x80000047;
	s9 =	ssub.s32 $0x2, s8;
	s10 =	sshll.u32 s8, $0x4  }
0x9: {  	s12 =	smul.u32 $0x1400, s3;
	s28 =	sshll.u32 s3, $0xC;
	s8 =	sshll.u32 s8, $0x10  }
0xa: {  	s14 =	smul.u32 $0x140, s3;
	s31 =	sshll.u32 s3, $0x6;
	s11 =	sshrl.u32 s9, $0x1  }
0xb: {  	s7 =	sadd.s32 s10, s7;
	s6 =	sadd.s32 s6, s28;
	s10 =	sor.u32 $0x1C01, s31  }
0xc: {  	s9 =	ssub.s32 s9, s11;
	s29 =	sshrl.u32 s12, $0x2;
	s6 =	sadd.s32 s8, s6  }
0xd: {  	s13 =	sadd.s32 $0x2600, s7;
	s8 =	simm.s32 $0x8000;
	s12 =	simm.s32 $0x50  }
0xe: {  	s30 =	sadd.s32 s29, s1;
	s7 =	smax.u32 s9, $0x1;
	s9 =	simm.s32 $0x1  }
0xf: {  	s13 =	sadd.s32 s14, s13;
	s14 =	simm.s32 $0x20;
	s11 =	sshrl.u32 s30, $0x3  }
.LBB2_1:
0x10: {  	[tilespmem:s8], [sflag:$0x1] =	stream.linear.gather [hbm4b:s4+s2], $0x80, $0x38;
	[tilespmem:$0x8580] =	vst v63  }
0x11: {  	_ =	swait.ge [sflag:s9], $0x80  }
0x12: {  	[sflag:s9] =	ssyncset.done $0x0  }
0x13: {  	[sflag:s9] =	ssyncadd.s32 $0xFFFFFF80  }
0x14: {  	[tilespmem:s2], [sflag:$0x1] =	stream.linear.gather [hbm4b:s6+s2], $0x7D00, $0x38;
	[tilespmem:$0x8580] =	vst v63  }
0x15: {  	_ =	swait.ge [sflag:s9], $0x7D00  }
0x16: {  	[sflag:s9] =	ssyncset.done $0x0  }
0x17: {  	[sflag:s9] =	ssyncadd.s32 $0xFFFF8300  }
0x18: {  	[spmem:s11], [sflag:s10] =	dma.local [hbm:s5], $0xA0  }
0x19: {  	_ =	swait.ge [sflag:s9], $0xA0  }
0x1a: {  	[sflag:s9] =	ssyncset.done $0x0  }
0x1b: {  	[sflag:s9] =	ssyncadd.s32 $0xFFFFFF60  }
0x1c: {  	s17 =	simm.s32 $0x0;
	[bflag:$0x0] =	sbarrier.arrive $0xFFFF  }
0x1d: {  	[spmem:s1] =	stream.indirect.scatter.add.f32 [tilespmem:s8], [sflag:$0x1], $0x1, s17, s12, $0xb8;
	[tilespmem:$0x8580] =	vst v63  }
0x1e: {  	_ =	swait.ge [sflag:s9], $0x50  }
0x1f: {  	s17 =	simm.s32 $0x200;
	[sflag:s9] =	ssyncset.done $0x0  }
.LBB2_2:
0x20: {  	s18 =	sshra.s32 s17, $0x2;
	[sflag:s9] =	ssyncadd.s32 $0xFFFFFFB0;
	p0 =	sne.s32 s17, $0x1F200  }
0x21: {  	[spmem:s1] =	stream.indirect.scatter.add.f32 [tilespmem:s8], [sflag:$0x1], $0x1, s18, s12, $0xb8;
	[tilespmem:$0x8580] =	vst v63  }
.Ltmp0:
0x22: {  	_ = 	snop;
	(pc) =	sbr.rel @p0 .LBB2_2-.Ltmp0, $4  }
0x23: {  	_ = 	snop  }
0x24: {  	s17 =	sadd.s32 $0x200, s17  }
0x25: {  	_ =	swait.ge [sflag:s9], $0x50  }
0x26: {  	[sflag:s9] =	ssyncset.done $0x0  }
0x27: {  	s16 =	sadd.s32 $0x1, s16  }
0x28: {  	[sflag:s9] =	ssyncadd.s32 $0xFFFFFFB0;
	p0 =	sne.s32 s16, s7  }
.Ltmp1:
0x29: {  	[bflag:$0x0] =	sbarrier.arrive $0xFFFF;
	(pc) =	sbr.rel @p0 .LBB2_1-.Ltmp1, $4  }
0x2a: {  	[hbm:s13@s14], [sflag:s10] =	dma.strided [spmem:s11@s15], $0xA0, s9, $0x10   }
0x2b: {  	_ =	swait.ge [sflag:s9], $0xA0  }
0x2c: {  	[sflag:s9] =	ssyncset.done $0x0  }
0x2d: {  	[sflag:s9] =	ssyncadd.s32 $0xFFFFFF60  }
0x2e: {  	_ =	sfence.sel $0x180000  }
0x2f: {  	[bflag:$0x0] =	sbarrier.arrive $0xFFFF  }
0x30: {  	p0 =	sne.s32 s3, $0x0;
	_ =	strace $0x90000047  }
0x31: {  	s0 =	sadd.s32 @!p0 $0x100000, s0;
	[bflag:$0x2] =	sbarrier.arrive $0xFFFF  }
0x32: {  	[sflag:s0] =	ssyncadd.tile.s32 @!p0 $0x1;
	_ =	shalt  }
.Lfunc_end2:
_tile_overlayer_lowered:
.L_overlay_start_2:
0x33: {  	(tag) =	ssettag $0x2  }
0x34: {  	s0 =	rddreg [dreg:$0x0];
	s2 =	stileid.u32  }
0x35: {  	s1 =	rddreg [dreg:$0x1];
	p0 =	sne.s32 s2, $0x0  }
0x36: {  	s3 =	rddreg [dreg:$0x2];
	[bflag:$0x3] =	sbarrier.arrive $0xFFFF;
	s2 =	simm.s32 @!p0 $0x1C01  }
0x37: {  	[timem:s3], [sflag:s2] =	dma.local @!p0 [hbm:s0], s1  }
0x38: {  	s0 =	simm.s32 @!p0 $0x1  }
0x39: {  	_ =	swait.ge @!p0 [sflag:s0], s1  }
0x3a: {  	s1 =	ssub.s32 @!p0 $0x0, s1;
	[sflag:s0] =	ssyncset.done @!p0 $0x0  }
0x3b: {  	[sflag:s0] =	ssyncadd.s32 @!p0 s1  }
0x3c: {  	[bflag:$0x3] =	sbarrier.arrive $0xFFFF  }
0x3d: {  	_ =	shalt  }

// kernel: kernel.14.cloned.1.call-start
scs
__scs_entry_jumppad:
0x0: {  	(pc) =	sbr.rel $0x88, $3  }
0x1: {  	(tag) =	ssettag $0x0;
	lr =	simm.s32 $0x1  }
0x2: {  	[smem:$0x3F99] =	sst lr;
	_ =	strace $0xD0000000  }
0x3: {  	_ = 	snop  }
0x4: {  	_ = 	snop  }
0x5: {  	_ = 	snop  }
0x6: {  	_ = 	snop  }
0x7: {  	_ = 	snop  }
__scs_overlays_trampoline_lowered:
0x8: {  	[smem:$0x3FA8] =	sst s0  }
0x9: {  	[smem:$0x3FA9] =	sst s1  }
0xa: {  	[smem:$0x3FAA] =	sst s2  }
0xb: {  	[smem:$0x3FAB] =	sst s3  }
0xc: {  	[smem:$0x3FAC] =	sst s4  }
0xd: {  	[smem:$0x3FAD] =	sst s5  }
0xe: {  	[smem:$0x3FAE] =	sst s6  }
0xf: {  	[smem:$0x3FAF] =	sst s7  }
0x10: {  	[smem:$0x3FB0] =	sst s8  }
0x11: {  	[smem:$0x3FB1] =	sst s9;
	s0 =	simm.s32 @!p0 $0x0  }
0x12: {  	s1 =	sld [smem:$0x3F97];
	s0 =	simm.s32 @p0 $0x1  }
0x13: {  	[smem:$0x3FB2] =	sst s0;
	s0 =	simm.s32 @!p1 $0x0  }
0x14: {  	s2 =	sld [smem:$0x3F96];
	s0 =	simm.s32 @p1 $0x1  }
0x15: {  	[smem:$0x3FB3] =	sst s0;
	s0 =	simm.s32 @!p2 $0x0  }
0x16: {  	s3 =	sld [smem:$0x3FDB];
	s0 =	simm.s32 @p2 $0x1  }
0x17: {  	s4 =	simm.s32 $0x1BF5;
	[smem:$0x3FB5] =	sst s0  }
0x18: {  	s0 =	sld [smem:$0x3F98];
	_ =	swait.ge [sflag:s4], $0x0  }
0x19: {  	s7 =	sld [smem:$0x3F99]  }
0x1a: {  	s8 =	sadd.s32 $0xFFFFE003, lr  }
0x1b: {  	s9 =	sadd.s32 $0xFFFFFEF7, lr;
	s5 =	simm.s32 $0xFFFFFFFF;
	p2 =	slt.u32 s8, $0xFFFFF086  }
0x1c: {  	p1 =	slt.u32 s9, $0xF7A;
	s5 =	simm.s32 @!p2 $0x0  }
0x1d: {  	s5 =	simm.s32 @p1 $0x1;
	p0 =	seq.s32 s7, s2  }
0x1e: {  	s7 =	smul.u32 @!p0 $0xF7A, s2;
	p2 =	seq.s32 @!p0 s5, $0x0  }
0x1f: {  	s9 =	smul.u32 $0xF7A, s1;
	s8 =	simm.s32 @!p0 $0x1BF5;
	p2 =	por !p2, p0  }
0x20: {  	[sflag:s8] =	ssyncset.s32 @!p0 $0xFFFFF086;
	s6 =	sadd.s32 @!p0 s3, s7;
	s7 =	simm.s32 @!p0 $0x108  }
0x21: {  	s3 =	sadd.s32 s3, s9;
	s6 =	sadd.s32 @!p0 $0x88, s6;
	s7 =	simm.s32 @p2 $0x1082  }
0x22: {  	[simem:s7], [sflag:s8] =	dma.local @!p0 [hbm:s6], $0xF7A  }
0x23: {  	s9 =	sor.u32 $0xD0000000, s2;
	s6 =	simm.s32 $0x108;
	_ =	swait.ge @!p0 [sflag:s8], $0x0  }
0x24: {  	s3 =	sadd.s32 $0x88, s3;
	s6 =	simm.s32 @!p1 $0x1082;
	[sflag:s4] =	ssyncset.s32 $0xFFFFF086  }
0x25: {  	[simem:s6], [sflag:s4] =	dma.local [hbm:s3], $0xF7A  }
0x26: {  	[smem:$0x3F99] =	sst s1;
	(tag) =	ssettag s2;
	_ =	strace s9  }
0x27: {  	s1 =	sld [smem:$0x3FA9]  }
0x28: {  	s2 =	sld [smem:$0x3FAA]  }
0x29: {  	s4 =	sld [smem:$0x3FAC]  }
0x2a: {  	p0 =	seq.s32 s5, $0x0;
	s5 =	sld [smem:$0x3FAD]  }
0x2b: {  	s6 =	sld [smem:$0x3FAE]  }
0x2c: {  	s7 =	sld [smem:$0x3FAF]  }
0x2d: {  	s3 =	simm.s32 $0x108;
	s8 =	sld [smem:$0x3FB0]  }
0x2e: {  	s3 =	simm.s32 @!p0 $0x1082;
	s9 =	sld [smem:$0x3FB1]  }
0x2f: {  	lr =	sadd.s32 s0, s3;
	s0 =	sld [smem:$0x3FA8]  }
0x30: {  	s3 =	sld [smem:$0x3FAB]  }
0x31: {  	[smem:$0x3FB4] =	sst s10  }
0x32: {  	s10 =	sld [smem:$0x3FB2];
	_ =	sdelay $0x3  }
0x33: {  	p0 =	seq.s32 s10, $0x1;
	s10 =	sld [smem:$0x3FB4];
	_ =	sdelay $0x3  }
0x34: {  	[smem:$0x3FB4] =	sst s10  }
0x35: {  	s10 =	sld [smem:$0x3FB3];
	_ =	sdelay $0x3  }
0x36: {  	p1 =	seq.s32 s10, $0x1;
	s10 =	sld [smem:$0x3FB4];
	_ =	sdelay $0x3  }
0x37: {  	[smem:$0x3FB4] =	sst s10  }
0x38: {  	s10 =	sld [smem:$0x3FB5]  }
0x39: {  	_ = 	snop;
	(pc) =	sbr.ind lr, $3  }
0x3a: {  	_ = 	snop  }
0x3b: {  	_ = 	snop  }
0x3c: {  	p2 =	seq.s32 s10, $0x1;
	s10 =	sld [smem:$0x3FB4]  }
0x3d: {  	_ =	shalt  }
0x3e: {  	_ =	shalt  }
0x3f: {  	_ =	shalt  }
0x40: {  	_ =	shalt  }
0x41: {  	_ =	shalt  }
0x42: {  	_ =	shalt  }
0x43: {  	_ =	shalt  }
0x44: {  	_ =	shalt  }
0x45: {  	_ =	shalt  }
0x46: {  	_ =	shalt  }
0x47: {  	_ =	shalt  }
0x48: {  	_ =	shalt  }
0x49: {  	_ =	shalt  }
0x4a: {  	_ =	shalt  }
0x4b: {  	_ =	shalt  }
0x4c: {  	_ =	shalt  }
0x4d: {  	_ =	shalt  }
0x4e: {  	_ =	shalt  }
0x4f: {  	_ =	shalt  }
0x50: {  	_ =	shalt  }
0x51: {  	_ =	shalt  }
0x52: {  	_ =	shalt  }
0x53: {  	_ =	shalt  }
0x54: {  	_ =	shalt  }
0x55: {  	_ =	shalt  }
0x56: {  	_ =	shalt  }
0x57: {  	_ =	shalt  }
0x58: {  	_ =	shalt  }
0x59: {  	_ =	shalt  }
0x5a: {  	_ =	shalt  }
0x5b: {  	_ =	shalt  }
0x5c: {  	_ =	shalt  }
0x5d: {  	_ =	shalt  }
0x5e: {  	_ =	shalt  }
0x5f: {  	_ =	shalt  }
0x60: {  	_ =	shalt  }
0x61: {  	_ =	shalt  }
0x62: {  	_ =	shalt  }
0x63: {  	_ =	shalt  }
0x64: {  	_ =	shalt  }
0x65: {  	_ =	shalt  }
0x66: {  	_ =	shalt  }
0x67: {  	_ =	shalt  }
0x68: {  	_ =	shalt  }
0x69: {  	_ =	shalt  }
0x6a: {  	_ =	shalt  }
0x6b: {  	_ =	shalt  }
0x6c: {  	_ =	shalt  }
0x6d: {  	_ =	shalt  }
0x6e: {  	_ =	shalt  }
0x6f: {  	_ =	shalt  }
0x70: {  	_ =	shalt  }
0x71: {  	_ =	shalt  }
0x72: {  	_ =	shalt  }
0x73: {  	_ =	shalt  }
0x74: {  	_ =	shalt  }
0x75: {  	_ =	shalt  }
0x76: {  	_ =	shalt  }
0x77: {  	_ =	shalt  }
0x78: {  	_ =	shalt  }
0x79: {  	_ =	shalt  }
0x7a: {  	_ =	shalt  }
0x7b: {  	_ =	shalt  }
0x7c: {  	_ =	shalt  }
0x7d: {  	_ =	shalt  }
0x7e: {  	_ =	shalt  }
0x7f: {  	_ =	shalt  }
0x80: {  	_ =	shalt  }
0x81: {  	_ =	shalt  }
0x82: {  	_ =	shalt  }
0x83: {  	_ =	shalt  }
0x84: {  	_ =	shalt  }
0x85: {  	_ =	shalt  }
0x86: {  	_ =	shalt  }
0x87: {  	_ =	shalt  }
.Lfunc_end0:
.L_simem_size_0:
called_computation.1_lowered:
.L_overlay_start_0:
0x88: {  	s2 =	sld [smem:$0x3FD9]  }
0x89: {  	s3 =	sld [smem:$0x3FFE];
	_ =	sdelay $0x1  }
0x8a: {  	s1 =	srdreg.scid  }
0x8b: {  	s0 =	sand.u32 $0x1, s1  }
0x8c: {  	s17 =	sshll.u32 s0, $0xA;
	s2 =	sadd.s32 s3, s2  }
0x8d: {  	s2 =	sadd.s32 s2, s17  }
0x8e: {  	[smem:$0x3FC0] =	sst s2  }
0x8f: {  	_ = 	snop  }
0x90: {  	s2 =	sld [smem:$0x3FD0];
	(tm) =	ssettm $0x1  }
0x91: {  	s18 =	sld [smem:$0x3FFB];
	_ =	sdelay $0x3  }
0x92: {  	_ =	strace s18  }
0x93: {  	s3 =	sld [smem:$0x3FFC];
	_ =	sdelay $0x3  }
0x94: {  	_ =	strace s3  }
0x95: {  	s3 =	sld [smem:$0x3FFD];
	_ =	sdelay $0x3  }
0x96: {  	_ =	strace s3  }
0x97: {  	_ =	strace $0x8FFFFFFF  }
0x98: {  	s19 =	sld [smem:$0x3FDB];
	_ =	sdelay $0x1  }
0x99: {  	s4 =	simm.s32 $_scs_section_size  }
0x9a: {  	s5 =	simm.s32 $_size__tile_overlayer_lowered;
	s6 =	simm.s32 $_tile_overlayer_lowered  }
0x9b: {  	s22 =	simm.s32 $0x1BFF;
	s21 =	sshll.u32 s6, $0x1;
	s3 =	sadd.s32 s4, s19  }
0x9c: {  	s7 =	simm.s32 $0x0;
	s20 =	sshll.u32 s5, $0x1;
	s5 =	sadd.s32 s21, s3  }
0x9d: {  	[timem:s7], [sflag:s22] =	dma.local [hbm:s5], s20  }
0x9e: {  	_ =	swait.ge [sflag:s22], s20  }
0x9f: {  	s4 =	ssub.s32 $0x0, s20;
	[sflag:s22] =	ssyncset.done $0x0  }
0xa0: {  	[sflag:s22] =	ssyncadd.s32 s4;
	_ =	sdelay $0x1  }
0xa1: {  	s23 =	simm.s32 $0x1B8B  }
0xa2: {  	_ =	swait.ge [sflag:s23], $0x1  }
0xa3: {  	[sflag:s23] =	ssyncset.done $0x0  }
0xa4: {  	s25 =	simm.s32 $0x1B8E;
	s24 =	sld [smem:$0x3FFE];
	[sflag:s23] =	ssyncadd.s32 $0xFFFFFFFF  }
0xa5: {  	s26 =	simm.s32 $execute0_lowered;
	[smem:$0x3FD2] =	sst s25  }
0xa6: {  	s5 =	sshll.u32 s26, $0x1;
	_ =	strace $0x80000049;
	[dreg:$0x1] =	wrdreg $0xFFFFFFFF  }
0xa7: {  	s28 =	simm.s32 $_size_execute0_lowered;
	s3 =	sadd.s32 s3, s5;
	[dreg:$0x0] =	wrdreg $0x0  }
0xa8: {  	s5 =	sshll.u32 s28, $0x1;
	[dreg:$0x2] =	wrdreg s3  }
0xa9: {  	[dreg:$0x3] =	wrdreg s5  }
0xaa: {  	[dreg:$0x4] =	wrdreg $0xC0  }
0xab: {  	_ =	task [dreg:s7], $0x5FFFF  }
0xac: {  	[dreg:$0x1] =	wrdreg $0xFFFFFFFF  }
0xad: {  	[dreg:$0x0] =	wrdreg $0x60  }
0xae: {  	[dreg:$0x2] =	wrdreg s2  }
0xaf: {  	[dreg:$0x3] =	wrdreg s24  }
0xb0: {  	[dreg:$0x4] =	wrdreg $0xA9000  }
0xb1: {  	[dreg:$0x5] =	wrdreg $0x9  }
0xb2: {  	_ =	task.clear_ibuf [dreg:s7], $0x6FFFF;
	_ =	strace $0x90000049  }
0xb3: {  	s29 =	simm.s32 $0x9;
	_ =	strace $0x8000004B  }
0xb4: {  	_ =	swait.ge [sflag:s29], $0x1  }
0xb5: {  	[sflag:s29] =	ssyncadd.s32 $0xFFFFFFFF  }
0xb6: {  	_ =	strace $0x9000004B  }
0xb7: {  	_ =	sfence  }
0xb8: {  	s30 =	sld [smem:$0x0];
	_ =	sdelay $0x2  }
0xb9: {  	s31 =	sshll.u32 s1, $0xD;
	s1 =	sshrl.u32 s1, $0x2  }
0xba: {  	s3 =	sand.u32 $0x4000, s31;
	s1 =	sadd.s32 s1, s30  }
0xbb: {  	s0 =	sor.u32 s3, s0;
	s1 =	sshll.u32 s1, $0x11  }
0xbc: {  	s0 =	sor.u32 s1, s0  }
0xbd: {  	s0 =	sadd.s32 $0x8F2B, s0  }
0xbe: {  	[sflag:s0] =	ssyncadd.remote.s32 $0x1  }
0xbf: {  	_ =	sfence.sel $0xFFFF  }
0xc0: {  	[dreg:$0x0] =	wrdreg $0xFFFFFFFF;
	(pc) =	sbr.abs _section_cstart, $3  }
0xc1: {  	[dreg:$0x1] =	wrdreg $0xFFFFFFFF  }
0xc2: {  	_ =	task.clear_ibuf [dreg:s7], $0x2FFFF;
	_ =	strace $0x9FFFFFFF  }
0xc3: {  	(tm) =	ssettm $0x7FFFFFFF  }
tec
execute0_lowered:
.L_overlay_start_1:
0x0: {  	(tag) =	ssettag $0x1  }
0x1: {  	s1 =	rddreg [dreg:$0x0]  }
0x2: {  	s6 =	rddreg [dreg:$0x1]  }
0x3: {  	s0 =	srdreg.scid;
	s3 =	rddreg [dreg:$0x2]  }
0x4: {  	s4 =	simm.s32 $0x0;
	s12 =	simm.s32 $0x80;
	s13 =	simm.s32 $0x2900  }
0x5: {  	s14 =	simm.s32 $0x2800;
	s15 =	simm.s32 $0x6900;
	s17 =	simm.s32 $0x2880  }
0x6: {  	s18 =	simm.s32 $0x1;
	s19 =	simm.s32 $0x3;
	s20 =	simm.s32 $0x2  }
0x7: {  	s21 =	simm.s32 $0x4;
	s22 =	simm.s32 $0x5;
	s23 =	simm.s32 $0x6  }
0x8: {  	s26 =	simm.s32 $0x0;
	s5 =	sand.u32 $0x1, s0;
	s0 =	stileid.u32  }
0x9: {  	[smem:$0x7FF] =	sst s4;
	s2 =	sshll.u32 s5, $0x4;
	s9 =	smul.u32 $0x27800, s5  }
0xa: {  	s10 =	ssub.s32 $0x2, s5;
	s11 =	smul.u32 $0x4F000, s0;
	s5 =	sadd.s32 $0x17800, s6  }
0xb: {  	s25 =	smul.u32 $0x2780, s0;
	s31 =	sshll.u32 s0, $0x6;
	s7 =	sor.u32 s0, s2  }
0xc: {  	s2 =	rddreg [dreg:$0x3];
	_ =	strace $0x8000004A;
	s8 =	smul.u32 $0x500, s7  }
0xd: {  	s29 =	sshrl.u32 s10, $0x1;
	s7 =	smul.u32 $0x4F0, s7;
	s30 =	sshrl.u32 s11, $0x2  }
0xe: {  	s9 =	sadd.s32 s9, s6;
	s10 =	ssub.s32 s10, s29;
	s11 =	sadd.s32 s30, s3  }
0xf: {  	s24 =	sadd.s32 $0x1A000, s9;
	s9 =	simm.s32 $0x7;
	s8 =	sadd.s32 s8, s6  }
0x10: {  	s7 =	sadd.s32 s7, s6;
	s11 =	sshrl.u32 s11, $0x3;
	s24 =	sadd.s32 s25, s24  }
0x11: {  	s25 =	simm.s32 $0x2700;
	s6 =	sadd.s32 $0xD800, s8;
	s7 =	sadd.s32 $0x3A00, s7  }
0x12: {  	s8 =	smax.u32 s10, $0x1;
	s10 =	sor.u32 $0x1C07, s31;
	s16 =	sadd.s32 $0x10, s7  }
.LBB2_1:
0x13: {  	[tilespmem:s4], [sflag:$0x7] =	stream.linear.gather [hbm4b:s6+s4], $0x2780, $0x38;
	[tilespmem:$0x1E500] =	vst v63  }
0x14: {  	_ =	swait.ge [sflag:s9], $0x2780  }
0x15: {  	[sflag:s9] =	ssyncset.done $0x0  }
0x16: {  	[sflag:s9] =	ssyncadd.s32 $0xFFFFD880  }
0x17: {  	[spmem:s11], [sflag:s10] =	dma.local [hbm:s5], $0x2780  }
0x18: {  	_ =	swait.ge [sflag:s9], $0x2780  }
0x19: {  	[sflag:s9] =	ssyncset.done $0x0  }
0x1a: {  	[sflag:s9] =	ssyncadd.s32 $0xFFFFD880  }
0x1b: {  	[bflag:$0x0] =	sbarrier.arrive $0xFFFF  }
0x1c: {  	[tilespmem:s13], [sflag:$0x1] =	stream.indirect.gather [hbm4b:s1+s12], $0x80, s4, s12, $0xb8;
	[tilespmem:$0x1E500] =	vst v63  }
0x1d: {  	_ = 	snop  }
0x1e: {  	[tilespmem:s14], [sflag:$0x3] =	stream.linear.gather [hbm4b:s7+s4], $0x80, $0x38;
	[tilespmem:$0x1E500] =	vst v63  }
0x1f: {  	_ = 	snop  }
0x20: {  	[tilespmem:s15], [sflag:$0x2] =	stream.indirect.gather [hbm4b:s1+s12], $0x80, s12, s12, $0xb8;
	[tilespmem:$0x1E500] =	vst v63  }
0x21: {  	_ = 	snop  }
0x22: {  	[tilespmem:s17], [sflag:$0x4] =	stream.linear.gather [hbm4b:s16+s4], $0x80, $0x38;
	[tilespmem:$0x1E500] =	vst v63  }
0x23: {  	_ =	swait.ge [sflag:s18], $0x4000  }
0x24: {  	[sflag:s18] =	ssyncset.done $0x0  }
0x25: {  	[sflag:s18] =	ssyncadd.s32 $0xFFFFC000  }
0x26: {  	_ =	swait.ge [sflag:s19], $0x80  }
0x27: {  	[sflag:s19] =	ssyncset.done $0x0  }
0x28: {  	[sflag:s19] =	ssyncadd.s32 $0xFFFFFF80  }
0x29: {  	[spmem:s3] =	stream.indirect.scatter.add.f32 [tilespmem:s13], [sflag:$0x5], $0x80, s14, s12, $0xb8;
	[tilespmem:$0x1E500] =	vst v63  }
0x2a: {  	_ =	swait.ge [sflag:s20], $0x4000  }
0x2b: {  	[sflag:s20] =	ssyncset.done $0x0  }
0x2c: {  	[sflag:s20] =	ssyncadd.s32 $0xFFFFC000  }
0x2d: {  	_ =	swait.ge [sflag:s21], $0x80  }
0x2e: {  	[sflag:s21] =	ssyncset.done $0x0  }
0x2f: {  	[sflag:s21] =	ssyncadd.s32 $0xFFFFFF80  }
0x30: {  	[spmem:s3] =	stream.indirect.scatter.add.f32 [tilespmem:s15], [sflag:$0x6], $0x80, s17, s12, $0xb8;
	[tilespmem:$0x1E500] =	vst v63  }
0x31: {  	_ =	swait.ge [sflag:s22], $0x4000  }
0x32: {  	[sflag:s22] =	ssyncset.done $0x0  }
0x33: {  	s28 =	simm.s32 $0x100;
	s29 =	sadd.s32 $0xFFFFFB40, s7;
	[sflag:s22] =	ssyncadd.s32 $0xFFFFC000  }
0x34: {  	[tilespmem:s13], [sflag:$0x1] =	stream.indirect.gather [hbm4b:s1+s12], $0x80, s28, s12, $0xb8;
	[tilespmem:$0x1E500] =	vst v63  }
0x35: {  	s28 =	sadd.s32 $0x4E0, s29  }
0x36: {  	[tilespmem:s14], [sflag:$0x3] =	stream.linear.gather [hbm4b:s28+s4], $0x80, $0x38;
	[tilespmem:$0x1E500] =	vst v63  }
0x37: {  	_ =	swait.ge [sflag:s23], $0x4000  }
0x38: {  	[sflag:s23] =	ssyncset.done $0x0  }
0x39: {  	s28 =	simm.s32 $0x180;
	[sflag:s23] =	ssyncadd.s32 $0xFFFFC000  }
0x3a: {  	[tilespmem:s15], [sflag:$0x2] =	stream.indirect.gather [hbm4b:s1+s12], $0x80, s28, s12, $0xb8;
	[tilespmem:$0x1E500] =	vst v63  }
0x3b: {  	s30 =	sadd.s32 $0x4F0, s29;
	s29 =	simm.s32 $0x200;
	s28 =	simm.s32 $0xFFFFFB60  }
.LBB2_2:
0x3c: {  	[tilespmem:s17], [sflag:$0x4] =	stream.linear.gather [hbm4b:s30+s4], $0x80, $0x38;
	[tilespmem:$0x1E500] =	vst v63  }
0x3d: {  	s30 =	smov.u32 s28  }
0x3e: {  	p0 =	sne.s32 s28, $0xFFFFFFE0;
	s28 =	sadd.s32 $0x20, s28;
	_ =	swait.ge [sflag:s18], $0x4000  }
0x3f: {  	[sflag:s18] =	ssyncset.done $0x0  }
0x40: {  	[sflag:s18] =	ssyncadd.s32 $0xFFFFC000  }
0x41: {  	_ =	swait.ge [sflag:s19], $0x80  }
0x42: {  	[sflag:s19] =	ssyncset.done $0x0  }
0x43: {  	[sflag:s19] =	ssyncadd.s32 $0xFFFFFF80  }
0x44: {  	[spmem:s3] =	stream.indirect.scatter.add.f32 [tilespmem:s13], [sflag:$0x5], $0x80, s14, s12, $0xb8;
	[tilespmem:$0x1E500] =	vst v63  }
0x45: {  	_ =	swait.ge [sflag:s20], $0x4000  }
0x46: {  	[sflag:s20] =	ssyncset.done $0x0  }
0x47: {  	[sflag:s20] =	ssyncadd.s32 $0xFFFFC000  }
0x48: {  	_ =	swait.ge [sflag:s21], $0x80  }
0x49: {  	[sflag:s21] =	ssyncset.done $0x0  }
0x4a: {  	[sflag:s21] =	ssyncadd.s32 $0xFFFFFF80  }
0x4b: {  	[spmem:s3] =	stream.indirect.scatter.add.f32 [tilespmem:s15], [sflag:$0x6], $0x80, s17, s12, $0xb8;
	[tilespmem:$0x1E500] =	vst v63  }
0x4c: {  	_ =	swait.ge [sflag:s22], $0x4000  }
0x4d: {  	[sflag:s22] =	ssyncset.done $0x0  }
0x4e: {  	s30 =	sadd.s32 s30, s7;
	[sflag:s22] =	ssyncadd.s32 $0xFFFFC000  }
0x4f: {  	[tilespmem:s13], [sflag:$0x1] =	stream.indirect.gather [hbm4b:s1+s12], $0x80, s29, s12, $0xb8;
	[tilespmem:$0x1E500] =	vst v63  }
0x50: {  	s31 =	sadd.s32 $0x4E0, s30  }
0x51: {  	[tilespmem:s14], [sflag:$0x3] =	stream.linear.gather [hbm4b:s31+s4], $0x80, $0x38;
	[tilespmem:$0x1E500] =	vst v63  }
.Ltmp0:
0x52: {  	_ =	swait.ge [sflag:s23], $0x4000;
	(pc) =	sbr.rel @p0 .LBB2_2-.Ltmp0, $4  }
0x53: {  	[sflag:s23] =	ssyncset.done $0x0  }
0x54: {  	s31 =	sadd.s32 $0x80, s29;
	[sflag:s23] =	ssyncadd.s32 $0xFFFFC000  }
0x55: {  	[tilespmem:s15], [sflag:$0x2] =	stream.indirect.gather [hbm4b:s1+s12], $0x80, s31, s12, $0xb8;
	[tilespmem:$0x1E500] =	vst v63  }
0x56: {  	s30 =	sadd.s32 $0x4F0, s30;
	s29 =	sadd.s32 $0x100, s29  }
0x57: {  	[tilespmem:s17], [sflag:$0x4] =	stream.linear.gather [hbm4b:s30+s4], $0x80, $0x38;
	[tilespmem:$0x1E500] =	vst v63  }
0x58: {  	_ =	swait.ge [sflag:s18], $0x4000  }
0x59: {  	[sflag:s18] =	ssyncset.done $0x0  }
0x5a: {  	[sflag:s18] =	ssyncadd.s32 $0xFFFFC000  }
0x5b: {  	_ =	swait.ge [sflag:s19], $0x80  }
0x5c: {  	[sflag:s19] =	ssyncset.done $0x0  }
0x5d: {  	[sflag:s19] =	ssyncadd.s32 $0xFFFFFF80  }
0x5e: {  	[spmem:s3] =	stream.indirect.scatter.add.f32 [tilespmem:s13], [sflag:$0x5], $0x80, s14, s12, $0xb8;
	[tilespmem:$0x1E500] =	vst v63  }
0x5f: {  	_ =	swait.ge [sflag:s20], $0x4000  }
0x60: {  	[sflag:s20] =	ssyncset.done $0x0  }
0x61: {  	[sflag:s20] =	ssyncadd.s32 $0xFFFFC000  }
0x62: {  	_ =	swait.ge [sflag:s21], $0x80  }
0x63: {  	[sflag:s21] =	ssyncset.done $0x0  }
0x64: {  	[sflag:s21] =	ssyncadd.s32 $0xFFFFFF80  }
0x65: {  	[spmem:s3] =	stream.indirect.scatter.add.f32 [tilespmem:s15], [sflag:$0x6], $0x80, s17, s12, $0xb8;
	[tilespmem:$0x1E500] =	vst v63  }
0x66: {  	_ =	swait.ge [sflag:s22], $0x4000  }
0x67: {  	[sflag:s22] =	ssyncset.done $0x0  }
0x68: {  	[sflag:s22] =	ssyncadd.s32 $0xFFFFC000  }
0x69: {  	[tilespmem:s13], [sflag:$0x1] =	stream.indirect.gather [hbm4b:s1+s12], $0x80, s25, s12, $0xb8;
	[tilespmem:$0x1E500] =	vst v63  }
0x6a: {  	s28 =	sadd.s32 $0x4E0, s7  }
0x6b: {  	[tilespmem:s14], [sflag:$0x3] =	stream.linear.gather [hbm4b:s28+s4], $0x80, $0x38;
	[tilespmem:$0x1E500] =	vst v63  }
0x6c: {  	_ =	swait.ge [sflag:s23], $0x4000  }
0x6d: {  	[sflag:s23] =	ssyncset.done $0x0  }
0x6e: {  	[sflag:s23] =	ssyncadd.s32 $0xFFFFC000  }
0x6f: {  	_ =	swait.ge [sflag:s18], $0x4000  }
0x70: {  	[sflag:s18] =	ssyncset.done $0x0  }
0x71: {  	[sflag:s18] =	ssyncadd.s32 $0xFFFFC000  }
0x72: {  	_ =	swait.ge [sflag:s19], $0x80  }
0x73: {  	[sflag:s19] =	ssyncset.done $0x0  }
0x74: {  	[sflag:s19] =	ssyncadd.s32 $0xFFFFFF80  }
0x75: {  	[spmem:s3] =	stream.indirect.scatter.add.f32 [tilespmem:s13], [sflag:$0x5], $0x80, s14, s12, $0xb8;
	[tilespmem:$0x1E500] =	vst v63  }
0x76: {  	_ =	swait.ge [sflag:s22], $0x4000  }
0x77: {  	s26 =	sadd.s32 $0x1, s26;
	[sflag:s22] =	ssyncset.done $0x0  }
0x78: {  	p0 =	sne.s32 s26, s8;
	[sflag:s22] =	ssyncadd.s32 $0xFFFFC000  }
.Ltmp1:
0x79: {  	[bflag:$0x0] =	sbarrier.arrive $0xFFFF;
	(pc) =	sbr.rel @p0 .LBB2_1-.Ltmp1, $4  }
0x7a: {  	[hbm:s24], [sflag:s10] =	dma.local [spmem:s11], $0x2780  }
0x7b: {  	_ =	swait.ge [sflag:s9], $0x2780  }
0x7c: {  	[sflag:s9] =	ssyncset.done $0x0  }
0x7d: {  	[sflag:s9] =	ssyncadd.s32 $0xFFFFD880  }
0x7e: {  	_ =	sfence.sel $0x180000  }
0x7f: {  	[bflag:$0x0] =	sbarrier.arrive $0xFFFF  }
0x80: {  	p0 =	sne.s32 s0, $0x0;
	_ =	strace $0x9000004A  }
0x81: {  	s0 =	sadd.s32 @!p0 $0x100000, s2;
	[bflag:$0x2] =	sbarrier.arrive $0xFFFF  }
0x82: {  	[sflag:s0] =	ssyncadd.tile.s32 @!p0 $0x1;
	_ =	shalt  }
.Lfunc_end2:
_tile_overlayer_lowered:
.L_overlay_start_2:
0x83: {  	(tag) =	ssettag $0x2  }
0x84: {  	s0 =	rddreg [dreg:$0x0];
	s2 =	stileid.u32  }
0x85: {  	s1 =	rddreg [dreg:$0x1];
	p0 =	sne.s32 s2, $0x0  }
0x86: {  	s3 =	rddreg [dreg:$0x2];
	[bflag:$0x3] =	sbarrier.arrive $0xFFFF;
	s2 =	simm.s32 @!p0 $0x1C07  }
0x87: {  	[timem:s3], [sflag:s2] =	dma.local @!p0 [hbm:s0], s1  }
0x88: {  	s0 =	simm.s32 @!p0 $0x7  }
0x89: {  	_ =	swait.ge @!p0 [sflag:s0], s1  }
0x8a: {  	s1 =	ssub.s32 @!p0 $0x0, s1;
	[sflag:s0] =	ssyncset.done @!p0 $0x0  }
0x8b: {  	[sflag:s0] =	ssyncadd.s32 @!p0 s1  }
0x8c: {  	[bflag:$0x3] =	sbarrier.arrive $0xFFFF  }
0x8d: {  	_ =	shalt  }

// kernel: kernel.17.cloned.1.call-start
scs
__scs_entry_jumppad:
0x0: {  	(pc) =	sbr.rel $0x88, $3  }
0x1: {  	(tag) =	ssettag $0x0;
	lr =	simm.s32 $0x1  }
0x2: {  	[smem:$0x3F99] =	sst lr;
	_ =	strace $0xD0000000  }
0x3: {  	_ = 	snop  }
0x4: {  	_ = 	snop  }
0x5: {  	_ = 	snop  }
0x6: {  	_ = 	snop  }
0x7: {  	_ = 	snop  }
__scs_overlays_trampoline_lowered:
0x8: {  	[smem:$0x3FA8] =	sst s0  }
0x9: {  	[smem:$0x3FA9] =	sst s1  }
0xa: {  	[smem:$0x3FAA] =	sst s2  }
0xb: {  	[smem:$0x3FAB] =	sst s3  }
0xc: {  	[smem:$0x3FAC] =	sst s4  }
0xd: {  	[smem:$0x3FAD] =	sst s5  }
0xe: {  	[smem:$0x3FAE] =	sst s6  }
0xf: {  	[smem:$0x3FAF] =	sst s7  }
0x10: {  	[smem:$0x3FB0] =	sst s8  }
0x11: {  	[smem:$0x3FB1] =	sst s9;
	s0 =	simm.s32 @!p0 $0x0  }
0x12: {  	s1 =	sld [smem:$0x3F97];
	s0 =	simm.s32 @p0 $0x1  }
0x13: {  	[smem:$0x3FB2] =	sst s0;
	s0 =	simm.s32 @!p1 $0x0  }
0x14: {  	s2 =	sld [smem:$0x3F96];
	s0 =	simm.s32 @p1 $0x1  }
0x15: {  	[smem:$0x3FB3] =	sst s0;
	s0 =	simm.s32 @!p2 $0x0  }
0x16: {  	s3 =	sld [smem:$0x3FDB];
	s0 =	simm.s32 @p2 $0x1  }
0x17: {  	s4 =	simm.s32 $0x1BF5;
	[smem:$0x3FB5] =	sst s0  }
0x18: {  	s0 =	sld [smem:$0x3F98];
	_ =	swait.ge [sflag:s4], $0x0  }
0x19: {  	s7 =	sld [smem:$0x3F99]  }
0x1a: {  	s8 =	sadd.s32 $0xFFFFE003, lr  }
0x1b: {  	s9 =	sadd.s32 $0xFFFFFEF7, lr;
	s5 =	simm.s32 $0xFFFFFFFF;
	p2 =	slt.u32 s8, $0xFFFFF086  }
0x1c: {  	p1 =	slt.u32 s9, $0xF7A;
	s5 =	simm.s32 @!p2 $0x0  }
0x1d: {  	s5 =	simm.s32 @p1 $0x1;
	p0 =	seq.s32 s7, s2  }
0x1e: {  	s7 =	smul.u32 @!p0 $0xF7A, s2;
	p2 =	seq.s32 @!p0 s5, $0x0  }
0x1f: {  	s9 =	smul.u32 $0xF7A, s1;
	s8 =	simm.s32 @!p0 $0x1BF5;
	p2 =	por !p2, p0  }
0x20: {  	[sflag:s8] =	ssyncset.s32 @!p0 $0xFFFFF086;
	s6 =	sadd.s32 @!p0 s3, s7;
	s7 =	simm.s32 @!p0 $0x108  }
0x21: {  	s3 =	sadd.s32 s3, s9;
	s6 =	sadd.s32 @!p0 $0x88, s6;
	s7 =	simm.s32 @p2 $0x1082  }
0x22: {  	[simem:s7], [sflag:s8] =	dma.local @!p0 [hbm:s6], $0xF7A  }
0x23: {  	s9 =	sor.u32 $0xD0000000, s2;
	s6 =	simm.s32 $0x108;
	_ =	swait.ge @!p0 [sflag:s8], $0x0  }
0x24: {  	s3 =	sadd.s32 $0x88, s3;
	s6 =	simm.s32 @!p1 $0x1082;
	[sflag:s4] =	ssyncset.s32 $0xFFFFF086  }
0x25: {  	[simem:s6], [sflag:s4] =	dma.local [hbm:s3], $0xF7A  }
0x26: {  	[smem:$0x3F99] =	sst s1;
	(tag) =	ssettag s2;
	_ =	strace s9  }
0x27: {  	s1 =	sld [smem:$0x3FA9]  }
0x28: {  	s2 =	sld [smem:$0x3FAA]  }
0x29: {  	s4 =	sld [smem:$0x3FAC]  }
0x2a: {  	p0 =	seq.s32 s5, $0x0;
	s5 =	sld [smem:$0x3FAD]  }
0x2b: {  	s6 =	sld [smem:$0x3FAE]  }
0x2c: {  	s7 =	sld [smem:$0x3FAF]  }
0x2d: {  	s3 =	simm.s32 $0x108;
	s8 =	sld [smem:$0x3FB0]  }
0x2e: {  	s3 =	simm.s32 @!p0 $0x1082;
	s9 =	sld [smem:$0x3FB1]  }
0x2f: {  	lr =	sadd.s32 s0, s3;
	s0 =	sld [smem:$0x3FA8]  }
0x30: {  	s3 =	sld [smem:$0x3FAB]  }
0x31: {  	[smem:$0x3FB4] =	sst s10  }
0x32: {  	s10 =	sld [smem:$0x3FB2];
	_ =	sdelay $0x3  }
0x33: {  	p0 =	seq.s32 s10, $0x1;
	s10 =	sld [smem:$0x3FB4];
	_ =	sdelay $0x3  }
0x34: {  	[smem:$0x3FB4] =	sst s10  }
0x35: {  	s10 =	sld [smem:$0x3FB3];
	_ =	sdelay $0x3  }
0x36: {  	p1 =	seq.s32 s10, $0x1;
	s10 =	sld [smem:$0x3FB4];
	_ =	sdelay $0x3  }
0x37: {  	[smem:$0x3FB4] =	sst s10  }
0x38: {  	s10 =	sld [smem:$0x3FB5]  }
0x39: {  	_ = 	snop;
	(pc) =	sbr.ind lr, $3  }
0x3a: {  	_ = 	snop  }
0x3b: {  	_ = 	snop  }
0x3c: {  	p2 =	seq.s32 s10, $0x1;
	s10 =	sld [smem:$0x3FB4]  }
0x3d: {  	_ =	shalt  }
0x3e: {  	_ =	shalt  }
0x3f: {  	_ =	shalt  }
0x40: {  	_ =	shalt  }
0x41: {  	_ =	shalt  }
0x42: {  	_ =	shalt  }
0x43: {  	_ =	shalt  }
0x44: {  	_ =	shalt  }
0x45: {  	_ =	shalt  }
0x46: {  	_ =	shalt  }
0x47: {  	_ =	shalt  }
0x48: {  	_ =	shalt  }
0x49: {  	_ =	shalt  }
0x4a: {  	_ =	shalt  }
0x4b: {  	_ =	shalt  }
0x4c: {  	_ =	shalt  }
0x4d: {  	_ =	shalt  }
0x4e: {  	_ =	shalt  }
0x4f: {  	_ =	shalt  }
0x50: {  	_ =	shalt  }
0x51: {  	_ =	shalt  }
0x52: {  	_ =	shalt  }
0x53: {  	_ =	shalt  }
0x54: {  	_ =	shalt  }
0x55: {  	_ =	shalt  }
0x56: {  	_ =	shalt  }
0x57: {  	_ =	shalt  }
0x58: {  	_ =	shalt  }
0x59: {  	_ =	shalt  }
0x5a: {  	_ =	shalt  }
0x5b: {  	_ =	shalt  }
0x5c: {  	_ =	shalt  }
0x5d: {  	_ =	shalt  }
0x5e: {  	_ =	shalt  }
0x5f: {  	_ =	shalt  }
0x60: {  	_ =	shalt  }
0x61: {  	_ =	shalt  }
0x62: {  	_ =	shalt  }
0x63: {  	_ =	shalt  }
0x64: {  	_ =	shalt  }
0x65: {  	_ =	shalt  }
0x66: {  	_ =	shalt  }
0x67: {  	_ =	shalt  }
0x68: {  	_ =	shalt  }
0x69: {  	_ =	shalt  }
0x6a: {  	_ =	shalt  }
0x6b: {  	_ =	shalt  }
0x6c: {  	_ =	shalt  }
0x6d: {  	_ =	shalt  }
0x6e: {  	_ =	shalt  }
0x6f: {  	_ =	shalt  }
0x70: {  	_ =	shalt  }
0x71: {  	_ =	shalt  }
0x72: {  	_ =	shalt  }
0x73: {  	_ =	shalt  }
0x74: {  	_ =	shalt  }
0x75: {  	_ =	shalt  }
0x76: {  	_ =	shalt  }
0x77: {  	_ =	shalt  }
0x78: {  	_ =	shalt  }
0x79: {  	_ =	shalt  }
0x7a: {  	_ =	shalt  }
0x7b: {  	_ =	shalt  }
0x7c: {  	_ =	shalt  }
0x7d: {  	_ =	shalt  }
0x7e: {  	_ =	shalt  }
0x7f: {  	_ =	shalt  }
0x80: {  	_ =	shalt  }
0x81: {  	_ =	shalt  }
0x82: {  	_ =	shalt  }
0x83: {  	_ =	shalt  }
0x84: {  	_ =	shalt  }
0x85: {  	_ =	shalt  }
0x86: {  	_ =	shalt  }
0x87: {  	_ =	shalt  }
.Lfunc_end0:
.L_simem_size_0:
called_computation.2_lowered:
.L_overlay_start_0:
0x88: {  	s2 =	sld [smem:$0x3FD9]  }
0x89: {  	s3 =	sld [smem:$0x3FFE];
	_ =	sdelay $0x1  }
0x8a: {  	s1 =	srdreg.scid  }
0x8b: {  	s0 =	sand.u32 $0x1, s1  }
0x8c: {  	s16 =	sshll.u32 s0, $0xA;
	s2 =	sadd.s32 s3, s2  }
0x8d: {  	s2 =	sadd.s32 s2, s16  }
0x8e: {  	[smem:$0x3FC0] =	sst s2  }
0x8f: {  	_ = 	snop  }
0x90: {  	(tm) =	ssettm $0x1  }
0x91: {  	s17 =	sld [smem:$0x3FFB];
	_ =	sdelay $0x3  }
0x92: {  	_ =	strace s17  }
0x93: {  	s2 =	sld [smem:$0x3FFC];
	_ =	sdelay $0x3  }
0x94: {  	_ =	strace s2  }
0x95: {  	s2 =	sld [smem:$0x3FFD];
	_ =	sdelay $0x3  }
0x96: {  	_ =	strace s2  }
0x97: {  	_ =	strace $0x8FFFFFFF  }
0x98: {  	s18 =	sld [smem:$0x3FDB];
	_ =	sdelay $0x1  }
0x99: {  	s19 =	simm.s32 $_scs_section_size  }
0x9a: {  	s4 =	simm.s32 $_size__tile_overlayer_lowered;
	s5 =	simm.s32 $_tile_overlayer_lowered  }
0x9b: {  	s22 =	simm.s32 $0x1BFF;
	s21 =	sshll.u32 s5, $0x1;
	s2 =	sadd.s32 s19, s18  }
0x9c: {  	s6 =	simm.s32 $0x0;
	s20 =	sshll.u32 s4, $0x1;
	s4 =	sadd.s32 s21, s2  }
0x9d: {  	[timem:s6], [sflag:s22] =	dma.local [hbm:s4], s20  }
0x9e: {  	_ =	swait.ge [sflag:s22], s20  }
0x9f: {  	s3 =	ssub.s32 $0x0, s20;
	[sflag:s22] =	ssyncset.done $0x0  }
0xa0: {  	[sflag:s22] =	ssyncadd.s32 s3;
	_ =	sdelay $0x1  }
0xa1: {  	s23 =	simm.s32 $0x1B8B  }
0xa2: {  	_ =	swait.ge [sflag:s23], $0x1  }
0xa3: {  	[sflag:s23] =	ssyncset.done $0x0  }
0xa4: {  	s25 =	simm.s32 $0x1B8E;
	s24 =	sld [smem:$0x3FFE];
	[sflag:s23] =	ssyncadd.s32 $0xFFFFFFFF  }
0xa5: {  	s26 =	simm.s32 $execute0_lowered;
	[smem:$0x3FD2] =	sst s25  }
0xa6: {  	s4 =	sshll.u32 s26, $0x1;
	_ =	strace $0x8000004C;
	[dreg:$0x1] =	wrdreg $0xFFFFFFFF  }
0xa7: {  	s28 =	simm.s32 $_size_execute0_lowered;
	s2 =	sadd.s32 s2, s4;
	[dreg:$0x0] =	wrdreg $0x0  }
0xa8: {  	s4 =	sshll.u32 s28, $0x1;
	[dreg:$0x2] =	wrdreg s2  }
0xa9: {  	[dreg:$0x3] =	wrdreg s4  }
0xaa: {  	[dreg:$0x4] =	wrdreg $0xC0  }
0xab: {  	_ =	task [dreg:s6], $0x5FFFF  }
0xac: {  	[dreg:$0x1] =	wrdreg $0xFFFFFFFF  }
0xad: {  	[dreg:$0x0] =	wrdreg $0x60  }
0xae: {  	[dreg:$0x2] =	wrdreg s24  }
0xaf: {  	[dreg:$0x3] =	wrdreg $0xA9000  }
0xb0: {  	[dreg:$0x4] =	wrdreg $0x9  }
0xb1: {  	_ =	task.clear_ibuf [dreg:s6], $0x5FFFF;
	_ =	strace $0x9000004C  }
0xb2: {  	s29 =	simm.s32 $0x9;
	_ =	strace $0x8000004E  }
0xb3: {  	_ =	swait.ge [sflag:s29], $0x1  }
0xb4: {  	[sflag:s29] =	ssyncadd.s32 $0xFFFFFFFF  }
0xb5: {  	_ =	strace $0x9000004E  }
0xb6: {  	_ =	sfence  }
0xb7: {  	s30 =	sld [smem:$0x0];
	_ =	sdelay $0x2  }
0xb8: {  	s31 =	sshll.u32 s1, $0xD;
	s1 =	sshrl.u32 s1, $0x2  }
0xb9: {  	s3 =	sand.u32 $0x4000, s31;
	s1 =	sadd.s32 s1, s30  }
0xba: {  	s0 =	sor.u32 s3, s0;
	s1 =	sshll.u32 s1, $0x11  }
0xbb: {  	s0 =	sor.u32 s1, s0  }
0xbc: {  	s0 =	sadd.s32 $0x8F2B, s0  }
0xbd: {  	[sflag:s0] =	ssyncadd.remote.s32 $0x1  }
0xbe: {  	_ =	sfence.sel $0xFFFF  }
0xbf: {  	[dreg:$0x0] =	wrdreg $0xFFFFFFFF;
	(pc) =	sbr.abs _section_cstart, $3  }
0xc0: {  	[dreg:$0x1] =	wrdreg $0xFFFFFFFF  }
0xc1: {  	_ =	task.clear_ibuf [dreg:s6], $0x2FFFF;
	_ =	strace $0x9FFFFFFF  }
0xc2: {  	(tm) =	ssettm $0x7FFFFFFF  }
0xc3: {  	_ =	shalt  }
tec
execute0_lowered:
.L_overlay_start_1:
0x0: {  	(tag) =	ssettag $0x1  }
0x1: {  	s0 =	srdreg.scid  }
0x2: {  	s1 =	rddreg [dreg:$0x0];
	s13 =	stileid.u32  }
0x3: {  	s2 =	rddreg [dreg:$0x1];
	s14 =	simm.s32 $0x80;
	s15 =	simm.s32 $0x2900  }
0x4: {  	s16 =	simm.s32 $0x2800;
	s17 =	simm.s32 $0x6900;
	s19 =	simm.s32 $0x2880  }
0x5: {  	s20 =	simm.s32 $0x1;
	s28 =	simm.s32 $0x5;
	s29 =	simm.s32 $0x6  }
0x6: {  	s30 =	simm.s32 $0x2700;
	s31 =	simm.s32 $0x0;
	s9 =	smul.u32 $0x4F000, s13  }
0x7: {  	s0 =	sand.u32 $0x1, s0;
	s24 =	smul.u32 $0x2780, s13;
	s25 =	sadd.s32 $0x73000, s1  }
0x8: {  	s26 =	sshll.u32 s13, $0x6;
	s3 =	sshll.u32 s0, $0x4;
	s7 =	smul.u32 $0x9E000, s0  }
0x9: {  	s0 =	ssub.s32 $0x2, s0;
	s4 =	sor.u32 s13, s3;
	s3 =	simm.s32 $0x0  }
0xa: {  	s11 =	sshrl.u32 s0, $0x1;
	s21 =	sshrl.u32 s9, $0x2;
	s6 =	smul.u32 $0x500, s4  }
0xb: {  	[smem:$0x7FF] =	sst s3;
	s5 =	smul.u32 $0x4F0, s4;
	s4 =	sadd.s32 $0x91000, s1  }
0xc: {  	s12 =	sadd.s32 s7, s1;
	s0 =	ssub.s32 s0, s11;
	s22 =	sadd.s32 s21, s2  }
0xd: {  	s11 =	simm.s32 $0x7;
	s21 =	simm.s32 $0x3;
	_ =	strace $0x8000004D  }
0xe: {  	s23 =	sadd.s32 $0x12D400, s12;
	[dreg:$0x5] =	wrdreg s24;
	s0 =	smax.u32 s0, $0x1  }
0xf: {  	s12 =	sor.u32 $0x1C07, s26;
	s13 =	sshrl.u32 s22, $0x3;
	s26 =	simm.s32 $0x4  }
0x10: {  	s8 =	sadd.s32 s6, s1;
	s10 =	sadd.s32 s5, s1;
	s5 =	sadd.s32 $0x17800, s1  }
0x11: {  	[dreg:$0x4] =	wrdreg s23;
	s23 =	sadd.s32 $0x7D000, s1;
	s1 =	sadd.s32 $0x87000, s1  }
0x12: {  	[dreg:$0x6] =	wrdreg s0;
	s22 =	sadd.s32 s6, s25;
	s25 =	simm.s32 $0x2  }
0x13: {  	s8 =	sadd.s32 $0x69000, s8;
	s7 =	sadd.s32 $0x3A00, s10;
	s23 =	sadd.s32 s6, s23  }
0x14: {  	s24 =	sadd.s32 s6, s1;
	[dreg:$0x3] =	wrdreg s8;
	s18 =	sadd.s32 $0x10, s7  }
.LBB2_1:
0x15: {  	s0 =	rddreg [dreg:$0x3]  }
0x16: {  	[tilespmem:s3], [sflag:$0x7] =	stream.linear.gather [hbm4b:s0+s3], $0x2780, $0x38;
	[tilespmem:$0x1E500] =	vst v63  }
0x17: {  	_ =	swait.ge [sflag:s11], $0x2780  }
0x18: {  	[sflag:s11] =	ssyncset.done $0x0  }
0x19: {  	[sflag:s11] =	ssyncadd.s32 $0xFFFFD880  }
0x1a: {  	[spmem:s13], [sflag:s12] =	dma.local [hbm:s5], $0x2780  }
0x1b: {  	_ =	swait.ge [sflag:s11], $0x2780  }
0x1c: {  	[sflag:s11] =	ssyncset.done $0x0  }
0x1d: {  	[sflag:s11] =	ssyncadd.s32 $0xFFFFD880  }
0x1e: {  	[bflag:$0x0] =	sbarrier.arrive $0xFFFF  }
0x1f: {  	[tilespmem:s15], [sflag:$0x1] =	stream.indirect.gather [hbm4b:s4+s14], $0x80, s3, s14, $0xb8;
	[tilespmem:$0x1E500] =	vst v63  }
0x20: {  	_ = 	snop  }
0x21: {  	[tilespmem:s16], [sflag:$0x3] =	stream.linear.gather [hbm4b:s7+s3], $0x80, $0x38;
	[tilespmem:$0x1E500] =	vst v63  }
0x22: {  	_ = 	snop  }
0x23: {  	[tilespmem:s17], [sflag:$0x2] =	stream.indirect.gather [hbm4b:s4+s14], $0x80, s14, s14, $0xb8;
	[tilespmem:$0x1E500] =	vst v63  }
0x24: {  	_ = 	snop  }
0x25: {  	[tilespmem:s19], [sflag:$0x4] =	stream.linear.gather [hbm4b:s18+s3], $0x80, $0x38;
	[tilespmem:$0x1E500] =	vst v63  }
0x26: {  	_ =	swait.ge [sflag:s20], $0x4000  }
0x27: {  	[sflag:s20] =	ssyncset.done $0x0  }
0x28: {  	[sflag:s20] =	ssyncadd.s32 $0xFFFFC000  }
0x29: {  	_ =	swait.ge [sflag:s21], $0x80  }
0x2a: {  	[sflag:s21] =	ssyncset.done $0x0  }
0x2b: {  	[sflag:s21] =	ssyncadd.s32 $0xFFFFFF80  }
0x2c: {  	[spmem:s2] =	stream.indirect.scatter.add.f32 [tilespmem:s15], [sflag:$0x5], $0x80, s16, s14, $0xb8;
	[tilespmem:$0x1E500] =	vst v63  }
0x2d: {  	_ =	swait.ge [sflag:s25], $0x4000  }
0x2e: {  	[sflag:s25] =	ssyncset.done $0x0  }
0x2f: {  	[sflag:s25] =	ssyncadd.s32 $0xFFFFC000  }
0x30: {  	_ =	swait.ge [sflag:s26], $0x80  }
0x31: {  	[sflag:s26] =	ssyncset.done $0x0  }
0x32: {  	[sflag:s26] =	ssyncadd.s32 $0xFFFFFF80  }
0x33: {  	[spmem:s2] =	stream.indirect.scatter.add.f32 [tilespmem:s17], [sflag:$0x6], $0x80, s19, s14, $0xb8;
	[tilespmem:$0x1E500] =	vst v63  }
0x34: {  	_ =	swait.ge [sflag:s28], $0x4000  }
0x35: {  	[sflag:s28] =	ssyncset.done $0x0  }
0x36: {  	s8 =	simm.s32 $0x100;
	s1 =	sadd.s32 $0xFFFFFB40, s7;
	[sflag:s28] =	ssyncadd.s32 $0xFFFFC000  }
0x37: {  	[tilespmem:s15], [sflag:$0x1] =	stream.indirect.gather [hbm4b:s4+s14], $0x80, s8, s14, $0xb8;
	[tilespmem:$0x1E500] =	vst v63  }
0x38: {  	s9 =	sadd.s32 $0x4E0, s1  }
0x39: {  	[tilespmem:s16], [sflag:$0x3] =	stream.linear.gather [hbm4b:s9+s3], $0x80, $0x38;
	[tilespmem:$0x1E500] =	vst v63  }
0x3a: {  	_ =	swait.ge [sflag:s29], $0x4000  }
0x3b: {  	s10 =	simm.s32 $0x180;
	s0 =	simm.s32 $0xFFFFFB60;
	[sflag:s29] =	ssyncset.done $0x0  }
0x3c: {  	s6 =	sadd.s32 $0x4F0, s1;
	s1 =	simm.s32 $0x200;
	[sflag:s29] =	ssyncadd.s32 $0xFFFFC000  }
0x3d: {  	[tilespmem:s17], [sflag:$0x2] =	stream.indirect.gather [hbm4b:s4+s14], $0x80, s10, s14, $0xb8;
	[tilespmem:$0x1E500] =	vst v63  }
.LBB2_2:
0x3e: {  	[tilespmem:s19], [sflag:$0x4] =	stream.linear.gather [hbm4b:s6+s3], $0x80, $0x38;
	[tilespmem:$0x1E500] =	vst v63  }
0x3f: {  	s6 =	smov.u32 s0  }
0x40: {  	p0 =	sne.s32 s0, $0xFFFFFFE0;
	s0 =	sadd.s32 $0x20, s0;
	_ =	swait.ge [sflag:s20], $0x4000  }
0x41: {  	[sflag:s20] =	ssyncset.done $0x0  }
0x42: {  	[sflag:s20] =	ssyncadd.s32 $0xFFFFC000  }
0x43: {  	_ =	swait.ge [sflag:s21], $0x80  }
0x44: {  	[sflag:s21] =	ssyncset.done $0x0  }
0x45: {  	[sflag:s21] =	ssyncadd.s32 $0xFFFFFF80  }
0x46: {  	[spmem:s2] =	stream.indirect.scatter.add.f32 [tilespmem:s15], [sflag:$0x5], $0x80, s16, s14, $0xb8;
	[tilespmem:$0x1E500] =	vst v63  }
0x47: {  	_ =	swait.ge [sflag:s25], $0x4000  }
0x48: {  	[sflag:s25] =	ssyncset.done $0x0  }
0x49: {  	[sflag:s25] =	ssyncadd.s32 $0xFFFFC000  }
0x4a: {  	_ =	swait.ge [sflag:s26], $0x80  }
0x4b: {  	[sflag:s26] =	ssyncset.done $0x0  }
0x4c: {  	[sflag:s26] =	ssyncadd.s32 $0xFFFFFF80  }
0x4d: {  	[spmem:s2] =	stream.indirect.scatter.add.f32 [tilespmem:s17], [sflag:$0x6], $0x80, s19, s14, $0xb8;
	[tilespmem:$0x1E500] =	vst v63  }
0x4e: {  	_ =	swait.ge [sflag:s28], $0x4000  }
0x4f: {  	[sflag:s28] =	ssyncset.done $0x0  }
0x50: {  	s6 =	sadd.s32 s6, s7;
	[sflag:s28] =	ssyncadd.s32 $0xFFFFC000  }
0x51: {  	[tilespmem:s15], [sflag:$0x1] =	stream.indirect.gather [hbm4b:s4+s14], $0x80, s1, s14, $0xb8;
	[tilespmem:$0x1E500] =	vst v63  }
0x52: {  	s8 =	sadd.s32 $0x4E0, s6  }
0x53: {  	[tilespmem:s16], [sflag:$0x3] =	stream.linear.gather [hbm4b:s8+s3], $0x80, $0x38;
	[tilespmem:$0x1E500] =	vst v63  }
.Ltmp0:
0x54: {  	_ =	swait.ge [sflag:s29], $0x4000;
	(pc) =	sbr.rel @p0 .LBB2_2-.Ltmp0, $4  }
0x55: {  	[sflag:s29] =	ssyncset.done $0x0  }
0x56: {  	s8 =	sadd.s32 $0x80, s1;
	[sflag:s29] =	ssyncadd.s32 $0xFFFFC000  }
0x57: {  	[tilespmem:s17], [sflag:$0x2] =	stream.indirect.gather [hbm4b:s4+s14], $0x80, s8, s14, $0xb8;
	[tilespmem:$0x1E500] =	vst v63  }
0x58: {  	s6 =	sadd.s32 $0x4F0, s6;
	s1 =	sadd.s32 $0x100, s1  }
0x59: {  	[tilespmem:s19], [sflag:$0x4] =	stream.linear.gather [hbm4b:s6+s3], $0x80, $0x38;
	[tilespmem:$0x1E500] =	vst v63  }
0x5a: {  	_ =	swait.ge [sflag:s20], $0x4000  }
0x5b: {  	[sflag:s20] =	ssyncset.done $0x0  }
0x5c: {  	[sflag:s20] =	ssyncadd.s32 $0xFFFFC000  }
0x5d: {  	_ =	swait.ge [sflag:s21], $0x80  }
0x5e: {  	[sflag:s21] =	ssyncset.done $0x0  }
0x5f: {  	[sflag:s21] =	ssyncadd.s32 $0xFFFFFF80  }
0x60: {  	[spmem:s2] =	stream.indirect.scatter.add.f32 [tilespmem:s15], [sflag:$0x5], $0x80, s16, s14, $0xb8;
	[tilespmem:$0x1E500] =	vst v63  }
0x61: {  	_ =	swait.ge [sflag:s25], $0x4000  }
0x62: {  	[sflag:s25] =	ssyncset.done $0x0  }
0x63: {  	[sflag:s25] =	ssyncadd.s32 $0xFFFFC000  }
0x64: {  	_ =	swait.ge [sflag:s26], $0x80  }
0x65: {  	[sflag:s26] =	ssyncset.done $0x0  }
0x66: {  	[sflag:s26] =	ssyncadd.s32 $0xFFFFFF80  }
0x67: {  	[spmem:s2] =	stream.indirect.scatter.add.f32 [tilespmem:s17], [sflag:$0x6], $0x80, s19, s14, $0xb8;
	[tilespmem:$0x1E500] =	vst v63  }
0x68: {  	_ =	swait.ge [sflag:s28], $0x4000  }
0x69: {  	[sflag:s28] =	ssyncset.done $0x0  }
0x6a: {  	[sflag:s28] =	ssyncadd.s32 $0xFFFFC000  }
0x6b: {  	[tilespmem:s15], [sflag:$0x1] =	stream.indirect.gather [hbm4b:s4+s14], $0x80, s30, s14, $0xb8;
	[tilespmem:$0x1E500] =	vst v63  }
0x6c: {  	s1 =	sadd.s32 $0x4E0, s7  }
0x6d: {  	[tilespmem:s16], [sflag:$0x3] =	stream.linear.gather [hbm4b:s1+s3], $0x80, $0x38;
	[tilespmem:$0x1E500] =	vst v63  }
0x6e: {  	_ =	swait.ge [sflag:s29], $0x4000  }
0x6f: {  	[sflag:s29] =	ssyncset.done $0x0  }
0x70: {  	[sflag:s29] =	ssyncadd.s32 $0xFFFFC000  }
0x71: {  	_ =	swait.ge [sflag:s20], $0x4000  }
0x72: {  	[sflag:s20] =	ssyncset.done $0x0  }
0x73: {  	[sflag:s20] =	ssyncadd.s32 $0xFFFFC000  }
0x74: {  	_ =	swait.ge [sflag:s21], $0x80  }
0x75: {  	[sflag:s21] =	ssyncset.done $0x0  }
0x76: {  	[sflag:s21] =	ssyncadd.s32 $0xFFFFFF80  }
0x77: {  	[spmem:s2] =	stream.indirect.scatter.add.f32 [tilespmem:s15], [sflag:$0x5], $0x80, s16, s14, $0xb8;
	[tilespmem:$0x1E500] =	vst v63  }
0x78: {  	_ =	swait.ge [sflag:s28], $0x4000  }
0x79: {  	[sflag:s28] =	ssyncset.done $0x0  }
0x7a: {  	[sflag:s28] =	ssyncadd.s32 $0xFFFFC000  }
0x7b: {  	[bflag:$0x0] =	sbarrier.arrive $0xFFFF  }
0x7c: {  	s0 =	rddreg [dreg:$0x4]  }
0x7d: {  	s9 =	rddreg [dreg:$0x5]  }
0x7e: {  	s0 =	sadd.s32 s9, s0  }
0x7f: {  	[hbm:s0], [sflag:s12] =	dma.local [spmem:s13], $0x2780  }
0x80: {  	_ =	swait.ge [sflag:s11], $0x2780  }
0x81: {  	[sflag:s11] =	ssyncset.done $0x0  }
0x82: {  	[sflag:s11] =	ssyncadd.s32 $0xFFFFD880  }
0x83: {  	[bflag:$0x0] =	sbarrier.arrive $0xFFFF  }
0x84: {  	[tilespmem:s3], [sflag:$0x7] =	stream.linear.gather [hbm4b:s22+s3], $0x2780, $0x38;
	[tilespmem:$0x1E500] =	vst v63  }
0x85: {  	_ =	swait.ge [sflag:s11], $0x2780  }
0x86: {  	[sflag:s11] =	ssyncset.done $0x0  }
0x87: {  	[sflag:s11] =	ssyncadd.s32 $0xFFFFD880  }
0x88: {  	[spmem:s13], [sflag:s12] =	dma.local [hbm:s5], $0x2780  }
0x89: {  	_ =	swait.ge [sflag:s11], $0x2780  }
0x8a: {  	[sflag:s11] =	ssyncset.done $0x0  }
0x8b: {  	[sflag:s11] =	ssyncadd.s32 $0xFFFFD880  }
0x8c: {  	[bflag:$0x0] =	sbarrier.arrive $0xFFFF  }
0x8d: {  	[tilespmem:s15], [sflag:$0x1] =	stream.indirect.gather [hbm4b:s4+s14], $0x80, s3, s14, $0xb8;
	[tilespmem:$0x1E500] =	vst v63  }
0x8e: {  	_ = 	snop  }
0x8f: {  	[tilespmem:s16], [sflag:$0x3] =	stream.linear.gather [hbm4b:s7+s3], $0x80, $0x38;
	[tilespmem:$0x1E500] =	vst v63  }
0x90: {  	_ = 	snop  }
0x91: {  	[tilespmem:s17], [sflag:$0x2] =	stream.indirect.gather [hbm4b:s4+s14], $0x80, s14, s14, $0xb8;
	[tilespmem:$0x1E500] =	vst v63  }
0x92: {  	_ = 	snop  }
0x93: {  	[tilespmem:s19], [sflag:$0x4] =	stream.linear.gather [hbm4b:s18+s3], $0x80, $0x38;
	[tilespmem:$0x1E500] =	vst v63  }
0x94: {  	_ =	swait.ge [sflag:s20], $0x4000  }
0x95: {  	[sflag:s20] =	ssyncset.done $0x0  }
0x96: {  	[sflag:s20] =	ssyncadd.s32 $0xFFFFC000  }
0x97: {  	_ =	swait.ge [sflag:s21], $0x80  }
0x98: {  	[sflag:s21] =	ssyncset.done $0x0  }
0x99: {  	[sflag:s21] =	ssyncadd.s32 $0xFFFFFF80  }
0x9a: {  	[spmem:s2] =	stream.indirect.scatter.add.f32 [tilespmem:s15], [sflag:$0x5], $0x80, s16, s14, $0xb8;
	[tilespmem:$0x1E500] =	vst v63  }
0x9b: {  	_ =	swait.ge [sflag:s25], $0x4000  }
0x9c: {  	[sflag:s25] =	ssyncset.done $0x0  }
0x9d: {  	[sflag:s25] =	ssyncadd.s32 $0xFFFFC000  }
0x9e: {  	_ =	swait.ge [sflag:s26], $0x80  }
0x9f: {  	[sflag:s26] =	ssyncset.done $0x0  }
0xa0: {  	[sflag:s26] =	ssyncadd.s32 $0xFFFFFF80  }
0xa1: {  	[spmem:s2] =	stream.indirect.scatter.add.f32 [tilespmem:s17], [sflag:$0x6], $0x80, s19, s14, $0xb8;
	[tilespmem:$0x1E500] =	vst v63  }
0xa2: {  	_ =	swait.ge [sflag:s28], $0x4000  }
0xa3: {  	[sflag:s28] =	ssyncset.done $0x0  }
0xa4: {  	s10 =	simm.s32 $0x100;
	s8 =	sadd.s32 $0xFFFFFB40, s7;
	[sflag:s28] =	ssyncadd.s32 $0xFFFFC000  }
0xa5: {  	[tilespmem:s15], [sflag:$0x1] =	stream.indirect.gather [hbm4b:s4+s14], $0x80, s10, s14, $0xb8;
	[tilespmem:$0x1E500] =	vst v63  }
0xa6: {  	s9 =	sadd.s32 $0x4E0, s8  }
0xa7: {  	[tilespmem:s16], [sflag:$0x3] =	stream.linear.gather [hbm4b:s9+s3], $0x80, $0x38;
	[tilespmem:$0x1E500] =	vst v63  }
0xa8: {  	_ =	swait.ge [sflag:s29], $0x4000  }
0xa9: {  	s6 =	simm.s32 $0xFFFFFB60;
	s10 =	simm.s32 $0x180;
	[sflag:s29] =	ssyncset.done $0x0  }
0xaa: {  	s9 =	sadd.s32 $0x4F0, s8;
	s8 =	simm.s32 $0x200;
	[sflag:s29] =	ssyncadd.s32 $0xFFFFC000  }
0xab: {  	[tilespmem:s17], [sflag:$0x2] =	stream.indirect.gather [hbm4b:s4+s14], $0x80, s10, s14, $0xb8;
	[tilespmem:$0x1E500] =	vst v63  }
.LBB2_4:
0xac: {  	[tilespmem:s19], [sflag:$0x4] =	stream.linear.gather [hbm4b:s9+s3], $0x80, $0x38;
	[tilespmem:$0x1E500] =	vst v63  }
0xad: {  	s9 =	smov.u32 s6  }
0xae: {  	p0 =	sne.s32 s6, $0xFFFFFFE0;
	s6 =	sadd.s32 $0x20, s6;
	_ =	swait.ge [sflag:s20], $0x4000  }
0xaf: {  	[sflag:s20] =	ssyncset.done $0x0  }
0xb0: {  	[sflag:s20] =	ssyncadd.s32 $0xFFFFC000  }
0xb1: {  	_ =	swait.ge [sflag:s21], $0x80  }
0xb2: {  	[sflag:s21] =	ssyncset.done $0x0  }
0xb3: {  	[sflag:s21] =	ssyncadd.s32 $0xFFFFFF80  }
0xb4: {  	[spmem:s2] =	stream.indirect.scatter.add.f32 [tilespmem:s15], [sflag:$0x5], $0x80, s16, s14, $0xb8;
	[tilespmem:$0x1E500] =	vst v63  }
0xb5: {  	_ =	swait.ge [sflag:s25], $0x4000  }
0xb6: {  	[sflag:s25] =	ssyncset.done $0x0  }
0xb7: {  	[sflag:s25] =	ssyncadd.s32 $0xFFFFC000  }
0xb8: {  	_ =	swait.ge [sflag:s26], $0x80  }
0xb9: {  	[sflag:s26] =	ssyncset.done $0x0  }
0xba: {  	[sflag:s26] =	ssyncadd.s32 $0xFFFFFF80  }
0xbb: {  	[spmem:s2] =	stream.indirect.scatter.add.f32 [tilespmem:s17], [sflag:$0x6], $0x80, s19, s14, $0xb8;
	[tilespmem:$0x1E500] =	vst v63  }
0xbc: {  	_ =	swait.ge [sflag:s28], $0x4000  }
0xbd: {  	[sflag:s28] =	ssyncset.done $0x0  }
0xbe: {  	s9 =	sadd.s32 s9, s7;
	[sflag:s28] =	ssyncadd.s32 $0xFFFFC000  }
0xbf: {  	[tilespmem:s15], [sflag:$0x1] =	stream.indirect.gather [hbm4b:s4+s14], $0x80, s8, s14, $0xb8;
	[tilespmem:$0x1E500] =	vst v63  }
0xc0: {  	s10 =	sadd.s32 $0x4E0, s9  }
0xc1: {  	[tilespmem:s16], [sflag:$0x3] =	stream.linear.gather [hbm4b:s10+s3], $0x80, $0x38;
	[tilespmem:$0x1E500] =	vst v63  }
.Ltmp1:
0xc2: {  	_ =	swait.ge [sflag:s29], $0x4000;
	(pc) =	sbr.rel @p0 .LBB2_4-.Ltmp1, $4  }
0xc3: {  	[sflag:s29] =	ssyncset.done $0x0  }
0xc4: {  	s10 =	sadd.s32 $0x80, s8;
	[sflag:s29] =	ssyncadd.s32 $0xFFFFC000  }
0xc5: {  	[tilespmem:s17], [sflag:$0x2] =	stream.indirect.gather [hbm4b:s4+s14], $0x80, s10, s14, $0xb8;
	[tilespmem:$0x1E500] =	vst v63  }
0xc6: {  	s9 =	sadd.s32 $0x4F0, s9;
	s8 =	sadd.s32 $0x100, s8  }
0xc7: {  	[tilespmem:s19], [sflag:$0x4] =	stream.linear.gather [hbm4b:s9+s3], $0x80, $0x38;
	[tilespmem:$0x1E500] =	vst v63  }
0xc8: {  	_ =	swait.ge [sflag:s20], $0x4000  }
0xc9: {  	[sflag:s20] =	ssyncset.done $0x0  }
0xca: {  	[sflag:s20] =	ssyncadd.s32 $0xFFFFC000  }
0xcb: {  	_ =	swait.ge [sflag:s21], $0x80  }
0xcc: {  	[sflag:s21] =	ssyncset.done $0x0  }
0xcd: {  	[sflag:s21] =	ssyncadd.s32 $0xFFFFFF80  }
0xce: {  	[spmem:s2] =	stream.indirect.scatter.add.f32 [tilespmem:s15], [sflag:$0x5], $0x80, s16, s14, $0xb8;
	[tilespmem:$0x1E500] =	vst v63  }
0xcf: {  	_ =	swait.ge [sflag:s25], $0x4000  }
0xd0: {  	[sflag:s25] =	ssyncset.done $0x0  }
0xd1: {  	[sflag:s25] =	ssyncadd.s32 $0xFFFFC000  }
0xd2: {  	_ =	swait.ge [sflag:s26], $0x80  }
0xd3: {  	[sflag:s26] =	ssyncset.done $0x0  }
0xd4: {  	[sflag:s26] =	ssyncadd.s32 $0xFFFFFF80  }
0xd5: {  	[spmem:s2] =	stream.indirect.scatter.add.f32 [tilespmem:s17], [sflag:$0x6], $0x80, s19, s14, $0xb8;
	[tilespmem:$0x1E500] =	vst v63  }
0xd6: {  	_ =	swait.ge [sflag:s28], $0x4000  }
0xd7: {  	[sflag:s28] =	ssyncset.done $0x0  }
0xd8: {  	[sflag:s28] =	ssyncadd.s32 $0xFFFFC000  }
0xd9: {  	[tilespmem:s15], [sflag:$0x1] =	stream.indirect.gather [hbm4b:s4+s14], $0x80, s30, s14, $0xb8;
	[tilespmem:$0x1E500] =	vst v63  }
0xda: {  	_ = 	snop  }
0xdb: {  	[tilespmem:s16], [sflag:$0x3] =	stream.linear.gather [hbm4b:s1+s3], $0x80, $0x38;
	[tilespmem:$0x1E500] =	vst v63  }
0xdc: {  	_ =	swait.ge [sflag:s29], $0x4000  }
0xdd: {  	[sflag:s29] =	ssyncset.done $0x0  }
0xde: {  	[sflag:s29] =	ssyncadd.s32 $0xFFFFC000  }
0xdf: {  	_ =	swait.ge [sflag:s20], $0x4000  }
0xe0: {  	[sflag:s20] =	ssyncset.done $0x0  }
0xe1: {  	[sflag:s20] =	ssyncadd.s32 $0xFFFFC000  }
0xe2: {  	_ =	swait.ge [sflag:s21], $0x80  }
0xe3: {  	[sflag:s21] =	ssyncset.done $0x0  }
0xe4: {  	[sflag:s21] =	ssyncadd.s32 $0xFFFFFF80  }
0xe5: {  	[spmem:s2] =	stream.indirect.scatter.add.f32 [tilespmem:s15], [sflag:$0x5], $0x80, s16, s14, $0xb8;
	[tilespmem:$0x1E500] =	vst v63  }
0xe6: {  	_ =	swait.ge [sflag:s28], $0x4000  }
0xe7: {  	[sflag:s28] =	ssyncset.done $0x0  }
0xe8: {  	[sflag:s28] =	ssyncadd.s32 $0xFFFFC000  }
0xe9: {  	s6 =	sadd.s32 $0x27800, s0;
	[bflag:$0x0] =	sbarrier.arrive $0xFFFF  }
0xea: {  	[hbm:s6], [sflag:s12] =	dma.local [spmem:s13], $0x2780  }
0xeb: {  	_ =	swait.ge [sflag:s11], $0x2780  }
0xec: {  	[sflag:s11] =	ssyncset.done $0x0  }
0xed: {  	[sflag:s11] =	ssyncadd.s32 $0xFFFFD880  }
0xee: {  	[bflag:$0x0] =	sbarrier.arrive $0xFFFF  }
0xef: {  	[tilespmem:s3], [sflag:$0x7] =	stream.linear.gather [hbm4b:s23+s3], $0x2780, $0x38;
	[tilespmem:$0x1E500] =	vst v63  }
0xf0: {  	_ =	swait.ge [sflag:s11], $0x2780  }
0xf1: {  	[sflag:s11] =	ssyncset.done $0x0  }
0xf2: {  	[sflag:s11] =	ssyncadd.s32 $0xFFFFD880  }
0xf3: {  	[spmem:s13], [sflag:s12] =	dma.local [hbm:s5], $0x2780  }
0xf4: {  	_ =	swait.ge [sflag:s11], $0x2780  }
0xf5: {  	[sflag:s11] =	ssyncset.done $0x0  }
0xf6: {  	[sflag:s11] =	ssyncadd.s32 $0xFFFFD880  }
0xf7: {  	[bflag:$0x0] =	sbarrier.arrive $0xFFFF  }
0xf8: {  	[tilespmem:s15], [sflag:$0x1] =	stream.indirect.gather [hbm4b:s4+s14], $0x80, s3, s14, $0xb8;
	[tilespmem:$0x1E500] =	vst v63  }
0xf9: {  	_ = 	snop  }
0xfa: {  	[tilespmem:s16], [sflag:$0x3] =	stream.linear.gather [hbm4b:s7+s3], $0x80, $0x38;
	[tilespmem:$0x1E500] =	vst v63  }
0xfb: {  	_ = 	snop  }
0xfc: {  	[tilespmem:s17], [sflag:$0x2] =	stream.indirect.gather [hbm4b:s4+s14], $0x80, s14, s14, $0xb8;
	[tilespmem:$0x1E500] =	vst v63  }
0xfd: {  	_ = 	snop  }
0xfe: {  	[tilespmem:s19], [sflag:$0x4] =	stream.linear.gather [hbm4b:s18+s3], $0x80, $0x38;
	[tilespmem:$0x1E500] =	vst v63  }
0xff: {  	_ =	swait.ge [sflag:s20], $0x4000  }
0x100: {  	[sflag:s20] =	ssyncset.done $0x0  }
0x101: {  	[sflag:s20] =	ssyncadd.s32 $0xFFFFC000  }
0x102: {  	_ =	swait.ge [sflag:s21], $0x80  }
0x103: {  	[sflag:s21] =	ssyncset.done $0x0  }
0x104: {  	[sflag:s21] =	ssyncadd.s32 $0xFFFFFF80  }
0x105: {  	[spmem:s2] =	stream.indirect.scatter.add.f32 [tilespmem:s15], [sflag:$0x5], $0x80, s16, s14, $0xb8;
	[tilespmem:$0x1E500] =	vst v63  }
0x106: {  	_ =	swait.ge [sflag:s25], $0x4000  }
0x107: {  	[sflag:s25] =	ssyncset.done $0x0  }
0x108: {  	[sflag:s25] =	ssyncadd.s32 $0xFFFFC000  }
0x109: {  	_ =	swait.ge [sflag:s26], $0x80  }
0x10a: {  	[sflag:s26] =	ssyncset.done $0x0  }
0x10b: {  	[sflag:s26] =	ssyncadd.s32 $0xFFFFFF80  }
0x10c: {  	[spmem:s2] =	stream.indirect.scatter.add.f32 [tilespmem:s17], [sflag:$0x6], $0x80, s19, s14, $0xb8;
	[tilespmem:$0x1E500] =	vst v63  }
0x10d: {  	_ =	swait.ge [sflag:s28], $0x4000  }
0x10e: {  	[sflag:s28] =	ssyncset.done $0x0  }
0x10f: {  	s10 =	simm.s32 $0x100;
	s8 =	sadd.s32 $0xFFFFFB40, s7;
	[sflag:s28] =	ssyncadd.s32 $0xFFFFC000  }
0x110: {  	[tilespmem:s15], [sflag:$0x1] =	stream.indirect.gather [hbm4b:s4+s14], $0x80, s10, s14, $0xb8;
	[tilespmem:$0x1E500] =	vst v63  }
0x111: {  	s9 =	sadd.s32 $0x4E0, s8  }
0x112: {  	[tilespmem:s16], [sflag:$0x3] =	stream.linear.gather [hbm4b:s9+s3], $0x80, $0x38;
	[tilespmem:$0x1E500] =	vst v63  }
0x113: {  	_ =	swait.ge [sflag:s29], $0x4000  }
0x114: {  	s6 =	simm.s32 $0xFFFFFB60;
	s10 =	simm.s32 $0x180;
	[sflag:s29] =	ssyncset.done $0x0  }
0x115: {  	s9 =	sadd.s32 $0x4F0, s8;
	s8 =	simm.s32 $0x200;
	[sflag:s29] =	ssyncadd.s32 $0xFFFFC000  }
0x116: {  	[tilespmem:s17], [sflag:$0x2] =	stream.indirect.gather [hbm4b:s4+s14], $0x80, s10, s14, $0xb8;
	[tilespmem:$0x1E500] =	vst v63  }
.LBB2_6:
0x117: {  	[tilespmem:s19], [sflag:$0x4] =	stream.linear.gather [hbm4b:s9+s3], $0x80, $0x38;
	[tilespmem:$0x1E500] =	vst v63  }
0x118: {  	s9 =	smov.u32 s6  }
0x119: {  	p0 =	sne.s32 s6, $0xFFFFFFE0;
	s6 =	sadd.s32 $0x20, s6;
	_ =	swait.ge [sflag:s20], $0x4000  }
0x11a: {  	[sflag:s20] =	ssyncset.done $0x0  }
0x11b: {  	[sflag:s20] =	ssyncadd.s32 $0xFFFFC000  }
0x11c: {  	_ =	swait.ge [sflag:s21], $0x80  }
0x11d: {  	[sflag:s21] =	ssyncset.done $0x0  }
0x11e: {  	[sflag:s21] =	ssyncadd.s32 $0xFFFFFF80  }
0x11f: {  	[spmem:s2] =	stream.indirect.scatter.add.f32 [tilespmem:s15], [sflag:$0x5], $0x80, s16, s14, $0xb8;
	[tilespmem:$0x1E500] =	vst v63  }
0x120: {  	_ =	swait.ge [sflag:s25], $0x4000  }
0x121: {  	[sflag:s25] =	ssyncset.done $0x0  }
0x122: {  	[sflag:s25] =	ssyncadd.s32 $0xFFFFC000  }
0x123: {  	_ =	swait.ge [sflag:s26], $0x80  }
0x124: {  	[sflag:s26] =	ssyncset.done $0x0  }
0x125: {  	[sflag:s26] =	ssyncadd.s32 $0xFFFFFF80  }
0x126: {  	[spmem:s2] =	stream.indirect.scatter.add.f32 [tilespmem:s17], [sflag:$0x6], $0x80, s19, s14, $0xb8;
	[tilespmem:$0x1E500] =	vst v63  }
0x127: {  	_ =	swait.ge [sflag:s28], $0x4000  }
0x128: {  	[sflag:s28] =	ssyncset.done $0x0  }
0x129: {  	s9 =	sadd.s32 s9, s7;
	[sflag:s28] =	ssyncadd.s32 $0xFFFFC000  }
0x12a: {  	[tilespmem:s15], [sflag:$0x1] =	stream.indirect.gather [hbm4b:s4+s14], $0x80, s8, s14, $0xb8;
	[tilespmem:$0x1E500] =	vst v63  }
0x12b: {  	s10 =	sadd.s32 $0x4E0, s9  }
0x12c: {  	[tilespmem:s16], [sflag:$0x3] =	stream.linear.gather [hbm4b:s10+s3], $0x80, $0x38;
	[tilespmem:$0x1E500] =	vst v63  }
.Ltmp2:
0x12d: {  	_ =	swait.ge [sflag:s29], $0x4000;
	(pc) =	sbr.rel @p0 .LBB2_6-.Ltmp2, $4  }
0x12e: {  	[sflag:s29] =	ssyncset.done $0x0  }
0x12f: {  	s10 =	sadd.s32 $0x80, s8;
	[sflag:s29] =	ssyncadd.s32 $0xFFFFC000  }
0x130: {  	[tilespmem:s17], [sflag:$0x2] =	stream.indirect.gather [hbm4b:s4+s14], $0x80, s10, s14, $0xb8;
	[tilespmem:$0x1E500] =	vst v63  }
0x131: {  	s9 =	sadd.s32 $0x4F0, s9;
	s8 =	sadd.s32 $0x100, s8  }
0x132: {  	[tilespmem:s19], [sflag:$0x4] =	stream.linear.gather [hbm4b:s9+s3], $0x80, $0x38;
	[tilespmem:$0x1E500] =	vst v63  }
0x133: {  	_ =	swait.ge [sflag:s20], $0x4000  }
0x134: {  	[sflag:s20] =	ssyncset.done $0x0  }
0x135: {  	[sflag:s20] =	ssyncadd.s32 $0xFFFFC000  }
0x136: {  	_ =	swait.ge [sflag:s21], $0x80  }
0x137: {  	[sflag:s21] =	ssyncset.done $0x0  }
0x138: {  	[sflag:s21] =	ssyncadd.s32 $0xFFFFFF80  }
0x139: {  	[spmem:s2] =	stream.indirect.scatter.add.f32 [tilespmem:s15], [sflag:$0x5], $0x80, s16, s14, $0xb8;
	[tilespmem:$0x1E500] =	vst v63  }
0x13a: {  	_ =	swait.ge [sflag:s25], $0x4000  }
0x13b: {  	[sflag:s25] =	ssyncset.done $0x0  }
0x13c: {  	[sflag:s25] =	ssyncadd.s32 $0xFFFFC000  }
0x13d: {  	_ =	swait.ge [sflag:s26], $0x80  }
0x13e: {  	[sflag:s26] =	ssyncset.done $0x0  }
0x13f: {  	[sflag:s26] =	ssyncadd.s32 $0xFFFFFF80  }
0x140: {  	[spmem:s2] =	stream.indirect.scatter.add.f32 [tilespmem:s17], [sflag:$0x6], $0x80, s19, s14, $0xb8;
	[tilespmem:$0x1E500] =	vst v63  }
0x141: {  	_ =	swait.ge [sflag:s28], $0x4000  }
0x142: {  	[sflag:s28] =	ssyncset.done $0x0  }
0x143: {  	[sflag:s28] =	ssyncadd.s32 $0xFFFFC000  }
0x144: {  	[tilespmem:s15], [sflag:$0x1] =	stream.indirect.gather [hbm4b:s4+s14], $0x80, s30, s14, $0xb8;
	[tilespmem:$0x1E500] =	vst v63  }
0x145: {  	_ = 	snop  }
0x146: {  	[tilespmem:s16], [sflag:$0x3] =	stream.linear.gather [hbm4b:s1+s3], $0x80, $0x38;
	[tilespmem:$0x1E500] =	vst v63  }
0x147: {  	_ =	swait.ge [sflag:s29], $0x4000  }
0x148: {  	[sflag:s29] =	ssyncset.done $0x0  }
0x149: {  	[sflag:s29] =	ssyncadd.s32 $0xFFFFC000  }
0x14a: {  	_ =	swait.ge [sflag:s20], $0x4000  }
0x14b: {  	[sflag:s20] =	ssyncset.done $0x0  }
0x14c: {  	[sflag:s20] =	ssyncadd.s32 $0xFFFFC000  }
0x14d: {  	_ =	swait.ge [sflag:s21], $0x80  }
0x14e: {  	[sflag:s21] =	ssyncset.done $0x0  }
0x14f: {  	[sflag:s21] =	ssyncadd.s32 $0xFFFFFF80  }
0x150: {  	[spmem:s2] =	stream.indirect.scatter.add.f32 [tilespmem:s15], [sflag:$0x5], $0x80, s16, s14, $0xb8;
	[tilespmem:$0x1E500] =	vst v63  }
0x151: {  	_ =	swait.ge [sflag:s28], $0x4000  }
0x152: {  	[sflag:s28] =	ssyncset.done $0x0  }
0x153: {  	[sflag:s28] =	ssyncadd.s32 $0xFFFFC000  }
0x154: {  	s6 =	sadd.s32 $0x4F000, s0;
	[bflag:$0x0] =	sbarrier.arrive $0xFFFF  }
0x155: {  	[hbm:s6], [sflag:s12] =	dma.local [spmem:s13], $0x2780  }
0x156: {  	_ =	swait.ge [sflag:s11], $0x2780  }
0x157: {  	[sflag:s11] =	ssyncset.done $0x0  }
0x158: {  	[sflag:s11] =	ssyncadd.s32 $0xFFFFD880  }
0x159: {  	[bflag:$0x0] =	sbarrier.arrive $0xFFFF  }
0x15a: {  	[tilespmem:s3], [sflag:$0x7] =	stream.linear.gather [hbm4b:s24+s3], $0x2780, $0x38;
	[tilespmem:$0x1E500] =	vst v63  }
0x15b: {  	_ =	swait.ge [sflag:s11], $0x2780  }
0x15c: {  	[sflag:s11] =	ssyncset.done $0x0  }
0x15d: {  	[sflag:s11] =	ssyncadd.s32 $0xFFFFD880  }
0x15e: {  	[spmem:s13], [sflag:s12] =	dma.local [hbm:s5], $0x2780  }
0x15f: {  	_ =	swait.ge [sflag:s11], $0x2780  }
0x160: {  	[sflag:s11] =	ssyncset.done $0x0  }
0x161: {  	[sflag:s11] =	ssyncadd.s32 $0xFFFFD880  }
0x162: {  	[bflag:$0x0] =	sbarrier.arrive $0xFFFF  }
0x163: {  	[tilespmem:s15], [sflag:$0x1] =	stream.indirect.gather [hbm4b:s4+s14], $0x80, s3, s14, $0xb8;
	[tilespmem:$0x1E500] =	vst v63  }
0x164: {  	_ = 	snop  }
0x165: {  	[tilespmem:s16], [sflag:$0x3] =	stream.linear.gather [hbm4b:s7+s3], $0x80, $0x38;
	[tilespmem:$0x1E500] =	vst v63  }
0x166: {  	_ = 	snop  }
0x167: {  	[tilespmem:s17], [sflag:$0x2] =	stream.indirect.gather [hbm4b:s4+s14], $0x80, s14, s14, $0xb8;
	[tilespmem:$0x1E500] =	vst v63  }
0x168: {  	_ = 	snop  }
0x169: {  	[tilespmem:s19], [sflag:$0x4] =	stream.linear.gather [hbm4b:s18+s3], $0x80, $0x38;
	[tilespmem:$0x1E500] =	vst v63  }
0x16a: {  	_ =	swait.ge [sflag:s20], $0x4000  }
0x16b: {  	[sflag:s20] =	ssyncset.done $0x0  }
0x16c: {  	[sflag:s20] =	ssyncadd.s32 $0xFFFFC000  }
0x16d: {  	_ =	swait.ge [sflag:s21], $0x80  }
0x16e: {  	[sflag:s21] =	ssyncset.done $0x0  }
0x16f: {  	[sflag:s21] =	ssyncadd.s32 $0xFFFFFF80  }
0x170: {  	[spmem:s2] =	stream.indirect.scatter.add.f32 [tilespmem:s15], [sflag:$0x5], $0x80, s16, s14, $0xb8;
	[tilespmem:$0x1E500] =	vst v63  }
0x171: {  	_ =	swait.ge [sflag:s25], $0x4000  }
0x172: {  	[sflag:s25] =	ssyncset.done $0x0  }
0x173: {  	[sflag:s25] =	ssyncadd.s32 $0xFFFFC000  }
0x174: {  	_ =	swait.ge [sflag:s26], $0x80  }
0x175: {  	[sflag:s26] =	ssyncset.done $0x0  }
0x176: {  	[sflag:s26] =	ssyncadd.s32 $0xFFFFFF80  }
0x177: {  	[spmem:s2] =	stream.indirect.scatter.add.f32 [tilespmem:s17], [sflag:$0x6], $0x80, s19, s14, $0xb8;
	[tilespmem:$0x1E500] =	vst v63  }
0x178: {  	_ =	swait.ge [sflag:s28], $0x4000  }
0x179: {  	[sflag:s28] =	ssyncset.done $0x0  }
0x17a: {  	s10 =	simm.s32 $0x100;
	s8 =	sadd.s32 $0xFFFFFB40, s7;
	[sflag:s28] =	ssyncadd.s32 $0xFFFFC000  }
0x17b: {  	[tilespmem:s15], [sflag:$0x1] =	stream.indirect.gather [hbm4b:s4+s14], $0x80, s10, s14, $0xb8;
	[tilespmem:$0x1E500] =	vst v63  }
0x17c: {  	s9 =	sadd.s32 $0x4E0, s8  }
0x17d: {  	[tilespmem:s16], [sflag:$0x3] =	stream.linear.gather [hbm4b:s9+s3], $0x80, $0x38;
	[tilespmem:$0x1E500] =	vst v63  }
0x17e: {  	_ =	swait.ge [sflag:s29], $0x4000  }
0x17f: {  	s6 =	simm.s32 $0xFFFFFB60;
	s10 =	simm.s32 $0x180;
	[sflag:s29] =	ssyncset.done $0x0  }
0x180: {  	s9 =	sadd.s32 $0x4F0, s8;
	s8 =	simm.s32 $0x200;
	[sflag:s29] =	ssyncadd.s32 $0xFFFFC000  }
0x181: {  	[tilespmem:s17], [sflag:$0x2] =	stream.indirect.gather [hbm4b:s4+s14], $0x80, s10, s14, $0xb8;
	[tilespmem:$0x1E500] =	vst v63  }
.LBB2_8:
0x182: {  	[tilespmem:s19], [sflag:$0x4] =	stream.linear.gather [hbm4b:s9+s3], $0x80, $0x38;
	[tilespmem:$0x1E500] =	vst v63  }
0x183: {  	s9 =	smov.u32 s6  }
0x184: {  	p0 =	sne.s32 s6, $0xFFFFFFE0;
	s6 =	sadd.s32 $0x20, s6;
	_ =	swait.ge [sflag:s20], $0x4000  }
0x185: {  	[sflag:s20] =	ssyncset.done $0x0  }
0x186: {  	[sflag:s20] =	ssyncadd.s32 $0xFFFFC000  }
0x187: {  	_ =	swait.ge [sflag:s21], $0x80  }
0x188: {  	[sflag:s21] =	ssyncset.done $0x0  }
0x189: {  	[sflag:s21] =	ssyncadd.s32 $0xFFFFFF80  }
0x18a: {  	[spmem:s2] =	stream.indirect.scatter.add.f32 [tilespmem:s15], [sflag:$0x5], $0x80, s16, s14, $0xb8;
	[tilespmem:$0x1E500] =	vst v63  }
0x18b: {  	_ =	swait.ge [sflag:s25], $0x4000  }
0x18c: {  	[sflag:s25] =	ssyncset.done $0x0  }
0x18d: {  	[sflag:s25] =	ssyncadd.s32 $0xFFFFC000  }
0x18e: {  	_ =	swait.ge [sflag:s26], $0x80  }
0x18f: {  	[sflag:s26] =	ssyncset.done $0x0  }
0x190: {  	[sflag:s26] =	ssyncadd.s32 $0xFFFFFF80  }
0x191: {  	[spmem:s2] =	stream.indirect.scatter.add.f32 [tilespmem:s17], [sflag:$0x6], $0x80, s19, s14, $0xb8;
	[tilespmem:$0x1E500] =	vst v63  }
0x192: {  	_ =	swait.ge [sflag:s28], $0x4000  }
0x193: {  	[sflag:s28] =	ssyncset.done $0x0  }
0x194: {  	s9 =	sadd.s32 s9, s7;
	[sflag:s28] =	ssyncadd.s32 $0xFFFFC000  }
0x195: {  	[tilespmem:s15], [sflag:$0x1] =	stream.indirect.gather [hbm4b:s4+s14], $0x80, s8, s14, $0xb8;
	[tilespmem:$0x1E500] =	vst v63  }
0x196: {  	s10 =	sadd.s32 $0x4E0, s9  }
0x197: {  	[tilespmem:s16], [sflag:$0x3] =	stream.linear.gather [hbm4b:s10+s3], $0x80, $0x38;
	[tilespmem:$0x1E500] =	vst v63  }
.Ltmp3:
0x198: {  	_ =	swait.ge [sflag:s29], $0x4000;
	(pc) =	sbr.rel @p0 .LBB2_8-.Ltmp3, $4  }
0x199: {  	[sflag:s29] =	ssyncset.done $0x0  }
0x19a: {  	s10 =	sadd.s32 $0x80, s8;
	[sflag:s29] =	ssyncadd.s32 $0xFFFFC000  }
0x19b: {  	[tilespmem:s17], [sflag:$0x2] =	stream.indirect.gather [hbm4b:s4+s14], $0x80, s10, s14, $0xb8;
	[tilespmem:$0x1E500] =	vst v63  }
0x19c: {  	s9 =	sadd.s32 $0x4F0, s9;
	s8 =	sadd.s32 $0x100, s8  }
0x19d: {  	[tilespmem:s19], [sflag:$0x4] =	stream.linear.gather [hbm4b:s9+s3], $0x80, $0x38;
	[tilespmem:$0x1E500] =	vst v63  }
0x19e: {  	_ =	swait.ge [sflag:s20], $0x4000  }
0x19f: {  	[sflag:s20] =	ssyncset.done $0x0  }
0x1a0: {  	[sflag:s20] =	ssyncadd.s32 $0xFFFFC000  }
0x1a1: {  	_ =	swait.ge [sflag:s21], $0x80  }
0x1a2: {  	[sflag:s21] =	ssyncset.done $0x0  }
0x1a3: {  	[sflag:s21] =	ssyncadd.s32 $0xFFFFFF80  }
0x1a4: {  	[spmem:s2] =	stream.indirect.scatter.add.f32 [tilespmem:s15], [sflag:$0x5], $0x80, s16, s14, $0xb8;
	[tilespmem:$0x1E500] =	vst v63  }
0x1a5: {  	_ =	swait.ge [sflag:s25], $0x4000  }
0x1a6: {  	[sflag:s25] =	ssyncset.done $0x0  }
0x1a7: {  	[sflag:s25] =	ssyncadd.s32 $0xFFFFC000  }
0x1a8: {  	_ =	swait.ge [sflag:s26], $0x80  }
0x1a9: {  	[sflag:s26] =	ssyncset.done $0x0  }
0x1aa: {  	[sflag:s26] =	ssyncadd.s32 $0xFFFFFF80  }
0x1ab: {  	[spmem:s2] =	stream.indirect.scatter.add.f32 [tilespmem:s17], [sflag:$0x6], $0x80, s19, s14, $0xb8;
	[tilespmem:$0x1E500] =	vst v63  }
0x1ac: {  	_ =	swait.ge [sflag:s28], $0x4000  }
0x1ad: {  	[sflag:s28] =	ssyncset.done $0x0  }
0x1ae: {  	[sflag:s28] =	ssyncadd.s32 $0xFFFFC000  }
0x1af: {  	[tilespmem:s15], [sflag:$0x1] =	stream.indirect.gather [hbm4b:s4+s14], $0x80, s30, s14, $0xb8;
	[tilespmem:$0x1E500] =	vst v63  }
0x1b0: {  	_ = 	snop  }
0x1b1: {  	[tilespmem:s16], [sflag:$0x3] =	stream.linear.gather [hbm4b:s1+s3], $0x80, $0x38;
	[tilespmem:$0x1E500] =	vst v63  }
0x1b2: {  	_ =	swait.ge [sflag:s29], $0x4000  }
0x1b3: {  	[sflag:s29] =	ssyncset.done $0x0  }
0x1b4: {  	[sflag:s29] =	ssyncadd.s32 $0xFFFFC000  }
0x1b5: {  	_ =	swait.ge [sflag:s20], $0x4000  }
0x1b6: {  	[sflag:s20] =	ssyncset.done $0x0  }
0x1b7: {  	[sflag:s20] =	ssyncadd.s32 $0xFFFFC000  }
0x1b8: {  	_ =	swait.ge [sflag:s21], $0x80  }
0x1b9: {  	[sflag:s21] =	ssyncset.done $0x0  }
0x1ba: {  	[sflag:s21] =	ssyncadd.s32 $0xFFFFFF80  }
0x1bb: {  	[spmem:s2] =	stream.indirect.scatter.add.f32 [tilespmem:s15], [sflag:$0x5], $0x80, s16, s14, $0xb8;
	[tilespmem:$0x1E500] =	vst v63  }
0x1bc: {  	_ =	swait.ge [sflag:s28], $0x4000  }
0x1bd: {  	[sflag:s28] =	ssyncset.done $0x0  }
0x1be: {  	[sflag:s28] =	ssyncadd.s32 $0xFFFFC000  }
0x1bf: {  	s0 =	sadd.s32 $0x76800, s0;
	[bflag:$0x0] =	sbarrier.arrive $0xFFFF  }
0x1c0: {  	[hbm:s0], [sflag:s12] =	dma.local [spmem:s13], $0x2780  }
0x1c1: {  	_ =	swait.ge [sflag:s11], $0x2780  }
0x1c2: {  	s31 =	sadd.s32 $0x1, s31;
	s10 =	rddreg [dreg:$0x6]  }
0x1c3: {  	p0 =	sne.s32 s31, s10  }
.Ltmp4:
0x1c4: {  	_ = 	snop;
	(pc) =	sbr.rel @p0 .LBB2_1-.Ltmp4, $3  }
0x1c5: {  	_ =	sdelay $0x1  }
0x1c6: {  	[sflag:s11] =	ssyncset.done $0x0  }
0x1c7: {  	[sflag:s11] =	ssyncadd.s32 $0xFFFFD880  }
0x1c8: {  	_ =	sfence.sel $0x180000  }
0x1c9: {  	[bflag:$0x0] =	sbarrier.arrive $0xFFFF  }
0x1ca: {  	_ =	strace $0x9000004D  }
0x1cb: {  	s0 =	stileid.u32;
	[bflag:$0x2] =	sbarrier.arrive $0xFFFF  }
0x1cc: {  	p0 =	sne.s32 s0, $0x0;
	s0 =	rddreg [dreg:$0x2]  }
0x1cd: {  	s0 =	sadd.s32 @!p0 $0x100000, s0  }
0x1ce: {  	[sflag:s0] =	ssyncadd.tile.s32 @!p0 $0x1;
	_ =	shalt  }
.Lfunc_end2:
_tile_overlayer_lowered:
.L_overlay_start_2:
0x1cf: {  	(tag) =	ssettag $0x2  }
0x1d0: {  	s0 =	rddreg [dreg:$0x0];
	s2 =	stileid.u32  }
0x1d1: {  	s1 =	rddreg [dreg:$0x1];
	p0 =	sne.s32 s2, $0x0  }
0x1d2: {  	s3 =	rddreg [dreg:$0x2];
	[bflag:$0x3] =	sbarrier.arrive $0xFFFF;
	s2 =	simm.s32 @!p0 $0x1C07  }
0x1d3: {  	[timem:s3], [sflag:s2] =	dma.local @!p0 [hbm:s0], s1  }
0x1d4: {  	s0 =	simm.s32 @!p0 $0x7  }
0x1d5: {  	_ =	swait.ge @!p0 [sflag:s0], s1  }
0x1d6: {  	s1 =	ssub.s32 @!p0 $0x0, s1;
	[sflag:s0] =	ssyncset.done @!p0 $0x0  }
0x1d7: {  	[sflag:s0] =	ssyncadd.s32 @!p0 s1  }
0x1d8: {  	[bflag:$0x3] =	sbarrier.arrive $0xFFFF  }
0x1d9: {  	_ =	shalt  }

// kernel: kernel.20.cloned.1.call-start
scs
__scs_entry_jumppad:
0x0: {  	(pc) =	sbr.rel $0x88, $3  }
0x1: {  	(tag) =	ssettag $0x0;
	lr =	simm.s32 $0x1  }
0x2: {  	[smem:$0x3F99] =	sst lr;
	_ =	strace $0xD0000000  }
0x3: {  	_ = 	snop  }
0x4: {  	_ = 	snop  }
0x5: {  	_ = 	snop  }
0x6: {  	_ = 	snop  }
0x7: {  	_ = 	snop  }
__scs_overlays_trampoline_lowered:
0x8: {  	[smem:$0x3FA8] =	sst s0  }
0x9: {  	[smem:$0x3FA9] =	sst s1  }
0xa: {  	[smem:$0x3FAA] =	sst s2  }
0xb: {  	[smem:$0x3FAB] =	sst s3  }
0xc: {  	[smem:$0x3FAC] =	sst s4  }
0xd: {  	[smem:$0x3FAD] =	sst s5  }
0xe: {  	[smem:$0x3FAE] =	sst s6  }
0xf: {  	[smem:$0x3FAF] =	sst s7  }
0x10: {  	[smem:$0x3FB0] =	sst s8  }
0x11: {  	[smem:$0x3FB1] =	sst s9;
	s0 =	simm.s32 @!p0 $0x0  }
0x12: {  	s1 =	sld [smem:$0x3F97];
	s0 =	simm.s32 @p0 $0x1  }
0x13: {  	[smem:$0x3FB2] =	sst s0;
	s0 =	simm.s32 @!p1 $0x0  }
0x14: {  	s2 =	sld [smem:$0x3F96];
	s0 =	simm.s32 @p1 $0x1  }
0x15: {  	[smem:$0x3FB3] =	sst s0;
	s0 =	simm.s32 @!p2 $0x0  }
0x16: {  	s3 =	sld [smem:$0x3FDB];
	s0 =	simm.s32 @p2 $0x1  }
0x17: {  	s4 =	simm.s32 $0x1BF5;
	[smem:$0x3FB5] =	sst s0  }
0x18: {  	s0 =	sld [smem:$0x3F98];
	_ =	swait.ge [sflag:s4], $0x0  }
0x19: {  	s7 =	sld [smem:$0x3F99]  }
0x1a: {  	s8 =	sadd.s32 $0xFFFFE003, lr  }
0x1b: {  	s9 =	sadd.s32 $0xFFFFFEF7, lr;
	s5 =	simm.s32 $0xFFFFFFFF;
	p2 =	slt.u32 s8, $0xFFFFF086  }
0x1c: {  	p1 =	slt.u32 s9, $0xF7A;
	s5 =	simm.s32 @!p2 $0x0  }
0x1d: {  	s5 =	simm.s32 @p1 $0x1;
	p0 =	seq.s32 s7, s2  }
0x1e: {  	s7 =	smul.u32 @!p0 $0xF7A, s2;
	p2 =	seq.s32 @!p0 s5, $0x0  }
0x1f: {  	s9 =	smul.u32 $0xF7A, s1;
	s8 =	simm.s32 @!p0 $0x1BF5;
	p2 =	por !p2, p0  }
0x20: {  	[sflag:s8] =	ssyncset.s32 @!p0 $0xFFFFF086;
	s6 =	sadd.s32 @!p0 s3, s7;
	s7 =	simm.s32 @!p0 $0x108  }
0x21: {  	s3 =	sadd.s32 s3, s9;
	s6 =	sadd.s32 @!p0 $0x88, s6;
	s7 =	simm.s32 @p2 $0x1082  }
0x22: {  	[simem:s7], [sflag:s8] =	dma.local @!p0 [hbm:s6], $0xF7A  }
0x23: {  	s9 =	sor.u32 $0xD0000000, s2;
	s6 =	simm.s32 $0x108;
	_ =	swait.ge @!p0 [sflag:s8], $0x0  }
0x24: {  	s3 =	sadd.s32 $0x88, s3;
	s6 =	simm.s32 @!p1 $0x1082;
	[sflag:s4] =	ssyncset.s32 $0xFFFFF086  }
0x25: {  	[simem:s6], [sflag:s4] =	dma.local [hbm:s3], $0xF7A  }
0x26: {  	[smem:$0x3F99] =	sst s1;
	(tag) =	ssettag s2;
	_ =	strace s9  }
0x27: {  	s1 =	sld [smem:$0x3FA9]  }
0x28: {  	s2 =	sld [smem:$0x3FAA]  }
0x29: {  	s4 =	sld [smem:$0x3FAC]  }
0x2a: {  	p0 =	seq.s32 s5, $0x0;
	s5 =	sld [smem:$0x3FAD]  }
0x2b: {  	s6 =	sld [smem:$0x3FAE]  }
0x2c: {  	s7 =	sld [smem:$0x3FAF]  }
0x2d: {  	s3 =	simm.s32 $0x108;
	s8 =	sld [smem:$0x3FB0]  }
0x2e: {  	s3 =	simm.s32 @!p0 $0x1082;
	s9 =	sld [smem:$0x3FB1]  }
0x2f: {  	lr =	sadd.s32 s0, s3;
	s0 =	sld [smem:$0x3FA8]  }
0x30: {  	s3 =	sld [smem:$0x3FAB]  }
0x31: {  	[smem:$0x3FB4] =	sst s10  }
0x32: {  	s10 =	sld [smem:$0x3FB2];
	_ =	sdelay $0x3  }
0x33: {  	p0 =	seq.s32 s10, $0x1;
	s10 =	sld [smem:$0x3FB4];
	_ =	sdelay $0x3  }
0x34: {  	[smem:$0x3FB4] =	sst s10  }
0x35: {  	s10 =	sld [smem:$0x3FB3];
	_ =	sdelay $0x3  }
0x36: {  	p1 =	seq.s32 s10, $0x1;
	s10 =	sld [smem:$0x3FB4];
	_ =	sdelay $0x3  }
0x37: {  	[smem:$0x3FB4] =	sst s10  }
0x38: {  	s10 =	sld [smem:$0x3FB5]  }
0x39: {  	_ = 	snop;
	(pc) =	sbr.ind lr, $3  }
0x3a: {  	_ = 	snop  }
0x3b: {  	_ = 	snop  }
0x3c: {  	p2 =	seq.s32 s10, $0x1;
	s10 =	sld [smem:$0x3FB4]  }
0x3d: {  	_ =	shalt  }
0x3e: {  	_ =	shalt  }
0x3f: {  	_ =	shalt  }
0x40: {  	_ =	shalt  }
0x41: {  	_ =	shalt  }
0x42: {  	_ =	shalt  }
0x43: {  	_ =	shalt  }
0x44: {  	_ =	shalt  }
0x45: {  	_ =	shalt  }
0x46: {  	_ =	shalt  }
0x47: {  	_ =	shalt  }
0x48: {  	_ =	shalt  }
0x49: {  	_ =	shalt  }
0x4a: {  	_ =	shalt  }
0x4b: {  	_ =	shalt  }
0x4c: {  	_ =	shalt  }
0x4d: {  	_ =	shalt  }
0x4e: {  	_ =	shalt  }
0x4f: {  	_ =	shalt  }
0x50: {  	_ =	shalt  }
0x51: {  	_ =	shalt  }
0x52: {  	_ =	shalt  }
0x53: {  	_ =	shalt  }
0x54: {  	_ =	shalt  }
0x55: {  	_ =	shalt  }
0x56: {  	_ =	shalt  }
0x57: {  	_ =	shalt  }
0x58: {  	_ =	shalt  }
0x59: {  	_ =	shalt  }
0x5a: {  	_ =	shalt  }
0x5b: {  	_ =	shalt  }
0x5c: {  	_ =	shalt  }
0x5d: {  	_ =	shalt  }
0x5e: {  	_ =	shalt  }
0x5f: {  	_ =	shalt  }
0x60: {  	_ =	shalt  }
0x61: {  	_ =	shalt  }
0x62: {  	_ =	shalt  }
0x63: {  	_ =	shalt  }
0x64: {  	_ =	shalt  }
0x65: {  	_ =	shalt  }
0x66: {  	_ =	shalt  }
0x67: {  	_ =	shalt  }
0x68: {  	_ =	shalt  }
0x69: {  	_ =	shalt  }
0x6a: {  	_ =	shalt  }
0x6b: {  	_ =	shalt  }
0x6c: {  	_ =	shalt  }
0x6d: {  	_ =	shalt  }
0x6e: {  	_ =	shalt  }
0x6f: {  	_ =	shalt  }
0x70: {  	_ =	shalt  }
0x71: {  	_ =	shalt  }
0x72: {  	_ =	shalt  }
0x73: {  	_ =	shalt  }
0x74: {  	_ =	shalt  }
0x75: {  	_ =	shalt  }
0x76: {  	_ =	shalt  }
0x77: {  	_ =	shalt  }
0x78: {  	_ =	shalt  }
0x79: {  	_ =	shalt  }
0x7a: {  	_ =	shalt  }
0x7b: {  	_ =	shalt  }
0x7c: {  	_ =	shalt  }
0x7d: {  	_ =	shalt  }
0x7e: {  	_ =	shalt  }
0x7f: {  	_ =	shalt  }
0x80: {  	_ =	shalt  }
0x81: {  	_ =	shalt  }
0x82: {  	_ =	shalt  }
0x83: {  	_ =	shalt  }
0x84: {  	_ =	shalt  }
0x85: {  	_ =	shalt  }
0x86: {  	_ =	shalt  }
0x87: {  	_ =	shalt  }
.Lfunc_end0:
.L_simem_size_0:
called_computation.3_lowered:
.L_overlay_start_0:
0x88: {  	s2 =	sld [smem:$0x3FD9]  }
0x89: {  	s3 =	sld [smem:$0x3FFE];
	_ =	sdelay $0x1  }
0x8a: {  	s1 =	srdreg.scid  }
0x8b: {  	s0 =	sand.u32 $0x1, s1  }
0x8c: {  	s17 =	sshll.u32 s0, $0xA;
	s2 =	sadd.s32 s3, s2  }
0x8d: {  	s2 =	sadd.s32 s2, s17  }
0x8e: {  	[smem:$0x3FC0] =	sst s2  }
0x8f: {  	_ = 	snop  }
0x90: {  	s2 =	sld [smem:$0x3FD0];
	(tm) =	ssettm $0x1  }
0x91: {  	s18 =	sld [smem:$0x3FFB];
	_ =	sdelay $0x3  }
0x92: {  	_ =	strace s18  }
0x93: {  	s3 =	sld [smem:$0x3FFC];
	_ =	sdelay $0x3  }
0x94: {  	_ =	strace s3  }
0x95: {  	s3 =	sld [smem:$0x3FFD];
	_ =	sdelay $0x3  }
0x96: {  	_ =	strace s3  }
0x97: {  	_ =	strace $0x8FFFFFFF  }
0x98: {  	s19 =	sld [smem:$0x3FDB];
	_ =	sdelay $0x1  }
0x99: {  	s4 =	simm.s32 $_scs_section_size  }
0x9a: {  	s5 =	simm.s32 $_size__tile_overlayer_lowered;
	s6 =	simm.s32 $_tile_overlayer_lowered  }
0x9b: {  	s22 =	simm.s32 $0x1BFF;
	s21 =	sshll.u32 s6, $0x1;
	s3 =	sadd.s32 s4, s19  }
0x9c: {  	s7 =	simm.s32 $0x0;
	s20 =	sshll.u32 s5, $0x1;
	s5 =	sadd.s32 s21, s3  }
0x9d: {  	[timem:s7], [sflag:s22] =	dma.local [hbm:s5], s20  }
0x9e: {  	_ =	swait.ge [sflag:s22], s20  }
0x9f: {  	s4 =	ssub.s32 $0x0, s20;
	[sflag:s22] =	ssyncset.done $0x0  }
0xa0: {  	[sflag:s22] =	ssyncadd.s32 s4;
	_ =	sdelay $0x1  }
0xa1: {  	s23 =	simm.s32 $0x1B8B  }
0xa2: {  	_ =	swait.ge [sflag:s23], $0x1  }
0xa3: {  	[sflag:s23] =	ssyncset.done $0x0  }
0xa4: {  	s25 =	simm.s32 $0x1B8E;
	s24 =	sld [smem:$0x3FFE];
	[sflag:s23] =	ssyncadd.s32 $0xFFFFFFFF  }
0xa5: {  	s26 =	simm.s32 $execute0_lowered;
	[smem:$0x3FD2] =	sst s25  }
0xa6: {  	s5 =	sshll.u32 s26, $0x1;
	_ =	strace $0x8000004F;
	[dreg:$0x1] =	wrdreg $0xFFFFFFFF  }
0xa7: {  	s28 =	simm.s32 $_size_execute0_lowered;
	s3 =	sadd.s32 s3, s5;
	[dreg:$0x0] =	wrdreg $0x0  }
0xa8: {  	s5 =	sshll.u32 s28, $0x1;
	[dreg:$0x2] =	wrdreg s3  }
0xa9: {  	[dreg:$0x3] =	wrdreg s5  }
0xaa: {  	[dreg:$0x4] =	wrdreg $0xC0  }
0xab: {  	_ =	task [dreg:s7], $0x5FFFF  }
0xac: {  	[dreg:$0x1] =	wrdreg $0xFFFFFFFF  }
0xad: {  	[dreg:$0x0] =	wrdreg $0x60  }
0xae: {  	[dreg:$0x2] =	wrdreg s2  }
0xaf: {  	[dreg:$0x3] =	wrdreg s24  }
0xb0: {  	[dreg:$0x4] =	wrdreg $0xA9000  }
0xb1: {  	[dreg:$0x5] =	wrdreg $0x9  }
0xb2: {  	_ =	task.clear_ibuf [dreg:s7], $0x6FFFF;
	_ =	strace $0x9000004F  }
0xb3: {  	s29 =	simm.s32 $0x9;
	_ =	strace $0x80000051  }
0xb4: {  	_ =	swait.ge [sflag:s29], $0x1  }
0xb5: {  	[sflag:s29] =	ssyncadd.s32 $0xFFFFFFFF  }
0xb6: {  	_ =	strace $0x90000051  }
0xb7: {  	_ =	sfence  }
0xb8: {  	s30 =	sld [smem:$0x0];
	_ =	sdelay $0x2  }
0xb9: {  	s31 =	sshll.u32 s1, $0xD;
	s1 =	sshrl.u32 s1, $0x2  }
0xba: {  	s3 =	sand.u32 $0x4000, s31;
	s1 =	sadd.s32 s1, s30  }
0xbb: {  	s0 =	sor.u32 s3, s0;
	s1 =	sshll.u32 s1, $0x11  }
0xbc: {  	s0 =	sor.u32 s1, s0  }
0xbd: {  	s0 =	sadd.s32 $0x8F2B, s0  }
0xbe: {  	[sflag:s0] =	ssyncadd.remote.s32 $0x1  }
0xbf: {  	_ =	sfence.sel $0xFFFF  }
0xc0: {  	[dreg:$0x0] =	wrdreg $0xFFFFFFFF;
	(pc) =	sbr.abs _section_cstart, $3  }
0xc1: {  	[dreg:$0x1] =	wrdreg $0xFFFFFFFF  }
0xc2: {  	_ =	task.clear_ibuf [dreg:s7], $0x2FFFF;
	_ =	strace $0x9FFFFFFF  }
0xc3: {  	(tm) =	ssettm $0x7FFFFFFF  }
tec
execute0_lowered:
.L_overlay_start_1:
0x0: {  	(tag) =	ssettag $0x1  }
0x1: {  	s1 =	rddreg [dreg:$0x0]  }
0x2: {  	s6 =	rddreg [dreg:$0x1]  }
0x3: {  	s0 =	srdreg.scid;
	s3 =	rddreg [dreg:$0x2]  }
0x4: {  	s4 =	simm.s32 $0x0;
	s12 =	simm.s32 $0x80;
	s13 =	simm.s32 $0x2900  }
0x5: {  	s14 =	simm.s32 $0x2800;
	s15 =	simm.s32 $0x6900;
	s17 =	simm.s32 $0x2880  }
0x6: {  	s18 =	simm.s32 $0x1;
	s19 =	simm.s32 $0x3;
	s20 =	simm.s32 $0x2  }
0x7: {  	s21 =	simm.s32 $0x4;
	s22 =	simm.s32 $0x5;
	s23 =	simm.s32 $0x6  }
0x8: {  	s26 =	simm.s32 $0x0;
	s5 =	sand.u32 $0x1, s0;
	s0 =	stileid.u32  }
0x9: {  	[smem:$0x7FF] =	sst s4;
	s2 =	sshll.u32 s5, $0x4;
	s9 =	smul.u32 $0x27800, s5  }
0xa: {  	s10 =	ssub.s32 $0x2, s5;
	s11 =	smul.u32 $0x4F000, s0;
	s5 =	sadd.s32 $0x17800, s6  }
0xb: {  	s25 =	smul.u32 $0x2780, s0;
	s31 =	sshll.u32 s0, $0x6;
	s7 =	sor.u32 s0, s2  }
0xc: {  	s2 =	rddreg [dreg:$0x3];
	_ =	strace $0x80000050;
	s8 =	smul.u32 $0x500, s7  }
0xd: {  	s29 =	sshrl.u32 s10, $0x1;
	s7 =	smul.u32 $0x4F0, s7;
	s30 =	sshrl.u32 s11, $0x2  }
0xe: {  	s9 =	sadd.s32 s9, s6;
	s10 =	ssub.s32 s10, s29;
	s11 =	sadd.s32 s30, s3  }
0xf: {  	s24 =	sadd.s32 $0x1A000, s9;
	s9 =	simm.s32 $0x7;
	s8 =	sadd.s32 s8, s6  }
0x10: {  	s7 =	sadd.s32 s7, s6;
	s11 =	sshrl.u32 s11, $0x3;
	s24 =	sadd.s32 s25, s24  }
0x11: {  	s25 =	simm.s32 $0x2700;
	s6 =	sadd.s32 $0xD800, s8;
	s7 =	sadd.s32 $0x3A00, s7  }
0x12: {  	s8 =	smax.u32 s10, $0x1;
	s10 =	sor.u32 $0x1C07, s31;
	s16 =	sadd.s32 $0x10, s7  }
.LBB2_1:
0x13: {  	[tilespmem:s4], [sflag:$0x7] =	stream.linear.gather [hbm4b:s6+s4], $0x2780, $0x38;
	[tilespmem:$0x1E500] =	vst v63  }
0x14: {  	_ =	swait.ge [sflag:s9], $0x2780  }
0x15: {  	[sflag:s9] =	ssyncset.done $0x0  }
0x16: {  	[sflag:s9] =	ssyncadd.s32 $0xFFFFD880  }
0x17: {  	[spmem:s11], [sflag:s10] =	dma.local [hbm:s5], $0x2780  }
0x18: {  	_ =	swait.ge [sflag:s9], $0x2780  }
0x19: {  	[sflag:s9] =	ssyncset.done $0x0  }
0x1a: {  	[sflag:s9] =	ssyncadd.s32 $0xFFFFD880  }
0x1b: {  	[bflag:$0x0] =	sbarrier.arrive $0xFFFF  }
0x1c: {  	[tilespmem:s13], [sflag:$0x1] =	stream.indirect.gather [hbm4b:s1+s12], $0x80, s4, s12, $0xb8;
	[tilespmem:$0x1E500] =	vst v63  }
0x1d: {  	_ = 	snop  }
0x1e: {  	[tilespmem:s14], [sflag:$0x3] =	stream.linear.gather [hbm4b:s7+s4], $0x80, $0x38;
	[tilespmem:$0x1E500] =	vst v63  }
0x1f: {  	_ = 	snop  }
0x20: {  	[tilespmem:s15], [sflag:$0x2] =	stream.indirect.gather [hbm4b:s1+s12], $0x80, s12, s12, $0xb8;
	[tilespmem:$0x1E500] =	vst v63  }
0x21: {  	_ = 	snop  }
0x22: {  	[tilespmem:s17], [sflag:$0x4] =	stream.linear.gather [hbm4b:s16+s4], $0x80, $0x38;
	[tilespmem:$0x1E500] =	vst v63  }
0x23: {  	_ =	swait.ge [sflag:s18], $0x4000  }
0x24: {  	[sflag:s18] =	ssyncset.done $0x0  }
0x25: {  	[sflag:s18] =	ssyncadd.s32 $0xFFFFC000  }
0x26: {  	_ =	swait.ge [sflag:s19], $0x80  }
0x27: {  	[sflag:s19] =	ssyncset.done $0x0  }
0x28: {  	[sflag:s19] =	ssyncadd.s32 $0xFFFFFF80  }
0x29: {  	[spmem:s3] =	stream.indirect.scatter.add.f32 [tilespmem:s13], [sflag:$0x5], $0x80, s14, s12, $0xb8;
	[tilespmem:$0x1E500] =	vst v63  }
0x2a: {  	_ =	swait.ge [sflag:s20], $0x4000  }
0x2b: {  	[sflag:s20] =	ssyncset.done $0x0  }
0x2c: {  	[sflag:s20] =	ssyncadd.s32 $0xFFFFC000  }
0x2d: {  	_ =	swait.ge [sflag:s21], $0x80  }
0x2e: {  	[sflag:s21] =	ssyncset.done $0x0  }
0x2f: {  	[sflag:s21] =	ssyncadd.s32 $0xFFFFFF80  }
0x30: {  	[spmem:s3] =	stream.indirect.scatter.add.f32 [tilespmem:s15], [sflag:$0x6], $0x80, s17, s12, $0xb8;
	[tilespmem:$0x1E500] =	vst v63  }
0x31: {  	_ =	swait.ge [sflag:s22], $0x4000  }
0x32: {  	[sflag:s22] =	ssyncset.done $0x0  }
0x33: {  	s28 =	simm.s32 $0x100;
	s29 =	sadd.s32 $0xFFFFFB40, s7;
	[sflag:s22] =	ssyncadd.s32 $0xFFFFC000  }
0x34: {  	[tilespmem:s13], [sflag:$0x1] =	stream.indirect.gather [hbm4b:s1+s12], $0x80, s28, s12, $0xb8;
	[tilespmem:$0x1E500] =	vst v63  }
0x35: {  	s28 =	sadd.s32 $0x4E0, s29  }
0x36: {  	[tilespmem:s14], [sflag:$0x3] =	stream.linear.gather [hbm4b:s28+s4], $0x80, $0x38;
	[tilespmem:$0x1E500] =	vst v63  }
0x37: {  	_ =	swait.ge [sflag:s23], $0x4000  }
0x38: {  	[sflag:s23] =	ssyncset.done $0x0  }
0x39: {  	s28 =	simm.s32 $0x180;
	[sflag:s23] =	ssyncadd.s32 $0xFFFFC000  }
0x3a: {  	[tilespmem:s15], [sflag:$0x2] =	stream.indirect.gather [hbm4b:s1+s12], $0x80, s28, s12, $0xb8;
	[tilespmem:$0x1E500] =	vst v63  }
0x3b: {  	s30 =	sadd.s32 $0x4F0, s29;
	s29 =	simm.s32 $0x200;
	s28 =	simm.s32 $0xFFFFFB60  }
.LBB2_2:
0x3c: {  	[tilespmem:s17], [sflag:$0x4] =	stream.linear.gather [hbm4b:s30+s4], $0x80, $0x38;
	[tilespmem:$0x1E500] =	vst v63  }
0x3d: {  	s30 =	smov.u32 s28  }
0x3e: {  	p0 =	sne.s32 s28, $0xFFFFFFE0;
	s28 =	sadd.s32 $0x20, s28;
	_ =	swait.ge [sflag:s18], $0x4000  }
0x3f: {  	[sflag:s18] =	ssyncset.done $0x0  }
0x40: {  	[sflag:s18] =	ssyncadd.s32 $0xFFFFC000  }
0x41: {  	_ =	swait.ge [sflag:s19], $0x80  }
0x42: {  	[sflag:s19] =	ssyncset.done $0x0  }
0x43: {  	[sflag:s19] =	ssyncadd.s32 $0xFFFFFF80  }
0x44: {  	[spmem:s3] =	stream.indirect.scatter.add.f32 [tilespmem:s13], [sflag:$0x5], $0x80, s14, s12, $0xb8;
	[tilespmem:$0x1E500] =	vst v63  }
0x45: {  	_ =	swait.ge [sflag:s20], $0x4000  }
0x46: {  	[sflag:s20] =	ssyncset.done $0x0  }
0x47: {  	[sflag:s20] =	ssyncadd.s32 $0xFFFFC000  }
0x48: {  	_ =	swait.ge [sflag:s21], $0x80  }
0x49: {  	[sflag:s21] =	ssyncset.done $0x0  }
0x4a: {  	[sflag:s21] =	ssyncadd.s32 $0xFFFFFF80  }
0x4b: {  	[spmem:s3] =	stream.indirect.scatter.add.f32 [tilespmem:s15], [sflag:$0x6], $0x80, s17, s12, $0xb8;
	[tilespmem:$0x1E500] =	vst v63  }
0x4c: {  	_ =	swait.ge [sflag:s22], $0x4000  }
0x4d: {  	[sflag:s22] =	ssyncset.done $0x0  }
0x4e: {  	s30 =	sadd.s32 s30, s7;
	[sflag:s22] =	ssyncadd.s32 $0xFFFFC000  }
0x4f: {  	[tilespmem:s13], [sflag:$0x1] =	stream.indirect.gather [hbm4b:s1+s12], $0x80, s29, s12, $0xb8;
	[tilespmem:$0x1E500] =	vst v63  }
0x50: {  	s31 =	sadd.s32 $0x4E0, s30  }
0x51: {  	[tilespmem:s14], [sflag:$0x3] =	stream.linear.gather [hbm4b:s31+s4], $0x80, $0x38;
	[tilespmem:$0x1E500] =	vst v63  }
.Ltmp0:
0x52: {  	_ =	swait.ge [sflag:s23], $0x4000;
	(pc) =	sbr.rel @p0 .LBB2_2-.Ltmp0, $4  }
0x53: {  	[sflag:s23] =	ssyncset.done $0x0  }
0x54: {  	s31 =	sadd.s32 $0x80, s29;
	[sflag:s23] =	ssyncadd.s32 $0xFFFFC000  }
0x55: {  	[tilespmem:s15], [sflag:$0x2] =	stream.indirect.gather [hbm4b:s1+s12], $0x80, s31, s12, $0xb8;
	[tilespmem:$0x1E500] =	vst v63  }
0x56: {  	s30 =	sadd.s32 $0x4F0, s30;
	s29 =	sadd.s32 $0x100, s29  }
0x57: {  	[tilespmem:s17], [sflag:$0x4] =	stream.linear.gather [hbm4b:s30+s4], $0x80, $0x38;
	[tilespmem:$0x1E500] =	vst v63  }
0x58: {  	_ =	swait.ge [sflag:s18], $0x4000  }
0x59: {  	[sflag:s18] =	ssyncset.done $0x0  }
0x5a: {  	[sflag:s18] =	ssyncadd.s32 $0xFFFFC000  }
0x5b: {  	_ =	swait.ge [sflag:s19], $0x80  }
0x5c: {  	[sflag:s19] =	ssyncset.done $0x0  }
0x5d: {  	[sflag:s19] =	ssyncadd.s32 $0xFFFFFF80  }
0x5e: {  	[spmem:s3] =	stream.indirect.scatter.add.f32 [tilespmem:s13], [sflag:$0x5], $0x80, s14, s12, $0xb8;
	[tilespmem:$0x1E500] =	vst v63  }
0x5f: {  	_ =	swait.ge [sflag:s20], $0x4000  }
0x60: {  	[sflag:s20] =	ssyncset.done $0x0  }
0x61: {  	[sflag:s20] =	ssyncadd.s32 $0xFFFFC000  }
0x62: {  	_ =	swait.ge [sflag:s21], $0x80  }
0x63: {  	[sflag:s21] =	ssyncset.done $0x0  }
0x64: {  	[sflag:s21] =	ssyncadd.s32 $0xFFFFFF80  }
0x65: {  	[spmem:s3] =	stream.indirect.scatter.add.f32 [tilespmem:s15], [sflag:$0x6], $0x80, s17, s12, $0xb8;
	[tilespmem:$0x1E500] =	vst v63  }
0x66: {  	_ =	swait.ge [sflag:s22], $0x4000  }
0x67: {  	[sflag:s22] =	ssyncset.done $0x0  }
0x68: {  	[sflag:s22] =	ssyncadd.s32 $0xFFFFC000  }
0x69: {  	[tilespmem:s13], [sflag:$0x1] =	stream.indirect.gather [hbm4b:s1+s12], $0x80, s25, s12, $0xb8;
	[tilespmem:$0x1E500] =	vst v63  }
0x6a: {  	s28 =	sadd.s32 $0x4E0, s7  }
0x6b: {  	[tilespmem:s14], [sflag:$0x3] =	stream.linear.gather [hbm4b:s28+s4], $0x80, $0x38;
	[tilespmem:$0x1E500] =	vst v63  }
0x6c: {  	_ =	swait.ge [sflag:s23], $0x4000  }
0x6d: {  	[sflag:s23] =	ssyncset.done $0x0  }
0x6e: {  	[sflag:s23] =	ssyncadd.s32 $0xFFFFC000  }
0x6f: {  	_ =	swait.ge [sflag:s18], $0x4000  }
0x70: {  	[sflag:s18] =	ssyncset.done $0x0  }
0x71: {  	[sflag:s18] =	ssyncadd.s32 $0xFFFFC000  }
0x72: {  	_ =	swait.ge [sflag:s19], $0x80  }
0x73: {  	[sflag:s19] =	ssyncset.done $0x0  }
0x74: {  	[sflag:s19] =	ssyncadd.s32 $0xFFFFFF80  }
0x75: {  	[spmem:s3] =	stream.indirect.scatter.add.f32 [tilespmem:s13], [sflag:$0x5], $0x80, s14, s12, $0xb8;
	[tilespmem:$0x1E500] =	vst v63  }
0x76: {  	_ =	swait.ge [sflag:s22], $0x4000  }
0x77: {  	s26 =	sadd.s32 $0x1, s26;
	[sflag:s22] =	ssyncset.done $0x0  }
0x78: {  	p0 =	sne.s32 s26, s8;
	[sflag:s22] =	ssyncadd.s32 $0xFFFFC000  }
.Ltmp1:
0x79: {  	[bflag:$0x0] =	sbarrier.arrive $0xFFFF;
	(pc) =	sbr.rel @p0 .LBB2_1-.Ltmp1, $4  }
0x7a: {  	[hbm:s24], [sflag:s10] =	dma.local [spmem:s11], $0x2780  }
0x7b: {  	_ =	swait.ge [sflag:s9], $0x2780  }
0x7c: {  	[sflag:s9] =	ssyncset.done $0x0  }
0x7d: {  	[sflag:s9] =	ssyncadd.s32 $0xFFFFD880  }
0x7e: {  	_ =	sfence.sel $0x180000  }
0x7f: {  	[bflag:$0x0] =	sbarrier.arrive $0xFFFF  }
0x80: {  	p0 =	sne.s32 s0, $0x0;
	_ =	strace $0x90000050  }
0x81: {  	s0 =	sadd.s32 @!p0 $0x100000, s2;
	[bflag:$0x2] =	sbarrier.arrive $0xFFFF  }
0x82: {  	[sflag:s0] =	ssyncadd.tile.s32 @!p0 $0x1;
	_ =	shalt  }
.Lfunc_end2:
_tile_overlayer_lowered:
.L_overlay_start_2:
0x83: {  	(tag) =	ssettag $0x2  }
0x84: {  	s0 =	rddreg [dreg:$0x0];
	s2 =	stileid.u32  }
0x85: {  	s1 =	rddreg [dreg:$0x1];
	p0 =	sne.s32 s2, $0x0  }
0x86: {  	s3 =	rddreg [dreg:$0x2];
	[bflag:$0x3] =	sbarrier.arrive $0xFFFF;
	s2 =	simm.s32 @!p0 $0x1C07  }
0x87: {  	[timem:s3], [sflag:s2] =	dma.local @!p0 [hbm:s0], s1  }
0x88: {  	s0 =	simm.s32 @!p0 $0x7  }
0x89: {  	_ =	swait.ge @!p0 [sflag:s0], s1  }
0x8a: {  	s1 =	ssub.s32 @!p0 $0x0, s1;
	[sflag:s0] =	ssyncset.done @!p0 $0x0  }
0x8b: {  	[sflag:s0] =	ssyncadd.s32 @!p0 s1  }
0x8c: {  	[bflag:$0x3] =	sbarrier.arrive $0xFFFF  }
0x8d: {  	_ =	shalt  }

</sc_bundles>
